<compile_context>
chip_gen: v7x
topology: tpu7x:2x2x1
jax: 0.10.2.dev20260603
libtpu: 0.0.44.dev20260713+nightly
codegen_flags: <defaults>
</compile_context>

<pallas_src>
import functools

import jax
import jax.numpy as jnp
from jax import lax
from jax.experimental import pallas as pl
from jax.experimental.pallas import tpu as pltpu
from jax.experimental.pallas import tpu_sc as plsc

V = 1_000_000
D = 64
B_ROWS = 16384
B_COLS = 26
NB = B_ROWS * B_COLS
NC = 2
NS = 16
NW = NC * NS
PER_W = NB // NW
NCHK = 32
CITEMS = 16 * B_COLS


def kernel(input_, weight):
    idx_perm = (
        input_.reshape(NW, NCHK, 16, B_COLS)
        .transpose(0, 1, 3, 2)
        .reshape(NW, PER_W)
    )
    mesh = plsc.VectorSubcoreMesh(core_axis_name="c", subcore_axis_name="s")

    @functools.partial(
        pl.kernel,
        mesh=mesh,
        out_type=jax.ShapeDtypeStruct((B_COLS, 8, 128, 8, 128), jnp.float32),
        scratch_types=[
            pltpu.VMEM((PER_W,), jnp.int32),
            pltpu.VMEM((2, CITEMS, D), jnp.float32),
            pltpu.VMEM((1, B_COLS, 8, 8, 17), jnp.float32),
            pltpu.SemaphoreType.DMA,
            pltpu.SemaphoreType.DMA,
            pltpu.SemaphoreType.DMA,
            pltpu.SemaphoreType.DMA,
        ],
        compiler_params=pltpu.CompilerParams(
            use_tc_tiling_on_sc=False, needs_layout_passes=False),
    )
    def sc_gather(table_hbm, idx_hbm, out_hbm, idx_v, stag, stout,
                  gsem0, gsem1, osem0, osem1):
        wid = lax.axis_index("s") * NC + lax.axis_index("c")
        pltpu.sync_copy(idx_hbm.at[wid], idx_v)
        gsems = (gsem0, gsem1)
        osems = (osem0, osem1)
        pieces = ((0, 128), (128, 128), (256, 128), (384, 32))

        def fire_gather(c, gslot):
            for off, ln in pieces:
                pltpu.async_copy(
                    table_hbm.at[idx_v.at[pl.ds(c * CITEMS + off, ln)]],
                    stag.at[gslot, pl.ds(off, ln)], gsems[gslot])

        def wait_gather(gslot):
            for off, ln in pieces:
                pltpu.make_async_copy(
                    table_hbm.at[pl.ds(0, ln)],
                    stag.at[gslot, pl.ds(off, ln)], gsems[gslot]).wait()

        def out_dst(c):
            ct = 4 * wid + c // 8
            c0 = (c % 8) * 16
            return out_hbm.at[:, :, ct, :, pl.ds(c0, 16)]

        def fire_out(c, oslot):
            pltpu.async_copy(
                stout.at[oslot, :, :, :, pl.ds(0, 16)], out_dst(c),
                osems[oslot])

        def wait_out(oslot):
            pltpu.make_async_copy(
                stout.at[oslot, :, :, :, pl.ds(0, 16)],
                out_hbm.at[:, :, 0, :, pl.ds(0, 16)], osems[oslot]).wait()

        iota = lax.iota(jnp.int32, 16)
        dtvs = [(iota + 16 * k) >> 3 for k in range(4)]
        rv = iota & 7

        def transpose(gslot, oslot):
            dst = stout.at[oslot]

            @plsc.parallel_loop(0, B_COLS, unroll=2)
            def _body(b2):
                b2v = jnp.full((16,), b2, jnp.int32)
                for j in range(16):
                    jv = jnp.full((16,), j, jnp.int32)
                    s = b2 * 16 + j
                    for k in range(4):
                        vals = stag[gslot, s, pl.ds(16 * k, 16)]
                        plsc.store_scatter(dst, [b2v, dtvs[k], rv, jv], vals)

        fire_gather(0, 0)

        def chunk_step(c, gslot, oslot):
            @pl.when(c + 1 < NCHK)
            def _():
                fire_gather(c + 1, 1 - gslot)
            wait_gather(gslot)

            @pl.when(c >= 1)
            def _():
                wait_out(0)
            transpose(gslot, oslot)
            fire_out(c, oslot)

        def body(i, carry):
            c = 2 * i
            chunk_step(c, 0, 0)
            chunk_step(c + 1, 1, 0)
            return carry

        lax.fori_loop(0, NCHK // 2, body, 0)
        wait_out(0)

    out5 = sc_gather(weight, idx_perm)
    return out5.transpose(2, 4, 0, 1, 3).reshape(B_ROWS, B_COLS, D)

# --- scband reference (transcript-rebuilt; emitter-appended) ---
"""Pipeline reference for scband-vocab-parallel-embedding-996432413333 (READ-ONLY COPY).

The authoritative reference and input builder live on the scoring server;
editing this copy changes nothing except your own understanding.
"""

import jax, jax.numpy as jnp
import numpy as np
import math

NUM_EMBEDDINGS = 1000000
EMBEDDING_DIM = 64
VOCAB_START = 0
VOCAB_END = NUM_EMBEDDINGS


def setup_inputs(seed: int = 0) -> dict:
    key = jax.random.key(seed)
    k1, k2 = jax.random.split(key)
    input_ = jax.random.randint(k1, (16384, 26), 0, NUM_EMBEDDINGS, dtype=jnp.int32)
    # xavier_normal_ init for the embedding weight [num_embeddings, embedding_dim]
    std = math.sqrt(2.0 / (NUM_EMBEDDINGS + EMBEDDING_DIM))
    weight = jax.random.normal(k2, (NUM_EMBEDDINGS, EMBEDDING_DIM), dtype=jnp.float32) * std
    return {"input_": input_, "weight": weight}


def reference(input_, weight):
    # Mask indices outside this partition's vocab range (world_size==1 -> full range)
    input_mask = (input_ < VOCAB_START) | (input_ >= VOCAB_END)
    masked_input = input_ - VOCAB_START
    masked_input = jnp.where(input_mask, 0, masked_input)
    # F.embedding -> gather rows from the weight table
    output_parallel = jnp.take(weight, masked_input, axis=0)
    # Zero out rows whose index was out of the local vocab range
    output_parallel = jnp.where(input_mask[..., None], 0.0, output_parallel)
    return output_parallel

if __name__ == "__main__":
    import jax
    _d = setup_inputs()
    print(jax.jit(kernel)(*tuple(_d.values())))

</pallas_src>

<mosaic_0001>
#map = affine_map<(d0, d1) -> (0, 0)>
#map1 = affine_map<(d0, d1) -> (0, 0, 0, 0, 0)>
module attributes {stable_mosaic.version = 14 : i64} {
  func.func @sc_gather(%arg0: i32, %arg1: i32, %arg2: memref<1000000x64xf32, #tpu.memory_space<hbm>>, %arg3: memref<32x13312xi32, #tpu.memory_space<hbm>>, %arg4: memref<26x8x128x8x128xf32, #tpu.memory_space<hbm>>, %arg5: memref<13312xi32, #tpu.memory_space<vmem>>, %arg6: memref<2x416x64xf32, #tpu.memory_space<vmem>>, %arg7: memref<1x26x8x8x17xf32, #tpu.memory_space<vmem>>, %arg8: memref<!tpu.dma_semaphore, #tpu.memory_space<semaphore_mem>>, %arg9: memref<!tpu.dma_semaphore, #tpu.memory_space<semaphore_mem>>, %arg10: memref<!tpu.dma_semaphore, #tpu.memory_space<semaphore_mem>>, %arg11: memref<!tpu.dma_semaphore, #tpu.memory_space<semaphore_mem>>) attributes {dimension_semantics = [#tpu.dimension_semantics<core_parallel>, #tpu.dimension_semantics<subcore_parallel>], iteration_bounds = array<i64: 2, 16>, scalar_prefetch = 0 : i64, scratch_operands = 7 : i64, tpu.core_type = #tpu.core_type<sc_vector_subcore>, window_params = [{transform_indices = #map}, {transform_indices = #map}, {transform_indices = #map1}]} {
    %mul3A = arith.constant 2 : i32
    %mul3A_0 = arith.muli %arg1, %mul3A : i32
    %add3A = arith.addi %mul3A_0, %arg0 : i32
    "tpu.region"() ({
      %run_scoped3A = tpu.sem_alloc : memref<!tpu.dma_semaphore, #tpu.memory_space<semaphore_mem>>
      %dma_start3A_95 = arith.constant 0 : i32
      %dma_start3A_96 = tpu.memref_slice %arg3[%add3A, %dma_start3A_95] : memref<32x13312xi32, #tpu.memory_space<hbm>> -> memref<1x13312xi32, #tpu.memory_space<hbm>>
      %dma_start3A_97 = tpu.memref_squeeze %dma_start3A_96 : memref<1x13312xi32, #tpu.memory_space<hbm>> -> memref<13312xi32, #tpu.memory_space<hbm>>
      %dma_start3A_98 = arith.constant 0 : i32
      %dma_start3A_99 = tpu.memref_slice %arg3[%add3A, %dma_start3A_98] : memref<32x13312xi32, #tpu.memory_space<hbm>> -> memref<1x13312xi32, #tpu.memory_space<hbm>>
      %dma_start3A_100 = tpu.memref_squeeze %dma_start3A_99 : memref<1x13312xi32, #tpu.memory_space<hbm>> -> memref<13312xi32, #tpu.memory_space<hbm>>
      tpu.enqueue_dma source(%dma_start3A_100 : memref<13312xi32, #tpu.memory_space<hbm>>) target(%arg5 : memref<13312xi32, #tpu.memory_space<vmem>>) target_semaphore(%run_scoped3A : memref<!tpu.dma_semaphore, #tpu.memory_space<semaphore_mem>>)
      %dma_wait3A_101 = arith.constant 0 : i32
      %dma_wait3A_102 = tpu.memref_slice %arg3[%add3A, %dma_wait3A_101] : memref<32x13312xi32, #tpu.memory_space<hbm>> -> memref<1x13312xi32, #tpu.memory_space<hbm>>
      %dma_wait3A_103 = tpu.memref_squeeze %dma_wait3A_102 : memref<1x13312xi32, #tpu.memory_space<hbm>> -> memref<13312xi32, #tpu.memory_space<hbm>>
      %dma_wait3A_104 = arith.constant 0 : i32
      %dma_wait3A_105 = tpu.memref_slice %arg3[%add3A, %dma_wait3A_104] : memref<32x13312xi32, #tpu.memory_space<hbm>> -> memref<1x13312xi32, #tpu.memory_space<hbm>>
      %dma_wait3A_106 = tpu.memref_squeeze %dma_wait3A_105 : memref<1x13312xi32, #tpu.memory_space<hbm>> -> memref<13312xi32, #tpu.memory_space<hbm>>
      tpu.wait_dma2 semaphore(%run_scoped3A : memref<!tpu.dma_semaphore, #tpu.memory_space<semaphore_mem>>) src(%dma_wait3A_106 : memref<13312xi32, #tpu.memory_space<hbm>>) dst(%arg5 : memref<13312xi32, #tpu.memory_space<vmem>>)
      tpu.yield
    }) : () -> ()
    %iota3A = tpu.iota {dimensions = array<i32: 0>} : vector<16xi32>
    %add3A_1 = arith.constant 0 : i32
    %add3A_2 = vector.broadcast %add3A_1 : i32 to vector<16xi32>
    %add3A_3 = arith.addi %iota3A, %add3A_2 : vector<16xi32>
    %shift_right_arithmetic3A = arith.constant 3 : i32
    %shift_right_arithmetic3A_4 = vector.broadcast %shift_right_arithmetic3A : i32 to vector<16xi32>
    %shift_right_arithmetic3A_5 = arith.shrsi %add3A_3, %shift_right_arithmetic3A_4 : vector<16xi32>
    %add3A_6 = arith.constant 16 : i32
    %add3A_7 = vector.broadcast %add3A_6 : i32 to vector<16xi32>
    %add3A_8 = arith.addi %iota3A, %add3A_7 : vector<16xi32>
    %shift_right_arithmetic3A_9 = arith.constant 3 : i32
    %shift_right_arithmetic3A_10 = vector.broadcast %shift_right_arithmetic3A_9 : i32 to vector<16xi32>
    %shift_right_arithmetic3A_11 = arith.shrsi %add3A_8, %shift_right_arithmetic3A_10 : vector<16xi32>
    %add3A_12 = arith.constant 32 : i32
    %add3A_13 = vector.broadcast %add3A_12 : i32 to vector<16xi32>
    %add3A_14 = arith.addi %iota3A, %add3A_13 : vector<16xi32>
    %shift_right_arithmetic3A_15 = arith.constant 3 : i32
    %shift_right_arithmetic3A_16 = vector.broadcast %shift_right_arithmetic3A_15 : i32 to vector<16xi32>
    %shift_right_arithmetic3A_17 = arith.shrsi %add3A_14, %shift_right_arithmetic3A_16 : vector<16xi32>
    %add3A_18 = arith.constant 48 : i32
    %add3A_19 = vector.broadcast %add3A_18 : i32 to vector<16xi32>
    %add3A_20 = arith.addi %iota3A, %add3A_19 : vector<16xi32>
    %shift_right_arithmetic3A_21 = arith.constant 3 : i32
    %shift_right_arithmetic3A_22 = vector.broadcast %shift_right_arithmetic3A_21 : i32 to vector<16xi32>
    %shift_right_arithmetic3A_23 = arith.shrsi %add3A_20, %shift_right_arithmetic3A_22 : vector<16xi32>
    %and3A = arith.constant 7 : i32
    %and3A_24 = vector.broadcast %and3A : i32 to vector<16xi32>
    %and3A_25 = arith.andi %iota3A, %and3A_24 : vector<16xi32>
    %dma_start3A = arith.constant 0 : i32
    %dma_start3A_26 = arith.constant 0 : i32
    %dma_start3A_27 = arith.constant 0 : i32
    %dma_start3A_28 = tpu.memref_slice %arg6[%dma_start3A, %dma_start3A_26, %dma_start3A_27] : memref<2x416x64xf32, #tpu.memory_space<vmem>> -> memref<1x128x64xf32, #tpu.memory_space<vmem>>
    %dma_start3A_29 = tpu.memref_squeeze %dma_start3A_28 : memref<1x128x64xf32, #tpu.memory_space<vmem>> -> memref<128x64xf32, #tpu.memory_space<vmem>>
    %dma_start3A_30 = arith.constant 0 : i32
    %dma_start3A_31 = tpu.memref_slice %arg5[%dma_start3A_30] : memref<13312xi32, #tpu.memory_space<vmem>> -> memref<128xi32, #tpu.memory_space<vmem>>
    %dma_start3A_32 = arith.constant 0 : i32
    %dma_start3A_33 = arith.constant 0 : i32
    %dma_start3A_34 = tpu.memref_slice %arg2[%dma_start3A_32, %dma_start3A_33] : memref<1000000x64xf32, #tpu.memory_space<hbm>> -> memref<1000000x64xf32, #tpu.memory_space<hbm>>
    tpu.enqueue_indirect_dma source(%dma_start3A_34 : memref<1000000x64xf32, #tpu.memory_space<hbm>>) target(%dma_start3A_29 : memref<128x64xf32, #tpu.memory_space<vmem>>) offsets(%dma_start3A_31 : memref<128xi32, #tpu.memory_space<vmem>>) semaphore(%arg8 : memref<!tpu.dma_semaphore, #tpu.memory_space<semaphore_mem>>)
    %dma_start3A_35 = arith.constant 0 : i32
    %dma_start3A_36 = arith.constant 128 : i32
    %dma_start3A_37 = arith.constant 0 : i32
    %dma_start3A_38 = tpu.memref_slice %arg6[%dma_start3A_35, %dma_start3A_36, %dma_start3A_37] : memref<2x416x64xf32, #tpu.memory_space<vmem>> -> memref<1x128x64xf32, #tpu.memory_space<vmem>>
    %dma_start3A_39 = tpu.memref_squeeze %dma_start3A_38 : memref<1x128x64xf32, #tpu.memory_space<vmem>> -> memref<128x64xf32, #tpu.memory_space<vmem>>
    %dma_start3A_40 = arith.constant 128 : i32
    %dma_start3A_41 = tpu.memref_slice %arg5[%dma_start3A_40] : memref<13312xi32, #tpu.memory_space<vmem>> -> memref<128xi32, #tpu.memory_space<vmem>>
    %dma_start3A_42 = arith.constant 0 : i32
    %dma_start3A_43 = arith.constant 0 : i32
    %dma_start3A_44 = tpu.memref_slice %arg2[%dma_start3A_42, %dma_start3A_43] : memref<1000000x64xf32, #tpu.memory_space<hbm>> -> memref<1000000x64xf32, #tpu.memory_space<hbm>>
    tpu.enqueue_indirect_dma source(%dma_start3A_44 : memref<1000000x64xf32, #tpu.memory_space<hbm>>) target(%dma_start3A_39 : memref<128x64xf32, #tpu.memory_space<vmem>>) offsets(%dma_start3A_41 : memref<128xi32, #tpu.memory_space<vmem>>) semaphore(%arg8 : memref<!tpu.dma_semaphore, #tpu.memory_space<semaphore_mem>>)
    %dma_start3A_45 = arith.constant 0 : i32
    %dma_start3A_46 = arith.constant 256 : i32
    %dma_start3A_47 = arith.constant 0 : i32
    %dma_start3A_48 = tpu.memref_slice %arg6[%dma_start3A_45, %dma_start3A_46, %dma_start3A_47] : memref<2x416x64xf32, #tpu.memory_space<vmem>> -> memref<1x128x64xf32, #tpu.memory_space<vmem>>
    %dma_start3A_49 = tpu.memref_squeeze %dma_start3A_48 : memref<1x128x64xf32, #tpu.memory_space<vmem>> -> memref<128x64xf32, #tpu.memory_space<vmem>>
    %dma_start3A_50 = arith.constant 256 : i32
    %dma_start3A_51 = tpu.memref_slice %arg5[%dma_start3A_50] : memref<13312xi32, #tpu.memory_space<vmem>> -> memref<128xi32, #tpu.memory_space<vmem>>
    %dma_start3A_52 = arith.constant 0 : i32
    %dma_start3A_53 = arith.constant 0 : i32
    %dma_start3A_54 = tpu.memref_slice %arg2[%dma_start3A_52, %dma_start3A_53] : memref<1000000x64xf32, #tpu.memory_space<hbm>> -> memref<1000000x64xf32, #tpu.memory_space<hbm>>
    tpu.enqueue_indirect_dma source(%dma_start3A_54 : memref<1000000x64xf32, #tpu.memory_space<hbm>>) target(%dma_start3A_49 : memref<128x64xf32, #tpu.memory_space<vmem>>) offsets(%dma_start3A_51 : memref<128xi32, #tpu.memory_space<vmem>>) semaphore(%arg8 : memref<!tpu.dma_semaphore, #tpu.memory_space<semaphore_mem>>)
    %dma_start3A_55 = arith.constant 0 : i32
    %dma_start3A_56 = arith.constant 384 : i32
    %dma_start3A_57 = arith.constant 0 : i32
    %dma_start3A_58 = tpu.memref_slice %arg6[%dma_start3A_55, %dma_start3A_56, %dma_start3A_57] : memref<2x416x64xf32, #tpu.memory_space<vmem>> -> memref<1x32x64xf32, #tpu.memory_space<vmem>>
    %dma_start3A_59 = tpu.memref_squeeze %dma_start3A_58 : memref<1x32x64xf32, #tpu.memory_space<vmem>> -> memref<32x64xf32, #tpu.memory_space<vmem>>
    %dma_start3A_60 = arith.constant 384 : i32
    %dma_start3A_61 = tpu.memref_slice %arg5[%dma_start3A_60] : memref<13312xi32, #tpu.memory_space<vmem>> -> memref<32xi32, #tpu.memory_space<vmem>>
    %dma_start3A_62 = arith.constant 0 : i32
    %dma_start3A_63 = arith.constant 0 : i32
    %dma_start3A_64 = tpu.memref_slice %arg2[%dma_start3A_62, %dma_start3A_63] : memref<1000000x64xf32, #tpu.memory_space<hbm>> -> memref<1000000x64xf32, #tpu.memory_space<hbm>>
    tpu.enqueue_indirect_dma source(%dma_start3A_64 : memref<1000000x64xf32, #tpu.memory_space<hbm>>) target(%dma_start3A_59 : memref<32x64xf32, #tpu.memory_space<vmem>>) offsets(%dma_start3A_61 : memref<32xi32, #tpu.memory_space<vmem>>) semaphore(%arg8 : memref<!tpu.dma_semaphore, #tpu.memory_space<semaphore_mem>>)
    %scan3A = arith.constant 0 : i32
    %scan3A_65 = arith.constant 0 : i32
    %scan3A_66 = arith.constant 16 : i32
    %scan3A_67 = arith.addi %scan3A_65, %scan3A_66 : i32
    %scan3A_68 = arith.constant 1 : i32
    scf.for %scan3A_95 = %scan3A_65 to %scan3A_67 step %scan3A_68  : i32 {
      %mul3A_96 = arith.constant 2 : i32
      %mul3A_97 = arith.muli %mul3A_96, %scan3A_95 : i32
      %add3A_98 = arith.constant 1 : i32
      %add3A_99 = arith.addi %mul3A_97, %add3A_98 : i32
      %lt3A = arith.constant 32 : i32
      %lt3A_100 = arith.cmpi slt, %add3A_99, %lt3A : i32
      %convert_element_type3A = arith.extui %lt3A_100 : i1 to i32
      %cond3A = arith.constant 0 : i32
      %cond3A_101 = arith.cmpi ne, %convert_element_type3A, %cond3A : i32
      scf.if %cond3A_101 {
        %add3A_375 = arith.constant 1 : i32
        %add3A_376 = arith.addi %mul3A_97, %add3A_375 : i32
        %mul3A_377 = arith.constant 416 : i32
        %mul3A_378 = arith.muli %add3A_376, %mul3A_377 : i32
        %add3A_379 = arith.constant 0 : i32
        %add3A_380 = arith.addi %mul3A_378, %add3A_379 : i32
        %dma_start3A_381 = arith.constant 1 : i32
        %dma_start3A_382 = arith.constant 0 : i32
        %dma_start3A_383 = arith.constant 0 : i32
        %dma_start3A_384 = tpu.memref_slice %arg6[%dma_start3A_381, %dma_start3A_382, %dma_start3A_383] : memref<2x416x64xf32, #tpu.memory_space<vmem>> -> memref<1x128x64xf32, #tpu.memory_space<vmem>>
        %dma_start3A_385 = tpu.memref_squeeze %dma_start3A_384 : memref<1x128x64xf32, #tpu.memory_space<vmem>> -> memref<128x64xf32, #tpu.memory_space<vmem>>
        %dma_start3A_386 = tpu.memref_slice %arg5[%add3A_380] : memref<13312xi32, #tpu.memory_space<vmem>> -> memref<128xi32, #tpu.memory_space<vmem>>
        %dma_start3A_387 = arith.constant 0 : i32
        %dma_start3A_388 = arith.constant 0 : i32
        %dma_start3A_389 = tpu.memref_slice %arg2[%dma_start3A_387, %dma_start3A_388] : memref<1000000x64xf32, #tpu.memory_space<hbm>> -> memref<1000000x64xf32, #tpu.memory_space<hbm>>
        tpu.enqueue_indirect_dma source(%dma_start3A_389 : memref<1000000x64xf32, #tpu.memory_space<hbm>>) target(%dma_start3A_385 : memref<128x64xf32, #tpu.memory_space<vmem>>) offsets(%dma_start3A_386 : memref<128xi32, #tpu.memory_space<vmem>>) semaphore(%arg9 : memref<!tpu.dma_semaphore, #tpu.memory_space<semaphore_mem>>)
        %mul3A_390 = arith.constant 416 : i32
        %mul3A_391 = arith.muli %add3A_376, %mul3A_390 : i32
        %add3A_392 = arith.constant 128 : i32
        %add3A_393 = arith.addi %mul3A_391, %add3A_392 : i32
        %dma_start3A_394 = arith.constant 1 : i32
        %dma_start3A_395 = arith.constant 128 : i32
        %dma_start3A_396 = arith.constant 0 : i32
        %dma_start3A_397 = tpu.memref_slice %arg6[%dma_start3A_394, %dma_start3A_395, %dma_start3A_396] : memref<2x416x64xf32, #tpu.memory_space<vmem>> -> memref<1x128x64xf32, #tpu.memory_space<vmem>>
        %dma_start3A_398 = tpu.memref_squeeze %dma_start3A_397 : memref<1x128x64xf32, #tpu.memory_space<vmem>> -> memref<128x64xf32, #tpu.memory_space<vmem>>
        %dma_start3A_399 = tpu.memref_slice %arg5[%add3A_393] : memref<13312xi32, #tpu.memory_space<vmem>> -> memref<128xi32, #tpu.memory_space<vmem>>
        %dma_start3A_400 = arith.constant 0 : i32
        %dma_start3A_401 = arith.constant 0 : i32
        %dma_start3A_402 = tpu.memref_slice %arg2[%dma_start3A_400, %dma_start3A_401] : memref<1000000x64xf32, #tpu.memory_space<hbm>> -> memref<1000000x64xf32, #tpu.memory_space<hbm>>
        tpu.enqueue_indirect_dma source(%dma_start3A_402 : memref<1000000x64xf32, #tpu.memory_space<hbm>>) target(%dma_start3A_398 : memref<128x64xf32, #tpu.memory_space<vmem>>) offsets(%dma_start3A_399 : memref<128xi32, #tpu.memory_space<vmem>>) semaphore(%arg9 : memref<!tpu.dma_semaphore, #tpu.memory_space<semaphore_mem>>)
        %mul3A_403 = arith.constant 416 : i32
        %mul3A_404 = arith.muli %add3A_376, %mul3A_403 : i32
        %add3A_405 = arith.constant 256 : i32
        %add3A_406 = arith.addi %mul3A_404, %add3A_405 : i32
        %dma_start3A_407 = arith.constant 1 : i32
        %dma_start3A_408 = arith.constant 256 : i32
        %dma_start3A_409 = arith.constant 0 : i32
        %dma_start3A_410 = tpu.memref_slice %arg6[%dma_start3A_407, %dma_start3A_408, %dma_start3A_409] : memref<2x416x64xf32, #tpu.memory_space<vmem>> -> memref<1x128x64xf32, #tpu.memory_space<vmem>>
        %dma_start3A_411 = tpu.memref_squeeze %dma_start3A_410 : memref<1x128x64xf32, #tpu.memory_space<vmem>> -> memref<128x64xf32, #tpu.memory_space<vmem>>
        %dma_start3A_412 = tpu.memref_slice %arg5[%add3A_406] : memref<13312xi32, #tpu.memory_space<vmem>> -> memref<128xi32, #tpu.memory_space<vmem>>
        %dma_start3A_413 = arith.constant 0 : i32
        %dma_start3A_414 = arith.constant 0 : i32
        %dma_start3A_415 = tpu.memref_slice %arg2[%dma_start3A_413, %dma_start3A_414] : memref<1000000x64xf32, #tpu.memory_space<hbm>> -> memref<1000000x64xf32, #tpu.memory_space<hbm>>
        tpu.enqueue_indirect_dma source(%dma_start3A_415 : memref<1000000x64xf32, #tpu.memory_space<hbm>>) target(%dma_start3A_411 : memref<128x64xf32, #tpu.memory_space<vmem>>) offsets(%dma_start3A_412 : memref<128xi32, #tpu.memory_space<vmem>>) semaphore(%arg9 : memref<!tpu.dma_semaphore, #tpu.memory_space<semaphore_mem>>)
        %mul3A_416 = arith.constant 416 : i32
        %mul3A_417 = arith.muli %add3A_376, %mul3A_416 : i32
        %add3A_418 = arith.constant 384 : i32
        %add3A_419 = arith.addi %mul3A_417, %add3A_418 : i32
        %dma_start3A_420 = arith.constant 1 : i32
        %dma_start3A_421 = arith.constant 384 : i32
        %dma_start3A_422 = arith.constant 0 : i32
        %dma_start3A_423 = tpu.memref_slice %arg6[%dma_start3A_420, %dma_start3A_421, %dma_start3A_422] : memref<2x416x64xf32, #tpu.memory_space<vmem>> -> memref<1x32x64xf32, #tpu.memory_space<vmem>>
        %dma_start3A_424 = tpu.memref_squeeze %dma_start3A_423 : memref<1x32x64xf32, #tpu.memory_space<vmem>> -> memref<32x64xf32, #tpu.memory_space<vmem>>
        %dma_start3A_425 = tpu.memref_slice %arg5[%add3A_419] : memref<13312xi32, #tpu.memory_space<vmem>> -> memref<32xi32, #tpu.memory_space<vmem>>
        %dma_start3A_426 = arith.constant 0 : i32
        %dma_start3A_427 = arith.constant 0 : i32
        %dma_start3A_428 = tpu.memref_slice %arg2[%dma_start3A_426, %dma_start3A_427] : memref<1000000x64xf32, #tpu.memory_space<hbm>> -> memref<1000000x64xf32, #tpu.memory_space<hbm>>
        tpu.enqueue_indirect_dma source(%dma_start3A_428 : memref<1000000x64xf32, #tpu.memory_space<hbm>>) target(%dma_start3A_424 : memref<32x64xf32, #tpu.memory_space<vmem>>) offsets(%dma_start3A_425 : memref<32xi32, #tpu.memory_space<vmem>>) semaphore(%arg9 : memref<!tpu.dma_semaphore, #tpu.memory_space<semaphore_mem>>)
      } else {
      }
      %dma_wait3A_102 = arith.constant 0 : i32
      %dma_wait3A_103 = arith.constant 0 : i32
      %dma_wait3A_104 = arith.constant 0 : i32
      %dma_wait3A_105 = tpu.memref_slice %arg6[%dma_wait3A_102, %dma_wait3A_103, %dma_wait3A_104] : memref<2x416x64xf32, #tpu.memory_space<vmem>> -> memref<1x128x64xf32, #tpu.memory_space<vmem>>
      %dma_wait3A_106 = tpu.memref_squeeze %dma_wait3A_105 : memref<1x128x64xf32, #tpu.memory_space<vmem>> -> memref<128x64xf32, #tpu.memory_space<vmem>>
      %dma_wait3A_107 = arith.constant 0 : i32
      %dma_wait3A_108 = arith.constant 0 : i32
      %dma_wait3A_109 = tpu.memref_slice %arg2[%dma_wait3A_107, %dma_wait3A_108] : memref<1000000x64xf32, #tpu.memory_space<hbm>> -> memref<128x64xf32, #tpu.memory_space<hbm>>
      %dma_wait3A_110 = arith.constant 0 : i32
      %dma_wait3A_111 = arith.constant 0 : i32
      %dma_wait3A_112 = tpu.memref_slice %arg6[%dma_wait3A_102, %dma_wait3A_110, %dma_wait3A_111] : memref<2x416x64xf32, #tpu.memory_space<vmem>> -> memref<1x128x64xf32, #tpu.memory_space<vmem>>
      %dma_wait3A_113 = tpu.memref_squeeze %dma_wait3A_112 : memref<1x128x64xf32, #tpu.memory_space<vmem>> -> memref<128x64xf32, #tpu.memory_space<vmem>>
      %dma_wait3A_114 = arith.constant 0 : i32
      %dma_wait3A_115 = arith.constant 0 : i32
      %dma_wait3A_116 = tpu.memref_slice %arg2[%dma_wait3A_114, %dma_wait3A_115] : memref<1000000x64xf32, #tpu.memory_space<hbm>> -> memref<128x64xf32, #tpu.memory_space<hbm>>
      tpu.wait_dma2 semaphore(%arg8 : memref<!tpu.dma_semaphore, #tpu.memory_space<semaphore_mem>>) src(%dma_wait3A_116 : memref<128x64xf32, #tpu.memory_space<hbm>>) dst(%dma_wait3A_113 : memref<128x64xf32, #tpu.memory_space<vmem>>)
      %dma_wait3A_117 = arith.constant 0 : i32
      %dma_wait3A_118 = arith.constant 128 : i32
      %dma_wait3A_119 = arith.constant 0 : i32
      %dma_wait3A_120 = tpu.memref_slice %arg6[%dma_wait3A_117, %dma_wait3A_118, %dma_wait3A_119] : memref<2x416x64xf32, #tpu.memory_space<vmem>> -> memref<1x128x64xf32, #tpu.memory_space<vmem>>
      %dma_wait3A_121 = tpu.memref_squeeze %dma_wait3A_120 : memref<1x128x64xf32, #tpu.memory_space<vmem>> -> memref<128x64xf32, #tpu.memory_space<vmem>>
      %dma_wait3A_122 = arith.constant 0 : i32
      %dma_wait3A_123 = arith.constant 0 : i32
      %dma_wait3A_124 = tpu.memref_slice %arg2[%dma_wait3A_122, %dma_wait3A_123] : memref<1000000x64xf32, #tpu.memory_space<hbm>> -> memref<128x64xf32, #tpu.memory_space<hbm>>
      %dma_wait3A_125 = arith.constant 128 : i32
      %dma_wait3A_126 = arith.constant 0 : i32
      %dma_wait3A_127 = tpu.memref_slice %arg6[%dma_wait3A_117, %dma_wait3A_125, %dma_wait3A_126] : memref<2x416x64xf32, #tpu.memory_space<vmem>> -> memref<1x128x64xf32, #tpu.memory_space<vmem>>
      %dma_wait3A_128 = tpu.memref_squeeze %dma_wait3A_127 : memref<1x128x64xf32, #tpu.memory_space<vmem>> -> memref<128x64xf32, #tpu.memory_space<vmem>>
      %dma_wait3A_129 = arith.constant 0 : i32
      %dma_wait3A_130 = arith.constant 0 : i32
      %dma_wait3A_131 = tpu.memref_slice %arg2[%dma_wait3A_129, %dma_wait3A_130] : memref<1000000x64xf32, #tpu.memory_space<hbm>> -> memref<128x64xf32, #tpu.memory_space<hbm>>
      tpu.wait_dma2 semaphore(%arg8 : memref<!tpu.dma_semaphore, #tpu.memory_space<semaphore_mem>>) src(%dma_wait3A_131 : memref<128x64xf32, #tpu.memory_space<hbm>>) dst(%dma_wait3A_128 : memref<128x64xf32, #tpu.memory_space<vmem>>)
      %dma_wait3A_132 = arith.constant 0 : i32
      %dma_wait3A_133 = arith.constant 256 : i32
      %dma_wait3A_134 = arith.constant 0 : i32
      %dma_wait3A_135 = tpu.memref_slice %arg6[%dma_wait3A_132, %dma_wait3A_133, %dma_wait3A_134] : memref<2x416x64xf32, #tpu.memory_space<vmem>> -> memref<1x128x64xf32, #tpu.memory_space<vmem>>
      %dma_wait3A_136 = tpu.memref_squeeze %dma_wait3A_135 : memref<1x128x64xf32, #tpu.memory_space<vmem>> -> memref<128x64xf32, #tpu.memory_space<vmem>>
      %dma_wait3A_137 = arith.constant 0 : i32
      %dma_wait3A_138 = arith.constant 0 : i32
      %dma_wait3A_139 = tpu.memref_slice %arg2[%dma_wait3A_137, %dma_wait3A_138] : memref<1000000x64xf32, #tpu.memory_space<hbm>> -> memref<128x64xf32, #tpu.memory_space<hbm>>
      %dma_wait3A_140 = arith.constant 256 : i32
      %dma_wait3A_141 = arith.constant 0 : i32
      %dma_wait3A_142 = tpu.memref_slice %arg6[%dma_wait3A_132, %dma_wait3A_140, %dma_wait3A_141] : memref<2x416x64xf32, #tpu.memory_space<vmem>> -> memref<1x128x64xf32, #tpu.memory_space<vmem>>
      %dma_wait3A_143 = tpu.memref_squeeze %dma_wait3A_142 : memref<1x128x64xf32, #tpu.memory_space<vmem>> -> memref<128x64xf32, #tpu.memory_space<vmem>>
      %dma_wait3A_144 = arith.constant 0 : i32
      %dma_wait3A_145 = arith.constant 0 : i32
      %dma_wait3A_146 = tpu.memref_slice %arg2[%dma_wait3A_144, %dma_wait3A_145] : memref<1000000x64xf32, #tpu.memory_space<hbm>> -> memref<128x64xf32, #tpu.memory_space<hbm>>
      tpu.wait_dma2 semaphore(%arg8 : memref<!tpu.dma_semaphore, #tpu.memory_space<semaphore_mem>>) src(%dma_wait3A_146 : memref<128x64xf32, #tpu.memory_space<hbm>>) dst(%dma_wait3A_143 : memref<128x64xf32, #tpu.memory_space<vmem>>)
      %dma_wait3A_147 = arith.constant 0 : i32
      %dma_wait3A_148 = arith.constant 384 : i32
      %dma_wait3A_149 = arith.constant 0 : i32
      %dma_wait3A_150 = tpu.memref_slice %arg6[%dma_wait3A_147, %dma_wait3A_148, %dma_wait3A_149] : memref<2x416x64xf32, #tpu.memory_space<vmem>> -> memref<1x32x64xf32, #tpu.memory_space<vmem>>
      %dma_wait3A_151 = tpu.memref_squeeze %dma_wait3A_150 : memref<1x32x64xf32, #tpu.memory_space<vmem>> -> memref<32x64xf32, #tpu.memory_space<vmem>>
      %dma_wait3A_152 = arith.constant 0 : i32
      %dma_wait3A_153 = arith.constant 0 : i32
      %dma_wait3A_154 = tpu.memref_slice %arg2[%dma_wait3A_152, %dma_wait3A_153] : memref<1000000x64xf32, #tpu.memory_space<hbm>> -> memref<32x64xf32, #tpu.memory_space<hbm>>
      %dma_wait3A_155 = arith.constant 384 : i32
      %dma_wait3A_156 = arith.constant 0 : i32
      %dma_wait3A_157 = tpu.memref_slice %arg6[%dma_wait3A_147, %dma_wait3A_155, %dma_wait3A_156] : memref<2x416x64xf32, #tpu.memory_space<vmem>> -> memref<1x32x64xf32, #tpu.memory_space<vmem>>
      %dma_wait3A_158 = tpu.memref_squeeze %dma_wait3A_157 : memref<1x32x64xf32, #tpu.memory_space<vmem>> -> memref<32x64xf32, #tpu.memory_space<vmem>>
      %dma_wait3A_159 = arith.constant 0 : i32
      %dma_wait3A_160 = arith.constant 0 : i32
      %dma_wait3A_161 = tpu.memref_slice %arg2[%dma_wait3A_159, %dma_wait3A_160] : memref<1000000x64xf32, #tpu.memory_space<hbm>> -> memref<32x64xf32, #tpu.memory_space<hbm>>
      tpu.wait_dma2 semaphore(%arg8 : memref<!tpu.dma_semaphore, #tpu.memory_space<semaphore_mem>>) src(%dma_wait3A_161 : memref<32x64xf32, #tpu.memory_space<hbm>>) dst(%dma_wait3A_158 : memref<32x64xf32, #tpu.memory_space<vmem>>)
      %ge3A = arith.constant 1 : i32
      %ge3A_162 = arith.cmpi sge, %mul3A_97, %ge3A : i32
      %convert_element_type3A_163 = arith.extui %ge3A_162 : i1 to i32
      %cond3A_164 = arith.constant 0 : i32
      %cond3A_165 = arith.cmpi ne, %convert_element_type3A_163, %cond3A_164 : i32
      scf.if %cond3A_165 {
        %dma_wait3A_375 = arith.constant 0 : i32
        %dma_wait3A_376 = arith.constant 0 : i32
        %dma_wait3A_377 = arith.constant 0 : i32
        %dma_wait3A_378 = arith.constant 0 : i32
        %dma_wait3A_379 = arith.constant 0 : i32
        %dma_wait3A_380 = arith.constant 0 : i32
        %dma_wait3A_381 = tpu.memref_slice %arg7[%dma_wait3A_375, %dma_wait3A_377, %dma_wait3A_378, %dma_wait3A_379, %dma_wait3A_380] : memref<1x26x8x8x17xf32, #tpu.memory_space<vmem>> -> memref<1x26x8x8x16xf32, #tpu.memory_space<vmem>>
        %dma_wait3A_382 = tpu.memref_squeeze %dma_wait3A_381 : memref<1x26x8x8x16xf32, #tpu.memory_space<vmem>> -> memref<26x8x8x16xf32, #tpu.memory_space<vmem>>
        %dma_wait3A_383 = arith.constant 0 : i32
        %dma_wait3A_384 = arith.constant 0 : i32
        %dma_wait3A_385 = arith.constant 0 : i32
        %dma_wait3A_386 = arith.constant 0 : i32
        %dma_wait3A_387 = tpu.memref_slice %arg4[%dma_wait3A_383, %dma_wait3A_384, %dma_wait3A_376, %dma_wait3A_385, %dma_wait3A_386] : memref<26x8x128x8x128xf32, #tpu.memory_space<hbm>> -> memref<26x8x1x8x16xf32, #tpu.memory_space<hbm>>
        %dma_wait3A_388 = tpu.memref_squeeze %dma_wait3A_387 : memref<26x8x1x8x16xf32, #tpu.memory_space<hbm>> -> memref<26x8x8x16xf32, #tpu.memory_space<hbm>>
        %dma_wait3A_389 = arith.constant 0 : i32
        %dma_wait3A_390 = arith.constant 0 : i32
        %dma_wait3A_391 = arith.constant 0 : i32
        %dma_wait3A_392 = arith.constant 0 : i32
        %dma_wait3A_393 = tpu.memref_slice %arg4[%dma_wait3A_389, %dma_wait3A_390, %dma_wait3A_376, %dma_wait3A_391, %dma_wait3A_392] : memref<26x8x128x8x128xf32, #tpu.memory_space<hbm>> -> memref<26x8x1x8x16xf32, #tpu.memory_space<hbm>>
        %dma_wait3A_394 = tpu.memref_squeeze %dma_wait3A_393 : memref<26x8x1x8x16xf32, #tpu.memory_space<hbm>> -> memref<26x8x8x16xf32, #tpu.memory_space<hbm>>
        %dma_wait3A_395 = arith.constant 0 : i32
        %dma_wait3A_396 = arith.constant 0 : i32
        %dma_wait3A_397 = arith.constant 0 : i32
        %dma_wait3A_398 = arith.constant 0 : i32
        %dma_wait3A_399 = tpu.memref_slice %arg7[%dma_wait3A_375, %dma_wait3A_395, %dma_wait3A_396, %dma_wait3A_397, %dma_wait3A_398] : memref<1x26x8x8x17xf32, #tpu.memory_space<vmem>> -> memref<1x26x8x8x16xf32, #tpu.memory_space<vmem>>
        %dma_wait3A_400 = tpu.memref_squeeze %dma_wait3A_399 : memref<1x26x8x8x16xf32, #tpu.memory_space<vmem>> -> memref<26x8x8x16xf32, #tpu.memory_space<vmem>>
        tpu.wait_dma2 semaphore(%arg10 : memref<!tpu.dma_semaphore, #tpu.memory_space<semaphore_mem>>) src(%dma_wait3A_400 : memref<26x8x8x16xf32, #tpu.memory_space<vmem>>) dst(%dma_wait3A_394 : memref<26x8x8x16xf32, #tpu.memory_space<hbm>>)
      } else {
      }
      %parallel_loop3A = arith.constant 0 : i32
      %parallel_loop3A_166 = arith.constant 26 : i32
      %parallel_loop3A_167 = arith.constant 1 : i32
      %parallel_loop3A_168 = arith.constant 0 : i32
      scf.for %parallel_loop3A_375 = %parallel_loop3A to %parallel_loop3A_166 step %parallel_loop3A_167  : i32 {
        %parallel_loop3A_376 = vector.broadcast %parallel_loop3A_375 : i32 to vector<16xi32>
        %parallel_loop3A_377 = arith.constant 0 : i32
        %parallel_loop3A_378 = vector.broadcast %parallel_loop3A_377 : i32 to vector<16xi32>
        %parallel_loop3A_379 = arith.constant 16 : i32
        %parallel_loop3A_380 = arith.muli %parallel_loop3A_375, %parallel_loop3A_379 : i32
        %parallel_loop3A_381 = arith.constant 0 : i32
        %parallel_loop3A_382 = arith.addi %parallel_loop3A_380, %parallel_loop3A_381 : i32
        %parallel_loop3A_383 = arith.constant 0 : i32
        %parallel_loop3A_384 = arith.index_cast %parallel_loop3A_383 : i32 to index
        %parallel_loop3A_385 = arith.index_cast %parallel_loop3A_382 : i32 to index
        %parallel_loop3A_386 = arith.constant 0 : index
        %parallel_loop3A_387 = tpu.vector_load %arg6[%parallel_loop3A_384, %parallel_loop3A_385, %parallel_loop3A_386] {strides = array<i32>} : memref<2x416x64xf32, #tpu.memory_space<vmem>>, vector<16xf32>,
        %parallel_loop3A_388 = arith.constant 0 : i32
        %parallel_loop3A_389 = arith.constant 0 : i32
        %parallel_loop3A_390 = arith.constant 0 : i32
        %parallel_loop3A_391 = arith.constant 0 : i32
        %parallel_loop3A_392 = tpu.memref_slice %arg7[%parallel_loop3A_168, %parallel_loop3A_388, %parallel_loop3A_389, %parallel_loop3A_390, %parallel_loop3A_391] : memref<1x26x8x8x17xf32, #tpu.memory_space<vmem>> -> memref<1x26x8x8x17xf32, #tpu.memory_space<vmem>>
        %parallel_loop3A_393 = tpu.memref_squeeze %parallel_loop3A_392 : memref<1x26x8x8x17xf32, #tpu.memory_space<vmem>> -> memref<26x8x8x17xf32, #tpu.memory_space<vmem>>
        tpu.vector_store_idx %parallel_loop3A_393[%parallel_loop3A_376, %shift_right_arithmetic3A_5, %and3A_25, %parallel_loop3A_378], %parallel_loop3A_387 : memref<26x8x8x17xf32, #tpu.memory_space<vmem>>[vector<16xi32>, vector<16xi32>, vector<16xi32>, vector<16xi32>], vector<16xf32>,
        %parallel_loop3A_394 = arith.constant 0 : i32
        %parallel_loop3A_395 = arith.index_cast %parallel_loop3A_394 : i32 to index
        %parallel_loop3A_396 = arith.index_cast %parallel_loop3A_382 : i32 to index
        %parallel_loop3A_397 = arith.constant 16 : index
        %parallel_loop3A_398 = tpu.vector_load %arg6[%parallel_loop3A_395, %parallel_loop3A_396, %parallel_loop3A_397] {strides = array<i32>} : memref<2x416x64xf32, #tpu.memory_space<vmem>>, vector<16xf32>,
        %parallel_loop3A_399 = arith.constant 0 : i32
        %parallel_loop3A_400 = arith.constant 0 : i32
        %parallel_loop3A_401 = arith.constant 0 : i32
        %parallel_loop3A_402 = arith.constant 0 : i32
        %parallel_loop3A_403 = tpu.memref_slice %arg7[%parallel_loop3A_168, %parallel_loop3A_399, %parallel_loop3A_400, %parallel_loop3A_401, %parallel_loop3A_402] : memref<1x26x8x8x17xf32, #tpu.memory_space<vmem>> -> memref<1x26x8x8x17xf32, #tpu.memory_space<vmem>>
        %parallel_loop3A_404 = tpu.memref_squeeze %parallel_loop3A_403 : memref<1x26x8x8x17xf32, #tpu.memory_space<vmem>> -> memref<26x8x8x17xf32, #tpu.memory_space<vmem>>
        tpu.vector_store_idx %parallel_loop3A_404[%parallel_loop3A_376, %shift_right_arithmetic3A_11, %and3A_25, %parallel_loop3A_378], %parallel_loop3A_398 : memref<26x8x8x17xf32, #tpu.memory_space<vmem>>[vector<16xi32>, vector<16xi32>, vector<16xi32>, vector<16xi32>], vector<16xf32>,
        %parallel_loop3A_405 = arith.constant 0 : i32
        %parallel_loop3A_406 = arith.index_cast %parallel_loop3A_405 : i32 to index
        %parallel_loop3A_407 = arith.index_cast %parallel_loop3A_382 : i32 to index
        %parallel_loop3A_408 = arith.constant 32 : index
        %parallel_loop3A_409 = tpu.vector_load %arg6[%parallel_loop3A_406, %parallel_loop3A_407, %parallel_loop3A_408] {strides = array<i32>} : memref<2x416x64xf32, #tpu.memory_space<vmem>>, vector<16xf32>,
        %parallel_loop3A_410 = arith.constant 0 : i32
        %parallel_loop3A_411 = arith.constant 0 : i32
        %parallel_loop3A_412 = arith.constant 0 : i32
        %parallel_loop3A_413 = arith.constant 0 : i32
        %parallel_loop3A_414 = tpu.memref_slice %arg7[%parallel_loop3A_168, %parallel_loop3A_410, %parallel_loop3A_411, %parallel_loop3A_412, %parallel_loop3A_413] : memref<1x26x8x8x17xf32, #tpu.memory_space<vmem>> -> memref<1x26x8x8x17xf32, #tpu.memory_space<vmem>>
        %parallel_loop3A_415 = tpu.memref_squeeze %parallel_loop3A_414 : memref<1x26x8x8x17xf32, #tpu.memory_space<vmem>> -> memref<26x8x8x17xf32, #tpu.memory_space<vmem>>
        tpu.vector_store_idx %parallel_loop3A_415[%parallel_loop3A_376, %shift_right_arithmetic3A_17, %and3A_25, %parallel_loop3A_378], %parallel_loop3A_409 : memref<26x8x8x17xf32, #tpu.memory_space<vmem>>[vector<16xi32>, vector<16xi32>, vector<16xi32>, vector<16xi32>], vector<16xf32>,
        %parallel_loop3A_416 = arith.constant 0 : i32
        %parallel_loop3A_417 = arith.index_cast %parallel_loop3A_416 : i32 to index
        %parallel_loop3A_418 = arith.index_cast %parallel_loop3A_382 : i32 to index
        %parallel_loop3A_419 = arith.constant 48 : index
        %parallel_loop3A_420 = tpu.vector_load %arg6[%parallel_loop3A_417, %parallel_loop3A_418, %parallel_loop3A_419] {strides = array<i32>} : memref<2x416x64xf32, #tpu.memory_space<vmem>>, vector<16xf32>,
        %parallel_loop3A_421 = arith.constant 0 : i32
        %parallel_loop3A_422 = arith.constant 0 : i32
        %parallel_loop3A_423 = arith.constant 0 : i32
        %parallel_loop3A_424 = arith.constant 0 : i32
        %parallel_loop3A_425 = tpu.memref_slice %arg7[%parallel_loop3A_168, %parallel_loop3A_421, %parallel_loop3A_422, %parallel_loop3A_423, %parallel_loop3A_424] : memref<1x26x8x8x17xf32, #tpu.memory_space<vmem>> -> memref<1x26x8x8x17xf32, #tpu.memory_space<vmem>>
        %parallel_loop3A_426 = tpu.memref_squeeze %parallel_loop3A_425 : memref<1x26x8x8x17xf32, #tpu.memory_space<vmem>> -> memref<26x8x8x17xf32, #tpu.memory_space<vmem>>
        tpu.vector_store_idx %parallel_loop3A_426[%parallel_loop3A_376, %shift_right_arithmetic3A_23, %and3A_25, %parallel_loop3A_378], %parallel_loop3A_420 : memref<26x8x8x17xf32, #tpu.memory_space<vmem>>[vector<16xi32>, vector<16xi32>, vector<16xi32>, vector<16xi32>], vector<16xf32>,
        %parallel_loop3A_427 = arith.constant 1 : i32
        %parallel_loop3A_428 = vector.broadcast %parallel_loop3A_427 : i32 to vector<16xi32>
        %parallel_loop3A_429 = arith.constant 16 : i32
        %parallel_loop3A_430 = arith.muli %parallel_loop3A_375, %parallel_loop3A_429 : i32
        %parallel_loop3A_431 = arith.constant 1 : i32
        %parallel_loop3A_432 = arith.addi %parallel_loop3A_430, %parallel_loop3A_431 : i32
        %parallel_loop3A_433 = arith.constant 0 : i32
        %parallel_loop3A_434 = arith.index_cast %parallel_loop3A_433 : i32 to index
        %parallel_loop3A_435 = arith.index_cast %parallel_loop3A_432 : i32 to index
        %parallel_loop3A_436 = arith.constant 0 : index
        %parallel_loop3A_437 = tpu.vector_load %arg6[%parallel_loop3A_434, %parallel_loop3A_435, %parallel_loop3A_436] {strides = array<i32>} : memref<2x416x64xf32, #tpu.memory_space<vmem>>, vector<16xf32>,
        %parallel_loop3A_438 = arith.constant 0 : i32
        %parallel_loop3A_439 = arith.constant 0 : i32
        %parallel_loop3A_440 = arith.constant 0 : i32
        %parallel_loop3A_441 = arith.constant 0 : i32
        %parallel_loop3A_442 = tpu.memref_slice %arg7[%parallel_loop3A_168, %parallel_loop3A_438, %parallel_loop3A_439, %parallel_loop3A_440, %parallel_loop3A_441] : memref<1x26x8x8x17xf32, #tpu.memory_space<vmem>> -> memref<1x26x8x8x17xf32, #tpu.memory_space<vmem>>
        %parallel_loop3A_443 = tpu.memref_squeeze %parallel_loop3A_442 : memref<1x26x8x8x17xf32, #tpu.memory_space<vmem>> -> memref<26x8x8x17xf32, #tpu.memory_space<vmem>>
        tpu.vector_store_idx %parallel_loop3A_443[%parallel_loop3A_376, %shift_right_arithmetic3A_5, %and3A_25, %parallel_loop3A_428], %parallel_loop3A_437 : memref<26x8x8x17xf32, #tpu.memory_space<vmem>>[vector<16xi32>, vector<16xi32>, vector<16xi32>, vector<16xi32>], vector<16xf32>,
        %parallel_loop3A_444 = arith.constant 0 : i32
        %parallel_loop3A_445 = arith.index_cast %parallel_loop3A_444 : i32 to index
        %parallel_loop3A_446 = arith.index_cast %parallel_loop3A_432 : i32 to index
        %parallel_loop3A_447 = arith.constant 16 : index
        %parallel_loop3A_448 = tpu.vector_load %arg6[%parallel_loop3A_445, %parallel_loop3A_446, %parallel_loop3A_447] {strides = array<i32>} : memref<2x416x64xf32, #tpu.memory_space<vmem>>, vector<16xf32>,
        %parallel_loop3A_449 = arith.constant 0 : i32
        %parallel_loop3A_450 = arith.constant 0 : i32
        %parallel_loop3A_451 = arith.constant 0 : i32
        %parallel_loop3A_452 = arith.constant 0 : i32
        %parallel_loop3A_453 = tpu.memref_slice %arg7[%parallel_loop3A_168, %parallel_loop3A_449, %parallel_loop3A_450, %parallel_loop3A_451, %parallel_loop3A_452] : memref<1x26x8x8x17xf32, #tpu.memory_space<vmem>> -> memref<1x26x8x8x17xf32, #tpu.memory_space<vmem>>
        %parallel_loop3A_454 = tpu.memref_squeeze %parallel_loop3A_453 : memref<1x26x8x8x17xf32, #tpu.memory_space<vmem>> -> memref<26x8x8x17xf32, #tpu.memory_space<vmem>>
        tpu.vector_store_idx %parallel_loop3A_454[%parallel_loop3A_376, %shift_right_arithmetic3A_11, %and3A_25, %parallel_loop3A_428], %parallel_loop3A_448 : memref<26x8x8x17xf32, #tpu.memory_space<vmem>>[vector<16xi32>, vector<16xi32>, vector<16xi32>, vector<16xi32>], vector<16xf32>,
        %parallel_loop3A_455 = arith.constant 0 : i32
        %parallel_loop3A_456 = arith.index_cast %parallel_loop3A_455 : i32 to index
        %parallel_loop3A_457 = arith.index_cast %parallel_loop3A_432 : i32 to index
        %parallel_loop3A_458 = arith.constant 32 : index
        %parallel_loop3A_459 = tpu.vector_load %arg6[%parallel_loop3A_456, %parallel_loop3A_457, %parallel_loop3A_458] {strides = array<i32>} : memref<2x416x64xf32, #tpu.memory_space<vmem>>, vector<16xf32>,
        %parallel_loop3A_460 = arith.constant 0 : i32
        %parallel_loop3A_461 = arith.constant 0 : i32
        %parallel_loop3A_462 = arith.constant 0 : i32
        %parallel_loop3A_463 = arith.constant 0 : i32
        %parallel_loop3A_464 = tpu.memref_slice %arg7[%parallel_loop3A_168, %parallel_loop3A_460, %parallel_loop3A_461, %parallel_loop3A_462, %parallel_loop3A_463] : memref<1x26x8x8x17xf32, #tpu.memory_space<vmem>> -> memref<1x26x8x8x17xf32, #tpu.memory_space<vmem>>
        %parallel_loop3A_465 = tpu.memref_squeeze %parallel_loop3A_464 : memref<1x26x8x8x17xf32, #tpu.memory_space<vmem>> -> memref<26x8x8x17xf32, #tpu.memory_space<vmem>>
        tpu.vector_store_idx %parallel_loop3A_465[%parallel_loop3A_376, %shift_right_arithmetic3A_17, %and3A_25, %parallel_loop3A_428], %parallel_loop3A_459 : memref<26x8x8x17xf32, #tpu.memory_space<vmem>>[vector<16xi32>, vector<16xi32>, vector<16xi32>, vector<16xi32>], vector<16xf32>,
        %parallel_loop3A_466 = arith.constant 0 : i32
        %parallel_loop3A_467 = arith.index_cast %parallel_loop3A_466 : i32 to index
        %parallel_loop3A_468 = arith.index_cast %parallel_loop3A_432 : i32 to index
        %parallel_loop3A_469 = arith.constant 48 : index
        %parallel_loop3A_470 = tpu.vector_load %arg6[%parallel_loop3A_467, %parallel_loop3A_468, %parallel_loop3A_469] {strides = array<i32>} : memref<2x416x64xf32, #tpu.memory_space<vmem>>, vector<16xf32>,
        %parallel_loop3A_471 = arith.constant 0 : i32
        %parallel_loop3A_472 = arith.constant 0 : i32
        %parallel_loop3A_473 = arith.constant 0 : i32
        %parallel_loop3A_474 = arith.constant 0 : i32
        %parallel_loop3A_475 = tpu.memref_slice %arg7[%parallel_loop3A_168, %parallel_loop3A_471, %parallel_loop3A_472, %parallel_loop3A_473, %parallel_loop3A_474] : memref<1x26x8x8x17xf32, #tpu.memory_space<vmem>> -> memref<1x26x8x8x17xf32, #tpu.memory_space<vmem>>
        %parallel_loop3A_476 = tpu.memref_squeeze %parallel_loop3A_475 : memref<1x26x8x8x17xf32, #tpu.memory_space<vmem>> -> memref<26x8x8x17xf32, #tpu.memory_space<vmem>>
        tpu.vector_store_idx %parallel_loop3A_476[%parallel_loop3A_376, %shift_right_arithmetic3A_23, %and3A_25, %parallel_loop3A_428], %parallel_loop3A_470 : memref<26x8x8x17xf32, #tpu.memory_space<vmem>>[vector<16xi32>, vector<16xi32>, vector<16xi32>, vector<16xi32>], vector<16xf32>,
        %parallel_loop3A_477 = arith.constant 2 : i32
        %parallel_loop3A_478 = vector.broadcast %parallel_loop3A_477 : i32 to vector<16xi32>
        %parallel_loop3A_479 = arith.constant 16 : i32
        %parallel_loop3A_480 = arith.muli %parallel_loop3A_375, %parallel_loop3A_479 : i32
        %parallel_loop3A_481 = arith.constant 2 : i32
        %parallel_loop3A_482 = arith.addi %parallel_loop3A_480, %parallel_loop3A_481 : i32
        %parallel_loop3A_483 = arith.constant 0 : i32
        %parallel_loop3A_484 = arith.index_cast %parallel_loop3A_483 : i32 to index
        %parallel_loop3A_485 = arith.index_cast %parallel_loop3A_482 : i32 to index
        %parallel_loop3A_486 = arith.constant 0 : index
        %parallel_loop3A_487 = tpu.vector_load %arg6[%parallel_loop3A_484, %parallel_loop3A_485, %parallel_loop3A_486] {strides = array<i32>} : memref<2x416x64xf32, #tpu.memory_space<vmem>>, vector<16xf32>,
        %parallel_loop3A_488 = arith.constant 0 : i32
        %parallel_loop3A_489 = arith.constant 0 : i32
        %parallel_loop3A_490 = arith.constant 0 : i32
        %parallel_loop3A_491 = arith.constant 0 : i32
        %parallel_loop3A_492 = tpu.memref_slice %arg7[%parallel_loop3A_168, %parallel_loop3A_488, %parallel_loop3A_489, %parallel_loop3A_490, %parallel_loop3A_491] : memref<1x26x8x8x17xf32, #tpu.memory_space<vmem>> -> memref<1x26x8x8x17xf32, #tpu.memory_space<vmem>>
        %parallel_loop3A_493 = tpu.memref_squeeze %parallel_loop3A_492 : memref<1x26x8x8x17xf32, #tpu.memory_space<vmem>> -> memref<26x8x8x17xf32, #tpu.memory_space<vmem>>
        tpu.vector_store_idx %parallel_loop3A_493[%parallel_loop3A_376, %shift_right_arithmetic3A_5, %and3A_25, %parallel_loop3A_478], %parallel_loop3A_487 : memref<26x8x8x17xf32, #tpu.memory_space<vmem>>[vector<16xi32>, vector<16xi32>, vector<16xi32>, vector<16xi32>], vector<16xf32>,
        %parallel_loop3A_494 = arith.constant 0 : i32
        %parallel_loop3A_495 = arith.index_cast %parallel_loop3A_494 : i32 to index
        %parallel_loop3A_496 = arith.index_cast %parallel_loop3A_482 : i32 to index
        %parallel_loop3A_497 = arith.constant 16 : index
        %parallel_loop3A_498 = tpu.vector_load %arg6[%parallel_loop3A_495, %parallel_loop3A_496, %parallel_loop3A_497] {strides = array<i32>} : memref<2x416x64xf32, #tpu.memory_space<vmem>>, vector<16xf32>,
        %parallel_loop3A_499 = arith.constant 0 : i32
        %parallel_loop3A_500 = arith.constant 0 : i32
        %parallel_loop3A_501 = arith.constant 0 : i32
        %parallel_loop3A_502 = arith.constant 0 : i32
        %parallel_loop3A_503 = tpu.memref_slice %arg7[%parallel_loop3A_168, %parallel_loop3A_499, %parallel_loop3A_500, %parallel_loop3A_501, %parallel_loop3A_502] : memref<1x26x8x8x17xf32, #tpu.memory_space<vmem>> -> memref<1x26x8x8x17xf32, #tpu.memory_space<vmem>>
        %parallel_loop3A_504 = tpu.memref_squeeze %parallel_loop3A_503 : memref<1x26x8x8x17xf32, #tpu.memory_space<vmem>> -> memref<26x8x8x17xf32, #tpu.memory_space<vmem>>
        tpu.vector_store_idx %parallel_loop3A_504[%parallel_loop3A_376, %shift_right_arithmetic3A_11, %and3A_25, %parallel_loop3A_478], %parallel_loop3A_498 : memref<26x8x8x17xf32, #tpu.memory_space<vmem>>[vector<16xi32>, vector<16xi32>, vector<16xi32>, vector<16xi32>], vector<16xf32>,
        %parallel_loop3A_505 = arith.constant 0 : i32
        %parallel_loop3A_506 = arith.index_cast %parallel_loop3A_505 : i32 to index
        %parallel_loop3A_507 = arith.index_cast %parallel_loop3A_482 : i32 to index
        %parallel_loop3A_508 = arith.constant 32 : index
        %parallel_loop3A_509 = tpu.vector_load %arg6[%parallel_loop3A_506, %parallel_loop3A_507, %parallel_loop3A_508] {strides = array<i32>} : memref<2x416x64xf32, #tpu.memory_space<vmem>>, vector<16xf32>,
        %parallel_loop3A_510 = arith.constant 0 : i32
        %parallel_loop3A_511 = arith.constant 0 : i32
        %parallel_loop3A_512 = arith.constant 0 : i32
        %parallel_loop3A_513 = arith.constant 0 : i32
        %parallel_loop3A_514 = tpu.memref_slice %arg7[%parallel_loop3A_168, %parallel_loop3A_510, %parallel_loop3A_511, %parallel_loop3A_512, %parallel_loop3A_513] : memref<1x26x8x8x17xf32, #tpu.memory_space<vmem>> -> memref<1x26x8x8x17xf32, #tpu.memory_space<vmem>>
        %parallel_loop3A_515 = tpu.memref_squeeze %parallel_loop3A_514 : memref<1x26x8x8x17xf32, #tpu.memory_space<vmem>> -> memref<26x8x8x17xf32, #tpu.memory_space<vmem>>
        tpu.vector_store_idx %parallel_loop3A_515[%parallel_loop3A_376, %shift_right_arithmetic3A_17, %and3A_25, %parallel_loop3A_478], %parallel_loop3A_509 : memref<26x8x8x17xf32, #tpu.memory_space<vmem>>[vector<16xi32>, vector<16xi32>, vector<16xi32>, vector<16xi32>], vector<16xf32>,
        %parallel_loop3A_516 = arith.constant 0 : i32
        %parallel_loop3A_517 = arith.index_cast %parallel_loop3A_516 : i32 to index
        %parallel_loop3A_518 = arith.index_cast %parallel_loop3A_482 : i32 to index
        %parallel_loop3A_519 = arith.constant 48 : index
        %parallel_loop3A_520 = tpu.vector_load %arg6[%parallel_loop3A_517, %parallel_loop3A_518, %parallel_loop3A_519] {strides = array<i32>} : memref<2x416x64xf32, #tpu.memory_space<vmem>>, vector<16xf32>,
        %parallel_loop3A_521 = arith.constant 0 : i32
        %parallel_loop3A_522 = arith.constant 0 : i32
        %parallel_loop3A_523 = arith.constant 0 : i32
        %parallel_loop3A_524 = arith.constant 0 : i32
        %parallel_loop3A_525 = tpu.memref_slice %arg7[%parallel_loop3A_168, %parallel_loop3A_521, %parallel_loop3A_522, %parallel_loop3A_523, %parallel_loop3A_524] : memref<1x26x8x8x17xf32, #tpu.memory_space<vmem>> -> memref<1x26x8x8x17xf32, #tpu.memory_space<vmem>>
        %parallel_loop3A_526 = tpu.memref_squeeze %parallel_loop3A_525 : memref<1x26x8x8x17xf32, #tpu.memory_space<vmem>> -> memref<26x8x8x17xf32, #tpu.memory_space<vmem>>
        tpu.vector_store_idx %parallel_loop3A_526[%parallel_loop3A_376, %shift_right_arithmetic3A_23, %and3A_25, %parallel_loop3A_478], %parallel_loop3A_520 : memref<26x8x8x17xf32, #tpu.memory_space<vmem>>[vector<16xi32>, vector<16xi32>, vector<16xi32>, vector<16xi32>], vector<16xf32>,
        %parallel_loop3A_527 = arith.constant 3 : i32
        %parallel_loop3A_528 = vector.broadcast %parallel_loop3A_527 : i32 to vector<16xi32>
        %parallel_loop3A_529 = arith.constant 16 : i32
        %parallel_loop3A_530 = arith.muli %parallel_loop3A_375, %parallel_loop3A_529 : i32
        %parallel_loop3A_531 = arith.constant 3 : i32
        %parallel_loop3A_532 = arith.addi %parallel_loop3A_530, %parallel_loop3A_531 : i32
        %parallel_loop3A_533 = arith.constant 0 : i32
        %parallel_loop3A_534 = arith.index_cast %parallel_loop3A_533 : i32 to index
        %parallel_loop3A_535 = arith.index_cast %parallel_loop3A_532 : i32 to index
        %parallel_loop3A_536 = arith.constant 0 : index
        %parallel_loop3A_537 = tpu.vector_load %arg6[%parallel_loop3A_534, %parallel_loop3A_535, %parallel_loop3A_536] {strides = array<i32>} : memref<2x416x64xf32, #tpu.memory_space<vmem>>, vector<16xf32>,
        %parallel_loop3A_538 = arith.constant 0 : i32
        %parallel_loop3A_539 = arith.constant 0 : i32
        %parallel_loop3A_540 = arith.constant 0 : i32
        %parallel_loop3A_541 = arith.constant 0 : i32
        %parallel_loop3A_542 = tpu.memref_slice %arg7[%parallel_loop3A_168, %parallel_loop3A_538, %parallel_loop3A_539, %parallel_loop3A_540, %parallel_loop3A_541] : memref<1x26x8x8x17xf32, #tpu.memory_space<vmem>> -> memref<1x26x8x8x17xf32, #tpu.memory_space<vmem>>
        %parallel_loop3A_543 = tpu.memref_squeeze %parallel_loop3A_542 : memref<1x26x8x8x17xf32, #tpu.memory_space<vmem>> -> memref<26x8x8x17xf32, #tpu.memory_space<vmem>>
        tpu.vector_store_idx %parallel_loop3A_543[%parallel_loop3A_376, %shift_right_arithmetic3A_5, %and3A_25, %parallel_loop3A_528], %parallel_loop3A_537 : memref<26x8x8x17xf32, #tpu.memory_space<vmem>>[vector<16xi32>, vector<16xi32>, vector<16xi32>, vector<16xi32>], vector<16xf32>,
        %parallel_loop3A_544 = arith.constant 0 : i32
        %parallel_loop3A_545 = arith.index_cast %parallel_loop3A_544 : i32 to index
        %parallel_loop3A_546 = arith.index_cast %parallel_loop3A_532 : i32 to index
        %parallel_loop3A_547 = arith.constant 16 : index
        %parallel_loop3A_548 = tpu.vector_load %arg6[%parallel_loop3A_545, %parallel_loop3A_546, %parallel_loop3A_547] {strides = array<i32>} : memref<2x416x64xf32, #tpu.memory_space<vmem>>, vector<16xf32>,
        %parallel_loop3A_549 = arith.constant 0 : i32
        %parallel_loop3A_550 = arith.constant 0 : i32
        %parallel_loop3A_551 = arith.constant 0 : i32
        %parallel_loop3A_552 = arith.constant 0 : i32
        %parallel_loop3A_553 = tpu.memref_slice %arg7[%parallel_loop3A_168, %parallel_loop3A_549, %parallel_loop3A_550, %parallel_loop3A_551, %parallel_loop3A_552] : memref<1x26x8x8x17xf32, #tpu.memory_space<vmem>> -> memref<1x26x8x8x17xf32, #tpu.memory_space<vmem>>
        %parallel_loop3A_554 = tpu.memref_squeeze %parallel_loop3A_553 : memref<1x26x8x8x17xf32, #tpu.memory_space<vmem>> -> memref<26x8x8x17xf32, #tpu.memory_space<vmem>>
        tpu.vector_store_idx %parallel_loop3A_554[%parallel_loop3A_376, %shift_right_arithmetic3A_11, %and3A_25, %parallel_loop3A_528], %parallel_loop3A_548 : memref<26x8x8x17xf32, #tpu.memory_space<vmem>>[vector<16xi32>, vector<16xi32>, vector<16xi32>, vector<16xi32>], vector<16xf32>,
        %parallel_loop3A_555 = arith.constant 0 : i32
        %parallel_loop3A_556 = arith.index_cast %parallel_loop3A_555 : i32 to index
        %parallel_loop3A_557 = arith.index_cast %parallel_loop3A_532 : i32 to index
        %parallel_loop3A_558 = arith.constant 32 : index
        %parallel_loop3A_559 = tpu.vector_load %arg6[%parallel_loop3A_556, %parallel_loop3A_557, %parallel_loop3A_558] {strides = array<i32>} : memref<2x416x64xf32, #tpu.memory_space<vmem>>, vector<16xf32>,
        %parallel_loop3A_560 = arith.constant 0 : i32
        %parallel_loop3A_561 = arith.constant 0 : i32
        %parallel_loop3A_562 = arith.constant 0 : i32
        %parallel_loop3A_563 = arith.constant 0 : i32
        %parallel_loop3A_564 = tpu.memref_slice %arg7[%parallel_loop3A_168, %parallel_loop3A_560, %parallel_loop3A_561, %parallel_loop3A_562, %parallel_loop3A_563] : memref<1x26x8x8x17xf32, #tpu.memory_space<vmem>> -> memref<1x26x8x8x17xf32, #tpu.memory_space<vmem>>
        %parallel_loop3A_565 = tpu.memref_squeeze %parallel_loop3A_564 : memref<1x26x8x8x17xf32, #tpu.memory_space<vmem>> -> memref<26x8x8x17xf32, #tpu.memory_space<vmem>>
        tpu.vector_store_idx %parallel_loop3A_565[%parallel_loop3A_376, %shift_right_arithmetic3A_17, %and3A_25, %parallel_loop3A_528], %parallel_loop3A_559 : memref<26x8x8x17xf32, #tpu.memory_space<vmem>>[vector<16xi32>, vector<16xi32>, vector<16xi32>, vector<16xi32>], vector<16xf32>,
        %parallel_loop3A_566 = arith.constant 0 : i32
        %parallel_loop3A_567 = arith.index_cast %parallel_loop3A_566 : i32 to index
        %parallel_loop3A_568 = arith.index_cast %parallel_loop3A_532 : i32 to index
        %parallel_loop3A_569 = arith.constant 48 : index
        %parallel_loop3A_570 = tpu.vector_load %arg6[%parallel_loop3A_567, %parallel_loop3A_568, %parallel_loop3A_569] {strides = array<i32>} : memref<2x416x64xf32, #tpu.memory_space<vmem>>, vector<16xf32>,
        %parallel_loop3A_571 = arith.constant 0 : i32
        %parallel_loop3A_572 = arith.constant 0 : i32
        %parallel_loop3A_573 = arith.constant 0 : i32
        %parallel_loop3A_574 = arith.constant 0 : i32
        %parallel_loop3A_575 = tpu.memref_slice %arg7[%parallel_loop3A_168, %parallel_loop3A_571, %parallel_loop3A_572, %parallel_loop3A_573, %parallel_loop3A_574] : memref<1x26x8x8x17xf32, #tpu.memory_space<vmem>> -> memref<1x26x8x8x17xf32, #tpu.memory_space<vmem>>
        %parallel_loop3A_576 = tpu.memref_squeeze %parallel_loop3A_575 : memref<1x26x8x8x17xf32, #tpu.memory_space<vmem>> -> memref<26x8x8x17xf32, #tpu.memory_space<vmem>>
        tpu.vector_store_idx %parallel_loop3A_576[%parallel_loop3A_376, %shift_right_arithmetic3A_23, %and3A_25, %parallel_loop3A_528], %parallel_loop3A_570 : memref<26x8x8x17xf32, #tpu.memory_space<vmem>>[vector<16xi32>, vector<16xi32>, vector<16xi32>, vector<16xi32>], vector<16xf32>,
        %parallel_loop3A_577 = arith.constant 4 : i32
        %parallel_loop3A_578 = vector.broadcast %parallel_loop3A_577 : i32 to vector<16xi32>
        %parallel_loop3A_579 = arith.constant 16 : i32
        %parallel_loop3A_580 = arith.muli %parallel_loop3A_375, %parallel_loop3A_579 : i32
        %parallel_loop3A_581 = arith.constant 4 : i32
        %parallel_loop3A_582 = arith.addi %parallel_loop3A_580, %parallel_loop3A_581 : i32
        %parallel_loop3A_583 = arith.constant 0 : i32
        %parallel_loop3A_584 = arith.index_cast %parallel_loop3A_583 : i32 to index
        %parallel_loop3A_585 = arith.index_cast %parallel_loop3A_582 : i32 to index
        %parallel_loop3A_586 = arith.constant 0 : index
        %parallel_loop3A_587 = tpu.vector_load %arg6[%parallel_loop3A_584, %parallel_loop3A_585, %parallel_loop3A_586] {strides = array<i32>} : memref<2x416x64xf32, #tpu.memory_space<vmem>>, vector<16xf32>,
        %parallel_loop3A_588 = arith.constant 0 : i32
        %parallel_loop3A_589 = arith.constant 0 : i32
        %parallel_loop3A_590 = arith.constant 0 : i32
        %parallel_loop3A_591 = arith.constant 0 : i32
        %parallel_loop3A_592 = tpu.memref_slice %arg7[%parallel_loop3A_168, %parallel_loop3A_588, %parallel_loop3A_589, %parallel_loop3A_590, %parallel_loop3A_591] : memref<1x26x8x8x17xf32, #tpu.memory_space<vmem>> -> memref<1x26x8x8x17xf32, #tpu.memory_space<vmem>>
        %parallel_loop3A_593 = tpu.memref_squeeze %parallel_loop3A_592 : memref<1x26x8x8x17xf32, #tpu.memory_space<vmem>> -> memref<26x8x8x17xf32, #tpu.memory_space<vmem>>
        tpu.vector_store_idx %parallel_loop3A_593[%parallel_loop3A_376, %shift_right_arithmetic3A_5, %and3A_25, %parallel_loop3A_578], %parallel_loop3A_587 : memref<26x8x8x17xf32, #tpu.memory_space<vmem>>[vector<16xi32>, vector<16xi32>, vector<16xi32>, vector<16xi32>], vector<16xf32>,
        %parallel_loop3A_594 = arith.constant 0 : i32
        %parallel_loop3A_595 = arith.index_cast %parallel_loop3A_594 : i32 to index
        %parallel_loop3A_596 = arith.index_cast %parallel_loop3A_582 : i32 to index
        %parallel_loop3A_597 = arith.constant 16 : index
        %parallel_loop3A_598 = tpu.vector_load %arg6[%parallel_loop3A_595, %parallel_loop3A_596, %parallel_loop3A_597] {strides = array<i32>} : memref<2x416x64xf32, #tpu.memory_space<vmem>>, vector<16xf32>,
        %parallel_loop3A_599 = arith.constant 0 : i32
        %parallel_loop3A_600 = arith.constant 0 : i32
        %parallel_loop3A_601 = arith.constant 0 : i32
        %parallel_loop3A_602 = arith.constant 0 : i32
        %parallel_loop3A_603 = tpu.memref_slice %arg7[%parallel_loop3A_168, %parallel_loop3A_599, %parallel_loop3A_600, %parallel_loop3A_601, %parallel_loop3A_602] : memref<1x26x8x8x17xf32, #tpu.memory_space<vmem>> -> memref<1x26x8x8x17xf32, #tpu.memory_space<vmem>>
        %parallel_loop3A_604 = tpu.memref_squeeze %parallel_loop3A_603 : memref<1x26x8x8x17xf32, #tpu.memory_space<vmem>> -> memref<26x8x8x17xf32, #tpu.memory_space<vmem>>
        tpu.vector_store_idx %parallel_loop3A_604[%parallel_loop3A_376, %shift_right_arithmetic3A_11, %and3A_25, %parallel_loop3A_578], %parallel_loop3A_598 : memref<26x8x8x17xf32, #tpu.memory_space<vmem>>[vector<16xi32>, vector<16xi32>, vector<16xi32>, vector<16xi32>], vector<16xf32>,
        %parallel_loop3A_605 = arith.constant 0 : i32
        %parallel_loop3A_606 = arith.index_cast %parallel_loop3A_605 : i32 to index
        %parallel_loop3A_607 = arith.index_cast %parallel_loop3A_582 : i32 to index
        %parallel_loop3A_608 = arith.constant 32 : index
        %parallel_loop3A_609 = tpu.vector_load %arg6[%parallel_loop3A_606, %parallel_loop3A_607, %parallel_loop3A_608] {strides = array<i32>} : memref<2x416x64xf32, #tpu.memory_space<vmem>>, vector<16xf32>,
        %parallel_loop3A_610 = arith.constant 0 : i32
        %parallel_loop3A_611 = arith.constant 0 : i32
        %parallel_loop3A_612 = arith.constant 0 : i32
        %parallel_loop3A_613 = arith.constant 0 : i32
        %parallel_loop3A_614 = tpu.memref_slice %arg7[%parallel_loop3A_168, %parallel_loop3A_610, %parallel_loop3A_611, %parallel_loop3A_612, %parallel_loop3A_613] : memref<1x26x8x8x17xf32, #tpu.memory_space<vmem>> -> memref<1x26x8x8x17xf32, #tpu.memory_space<vmem>>
        %parallel_loop3A_615 = tpu.memref_squeeze %parallel_loop3A_614 : memref<1x26x8x8x17xf32, #tpu.memory_space<vmem>> -> memref<26x8x8x17xf32, #tpu.memory_space<vmem>>
        tpu.vector_store_idx %parallel_loop3A_615[%parallel_loop3A_376, %shift_right_arithmetic3A_17, %and3A_25, %parallel_loop3A_578], %parallel_loop3A_609 : memref<26x8x8x17xf32, #tpu.memory_space<vmem>>[vector<16xi32>, vector<16xi32>, vector<16xi32>, vector<16xi32>], vector<16xf32>,
        %parallel_loop3A_616 = arith.constant 0 : i32
        %parallel_loop3A_617 = arith.index_cast %parallel_loop3A_616 : i32 to index
        %parallel_loop3A_618 = arith.index_cast %parallel_loop3A_582 : i32 to index
        %parallel_loop3A_619 = arith.constant 48 : index
        %parallel_loop3A_620 = tpu.vector_load %arg6[%parallel_loop3A_617, %parallel_loop3A_618, %parallel_loop3A_619] {strides = array<i32>} : memref<2x416x64xf32, #tpu.memory_space<vmem>>, vector<16xf32>,
        %parallel_loop3A_621 = arith.constant 0 : i32
        %parallel_loop3A_622 = arith.constant 0 : i32
        %parallel_loop3A_623 = arith.constant 0 : i32
        %parallel_loop3A_624 = arith.constant 0 : i32
        %parallel_loop3A_625 = tpu.memref_slice %arg7[%parallel_loop3A_168, %parallel_loop3A_621, %parallel_loop3A_622, %parallel_loop3A_623, %parallel_loop3A_624] : memref<1x26x8x8x17xf32, #tpu.memory_space<vmem>> -> memref<1x26x8x8x17xf32, #tpu.memory_space<vmem>>
        %parallel_loop3A_626 = tpu.memref_squeeze %parallel_loop3A_625 : memref<1x26x8x8x17xf32, #tpu.memory_space<vmem>> -> memref<26x8x8x17xf32, #tpu.memory_space<vmem>>
        tpu.vector_store_idx %parallel_loop3A_626[%parallel_loop3A_376, %shift_right_arithmetic3A_23, %and3A_25, %parallel_loop3A_578], %parallel_loop3A_620 : memref<26x8x8x17xf32, #tpu.memory_space<vmem>>[vector<16xi32>, vector<16xi32>, vector<16xi32>, vector<16xi32>], vector<16xf32>,
        %parallel_loop3A_627 = arith.constant 5 : i32
        %parallel_loop3A_628 = vector.broadcast %parallel_loop3A_627 : i32 to vector<16xi32>
        %parallel_loop3A_629 = arith.constant 16 : i32
        %parallel_loop3A_630 = arith.muli %parallel_loop3A_375, %parallel_loop3A_629 : i32
        %parallel_loop3A_631 = arith.constant 5 : i32
        %parallel_loop3A_632 = arith.addi %parallel_loop3A_630, %parallel_loop3A_631 : i32
        %parallel_loop3A_633 = arith.constant 0 : i32
        %parallel_loop3A_634 = arith.index_cast %parallel_loop3A_633 : i32 to index
        %parallel_loop3A_635 = arith.index_cast %parallel_loop3A_632 : i32 to index
        %parallel_loop3A_636 = arith.constant 0 : index
        %parallel_loop3A_637 = tpu.vector_load %arg6[%parallel_loop3A_634, %parallel_loop3A_635, %parallel_loop3A_636] {strides = array<i32>} : memref<2x416x64xf32, #tpu.memory_space<vmem>>, vector<16xf32>,
        %parallel_loop3A_638 = arith.constant 0 : i32
        %parallel_loop3A_639 = arith.constant 0 : i32
        %parallel_loop3A_640 = arith.constant 0 : i32
        %parallel_loop3A_641 = arith.constant 0 : i32
        %parallel_loop3A_642 = tpu.memref_slice %arg7[%parallel_loop3A_168, %parallel_loop3A_638, %parallel_loop3A_639, %parallel_loop3A_640, %parallel_loop3A_641] : memref<1x26x8x8x17xf32, #tpu.memory_space<vmem>> -> memref<1x26x8x8x17xf32, #tpu.memory_space<vmem>>
        %parallel_loop3A_643 = tpu.memref_squeeze %parallel_loop3A_642 : memref<1x26x8x8x17xf32, #tpu.memory_space<vmem>> -> memref<26x8x8x17xf32, #tpu.memory_space<vmem>>
        tpu.vector_store_idx %parallel_loop3A_643[%parallel_loop3A_376, %shift_right_arithmetic3A_5, %and3A_25, %parallel_loop3A_628], %parallel_loop3A_637 : memref<26x8x8x17xf32, #tpu.memory_space<vmem>>[vector<16xi32>, vector<16xi32>, vector<16xi32>, vector<16xi32>], vector<16xf32>,
        %parallel_loop3A_644 = arith.constant 0 : i32
        %parallel_loop3A_645 = arith.index_cast %parallel_loop3A_644 : i32 to index
        %parallel_loop3A_646 = arith.index_cast %parallel_loop3A_632 : i32 to index
        %parallel_loop3A_647 = arith.constant 16 : index
        %parallel_loop3A_648 = tpu.vector_load %arg6[%parallel_loop3A_645, %parallel_loop3A_646, %parallel_loop3A_647] {strides = array<i32>} : memref<2x416x64xf32, #tpu.memory_space<vmem>>, vector<16xf32>,
        %parallel_loop3A_649 = arith.constant 0 : i32
        %parallel_loop3A_650 = arith.constant 0 : i32
        %parallel_loop3A_651 = arith.constant 0 : i32
        %parallel_loop3A_652 = arith.constant 0 : i32
        %parallel_loop3A_653 = tpu.memref_slice %arg7[%parallel_loop3A_168, %parallel_loop3A_649, %parallel_loop3A_650, %parallel_loop3A_651, %parallel_loop3A_652] : memref<1x26x8x8x17xf32, #tpu.memory_space<vmem>> -> memref<1x26x8x8x17xf32, #tpu.memory_space<vmem>>
        %parallel_loop3A_654 = tpu.memref_squeeze %parallel_loop3A_653 : memref<1x26x8x8x17xf32, #tpu.memory_space<vmem>> -> memref<26x8x8x17xf32, #tpu.memory_space<vmem>>
        tpu.vector_store_idx %parallel_loop3A_654[%parallel_loop3A_376, %shift_right_arithmetic3A_11, %and3A_25, %parallel_loop3A_628], %parallel_loop3A_648 : memref<26x8x8x17xf32, #tpu.memory_space<vmem>>[vector<16xi32>, vector<16xi32>, vector<16xi32>, vector<16xi32>], vector<16xf32>,
        %parallel_loop3A_655 = arith.constant 0 : i32
        %parallel_loop3A_656 = arith.index_cast %parallel_loop3A_655 : i32 to index
        %parallel_loop3A_657 = arith.index_cast %parallel_loop3A_632 : i32 to index
        %parallel_loop3A_658 = arith.constant 32 : index
        %parallel_loop3A_659 = tpu.vector_load %arg6[%parallel_loop3A_656, %parallel_loop3A_657, %parallel_loop3A_658] {strides = array<i32>} : memref<2x416x64xf32, #tpu.memory_space<vmem>>, vector<16xf32>,
        %parallel_loop3A_660 = arith.constant 0 : i32
        %parallel_loop3A_661 = arith.constant 0 : i32
        %parallel_loop3A_662 = arith.constant 0 : i32
        %parallel_loop3A_663 = arith.constant 0 : i32
        %parallel_loop3A_664 = tpu.memref_slice %arg7[%parallel_loop3A_168, %parallel_loop3A_660, %parallel_loop3A_661, %parallel_loop3A_662, %parallel_loop3A_663] : memref<1x26x8x8x17xf32, #tpu.memory_space<vmem>> -> memref<1x26x8x8x17xf32, #tpu.memory_space<vmem>>
        %parallel_loop3A_665 = tpu.memref_squeeze %parallel_loop3A_664 : memref<1x26x8x8x17xf32, #tpu.memory_space<vmem>> -> memref<26x8x8x17xf32, #tpu.memory_space<vmem>>
        tpu.vector_store_idx %parallel_loop3A_665[%parallel_loop3A_376, %shift_right_arithmetic3A_17, %and3A_25, %parallel_loop3A_628], %parallel_loop3A_659 : memref<26x8x8x17xf32, #tpu.memory_space<vmem>>[vector<16xi32>, vector<16xi32>, vector<16xi32>, vector<16xi32>], vector<16xf32>,
        %parallel_loop3A_666 = arith.constant 0 : i32
        %parallel_loop3A_667 = arith.index_cast %parallel_loop3A_666 : i32 to index
        %parallel_loop3A_668 = arith.index_cast %parallel_loop3A_632 : i32 to index
        %parallel_loop3A_669 = arith.constant 48 : index
        %parallel_loop3A_670 = tpu.vector_load %arg6[%parallel_loop3A_667, %parallel_loop3A_668, %parallel_loop3A_669] {strides = array<i32>} : memref<2x416x64xf32, #tpu.memory_space<vmem>>, vector<16xf32>,
        %parallel_loop3A_671 = arith.constant 0 : i32
        %parallel_loop3A_672 = arith.constant 0 : i32
        %parallel_loop3A_673 = arith.constant 0 : i32
        %parallel_loop3A_674 = arith.constant 0 : i32
        %parallel_loop3A_675 = tpu.memref_slice %arg7[%parallel_loop3A_168, %parallel_loop3A_671, %parallel_loop3A_672, %parallel_loop3A_673, %parallel_loop3A_674] : memref<1x26x8x8x17xf32, #tpu.memory_space<vmem>> -> memref<1x26x8x8x17xf32, #tpu.memory_space<vmem>>
        %parallel_loop3A_676 = tpu.memref_squeeze %parallel_loop3A_675 : memref<1x26x8x8x17xf32, #tpu.memory_space<vmem>> -> memref<26x8x8x17xf32, #tpu.memory_space<vmem>>
        tpu.vector_store_idx %parallel_loop3A_676[%parallel_loop3A_376, %shift_right_arithmetic3A_23, %and3A_25, %parallel_loop3A_628], %parallel_loop3A_670 : memref<26x8x8x17xf32, #tpu.memory_space<vmem>>[vector<16xi32>, vector<16xi32>, vector<16xi32>, vector<16xi32>], vector<16xf32>,
        %parallel_loop3A_677 = arith.constant 6 : i32
        %parallel_loop3A_678 = vector.broadcast %parallel_loop3A_677 : i32 to vector<16xi32>
        %parallel_loop3A_679 = arith.constant 16 : i32
        %parallel_loop3A_680 = arith.muli %parallel_loop3A_375, %parallel_loop3A_679 : i32
        %parallel_loop3A_681 = arith.constant 6 : i32
        %parallel_loop3A_682 = arith.addi %parallel_loop3A_680, %parallel_loop3A_681 : i32
        %parallel_loop3A_683 = arith.constant 0 : i32
        %parallel_loop3A_684 = arith.index_cast %parallel_loop3A_683 : i32 to index
        %parallel_loop3A_685 = arith.index_cast %parallel_loop3A_682 : i32 to index
        %parallel_loop3A_686 = arith.constant 0 : index
        %parallel_loop3A_687 = tpu.vector_load %arg6[%parallel_loop3A_684, %parallel_loop3A_685, %parallel_loop3A_686] {strides = array<i32>} : memref<2x416x64xf32, #tpu.memory_space<vmem>>, vector<16xf32>,
        %parallel_loop3A_688 = arith.constant 0 : i32
        %parallel_loop3A_689 = arith.constant 0 : i32
        %parallel_loop3A_690 = arith.constant 0 : i32
        %parallel_loop3A_691 = arith.constant 0 : i32
        %parallel_loop3A_692 = tpu.memref_slice %arg7[%parallel_loop3A_168, %parallel_loop3A_688, %parallel_loop3A_689, %parallel_loop3A_690, %parallel_loop3A_691] : memref<1x26x8x8x17xf32, #tpu.memory_space<vmem>> -> memref<1x26x8x8x17xf32, #tpu.memory_space<vmem>>
        %parallel_loop3A_693 = tpu.memref_squeeze %parallel_loop3A_692 : memref<1x26x8x8x17xf32, #tpu.memory_space<vmem>> -> memref<26x8x8x17xf32, #tpu.memory_space<vmem>>
        tpu.vector_store_idx %parallel_loop3A_693[%parallel_loop3A_376, %shift_right_arithmetic3A_5, %and3A_25, %parallel_loop3A_678], %parallel_loop3A_687 : memref<26x8x8x17xf32, #tpu.memory_space<vmem>>[vector<16xi32>, vector<16xi32>, vector<16xi32>, vector<16xi32>], vector<16xf32>,
        %parallel_loop3A_694 = arith.constant 0 : i32
        %parallel_loop3A_695 = arith.index_cast %parallel_loop3A_694 : i32 to index
        %parallel_loop3A_696 = arith.index_cast %parallel_loop3A_682 : i32 to index
        %parallel_loop3A_697 = arith.constant 16 : index
        %parallel_loop3A_698 = tpu.vector_load %arg6[%parallel_loop3A_695, %parallel_loop3A_696, %parallel_loop3A_697] {strides = array<i32>} : memref<2x416x64xf32, #tpu.memory_space<vmem>>, vector<16xf32>,
        %parallel_loop3A_699 = arith.constant 0 : i32
        %parallel_loop3A_700 = arith.constant 0 : i32
        %parallel_loop3A_701 = arith.constant 0 : i32
        %parallel_loop3A_702 = arith.constant 0 : i32
        %parallel_loop3A_703 = tpu.memref_slice %arg7[%parallel_loop3A_168, %parallel_loop3A_699, %parallel_loop3A_700, %parallel_loop3A_701, %parallel_loop3A_702] : memref<1x26x8x8x17xf32, #tpu.memory_space<vmem>> -> memref<1x26x8x8x17xf32, #tpu.memory_space<vmem>>
        %parallel_loop3A_704 = tpu.memref_squeeze %parallel_loop3A_703 : memref<1x26x8x8x17xf32, #tpu.memory_space<vmem>> -> memref<26x8x8x17xf32, #tpu.memory_space<vmem>>
        tpu.vector_store_idx %parallel_loop3A_704[%parallel_loop3A_376, %shift_right_arithmetic3A_11, %and3A_25, %parallel_loop3A_678], %parallel_loop3A_698 : memref<26x8x8x17xf32, #tpu.memory_space<vmem>>[vector<16xi32>, vector<16xi32>, vector<16xi32>, vector<16xi32>], vector<16xf32>,
        %parallel_loop3A_705 = arith.constant 0 : i32
        %parallel_loop3A_706 = arith.index_cast %parallel_loop3A_705 : i32 to index
        %parallel_loop3A_707 = arith.index_cast %parallel_loop3A_682 : i32 to index
        %parallel_loop3A_708 = arith.constant 32 : index
        %parallel_loop3A_709 = tpu.vector_load %arg6[%parallel_loop3A_706, %parallel_loop3A_707, %parallel_loop3A_708] {strides = array<i32>} : memref<2x416x64xf32, #tpu.memory_space<vmem>>, vector<16xf32>,
        %parallel_loop3A_710 = arith.constant 0 : i32
        %parallel_loop3A_711 = arith.constant 0 : i32
        %parallel_loop3A_712 = arith.constant 0 : i32
        %parallel_loop3A_713 = arith.constant 0 : i32
        %parallel_loop3A_714 = tpu.memref_slice %arg7[%parallel_loop3A_168, %parallel_loop3A_710, %parallel_loop3A_711, %parallel_loop3A_712, %parallel_loop3A_713] : memref<1x26x8x8x17xf32, #tpu.memory_space<vmem>> -> memref<1x26x8x8x17xf32, #tpu.memory_space<vmem>>
        %parallel_loop3A_715 = tpu.memref_squeeze %parallel_loop3A_714 : memref<1x26x8x8x17xf32, #tpu.memory_space<vmem>> -> memref<26x8x8x17xf32, #tpu.memory_space<vmem>>
        tpu.vector_store_idx %parallel_loop3A_715[%parallel_loop3A_376, %shift_right_arithmetic3A_17, %and3A_25, %parallel_loop3A_678], %parallel_loop3A_709 : memref<26x8x8x17xf32, #tpu.memory_space<vmem>>[vector<16xi32>, vector<16xi32>, vector<16xi32>, vector<16xi32>], vector<16xf32>,
        %parallel_loop3A_716 = arith.constant 0 : i32
        %parallel_loop3A_717 = arith.index_cast %parallel_loop3A_716 : i32 to index
        %parallel_loop3A_718 = arith.index_cast %parallel_loop3A_682 : i32 to index
        %parallel_loop3A_719 = arith.constant 48 : index
        %parallel_loop3A_720 = tpu.vector_load %arg6[%parallel_loop3A_717, %parallel_loop3A_718, %parallel_loop3A_719] {strides = array<i32>} : memref<2x416x64xf32, #tpu.memory_space<vmem>>, vector<16xf32>,
        %parallel_loop3A_721 = arith.constant 0 : i32
        %parallel_loop3A_722 = arith.constant 0 : i32
        %parallel_loop3A_723 = arith.constant 0 : i32
        %parallel_loop3A_724 = arith.constant 0 : i32
        %parallel_loop3A_725 = tpu.memref_slice %arg7[%parallel_loop3A_168, %parallel_loop3A_721, %parallel_loop3A_722, %parallel_loop3A_723, %parallel_loop3A_724] : memref<1x26x8x8x17xf32, #tpu.memory_space<vmem>> -> memref<1x26x8x8x17xf32, #tpu.memory_space<vmem>>
        %parallel_loop3A_726 = tpu.memref_squeeze %parallel_loop3A_725 : memref<1x26x8x8x17xf32, #tpu.memory_space<vmem>> -> memref<26x8x8x17xf32, #tpu.memory_space<vmem>>
        tpu.vector_store_idx %parallel_loop3A_726[%parallel_loop3A_376, %shift_right_arithmetic3A_23, %and3A_25, %parallel_loop3A_678], %parallel_loop3A_720 : memref<26x8x8x17xf32, #tpu.memory_space<vmem>>[vector<16xi32>, vector<16xi32>, vector<16xi32>, vector<16xi32>], vector<16xf32>,
        %parallel_loop3A_727 = arith.constant 7 : i32
        %parallel_loop3A_728 = vector.broadcast %parallel_loop3A_727 : i32 to vector<16xi32>
        %parallel_loop3A_729 = arith.constant 16 : i32
        %parallel_loop3A_730 = arith.muli %parallel_loop3A_375, %parallel_loop3A_729 : i32
        %parallel_loop3A_731 = arith.constant 7 : i32
        %parallel_loop3A_732 = arith.addi %parallel_loop3A_730, %parallel_loop3A_731 : i32
        %parallel_loop3A_733 = arith.constant 0 : i32
        %parallel_loop3A_734 = arith.index_cast %parallel_loop3A_733 : i32 to index
        %parallel_loop3A_735 = arith.index_cast %parallel_loop3A_732 : i32 to index
        %parallel_loop3A_736 = arith.constant 0 : index
        %parallel_loop3A_737 = tpu.vector_load %arg6[%parallel_loop3A_734, %parallel_loop3A_735, %parallel_loop3A_736] {strides = array<i32>} : memref<2x416x64xf32, #tpu.memory_space<vmem>>, vector<16xf32>,
        %parallel_loop3A_738 = arith.constant 0 : i32
        %parallel_loop3A_739 = arith.constant 0 : i32
        %parallel_loop3A_740 = arith.constant 0 : i32
        %parallel_loop3A_741 = arith.constant 0 : i32
        %parallel_loop3A_742 = tpu.memref_slice %arg7[%parallel_loop3A_168, %parallel_loop3A_738, %parallel_loop3A_739, %parallel_loop3A_740, %parallel_loop3A_741] : memref<1x26x8x8x17xf32, #tpu.memory_space<vmem>> -> memref<1x26x8x8x17xf32, #tpu.memory_space<vmem>>
        %parallel_loop3A_743 = tpu.memref_squeeze %parallel_loop3A_742 : memref<1x26x8x8x17xf32, #tpu.memory_space<vmem>> -> memref<26x8x8x17xf32, #tpu.memory_space<vmem>>
        tpu.vector_store_idx %parallel_loop3A_743[%parallel_loop3A_376, %shift_right_arithmetic3A_5, %and3A_25, %parallel_loop3A_728], %parallel_loop3A_737 : memref<26x8x8x17xf32, #tpu.memory_space<vmem>>[vector<16xi32>, vector<16xi32>, vector<16xi32>, vector<16xi32>], vector<16xf32>,
        %parallel_loop3A_744 = arith.constant 0 : i32
        %parallel_loop3A_745 = arith.index_cast %parallel_loop3A_744 : i32 to index
        %parallel_loop3A_746 = arith.index_cast %parallel_loop3A_732 : i32 to index
        %parallel_loop3A_747 = arith.constant 16 : index
        %parallel_loop3A_748 = tpu.vector_load %arg6[%parallel_loop3A_745, %parallel_loop3A_746, %parallel_loop3A_747] {strides = array<i32>} : memref<2x416x64xf32, #tpu.memory_space<vmem>>, vector<16xf32>,
        %parallel_loop3A_749 = arith.constant 0 : i32
        %parallel_loop3A_750 = arith.constant 0 : i32
        %parallel_loop3A_751 = arith.constant 0 : i32
        %parallel_loop3A_752 = arith.constant 0 : i32
        %parallel_loop3A_753 = tpu.memref_slice %arg7[%parallel_loop3A_168, %parallel_loop3A_749, %parallel_loop3A_750, %parallel_loop3A_751, %parallel_loop3A_752] : memref<1x26x8x8x17xf32, #tpu.memory_space<vmem>> -> memref<1x26x8x8x17xf32, #tpu.memory_space<vmem>>
        %parallel_loop3A_754 = tpu.memref_squeeze %parallel_loop3A_753 : memref<1x26x8x8x17xf32, #tpu.memory_space<vmem>> -> memref<26x8x8x17xf32, #tpu.memory_space<vmem>>
        tpu.vector_store_idx %parallel_loop3A_754[%parallel_loop3A_376, %shift_right_arithmetic3A_11, %and3A_25, %parallel_loop3A_728], %parallel_loop3A_748 : memref<26x8x8x17xf32, #tpu.memory_space<vmem>>[vector<16xi32>, vector<16xi32>, vector<16xi32>, vector<16xi32>], vector<16xf32>,
        %parallel_loop3A_755 = arith.constant 0 : i32
        %parallel_loop3A_756 = arith.index_cast %parallel_loop3A_755 : i32 to index
        %parallel_loop3A_757 = arith.index_cast %parallel_loop3A_732 : i32 to index
        %parallel_loop3A_758 = arith.constant 32 : index
        %parallel_loop3A_759 = tpu.vector_load %arg6[%parallel_loop3A_756, %parallel_loop3A_757, %parallel_loop3A_758] {strides = array<i32>} : memref<2x416x64xf32, #tpu.memory_space<vmem>>, vector<16xf32>,
        %parallel_loop3A_760 = arith.constant 0 : i32
        %parallel_loop3A_761 = arith.constant 0 : i32
        %parallel_loop3A_762 = arith.constant 0 : i32
        %parallel_loop3A_763 = arith.constant 0 : i32
        %parallel_loop3A_764 = tpu.memref_slice %arg7[%parallel_loop3A_168, %parallel_loop3A_760, %parallel_loop3A_761, %parallel_loop3A_762, %parallel_loop3A_763] : memref<1x26x8x8x17xf32, #tpu.memory_space<vmem>> -> memref<1x26x8x8x17xf32, #tpu.memory_space<vmem>>
        %parallel_loop3A_765 = tpu.memref_squeeze %parallel_loop3A_764 : memref<1x26x8x8x17xf32, #tpu.memory_space<vmem>> -> memref<26x8x8x17xf32, #tpu.memory_space<vmem>>
        tpu.vector_store_idx %parallel_loop3A_765[%parallel_loop3A_376, %shift_right_arithmetic3A_17, %and3A_25, %parallel_loop3A_728], %parallel_loop3A_759 : memref<26x8x8x17xf32, #tpu.memory_space<vmem>>[vector<16xi32>, vector<16xi32>, vector<16xi32>, vector<16xi32>], vector<16xf32>,
        %parallel_loop3A_766 = arith.constant 0 : i32
        %parallel_loop3A_767 = arith.index_cast %parallel_loop3A_766 : i32 to index
        %parallel_loop3A_768 = arith.index_cast %parallel_loop3A_732 : i32 to index
        %parallel_loop3A_769 = arith.constant 48 : index
        %parallel_loop3A_770 = tpu.vector_load %arg6[%parallel_loop3A_767, %parallel_loop3A_768, %parallel_loop3A_769] {strides = array<i32>} : memref<2x416x64xf32, #tpu.memory_space<vmem>>, vector<16xf32>,
        %parallel_loop3A_771 = arith.constant 0 : i32
        %parallel_loop3A_772 = arith.constant 0 : i32
        %parallel_loop3A_773 = arith.constant 0 : i32
        %parallel_loop3A_774 = arith.constant 0 : i32
        %parallel_loop3A_775 = tpu.memref_slice %arg7[%parallel_loop3A_168, %parallel_loop3A_771, %parallel_loop3A_772, %parallel_loop3A_773, %parallel_loop3A_774] : memref<1x26x8x8x17xf32, #tpu.memory_space<vmem>> -> memref<1x26x8x8x17xf32, #tpu.memory_space<vmem>>
        %parallel_loop3A_776 = tpu.memref_squeeze %parallel_loop3A_775 : memref<1x26x8x8x17xf32, #tpu.memory_space<vmem>> -> memref<26x8x8x17xf32, #tpu.memory_space<vmem>>
        tpu.vector_store_idx %parallel_loop3A_776[%parallel_loop3A_376, %shift_right_arithmetic3A_23, %and3A_25, %parallel_loop3A_728], %parallel_loop3A_770 : memref<26x8x8x17xf32, #tpu.memory_space<vmem>>[vector<16xi32>, vector<16xi32>, vector<16xi32>, vector<16xi32>], vector<16xf32>,
        %parallel_loop3A_777 = arith.constant 8 : i32
        %parallel_loop3A_778 = vector.broadcast %parallel_loop3A_777 : i32 to vector<16xi32>
        %parallel_loop3A_779 = arith.constant 16 : i32
        %parallel_loop3A_780 = arith.muli %parallel_loop3A_375, %parallel_loop3A_779 : i32
        %parallel_loop3A_781 = arith.constant 8 : i32
        %parallel_loop3A_782 = arith.addi %parallel_loop3A_780, %parallel_loop3A_781 : i32
        %parallel_loop3A_783 = arith.constant 0 : i32
        %parallel_loop3A_784 = arith.index_cast %parallel_loop3A_783 : i32 to index
        %parallel_loop3A_785 = arith.index_cast %parallel_loop3A_782 : i32 to index
        %parallel_loop3A_786 = arith.constant 0 : index
        %parallel_loop3A_787 = tpu.vector_load %arg6[%parallel_loop3A_784, %parallel_loop3A_785, %parallel_loop3A_786] {strides = array<i32>} : memref<2x416x64xf32, #tpu.memory_space<vmem>>, vector<16xf32>,
        %parallel_loop3A_788 = arith.constant 0 : i32
        %parallel_loop3A_789 = arith.constant 0 : i32
        %parallel_loop3A_790 = arith.constant 0 : i32
        %parallel_loop3A_791 = arith.constant 0 : i32
        %parallel_loop3A_792 = tpu.memref_slice %arg7[%parallel_loop3A_168, %parallel_loop3A_788, %parallel_loop3A_789, %parallel_loop3A_790, %parallel_loop3A_791] : memref<1x26x8x8x17xf32, #tpu.memory_space<vmem>> -> memref<1x26x8x8x17xf32, #tpu.memory_space<vmem>>
        %parallel_loop3A_793 = tpu.memref_squeeze %parallel_loop3A_792 : memref<1x26x8x8x17xf32, #tpu.memory_space<vmem>> -> memref<26x8x8x17xf32, #tpu.memory_space<vmem>>
        tpu.vector_store_idx %parallel_loop3A_793[%parallel_loop3A_376, %shift_right_arithmetic3A_5, %and3A_25, %parallel_loop3A_778], %parallel_loop3A_787 : memref<26x8x8x17xf32, #tpu.memory_space<vmem>>[vector<16xi32>, vector<16xi32>, vector<16xi32>, vector<16xi32>], vector<16xf32>,
        %parallel_loop3A_794 = arith.constant 0 : i32
        %parallel_loop3A_795 = arith.index_cast %parallel_loop3A_794 : i32 to index
        %parallel_loop3A_796 = arith.index_cast %parallel_loop3A_782 : i32 to index
        %parallel_loop3A_797 = arith.constant 16 : index
        %parallel_loop3A_798 = tpu.vector_load %arg6[%parallel_loop3A_795, %parallel_loop3A_796, %parallel_loop3A_797] {strides = array<i32>} : memref<2x416x64xf32, #tpu.memory_space<vmem>>, vector<16xf32>,
        %parallel_loop3A_799 = arith.constant 0 : i32
        %parallel_loop3A_800 = arith.constant 0 : i32
        %parallel_loop3A_801 = arith.constant 0 : i32
        %parallel_loop3A_802 = arith.constant 0 : i32
        %parallel_loop3A_803 = tpu.memref_slice %arg7[%parallel_loop3A_168, %parallel_loop3A_799, %parallel_loop3A_800, %parallel_loop3A_801, %parallel_loop3A_802] : memref<1x26x8x8x17xf32, #tpu.memory_space<vmem>> -> memref<1x26x8x8x17xf32, #tpu.memory_space<vmem>>
        %parallel_loop3A_804 = tpu.memref_squeeze %parallel_loop3A_803 : memref<1x26x8x8x17xf32, #tpu.memory_space<vmem>> -> memref<26x8x8x17xf32, #tpu.memory_space<vmem>>
        tpu.vector_store_idx %parallel_loop3A_804[%parallel_loop3A_376, %shift_right_arithmetic3A_11, %and3A_25, %parallel_loop3A_778], %parallel_loop3A_798 : memref<26x8x8x17xf32, #tpu.memory_space<vmem>>[vector<16xi32>, vector<16xi32>, vector<16xi32>, vector<16xi32>], vector<16xf32>,
        %parallel_loop3A_805 = arith.constant 0 : i32
        %parallel_loop3A_806 = arith.index_cast %parallel_loop3A_805 : i32 to index
        %parallel_loop3A_807 = arith.index_cast %parallel_loop3A_782 : i32 to index
        %parallel_loop3A_808 = arith.constant 32 : index
        %parallel_loop3A_809 = tpu.vector_load %arg6[%parallel_loop3A_806, %parallel_loop3A_807, %parallel_loop3A_808] {strides = array<i32>} : memref<2x416x64xf32, #tpu.memory_space<vmem>>, vector<16xf32>,
        %parallel_loop3A_810 = arith.constant 0 : i32
        %parallel_loop3A_811 = arith.constant 0 : i32
        %parallel_loop3A_812 = arith.constant 0 : i32
        %parallel_loop3A_813 = arith.constant 0 : i32
        %parallel_loop3A_814 = tpu.memref_slice %arg7[%parallel_loop3A_168, %parallel_loop3A_810, %parallel_loop3A_811, %parallel_loop3A_812, %parallel_loop3A_813] : memref<1x26x8x8x17xf32, #tpu.memory_space<vmem>> -> memref<1x26x8x8x17xf32, #tpu.memory_space<vmem>>
        %parallel_loop3A_815 = tpu.memref_squeeze %parallel_loop3A_814 : memref<1x26x8x8x17xf32, #tpu.memory_space<vmem>> -> memref<26x8x8x17xf32, #tpu.memory_space<vmem>>
        tpu.vector_store_idx %parallel_loop3A_815[%parallel_loop3A_376, %shift_right_arithmetic3A_17, %and3A_25, %parallel_loop3A_778], %parallel_loop3A_809 : memref<26x8x8x17xf32, #tpu.memory_space<vmem>>[vector<16xi32>, vector<16xi32>, vector<16xi32>, vector<16xi32>], vector<16xf32>,
        %parallel_loop3A_816 = arith.constant 0 : i32
        %parallel_loop3A_817 = arith.index_cast %parallel_loop3A_816 : i32 to index
        %parallel_loop3A_818 = arith.index_cast %parallel_loop3A_782 : i32 to index
        %parallel_loop3A_819 = arith.constant 48 : index
        %parallel_loop3A_820 = tpu.vector_load %arg6[%parallel_loop3A_817, %parallel_loop3A_818, %parallel_loop3A_819] {strides = array<i32>} : memref<2x416x64xf32, #tpu.memory_space<vmem>>, vector<16xf32>,
        %parallel_loop3A_821 = arith.constant 0 : i32
        %parallel_loop3A_822 = arith.constant 0 : i32
        %parallel_loop3A_823 = arith.constant 0 : i32
        %parallel_loop3A_824 = arith.constant 0 : i32
        %parallel_loop3A_825 = tpu.memref_slice %arg7[%parallel_loop3A_168, %parallel_loop3A_821, %parallel_loop3A_822, %parallel_loop3A_823, %parallel_loop3A_824] : memref<1x26x8x8x17xf32, #tpu.memory_space<vmem>> -> memref<1x26x8x8x17xf32, #tpu.memory_space<vmem>>
        %parallel_loop3A_826 = tpu.memref_squeeze %parallel_loop3A_825 : memref<1x26x8x8x17xf32, #tpu.memory_space<vmem>> -> memref<26x8x8x17xf32, #tpu.memory_space<vmem>>
        tpu.vector_store_idx %parallel_loop3A_826[%parallel_loop3A_376, %shift_right_arithmetic3A_23, %and3A_25, %parallel_loop3A_778], %parallel_loop3A_820 : memref<26x8x8x17xf32, #tpu.memory_space<vmem>>[vector<16xi32>, vector<16xi32>, vector<16xi32>, vector<16xi32>], vector<16xf32>,
        %parallel_loop3A_827 = arith.constant 9 : i32
        %parallel_loop3A_828 = vector.broadcast %parallel_loop3A_827 : i32 to vector<16xi32>
        %parallel_loop3A_829 = arith.constant 16 : i32
        %parallel_loop3A_830 = arith.muli %parallel_loop3A_375, %parallel_loop3A_829 : i32
        %parallel_loop3A_831 = arith.constant 9 : i32
        %parallel_loop3A_832 = arith.addi %parallel_loop3A_830, %parallel_loop3A_831 : i32
        %parallel_loop3A_833 = arith.constant 0 : i32
        %parallel_loop3A_834 = arith.index_cast %parallel_loop3A_833 : i32 to index
        %parallel_loop3A_835 = arith.index_cast %parallel_loop3A_832 : i32 to index
        %parallel_loop3A_836 = arith.constant 0 : index
        %parallel_loop3A_837 = tpu.vector_load %arg6[%parallel_loop3A_834, %parallel_loop3A_835, %parallel_loop3A_836] {strides = array<i32>} : memref<2x416x64xf32, #tpu.memory_space<vmem>>, vector<16xf32>,
        %parallel_loop3A_838 = arith.constant 0 : i32
        %parallel_loop3A_839 = arith.constant 0 : i32
        %parallel_loop3A_840 = arith.constant 0 : i32
        %parallel_loop3A_841 = arith.constant 0 : i32
        %parallel_loop3A_842 = tpu.memref_slice %arg7[%parallel_loop3A_168, %parallel_loop3A_838, %parallel_loop3A_839, %parallel_loop3A_840, %parallel_loop3A_841] : memref<1x26x8x8x17xf32, #tpu.memory_space<vmem>> -> memref<1x26x8x8x17xf32, #tpu.memory_space<vmem>>
        %parallel_loop3A_843 = tpu.memref_squeeze %parallel_loop3A_842 : memref<1x26x8x8x17xf32, #tpu.memory_space<vmem>> -> memref<26x8x8x17xf32, #tpu.memory_space<vmem>>
        tpu.vector_store_idx %parallel_loop3A_843[%parallel_loop3A_376, %shift_right_arithmetic3A_5, %and3A_25, %parallel_loop3A_828], %parallel_loop3A_837 : memref<26x8x8x17xf32, #tpu.memory_space<vmem>>[vector<16xi32>, vector<16xi32>, vector<16xi32>, vector<16xi32>], vector<16xf32>,
        %parallel_loop3A_844 = arith.constant 0 : i32
        %parallel_loop3A_845 = arith.index_cast %parallel_loop3A_844 : i32 to index
        %parallel_loop3A_846 = arith.index_cast %parallel_loop3A_832 : i32 to index
        %parallel_loop3A_847 = arith.constant 16 : index
        %parallel_loop3A_848 = tpu.vector_load %arg6[%parallel_loop3A_845, %parallel_loop3A_846, %parallel_loop3A_847] {strides = array<i32>} : memref<2x416x64xf32, #tpu.memory_space<vmem>>, vector<16xf32>,
        %parallel_loop3A_849 = arith.constant 0 : i32
        %parallel_loop3A_850 = arith.constant 0 : i32
        %parallel_loop3A_851 = arith.constant 0 : i32
        %parallel_loop3A_852 = arith.constant 0 : i32
        %parallel_loop3A_853 = tpu.memref_slice %arg7[%parallel_loop3A_168, %parallel_loop3A_849, %parallel_loop3A_850, %parallel_loop3A_851, %parallel_loop3A_852] : memref<1x26x8x8x17xf32, #tpu.memory_space<vmem>> -> memref<1x26x8x8x17xf32, #tpu.memory_space<vmem>>
        %parallel_loop3A_854 = tpu.memref_squeeze %parallel_loop3A_853 : memref<1x26x8x8x17xf32, #tpu.memory_space<vmem>> -> memref<26x8x8x17xf32, #tpu.memory_space<vmem>>
        tpu.vector_store_idx %parallel_loop3A_854[%parallel_loop3A_376, %shift_right_arithmetic3A_11, %and3A_25, %parallel_loop3A_828], %parallel_loop3A_848 : memref<26x8x8x17xf32, #tpu.memory_space<vmem>>[vector<16xi32>, vector<16xi32>, vector<16xi32>, vector<16xi32>], vector<16xf32>,
        %parallel_loop3A_855 = arith.constant 0 : i32
        %parallel_loop3A_856 = arith.index_cast %parallel_loop3A_855 : i32 to index
        %parallel_loop3A_857 = arith.index_cast %parallel_loop3A_832 : i32 to index
        %parallel_loop3A_858 = arith.constant 32 : index
        %parallel_loop3A_859 = tpu.vector_load %arg6[%parallel_loop3A_856, %parallel_loop3A_857, %parallel_loop3A_858] {strides = array<i32>} : memref<2x416x64xf32, #tpu.memory_space<vmem>>, vector<16xf32>,
        %parallel_loop3A_860 = arith.constant 0 : i32
        %parallel_loop3A_861 = arith.constant 0 : i32
        %parallel_loop3A_862 = arith.constant 0 : i32
        %parallel_loop3A_863 = arith.constant 0 : i32
        %parallel_loop3A_864 = tpu.memref_slice %arg7[%parallel_loop3A_168, %parallel_loop3A_860, %parallel_loop3A_861, %parallel_loop3A_862, %parallel_loop3A_863] : memref<1x26x8x8x17xf32, #tpu.memory_space<vmem>> -> memref<1x26x8x8x17xf32, #tpu.memory_space<vmem>>
        %parallel_loop3A_865 = tpu.memref_squeeze %parallel_loop3A_864 : memref<1x26x8x8x17xf32, #tpu.memory_space<vmem>> -> memref<26x8x8x17xf32, #tpu.memory_space<vmem>>
        tpu.vector_store_idx %parallel_loop3A_865[%parallel_loop3A_376, %shift_right_arithmetic3A_17, %and3A_25, %parallel_loop3A_828], %parallel_loop3A_859 : memref<26x8x8x17xf32, #tpu.memory_space<vmem>>[vector<16xi32>, vector<16xi32>, vector<16xi32>, vector<16xi32>], vector<16xf32>,
        %parallel_loop3A_866 = arith.constant 0 : i32
        %parallel_loop3A_867 = arith.index_cast %parallel_loop3A_866 : i32 to index
        %parallel_loop3A_868 = arith.index_cast %parallel_loop3A_832 : i32 to index
        %parallel_loop3A_869 = arith.constant 48 : index
        %parallel_loop3A_870 = tpu.vector_load %arg6[%parallel_loop3A_867, %parallel_loop3A_868, %parallel_loop3A_869] {strides = array<i32>} : memref<2x416x64xf32, #tpu.memory_space<vmem>>, vector<16xf32>,
        %parallel_loop3A_871 = arith.constant 0 : i32
        %parallel_loop3A_872 = arith.constant 0 : i32
        %parallel_loop3A_873 = arith.constant 0 : i32
        %parallel_loop3A_874 = arith.constant 0 : i32
        %parallel_loop3A_875 = tpu.memref_slice %arg7[%parallel_loop3A_168, %parallel_loop3A_871, %parallel_loop3A_872, %parallel_loop3A_873, %parallel_loop3A_874] : memref<1x26x8x8x17xf32, #tpu.memory_space<vmem>> -> memref<1x26x8x8x17xf32, #tpu.memory_space<vmem>>
        %parallel_loop3A_876 = tpu.memref_squeeze %parallel_loop3A_875 : memref<1x26x8x8x17xf32, #tpu.memory_space<vmem>> -> memref<26x8x8x17xf32, #tpu.memory_space<vmem>>
        tpu.vector_store_idx %parallel_loop3A_876[%parallel_loop3A_376, %shift_right_arithmetic3A_23, %and3A_25, %parallel_loop3A_828], %parallel_loop3A_870 : memref<26x8x8x17xf32, #tpu.memory_space<vmem>>[vector<16xi32>, vector<16xi32>, vector<16xi32>, vector<16xi32>], vector<16xf32>,
        %parallel_loop3A_877 = arith.constant 10 : i32
        %parallel_loop3A_878 = vector.broadcast %parallel_loop3A_877 : i32 to vector<16xi32>
        %parallel_loop3A_879 = arith.constant 16 : i32
        %parallel_loop3A_880 = arith.muli %parallel_loop3A_375, %parallel_loop3A_879 : i32
        %parallel_loop3A_881 = arith.constant 10 : i32
        %parallel_loop3A_882 = arith.addi %parallel_loop3A_880, %parallel_loop3A_881 : i32
        %parallel_loop3A_883 = arith.constant 0 : i32
        %parallel_loop3A_884 = arith.index_cast %parallel_loop3A_883 : i32 to index
        %parallel_loop3A_885 = arith.index_cast %parallel_loop3A_882 : i32 to index
        %parallel_loop3A_886 = arith.constant 0 : index
        %parallel_loop3A_887 = tpu.vector_load %arg6[%parallel_loop3A_884, %parallel_loop3A_885, %parallel_loop3A_886] {strides = array<i32>} : memref<2x416x64xf32, #tpu.memory_space<vmem>>, vector<16xf32>,
        %parallel_loop3A_888 = arith.constant 0 : i32
        %parallel_loop3A_889 = arith.constant 0 : i32
        %parallel_loop3A_890 = arith.constant 0 : i32
        %parallel_loop3A_891 = arith.constant 0 : i32
        %parallel_loop3A_892 = tpu.memref_slice %arg7[%parallel_loop3A_168, %parallel_loop3A_888, %parallel_loop3A_889, %parallel_loop3A_890, %parallel_loop3A_891] : memref<1x26x8x8x17xf32, #tpu.memory_space<vmem>> -> memref<1x26x8x8x17xf32, #tpu.memory_space<vmem>>
        %parallel_loop3A_893 = tpu.memref_squeeze %parallel_loop3A_892 : memref<1x26x8x8x17xf32, #tpu.memory_space<vmem>> -> memref<26x8x8x17xf32, #tpu.memory_space<vmem>>
        tpu.vector_store_idx %parallel_loop3A_893[%parallel_loop3A_376, %shift_right_arithmetic3A_5, %and3A_25, %parallel_loop3A_878], %parallel_loop3A_887 : memref<26x8x8x17xf32, #tpu.memory_space<vmem>>[vector<16xi32>, vector<16xi32>, vector<16xi32>, vector<16xi32>], vector<16xf32>,
        %parallel_loop3A_894 = arith.constant 0 : i32
        %parallel_loop3A_895 = arith.index_cast %parallel_loop3A_894 : i32 to index
        %parallel_loop3A_896 = arith.index_cast %parallel_loop3A_882 : i32 to index
        %parallel_loop3A_897 = arith.constant 16 : index
        %parallel_loop3A_898 = tpu.vector_load %arg6[%parallel_loop3A_895, %parallel_loop3A_896, %parallel_loop3A_897] {strides = array<i32>} : memref<2x416x64xf32, #tpu.memory_space<vmem>>, vector<16xf32>,
        %parallel_loop3A_899 = arith.constant 0 : i32
        %parallel_loop3A_900 = arith.constant 0 : i32
        %parallel_loop3A_901 = arith.constant 0 : i32
        %parallel_loop3A_902 = arith.constant 0 : i32
        %parallel_loop3A_903 = tpu.memref_slice %arg7[%parallel_loop3A_168, %parallel_loop3A_899, %parallel_loop3A_900, %parallel_loop3A_901, %parallel_loop3A_902] : memref<1x26x8x8x17xf32, #tpu.memory_space<vmem>> -> memref<1x26x8x8x17xf32, #tpu.memory_space<vmem>>
        %parallel_loop3A_904 = tpu.memref_squeeze %parallel_loop3A_903 : memref<1x26x8x8x17xf32, #tpu.memory_space<vmem>> -> memref<26x8x8x17xf32, #tpu.memory_space<vmem>>
        tpu.vector_store_idx %parallel_loop3A_904[%parallel_loop3A_376, %shift_right_arithmetic3A_11, %and3A_25, %parallel_loop3A_878], %parallel_loop3A_898 : memref<26x8x8x17xf32, #tpu.memory_space<vmem>>[vector<16xi32>, vector<16xi32>, vector<16xi32>, vector<16xi32>], vector<16xf32>,
        %parallel_loop3A_905 = arith.constant 0 : i32
        %parallel_loop3A_906 = arith.index_cast %parallel_loop3A_905 : i32 to index
        %parallel_loop3A_907 = arith.index_cast %parallel_loop3A_882 : i32 to index
        %parallel_loop3A_908 = arith.constant 32 : index
        %parallel_loop3A_909 = tpu.vector_load %arg6[%parallel_loop3A_906, %parallel_loop3A_907, %parallel_loop3A_908] {strides = array<i32>} : memref<2x416x64xf32, #tpu.memory_space<vmem>>, vector<16xf32>,
        %parallel_loop3A_910 = arith.constant 0 : i32
        %parallel_loop3A_911 = arith.constant 0 : i32
        %parallel_loop3A_912 = arith.constant 0 : i32
        %parallel_loop3A_913 = arith.constant 0 : i32
        %parallel_loop3A_914 = tpu.memref_slice %arg7[%parallel_loop3A_168, %parallel_loop3A_910, %parallel_loop3A_911, %parallel_loop3A_912, %parallel_loop3A_913] : memref<1x26x8x8x17xf32, #tpu.memory_space<vmem>> -> memref<1x26x8x8x17xf32, #tpu.memory_space<vmem>>
        %parallel_loop3A_915 = tpu.memref_squeeze %parallel_loop3A_914 : memref<1x26x8x8x17xf32, #tpu.memory_space<vmem>> -> memref<26x8x8x17xf32, #tpu.memory_space<vmem>>
        tpu.vector_store_idx %parallel_loop3A_915[%parallel_loop3A_376, %shift_right_arithmetic3A_17, %and3A_25, %parallel_loop3A_878], %parallel_loop3A_909 : memref<26x8x8x17xf32, #tpu.memory_space<vmem>>[vector<16xi32>, vector<16xi32>, vector<16xi32>, vector<16xi32>], vector<16xf32>,
        %parallel_loop3A_916 = arith.constant 0 : i32
        %parallel_loop3A_917 = arith.index_cast %parallel_loop3A_916 : i32 to index
        %parallel_loop3A_918 = arith.index_cast %parallel_loop3A_882 : i32 to index
        %parallel_loop3A_919 = arith.constant 48 : index
        %parallel_loop3A_920 = tpu.vector_load %arg6[%parallel_loop3A_917, %parallel_loop3A_918, %parallel_loop3A_919] {strides = array<i32>} : memref<2x416x64xf32, #tpu.memory_space<vmem>>, vector<16xf32>,
        %parallel_loop3A_921 = arith.constant 0 : i32
        %parallel_loop3A_922 = arith.constant 0 : i32
        %parallel_loop3A_923 = arith.constant 0 : i32
        %parallel_loop3A_924 = arith.constant 0 : i32
        %parallel_loop3A_925 = tpu.memref_slice %arg7[%parallel_loop3A_168, %parallel_loop3A_921, %parallel_loop3A_922, %parallel_loop3A_923, %parallel_loop3A_924] : memref<1x26x8x8x17xf32, #tpu.memory_space<vmem>> -> memref<1x26x8x8x17xf32, #tpu.memory_space<vmem>>
        %parallel_loop3A_926 = tpu.memref_squeeze %parallel_loop3A_925 : memref<1x26x8x8x17xf32, #tpu.memory_space<vmem>> -> memref<26x8x8x17xf32, #tpu.memory_space<vmem>>
        tpu.vector_store_idx %parallel_loop3A_926[%parallel_loop3A_376, %shift_right_arithmetic3A_23, %and3A_25, %parallel_loop3A_878], %parallel_loop3A_920 : memref<26x8x8x17xf32, #tpu.memory_space<vmem>>[vector<16xi32>, vector<16xi32>, vector<16xi32>, vector<16xi32>], vector<16xf32>,
        %parallel_loop3A_927 = arith.constant 11 : i32
        %parallel_loop3A_928 = vector.broadcast %parallel_loop3A_927 : i32 to vector<16xi32>
        %parallel_loop3A_929 = arith.constant 16 : i32
        %parallel_loop3A_930 = arith.muli %parallel_loop3A_375, %parallel_loop3A_929 : i32
        %parallel_loop3A_931 = arith.constant 11 : i32
        %parallel_loop3A_932 = arith.addi %parallel_loop3A_930, %parallel_loop3A_931 : i32
        %parallel_loop3A_933 = arith.constant 0 : i32
        %parallel_loop3A_934 = arith.index_cast %parallel_loop3A_933 : i32 to index
        %parallel_loop3A_935 = arith.index_cast %parallel_loop3A_932 : i32 to index
        %parallel_loop3A_936 = arith.constant 0 : index
        %parallel_loop3A_937 = tpu.vector_load %arg6[%parallel_loop3A_934, %parallel_loop3A_935, %parallel_loop3A_936] {strides = array<i32>} : memref<2x416x64xf32, #tpu.memory_space<vmem>>, vector<16xf32>,
        %parallel_loop3A_938 = arith.constant 0 : i32
        %parallel_loop3A_939 = arith.constant 0 : i32
        %parallel_loop3A_940 = arith.constant 0 : i32
        %parallel_loop3A_941 = arith.constant 0 : i32
        %parallel_loop3A_942 = tpu.memref_slice %arg7[%parallel_loop3A_168, %parallel_loop3A_938, %parallel_loop3A_939, %parallel_loop3A_940, %parallel_loop3A_941] : memref<1x26x8x8x17xf32, #tpu.memory_space<vmem>> -> memref<1x26x8x8x17xf32, #tpu.memory_space<vmem>>
        %parallel_loop3A_943 = tpu.memref_squeeze %parallel_loop3A_942 : memref<1x26x8x8x17xf32, #tpu.memory_space<vmem>> -> memref<26x8x8x17xf32, #tpu.memory_space<vmem>>
        tpu.vector_store_idx %parallel_loop3A_943[%parallel_loop3A_376, %shift_right_arithmetic3A_5, %and3A_25, %parallel_loop3A_928], %parallel_loop3A_937 : memref<26x8x8x17xf32, #tpu.memory_space<vmem>>[vector<16xi32>, vector<16xi32>, vector<16xi32>, vector<16xi32>], vector<16xf32>,
        %parallel_loop3A_944 = arith.constant 0 : i32
        %parallel_loop3A_945 = arith.index_cast %parallel_loop3A_944 : i32 to index
        %parallel_loop3A_946 = arith.index_cast %parallel_loop3A_932 : i32 to index
        %parallel_loop3A_947 = arith.constant 16 : index
        %parallel_loop3A_948 = tpu.vector_load %arg6[%parallel_loop3A_945, %parallel_loop3A_946, %parallel_loop3A_947] {strides = array<i32>} : memref<2x416x64xf32, #tpu.memory_space<vmem>>, vector<16xf32>,
        %parallel_loop3A_949 = arith.constant 0 : i32
        %parallel_loop3A_950 = arith.constant 0 : i32
        %parallel_loop3A_951 = arith.constant 0 : i32
        %parallel_loop3A_952 = arith.constant 0 : i32
        %parallel_loop3A_953 = tpu.memref_slice %arg7[%parallel_loop3A_168, %parallel_loop3A_949, %parallel_loop3A_950, %parallel_loop3A_951, %parallel_loop3A_952] : memref<1x26x8x8x17xf32, #tpu.memory_space<vmem>> -> memref<1x26x8x8x17xf32, #tpu.memory_space<vmem>>
        %parallel_loop3A_954 = tpu.memref_squeeze %parallel_loop3A_953 : memref<1x26x8x8x17xf32, #tpu.memory_space<vmem>> -> memref<26x8x8x17xf32, #tpu.memory_space<vmem>>
        tpu.vector_store_idx %parallel_loop3A_954[%parallel_loop3A_376, %shift_right_arithmetic3A_11, %and3A_25, %parallel_loop3A_928], %parallel_loop3A_948 : memref<26x8x8x17xf32, #tpu.memory_space<vmem>>[vector<16xi32>, vector<16xi32>, vector<16xi32>, vector<16xi32>], vector<16xf32>,
        %parallel_loop3A_955 = arith.constant 0 : i32
        %parallel_loop3A_956 = arith.index_cast %parallel_loop3A_955 : i32 to index
        %parallel_loop3A_957 = arith.index_cast %parallel_loop3A_932 : i32 to index
        %parallel_loop3A_958 = arith.constant 32 : index
        %parallel_loop3A_959 = tpu.vector_load %arg6[%parallel_loop3A_956, %parallel_loop3A_957, %parallel_loop3A_958] {strides = array<i32>} : memref<2x416x64xf32, #tpu.memory_space<vmem>>, vector<16xf32>,
        %parallel_loop3A_960 = arith.constant 0 : i32
        %parallel_loop3A_961 = arith.constant 0 : i32
        %parallel_loop3A_962 = arith.constant 0 : i32
        %parallel_loop3A_963 = arith.constant 0 : i32
        %parallel_loop3A_964 = tpu.memref_slice %arg7[%parallel_loop3A_168, %parallel_loop3A_960, %parallel_loop3A_961, %parallel_loop3A_962, %parallel_loop3A_963] : memref<1x26x8x8x17xf32, #tpu.memory_space<vmem>> -> memref<1x26x8x8x17xf32, #tpu.memory_space<vmem>>
        %parallel_loop3A_965 = tpu.memref_squeeze %parallel_loop3A_964 : memref<1x26x8x8x17xf32, #tpu.memory_space<vmem>> -> memref<26x8x8x17xf32, #tpu.memory_space<vmem>>
        tpu.vector_store_idx %parallel_loop3A_965[%parallel_loop3A_376, %shift_right_arithmetic3A_17, %and3A_25, %parallel_loop3A_928], %parallel_loop3A_959 : memref<26x8x8x17xf32, #tpu.memory_space<vmem>>[vector<16xi32>, vector<16xi32>, vector<16xi32>, vector<16xi32>], vector<16xf32>,
        %parallel_loop3A_966 = arith.constant 0 : i32
        %parallel_loop3A_967 = arith.index_cast %parallel_loop3A_966 : i32 to index
        %parallel_loop3A_968 = arith.index_cast %parallel_loop3A_932 : i32 to index
        %parallel_loop3A_969 = arith.constant 48 : index
        %parallel_loop3A_970 = tpu.vector_load %arg6[%parallel_loop3A_967, %parallel_loop3A_968, %parallel_loop3A_969] {strides = array<i32>} : memref<2x416x64xf32, #tpu.memory_space<vmem>>, vector<16xf32>,
        %parallel_loop3A_971 = arith.constant 0 : i32
        %parallel_loop3A_972 = arith.constant 0 : i32
        %parallel_loop3A_973 = arith.constant 0 : i32
        %parallel_loop3A_974 = arith.constant 0 : i32
        %parallel_loop3A_975 = tpu.memref_slice %arg7[%parallel_loop3A_168, %parallel_loop3A_971, %parallel_loop3A_972, %parallel_loop3A_973, %parallel_loop3A_974] : memref<1x26x8x8x17xf32, #tpu.memory_space<vmem>> -> memref<1x26x8x8x17xf32, #tpu.memory_space<vmem>>
        %parallel_loop3A_976 = tpu.memref_squeeze %parallel_loop3A_975 : memref<1x26x8x8x17xf32, #tpu.memory_space<vmem>> -> memref<26x8x8x17xf32, #tpu.memory_space<vmem>>
        tpu.vector_store_idx %parallel_loop3A_976[%parallel_loop3A_376, %shift_right_arithmetic3A_23, %and3A_25, %parallel_loop3A_928], %parallel_loop3A_970 : memref<26x8x8x17xf32, #tpu.memory_space<vmem>>[vector<16xi32>, vector<16xi32>, vector<16xi32>, vector<16xi32>], vector<16xf32>,
        %parallel_loop3A_977 = arith.constant 12 : i32
        %parallel_loop3A_978 = vector.broadcast %parallel_loop3A_977 : i32 to vector<16xi32>
        %parallel_loop3A_979 = arith.constant 16 : i32
        %parallel_loop3A_980 = arith.muli %parallel_loop3A_375, %parallel_loop3A_979 : i32
        %parallel_loop3A_981 = arith.constant 12 : i32
        %parallel_loop3A_982 = arith.addi %parallel_loop3A_980, %parallel_loop3A_981 : i32
        %parallel_loop3A_983 = arith.constant 0 : i32
        %parallel_loop3A_984 = arith.index_cast %parallel_loop3A_983 : i32 to index
        %parallel_loop3A_985 = arith.index_cast %parallel_loop3A_982 : i32 to index
        %parallel_loop3A_986 = arith.constant 0 : index
        %parallel_loop3A_987 = tpu.vector_load %arg6[%parallel_loop3A_984, %parallel_loop3A_985, %parallel_loop3A_986] {strides = array<i32>} : memref<2x416x64xf32, #tpu.memory_space<vmem>>, vector<16xf32>,
        %parallel_loop3A_988 = arith.constant 0 : i32
        %parallel_loop3A_989 = arith.constant 0 : i32
        %parallel_loop3A_990 = arith.constant 0 : i32
        %parallel_loop3A_991 = arith.constant 0 : i32
        %parallel_loop3A_992 = tpu.memref_slice %arg7[%parallel_loop3A_168, %parallel_loop3A_988, %parallel_loop3A_989, %parallel_loop3A_990, %parallel_loop3A_991] : memref<1x26x8x8x17xf32, #tpu.memory_space<vmem>> -> memref<1x26x8x8x17xf32, #tpu.memory_space<vmem>>
        %parallel_loop3A_993 = tpu.memref_squeeze %parallel_loop3A_992 : memref<1x26x8x8x17xf32, #tpu.memory_space<vmem>> -> memref<26x8x8x17xf32, #tpu.memory_space<vmem>>
        tpu.vector_store_idx %parallel_loop3A_993[%parallel_loop3A_376, %shift_right_arithmetic3A_5, %and3A_25, %parallel_loop3A_978], %parallel_loop3A_987 : memref<26x8x8x17xf32, #tpu.memory_space<vmem>>[vector<16xi32>, vector<16xi32>, vector<16xi32>, vector<16xi32>], vector<16xf32>,
        %parallel_loop3A_994 = arith.constant 0 : i32
        %parallel_loop3A_995 = arith.index_cast %parallel_loop3A_994 : i32 to index
        %parallel_loop3A_996 = arith.index_cast %parallel_loop3A_982 : i32 to index
        %parallel_loop3A_997 = arith.constant 16 : index
        %parallel_loop3A_998 = tpu.vector_load %arg6[%parallel_loop3A_995, %parallel_loop3A_996, %parallel_loop3A_997] {strides = array<i32>} : memref<2x416x64xf32, #tpu.memory_space<vmem>>, vector<16xf32>,
        %parallel_loop3A_999 = arith.constant 0 : i32
        %parallel_loop3A_1000 = arith.constant 0 : i32
        %parallel_loop3A_1001 = arith.constant 0 : i32
        %parallel_loop3A_1002 = arith.constant 0 : i32
        %parallel_loop3A_1003 = tpu.memref_slice %arg7[%parallel_loop3A_168, %parallel_loop3A_999, %parallel_loop3A_1000, %parallel_loop3A_1001, %parallel_loop3A_1002] : memref<1x26x8x8x17xf32, #tpu.memory_space<vmem>> -> memref<1x26x8x8x17xf32, #tpu.memory_space<vmem>>
        %parallel_loop3A_1004 = tpu.memref_squeeze %parallel_loop3A_1003 : memref<1x26x8x8x17xf32, #tpu.memory_space<vmem>> -> memref<26x8x8x17xf32, #tpu.memory_space<vmem>>
        tpu.vector_store_idx %parallel_loop3A_1004[%parallel_loop3A_376, %shift_right_arithmetic3A_11, %and3A_25, %parallel_loop3A_978], %parallel_loop3A_998 : memref<26x8x8x17xf32, #tpu.memory_space<vmem>>[vector<16xi32>, vector<16xi32>, vector<16xi32>, vector<16xi32>], vector<16xf32>,
        %parallel_loop3A_1005 = arith.constant 0 : i32
        %parallel_loop3A_1006 = arith.index_cast %parallel_loop3A_1005 : i32 to index
        %parallel_loop3A_1007 = arith.index_cast %parallel_loop3A_982 : i32 to index
        %parallel_loop3A_1008 = arith.constant 32 : index
        %parallel_loop3A_1009 = tpu.vector_load %arg6[%parallel_loop3A_1006, %parallel_loop3A_1007, %parallel_loop3A_1008] {strides = array<i32>} : memref<2x416x64xf32, #tpu.memory_space<vmem>>, vector<16xf32>,
        %parallel_loop3A_1010 = arith.constant 0 : i32
        %parallel_loop3A_1011 = arith.constant 0 : i32
        %parallel_loop3A_1012 = arith.constant 0 : i32
        %parallel_loop3A_1013 = arith.constant 0 : i32
        %parallel_loop3A_1014 = tpu.memref_slice %arg7[%parallel_loop3A_168, %parallel_loop3A_1010, %parallel_loop3A_1011, %parallel_loop3A_1012, %parallel_loop3A_1013] : memref<1x26x8x8x17xf32, #tpu.memory_space<vmem>> -> memref<1x26x8x8x17xf32, #tpu.memory_space<vmem>>
        %parallel_loop3A_1015 = tpu.memref_squeeze %parallel_loop3A_1014 : memref<1x26x8x8x17xf32, #tpu.memory_space<vmem>> -> memref<26x8x8x17xf32, #tpu.memory_space<vmem>>
        tpu.vector_store_idx %parallel_loop3A_1015[%parallel_loop3A_376, %shift_right_arithmetic3A_17, %and3A_25, %parallel_loop3A_978], %parallel_loop3A_1009 : memref<26x8x8x17xf32, #tpu.memory_space<vmem>>[vector<16xi32>, vector<16xi32>, vector<16xi32>, vector<16xi32>], vector<16xf32>,
        %parallel_loop3A_1016 = arith.constant 0 : i32
        %parallel_loop3A_1017 = arith.index_cast %parallel_loop3A_1016 : i32 to index
        %parallel_loop3A_1018 = arith.index_cast %parallel_loop3A_982 : i32 to index
        %parallel_loop3A_1019 = arith.constant 48 : index
        %parallel_loop3A_1020 = tpu.vector_load %arg6[%parallel_loop3A_1017, %parallel_loop3A_1018, %parallel_loop3A_1019] {strides = array<i32>} : memref<2x416x64xf32, #tpu.memory_space<vmem>>, vector<16xf32>,
        %parallel_loop3A_1021 = arith.constant 0 : i32
        %parallel_loop3A_1022 = arith.constant 0 : i32
        %parallel_loop3A_1023 = arith.constant 0 : i32
        %parallel_loop3A_1024 = arith.constant 0 : i32
        %parallel_loop3A_1025 = tpu.memref_slice %arg7[%parallel_loop3A_168, %parallel_loop3A_1021, %parallel_loop3A_1022, %parallel_loop3A_1023, %parallel_loop3A_1024] : memref<1x26x8x8x17xf32, #tpu.memory_space<vmem>> -> memref<1x26x8x8x17xf32, #tpu.memory_space<vmem>>
        %parallel_loop3A_1026 = tpu.memref_squeeze %parallel_loop3A_1025 : memref<1x26x8x8x17xf32, #tpu.memory_space<vmem>> -> memref<26x8x8x17xf32, #tpu.memory_space<vmem>>
        tpu.vector_store_idx %parallel_loop3A_1026[%parallel_loop3A_376, %shift_right_arithmetic3A_23, %and3A_25, %parallel_loop3A_978], %parallel_loop3A_1020 : memref<26x8x8x17xf32, #tpu.memory_space<vmem>>[vector<16xi32>, vector<16xi32>, vector<16xi32>, vector<16xi32>], vector<16xf32>,
        %parallel_loop3A_1027 = arith.constant 13 : i32
        %parallel_loop3A_1028 = vector.broadcast %parallel_loop3A_1027 : i32 to vector<16xi32>
        %parallel_loop3A_1029 = arith.constant 16 : i32
        %parallel_loop3A_1030 = arith.muli %parallel_loop3A_375, %parallel_loop3A_1029 : i32
        %parallel_loop3A_1031 = arith.constant 13 : i32
        %parallel_loop3A_1032 = arith.addi %parallel_loop3A_1030, %parallel_loop3A_1031 : i32
        %parallel_loop3A_1033 = arith.constant 0 : i32
        %parallel_loop3A_1034 = arith.index_cast %parallel_loop3A_1033 : i32 to index
        %parallel_loop3A_1035 = arith.index_cast %parallel_loop3A_1032 : i32 to index
        %parallel_loop3A_1036 = arith.constant 0 : index
        %parallel_loop3A_1037 = tpu.vector_load %arg6[%parallel_loop3A_1034, %parallel_loop3A_1035, %parallel_loop3A_1036] {strides = array<i32>} : memref<2x416x64xf32, #tpu.memory_space<vmem>>, vector<16xf32>,
        %parallel_loop3A_1038 = arith.constant 0 : i32
        %parallel_loop3A_1039 = arith.constant 0 : i32
        %parallel_loop3A_1040 = arith.constant 0 : i32
        %parallel_loop3A_1041 = arith.constant 0 : i32
        %parallel_loop3A_1042 = tpu.memref_slice %arg7[%parallel_loop3A_168, %parallel_loop3A_1038, %parallel_loop3A_1039, %parallel_loop3A_1040, %parallel_loop3A_1041] : memref<1x26x8x8x17xf32, #tpu.memory_space<vmem>> -> memref<1x26x8x8x17xf32, #tpu.memory_space<vmem>>
        %parallel_loop3A_1043 = tpu.memref_squeeze %parallel_loop3A_1042 : memref<1x26x8x8x17xf32, #tpu.memory_space<vmem>> -> memref<26x8x8x17xf32, #tpu.memory_space<vmem>>
        tpu.vector_store_idx %parallel_loop3A_1043[%parallel_loop3A_376, %shift_right_arithmetic3A_5, %and3A_25, %parallel_loop3A_1028], %parallel_loop3A_1037 : memref<26x8x8x17xf32, #tpu.memory_space<vmem>>[vector<16xi32>, vector<16xi32>, vector<16xi32>, vector<16xi32>], vector<16xf32>,
        %parallel_loop3A_1044 = arith.constant 0 : i32
        %parallel_loop3A_1045 = arith.index_cast %parallel_loop3A_1044 : i32 to index
        %parallel_loop3A_1046 = arith.index_cast %parallel_loop3A_1032 : i32 to index
        %parallel_loop3A_1047 = arith.constant 16 : index
        %parallel_loop3A_1048 = tpu.vector_load %arg6[%parallel_loop3A_1045, %parallel_loop3A_1046, %parallel_loop3A_1047] {strides = array<i32>} : memref<2x416x64xf32, #tpu.memory_space<vmem>>, vector<16xf32>,
        %parallel_loop3A_1049 = arith.constant 0 : i32
        %parallel_loop3A_1050 = arith.constant 0 : i32
        %parallel_loop3A_1051 = arith.constant 0 : i32
        %parallel_loop3A_1052 = arith.constant 0 : i32
        %parallel_loop3A_1053 = tpu.memref_slice %arg7[%parallel_loop3A_168, %parallel_loop3A_1049, %parallel_loop3A_1050, %parallel_loop3A_1051, %parallel_loop3A_1052] : memref<1x26x8x8x17xf32, #tpu.memory_space<vmem>> -> memref<1x26x8x8x17xf32, #tpu.memory_space<vmem>>
        %parallel_loop3A_1054 = tpu.memref_squeeze %parallel_loop3A_1053 : memref<1x26x8x8x17xf32, #tpu.memory_space<vmem>> -> memref<26x8x8x17xf32, #tpu.memory_space<vmem>>
        tpu.vector_store_idx %parallel_loop3A_1054[%parallel_loop3A_376, %shift_right_arithmetic3A_11, %and3A_25, %parallel_loop3A_1028], %parallel_loop3A_1048 : memref<26x8x8x17xf32, #tpu.memory_space<vmem>>[vector<16xi32>, vector<16xi32>, vector<16xi32>, vector<16xi32>], vector<16xf32>,
        %parallel_loop3A_1055 = arith.constant 0 : i32
        %parallel_loop3A_1056 = arith.index_cast %parallel_loop3A_1055 : i32 to index
        %parallel_loop3A_1057 = arith.index_cast %parallel_loop3A_1032 : i32 to index
        %parallel_loop3A_1058 = arith.constant 32 : index
        %parallel_loop3A_1059 = tpu.vector_load %arg6[%parallel_loop3A_1056, %parallel_loop3A_1057, %parallel_loop3A_1058] {strides = array<i32>} : memref<2x416x64xf32, #tpu.memory_space<vmem>>, vector<16xf32>,
        %parallel_loop3A_1060 = arith.constant 0 : i32
        %parallel_loop3A_1061 = arith.constant 0 : i32
        %parallel_loop3A_1062 = arith.constant 0 : i32
        %parallel_loop3A_1063 = arith.constant 0 : i32
        %parallel_loop3A_1064 = tpu.memref_slice %arg7[%parallel_loop3A_168, %parallel_loop3A_1060, %parallel_loop3A_1061, %parallel_loop3A_1062, %parallel_loop3A_1063] : memref<1x26x8x8x17xf32, #tpu.memory_space<vmem>> -> memref<1x26x8x8x17xf32, #tpu.memory_space<vmem>>
        %parallel_loop3A_1065 = tpu.memref_squeeze %parallel_loop3A_1064 : memref<1x26x8x8x17xf32, #tpu.memory_space<vmem>> -> memref<26x8x8x17xf32, #tpu.memory_space<vmem>>
        tpu.vector_store_idx %parallel_loop3A_1065[%parallel_loop3A_376, %shift_right_arithmetic3A_17, %and3A_25, %parallel_loop3A_1028], %parallel_loop3A_1059 : memref<26x8x8x17xf32, #tpu.memory_space<vmem>>[vector<16xi32>, vector<16xi32>, vector<16xi32>, vector<16xi32>], vector<16xf32>,
        %parallel_loop3A_1066 = arith.constant 0 : i32
        %parallel_loop3A_1067 = arith.index_cast %parallel_loop3A_1066 : i32 to index
        %parallel_loop3A_1068 = arith.index_cast %parallel_loop3A_1032 : i32 to index
        %parallel_loop3A_1069 = arith.constant 48 : index
        %parallel_loop3A_1070 = tpu.vector_load %arg6[%parallel_loop3A_1067, %parallel_loop3A_1068, %parallel_loop3A_1069] {strides = array<i32>} : memref<2x416x64xf32, #tpu.memory_space<vmem>>, vector<16xf32>,
        %parallel_loop3A_1071 = arith.constant 0 : i32
        %parallel_loop3A_1072 = arith.constant 0 : i32
        %parallel_loop3A_1073 = arith.constant 0 : i32
        %parallel_loop3A_1074 = arith.constant 0 : i32
        %parallel_loop3A_1075 = tpu.memref_slice %arg7[%parallel_loop3A_168, %parallel_loop3A_1071, %parallel_loop3A_1072, %parallel_loop3A_1073, %parallel_loop3A_1074] : memref<1x26x8x8x17xf32, #tpu.memory_space<vmem>> -> memref<1x26x8x8x17xf32, #tpu.memory_space<vmem>>
        %parallel_loop3A_1076 = tpu.memref_squeeze %parallel_loop3A_1075 : memref<1x26x8x8x17xf32, #tpu.memory_space<vmem>> -> memref<26x8x8x17xf32, #tpu.memory_space<vmem>>
        tpu.vector_store_idx %parallel_loop3A_1076[%parallel_loop3A_376, %shift_right_arithmetic3A_23, %and3A_25, %parallel_loop3A_1028], %parallel_loop3A_1070 : memref<26x8x8x17xf32, #tpu.memory_space<vmem>>[vector<16xi32>, vector<16xi32>, vector<16xi32>, vector<16xi32>], vector<16xf32>,
        %parallel_loop3A_1077 = arith.constant 14 : i32
        %parallel_loop3A_1078 = vector.broadcast %parallel_loop3A_1077 : i32 to vector<16xi32>
        %parallel_loop3A_1079 = arith.constant 16 : i32
        %parallel_loop3A_1080 = arith.muli %parallel_loop3A_375, %parallel_loop3A_1079 : i32
        %parallel_loop3A_1081 = arith.constant 14 : i32
        %parallel_loop3A_1082 = arith.addi %parallel_loop3A_1080, %parallel_loop3A_1081 : i32
        %parallel_loop3A_1083 = arith.constant 0 : i32
        %parallel_loop3A_1084 = arith.index_cast %parallel_loop3A_1083 : i32 to index
        %parallel_loop3A_1085 = arith.index_cast %parallel_loop3A_1082 : i32 to index
        %parallel_loop3A_1086 = arith.constant 0 : index
        %parallel_loop3A_1087 = tpu.vector_load %arg6[%parallel_loop3A_1084, %parallel_loop3A_1085, %parallel_loop3A_1086] {strides = array<i32>} : memref<2x416x64xf32, #tpu.memory_space<vmem>>, vector<16xf32>,
        %parallel_loop3A_1088 = arith.constant 0 : i32
        %parallel_loop3A_1089 = arith.constant 0 : i32
        %parallel_loop3A_1090 = arith.constant 0 : i32
        %parallel_loop3A_1091 = arith.constant 0 : i32
        %parallel_loop3A_1092 = tpu.memref_slice %arg7[%parallel_loop3A_168, %parallel_loop3A_1088, %parallel_loop3A_1089, %parallel_loop3A_1090, %parallel_loop3A_1091] : memref<1x26x8x8x17xf32, #tpu.memory_space<vmem>> -> memref<1x26x8x8x17xf32, #tpu.memory_space<vmem>>
        %parallel_loop3A_1093 = tpu.memref_squeeze %parallel_loop3A_1092 : memref<1x26x8x8x17xf32, #tpu.memory_space<vmem>> -> memref<26x8x8x17xf32, #tpu.memory_space<vmem>>
        tpu.vector_store_idx %parallel_loop3A_1093[%parallel_loop3A_376, %shift_right_arithmetic3A_5, %and3A_25, %parallel_loop3A_1078], %parallel_loop3A_1087 : memref<26x8x8x17xf32, #tpu.memory_space<vmem>>[vector<16xi32>, vector<16xi32>, vector<16xi32>, vector<16xi32>], vector<16xf32>,
        %parallel_loop3A_1094 = arith.constant 0 : i32
        %parallel_loop3A_1095 = arith.index_cast %parallel_loop3A_1094 : i32 to index
        %parallel_loop3A_1096 = arith.index_cast %parallel_loop3A_1082 : i32 to index
        %parallel_loop3A_1097 = arith.constant 16 : index
        %parallel_loop3A_1098 = tpu.vector_load %arg6[%parallel_loop3A_1095, %parallel_loop3A_1096, %parallel_loop3A_1097] {strides = array<i32>} : memref<2x416x64xf32, #tpu.memory_space<vmem>>, vector<16xf32>,
        %parallel_loop3A_1099 = arith.constant 0 : i32
        %parallel_loop3A_1100 = arith.constant 0 : i32
        %parallel_loop3A_1101 = arith.constant 0 : i32
        %parallel_loop3A_1102 = arith.constant 0 : i32
        %parallel_loop3A_1103 = tpu.memref_slice %arg7[%parallel_loop3A_168, %parallel_loop3A_1099, %parallel_loop3A_1100, %parallel_loop3A_1101, %parallel_loop3A_1102] : memref<1x26x8x8x17xf32, #tpu.memory_space<vmem>> -> memref<1x26x8x8x17xf32, #tpu.memory_space<vmem>>
        %parallel_loop3A_1104 = tpu.memref_squeeze %parallel_loop3A_1103 : memref<1x26x8x8x17xf32, #tpu.memory_space<vmem>> -> memref<26x8x8x17xf32, #tpu.memory_space<vmem>>
        tpu.vector_store_idx %parallel_loop3A_1104[%parallel_loop3A_376, %shift_right_arithmetic3A_11, %and3A_25, %parallel_loop3A_1078], %parallel_loop3A_1098 : memref<26x8x8x17xf32, #tpu.memory_space<vmem>>[vector<16xi32>, vector<16xi32>, vector<16xi32>, vector<16xi32>], vector<16xf32>,
        %parallel_loop3A_1105 = arith.constant 0 : i32
        %parallel_loop3A_1106 = arith.index_cast %parallel_loop3A_1105 : i32 to index
        %parallel_loop3A_1107 = arith.index_cast %parallel_loop3A_1082 : i32 to index
        %parallel_loop3A_1108 = arith.constant 32 : index
        %parallel_loop3A_1109 = tpu.vector_load %arg6[%parallel_loop3A_1106, %parallel_loop3A_1107, %parallel_loop3A_1108] {strides = array<i32>} : memref<2x416x64xf32, #tpu.memory_space<vmem>>, vector<16xf32>,
        %parallel_loop3A_1110 = arith.constant 0 : i32
        %parallel_loop3A_1111 = arith.constant 0 : i32
        %parallel_loop3A_1112 = arith.constant 0 : i32
        %parallel_loop3A_1113 = arith.constant 0 : i32
        %parallel_loop3A_1114 = tpu.memref_slice %arg7[%parallel_loop3A_168, %parallel_loop3A_1110, %parallel_loop3A_1111, %parallel_loop3A_1112, %parallel_loop3A_1113] : memref<1x26x8x8x17xf32, #tpu.memory_space<vmem>> -> memref<1x26x8x8x17xf32, #tpu.memory_space<vmem>>
        %parallel_loop3A_1115 = tpu.memref_squeeze %parallel_loop3A_1114 : memref<1x26x8x8x17xf32, #tpu.memory_space<vmem>> -> memref<26x8x8x17xf32, #tpu.memory_space<vmem>>
        tpu.vector_store_idx %parallel_loop3A_1115[%parallel_loop3A_376, %shift_right_arithmetic3A_17, %and3A_25, %parallel_loop3A_1078], %parallel_loop3A_1109 : memref<26x8x8x17xf32, #tpu.memory_space<vmem>>[vector<16xi32>, vector<16xi32>, vector<16xi32>, vector<16xi32>], vector<16xf32>,
        %parallel_loop3A_1116 = arith.constant 0 : i32
        %parallel_loop3A_1117 = arith.index_cast %parallel_loop3A_1116 : i32 to index
        %parallel_loop3A_1118 = arith.index_cast %parallel_loop3A_1082 : i32 to index
        %parallel_loop3A_1119 = arith.constant 48 : index
        %parallel_loop3A_1120 = tpu.vector_load %arg6[%parallel_loop3A_1117, %parallel_loop3A_1118, %parallel_loop3A_1119] {strides = array<i32>} : memref<2x416x64xf32, #tpu.memory_space<vmem>>, vector<16xf32>,
        %parallel_loop3A_1121 = arith.constant 0 : i32
        %parallel_loop3A_1122 = arith.constant 0 : i32
        %parallel_loop3A_1123 = arith.constant 0 : i32
        %parallel_loop3A_1124 = arith.constant 0 : i32
        %parallel_loop3A_1125 = tpu.memref_slice %arg7[%parallel_loop3A_168, %parallel_loop3A_1121, %parallel_loop3A_1122, %parallel_loop3A_1123, %parallel_loop3A_1124] : memref<1x26x8x8x17xf32, #tpu.memory_space<vmem>> -> memref<1x26x8x8x17xf32, #tpu.memory_space<vmem>>
        %parallel_loop3A_1126 = tpu.memref_squeeze %parallel_loop3A_1125 : memref<1x26x8x8x17xf32, #tpu.memory_space<vmem>> -> memref<26x8x8x17xf32, #tpu.memory_space<vmem>>
        tpu.vector_store_idx %parallel_loop3A_1126[%parallel_loop3A_376, %shift_right_arithmetic3A_23, %and3A_25, %parallel_loop3A_1078], %parallel_loop3A_1120 : memref<26x8x8x17xf32, #tpu.memory_space<vmem>>[vector<16xi32>, vector<16xi32>, vector<16xi32>, vector<16xi32>], vector<16xf32>,
        %parallel_loop3A_1127 = arith.constant 15 : i32
        %parallel_loop3A_1128 = vector.broadcast %parallel_loop3A_1127 : i32 to vector<16xi32>
        %parallel_loop3A_1129 = arith.constant 16 : i32
        %parallel_loop3A_1130 = arith.muli %parallel_loop3A_375, %parallel_loop3A_1129 : i32
        %parallel_loop3A_1131 = arith.constant 15 : i32
        %parallel_loop3A_1132 = arith.addi %parallel_loop3A_1130, %parallel_loop3A_1131 : i32
        %parallel_loop3A_1133 = arith.constant 0 : i32
        %parallel_loop3A_1134 = arith.index_cast %parallel_loop3A_1133 : i32 to index
        %parallel_loop3A_1135 = arith.index_cast %parallel_loop3A_1132 : i32 to index
        %parallel_loop3A_1136 = arith.constant 0 : index
        %parallel_loop3A_1137 = tpu.vector_load %arg6[%parallel_loop3A_1134, %parallel_loop3A_1135, %parallel_loop3A_1136] {strides = array<i32>} : memref<2x416x64xf32, #tpu.memory_space<vmem>>, vector<16xf32>,
        %parallel_loop3A_1138 = arith.constant 0 : i32
        %parallel_loop3A_1139 = arith.constant 0 : i32
        %parallel_loop3A_1140 = arith.constant 0 : i32
        %parallel_loop3A_1141 = arith.constant 0 : i32
        %parallel_loop3A_1142 = tpu.memref_slice %arg7[%parallel_loop3A_168, %parallel_loop3A_1138, %parallel_loop3A_1139, %parallel_loop3A_1140, %parallel_loop3A_1141] : memref<1x26x8x8x17xf32, #tpu.memory_space<vmem>> -> memref<1x26x8x8x17xf32, #tpu.memory_space<vmem>>
        %parallel_loop3A_1143 = tpu.memref_squeeze %parallel_loop3A_1142 : memref<1x26x8x8x17xf32, #tpu.memory_space<vmem>> -> memref<26x8x8x17xf32, #tpu.memory_space<vmem>>
        tpu.vector_store_idx %parallel_loop3A_1143[%parallel_loop3A_376, %shift_right_arithmetic3A_5, %and3A_25, %parallel_loop3A_1128], %parallel_loop3A_1137 : memref<26x8x8x17xf32, #tpu.memory_space<vmem>>[vector<16xi32>, vector<16xi32>, vector<16xi32>, vector<16xi32>], vector<16xf32>,
        %parallel_loop3A_1144 = arith.constant 0 : i32
        %parallel_loop3A_1145 = arith.index_cast %parallel_loop3A_1144 : i32 to index
        %parallel_loop3A_1146 = arith.index_cast %parallel_loop3A_1132 : i32 to index
        %parallel_loop3A_1147 = arith.constant 16 : index
        %parallel_loop3A_1148 = tpu.vector_load %arg6[%parallel_loop3A_1145, %parallel_loop3A_1146, %parallel_loop3A_1147] {strides = array<i32>} : memref<2x416x64xf32, #tpu.memory_space<vmem>>, vector<16xf32>,
        %parallel_loop3A_1149 = arith.constant 0 : i32
        %parallel_loop3A_1150 = arith.constant 0 : i32
        %parallel_loop3A_1151 = arith.constant 0 : i32
        %parallel_loop3A_1152 = arith.constant 0 : i32
        %parallel_loop3A_1153 = tpu.memref_slice %arg7[%parallel_loop3A_168, %parallel_loop3A_1149, %parallel_loop3A_1150, %parallel_loop3A_1151, %parallel_loop3A_1152] : memref<1x26x8x8x17xf32, #tpu.memory_space<vmem>> -> memref<1x26x8x8x17xf32, #tpu.memory_space<vmem>>
        %parallel_loop3A_1154 = tpu.memref_squeeze %parallel_loop3A_1153 : memref<1x26x8x8x17xf32, #tpu.memory_space<vmem>> -> memref<26x8x8x17xf32, #tpu.memory_space<vmem>>
        tpu.vector_store_idx %parallel_loop3A_1154[%parallel_loop3A_376, %shift_right_arithmetic3A_11, %and3A_25, %parallel_loop3A_1128], %parallel_loop3A_1148 : memref<26x8x8x17xf32, #tpu.memory_space<vmem>>[vector<16xi32>, vector<16xi32>, vector<16xi32>, vector<16xi32>], vector<16xf32>,
        %parallel_loop3A_1155 = arith.constant 0 : i32
        %parallel_loop3A_1156 = arith.index_cast %parallel_loop3A_1155 : i32 to index
        %parallel_loop3A_1157 = arith.index_cast %parallel_loop3A_1132 : i32 to index
        %parallel_loop3A_1158 = arith.constant 32 : index
        %parallel_loop3A_1159 = tpu.vector_load %arg6[%parallel_loop3A_1156, %parallel_loop3A_1157, %parallel_loop3A_1158] {strides = array<i32>} : memref<2x416x64xf32, #tpu.memory_space<vmem>>, vector<16xf32>,
        %parallel_loop3A_1160 = arith.constant 0 : i32
        %parallel_loop3A_1161 = arith.constant 0 : i32
        %parallel_loop3A_1162 = arith.constant 0 : i32
        %parallel_loop3A_1163 = arith.constant 0 : i32
        %parallel_loop3A_1164 = tpu.memref_slice %arg7[%parallel_loop3A_168, %parallel_loop3A_1160, %parallel_loop3A_1161, %parallel_loop3A_1162, %parallel_loop3A_1163] : memref<1x26x8x8x17xf32, #tpu.memory_space<vmem>> -> memref<1x26x8x8x17xf32, #tpu.memory_space<vmem>>
        %parallel_loop3A_1165 = tpu.memref_squeeze %parallel_loop3A_1164 : memref<1x26x8x8x17xf32, #tpu.memory_space<vmem>> -> memref<26x8x8x17xf32, #tpu.memory_space<vmem>>
        tpu.vector_store_idx %parallel_loop3A_1165[%parallel_loop3A_376, %shift_right_arithmetic3A_17, %and3A_25, %parallel_loop3A_1128], %parallel_loop3A_1159 : memref<26x8x8x17xf32, #tpu.memory_space<vmem>>[vector<16xi32>, vector<16xi32>, vector<16xi32>, vector<16xi32>], vector<16xf32>,
        %parallel_loop3A_1166 = arith.constant 0 : i32
        %parallel_loop3A_1167 = arith.index_cast %parallel_loop3A_1166 : i32 to index
        %parallel_loop3A_1168 = arith.index_cast %parallel_loop3A_1132 : i32 to index
        %parallel_loop3A_1169 = arith.constant 48 : index
        %parallel_loop3A_1170 = tpu.vector_load %arg6[%parallel_loop3A_1167, %parallel_loop3A_1168, %parallel_loop3A_1169] {strides = array<i32>} : memref<2x416x64xf32, #tpu.memory_space<vmem>>, vector<16xf32>,
        %parallel_loop3A_1171 = arith.constant 0 : i32
        %parallel_loop3A_1172 = arith.constant 0 : i32
        %parallel_loop3A_1173 = arith.constant 0 : i32
        %parallel_loop3A_1174 = arith.constant 0 : i32
        %parallel_loop3A_1175 = tpu.memref_slice %arg7[%parallel_loop3A_168, %parallel_loop3A_1171, %parallel_loop3A_1172, %parallel_loop3A_1173, %parallel_loop3A_1174] : memref<1x26x8x8x17xf32, #tpu.memory_space<vmem>> -> memref<1x26x8x8x17xf32, #tpu.memory_space<vmem>>
        %parallel_loop3A_1176 = tpu.memref_squeeze %parallel_loop3A_1175 : memref<1x26x8x8x17xf32, #tpu.memory_space<vmem>> -> memref<26x8x8x17xf32, #tpu.memory_space<vmem>>
        tpu.vector_store_idx %parallel_loop3A_1176[%parallel_loop3A_376, %shift_right_arithmetic3A_23, %and3A_25, %parallel_loop3A_1128], %parallel_loop3A_1170 : memref<26x8x8x17xf32, #tpu.memory_space<vmem>>[vector<16xi32>, vector<16xi32>, vector<16xi32>, vector<16xi32>], vector<16xf32>,
      } {sc.loop_unroll_factor = 2 : i64, sc.parallel_access}
      %mul3A_169 = arith.constant 4 : i32
      %mul3A_170 = arith.muli %mul3A_169, %add3A : i32
      %jit3A = arith.constant 8 : i32
      %div3A = arith.divsi %mul3A_97, %jit3A : i32
      %sign3A = arith.constant 0 : i32
      %sign3A_171 = arith.cmpi sgt, %mul3A_97, %sign3A : i32
      %sign3A_172 = arith.extui %sign3A_171 : i1 to i32
      %sign3A_173 = arith.constant 0 : i32
      %sign3A_174 = arith.cmpi slt, %mul3A_97, %sign3A_173 : i32
      %sign3A_175 = arith.extui %sign3A_174 : i1 to i32
      %sign3A_176 = arith.subi %sign3A_172, %sign3A_175 : i32
      %sign3A_177 = arith.constant 0 : i32
      %sign3A_178 = arith.cmpi sgt, %jit3A, %sign3A_177 : i32
      %sign3A_179 = arith.extui %sign3A_178 : i1 to i32
      %sign3A_180 = arith.constant 0 : i32
      %sign3A_181 = arith.cmpi slt, %jit3A, %sign3A_180 : i32
      %sign3A_182 = arith.extui %sign3A_181 : i1 to i32
      %sign3A_183 = arith.subi %sign3A_179, %sign3A_182 : i32
      %ne3A = arith.cmpi ne, %sign3A_176, %sign3A_183 : i32
      %rem3A = arith.remsi %mul3A_97, %jit3A : i32
      %ne3A_184 = arith.constant 0 : i32
      %ne3A_185 = arith.cmpi ne, %rem3A, %ne3A_184 : i32
      %and3A_186 = arith.andi %ne3A, %ne3A_185 : i1
      %sub3A = arith.constant 1 : i32
      %sub3A_187 = arith.subi %div3A, %sub3A : i32
      %select_n3A = arith.select %and3A_186, %sub3A_187, %div3A : i32
      %add3A_188 = arith.addi %mul3A_170, %select_n3A : i32
      %jit3A_189 = arith.constant 8 : i32
      %eq3A = arith.constant 0 : i32
      %eq3A_190 = arith.cmpi eq, %jit3A_189, %eq3A : i32
      %jit3A_191 = arith.constant 1 : i32
      %select_n3A_192 = arith.select %eq3A_190, %jit3A_191, %jit3A_189 : i32
      %rem3A_193 = arith.remsi %mul3A_97, %select_n3A_192 : i32
      %ne3A_194 = arith.constant 0 : i32
      %ne3A_195 = arith.cmpi ne, %rem3A_193, %ne3A_194 : i32
      %lt3A_196 = arith.constant 0 : i32
      %lt3A_197 = arith.cmpi slt, %rem3A_193, %lt3A_196 : i32
      %lt3A_198 = arith.constant 0 : i32
      %lt3A_199 = arith.cmpi slt, %select_n3A_192, %lt3A_198 : i32
      %ne3A_200 = arith.xori %lt3A_197, %lt3A_199 : i1
      %and3A_201 = arith.andi %ne3A_200, %ne3A_195 : i1
      %add3A_202 = arith.addi %rem3A_193, %select_n3A_192 : i32
      %select_n3A_203 = arith.select %and3A_201, %add3A_202, %rem3A_193 : i32
      %mul3A_204 = arith.constant 16 : i32
      %mul3A_205 = arith.muli %select_n3A_203, %mul3A_204 : i32
      %dma_start3A_206 = arith.constant 0 : i32
      %dma_start3A_207 = arith.constant 0 : i32
      %dma_start3A_208 = arith.constant 0 : i32
      %dma_start3A_209 = arith.constant 0 : i32
      %dma_start3A_210 = arith.constant 0 : i32
      %dma_start3A_211 = tpu.memref_slice %arg7[%dma_start3A_206, %dma_start3A_207, %dma_start3A_208, %dma_start3A_209, %dma_start3A_210] : memref<1x26x8x8x17xf32, #tpu.memory_space<vmem>> -> memref<1x26x8x8x16xf32, #tpu.memory_space<vmem>>
      %dma_start3A_212 = tpu.memref_squeeze %dma_start3A_211 : memref<1x26x8x8x16xf32, #tpu.memory_space<vmem>> -> memref<26x8x8x16xf32, #tpu.memory_space<vmem>>
      %dma_start3A_213 = arith.constant 0 : i32
      %dma_start3A_214 = arith.constant 0 : i32
      %dma_start3A_215 = arith.constant 0 : i32
      %dma_start3A_216 = tpu.memref_slice %arg4[%dma_start3A_213, %dma_start3A_214, %add3A_188, %dma_start3A_215, %mul3A_205] : memref<26x8x128x8x128xf32, #tpu.memory_space<hbm>> -> memref<26x8x1x8x16xf32, #tpu.memory_space<hbm>>
      %dma_start3A_217 = tpu.memref_squeeze %dma_start3A_216 : memref<26x8x1x8x16xf32, #tpu.memory_space<hbm>> -> memref<26x8x8x16xf32, #tpu.memory_space<hbm>>
      %dma_start3A_218 = arith.constant 0 : i32
      %dma_start3A_219 = arith.constant 0 : i32
      %dma_start3A_220 = arith.constant 0 : i32
      %dma_start3A_221 = tpu.memref_slice %arg4[%dma_start3A_218, %dma_start3A_219, %add3A_188, %dma_start3A_220, %mul3A_205] : memref<26x8x128x8x128xf32, #tpu.memory_space<hbm>> -> memref<26x8x1x8x16xf32, #tpu.memory_space<hbm>>
      %dma_start3A_222 = tpu.memref_squeeze %dma_start3A_221 : memref<26x8x1x8x16xf32, #tpu.memory_space<hbm>> -> memref<26x8x8x16xf32, #tpu.memory_space<hbm>>
      %dma_start3A_223 = arith.constant 0 : i32
      %dma_start3A_224 = arith.constant 0 : i32
      %dma_start3A_225 = arith.constant 0 : i32
      %dma_start3A_226 = arith.constant 0 : i32
      %dma_start3A_227 = tpu.memref_slice %arg7[%dma_start3A_206, %dma_start3A_223, %dma_start3A_224, %dma_start3A_225, %dma_start3A_226] : memref<1x26x8x8x17xf32, #tpu.memory_space<vmem>> -> memref<1x26x8x8x16xf32, #tpu.memory_space<vmem>>
      %dma_start3A_228 = tpu.memref_squeeze %dma_start3A_227 : memref<1x26x8x8x16xf32, #tpu.memory_space<vmem>> -> memref<26x8x8x16xf32, #tpu.memory_space<vmem>>
      tpu.enqueue_dma source(%dma_start3A_228 : memref<26x8x8x16xf32, #tpu.memory_space<vmem>>) target(%dma_start3A_222 : memref<26x8x8x16xf32, #tpu.memory_space<hbm>>) target_semaphore(%arg10 : memref<!tpu.dma_semaphore, #tpu.memory_space<semaphore_mem>>)
      %add3A_229 = arith.constant 1 : i32
      %add3A_230 = arith.addi %mul3A_97, %add3A_229 : i32
      %add3A_231 = arith.constant 1 : i32
      %add3A_232 = arith.addi %add3A_230, %add3A_231 : i32
      %lt3A_233 = arith.constant 32 : i32
      %lt3A_234 = arith.cmpi slt, %add3A_232, %lt3A_233 : i32
      %convert_element_type3A_235 = arith.extui %lt3A_234 : i1 to i32
      %cond3A_236 = arith.constant 0 : i32
      %cond3A_237 = arith.cmpi ne, %convert_element_type3A_235, %cond3A_236 : i32
      scf.if %cond3A_237 {
        %add3A_375 = arith.constant 1 : i32
        %add3A_376 = arith.addi %add3A_230, %add3A_375 : i32
        %mul3A_377 = arith.constant 416 : i32
        %mul3A_378 = arith.muli %add3A_376, %mul3A_377 : i32
        %add3A_379 = arith.constant 0 : i32
        %add3A_380 = arith.addi %mul3A_378, %add3A_379 : i32
        %dma_start3A_381 = arith.constant 0 : i32
        %dma_start3A_382 = arith.constant 0 : i32
        %dma_start3A_383 = arith.constant 0 : i32
        %dma_start3A_384 = tpu.memref_slice %arg6[%dma_start3A_381, %dma_start3A_382, %dma_start3A_383] : memref<2x416x64xf32, #tpu.memory_space<vmem>> -> memref<1x128x64xf32, #tpu.memory_space<vmem>>
        %dma_start3A_385 = tpu.memref_squeeze %dma_start3A_384 : memref<1x128x64xf32, #tpu.memory_space<vmem>> -> memref<128x64xf32, #tpu.memory_space<vmem>>
        %dma_start3A_386 = tpu.memref_slice %arg5[%add3A_380] : memref<13312xi32, #tpu.memory_space<vmem>> -> memref<128xi32, #tpu.memory_space<vmem>>
        %dma_start3A_387 = arith.constant 0 : i32
        %dma_start3A_388 = arith.constant 0 : i32
        %dma_start3A_389 = tpu.memref_slice %arg2[%dma_start3A_387, %dma_start3A_388] : memref<1000000x64xf32, #tpu.memory_space<hbm>> -> memref<1000000x64xf32, #tpu.memory_space<hbm>>
        tpu.enqueue_indirect_dma source(%dma_start3A_389 : memref<1000000x64xf32, #tpu.memory_space<hbm>>) target(%dma_start3A_385 : memref<128x64xf32, #tpu.memory_space<vmem>>) offsets(%dma_start3A_386 : memref<128xi32, #tpu.memory_space<vmem>>) semaphore(%arg8 : memref<!tpu.dma_semaphore, #tpu.memory_space<semaphore_mem>>)
        %mul3A_390 = arith.constant 416 : i32
        %mul3A_391 = arith.muli %add3A_376, %mul3A_390 : i32
        %add3A_392 = arith.constant 128 : i32
        %add3A_393 = arith.addi %mul3A_391, %add3A_392 : i32
        %dma_start3A_394 = arith.constant 0 : i32
        %dma_start3A_395 = arith.constant 128 : i32
        %dma_start3A_396 = arith.constant 0 : i32
        %dma_start3A_397 = tpu.memref_slice %arg6[%dma_start3A_394, %dma_start3A_395, %dma_start3A_396] : memref<2x416x64xf32, #tpu.memory_space<vmem>> -> memref<1x128x64xf32, #tpu.memory_space<vmem>>
        %dma_start3A_398 = tpu.memref_squeeze %dma_start3A_397 : memref<1x128x64xf32, #tpu.memory_space<vmem>> -> memref<128x64xf32, #tpu.memory_space<vmem>>
        %dma_start3A_399 = tpu.memref_slice %arg5[%add3A_393] : memref<13312xi32, #tpu.memory_space<vmem>> -> memref<128xi32, #tpu.memory_space<vmem>>
        %dma_start3A_400 = arith.constant 0 : i32
        %dma_start3A_401 = arith.constant 0 : i32
        %dma_start3A_402 = tpu.memref_slice %arg2[%dma_start3A_400, %dma_start3A_401] : memref<1000000x64xf32, #tpu.memory_space<hbm>> -> memref<1000000x64xf32, #tpu.memory_space<hbm>>
        tpu.enqueue_indirect_dma source(%dma_start3A_402 : memref<1000000x64xf32, #tpu.memory_space<hbm>>) target(%dma_start3A_398 : memref<128x64xf32, #tpu.memory_space<vmem>>) offsets(%dma_start3A_399 : memref<128xi32, #tpu.memory_space<vmem>>) semaphore(%arg8 : memref<!tpu.dma_semaphore, #tpu.memory_space<semaphore_mem>>)
        %mul3A_403 = arith.constant 416 : i32
        %mul3A_404 = arith.muli %add3A_376, %mul3A_403 : i32
        %add3A_405 = arith.constant 256 : i32
        %add3A_406 = arith.addi %mul3A_404, %add3A_405 : i32
        %dma_start3A_407 = arith.constant 0 : i32
        %dma_start3A_408 = arith.constant 256 : i32
        %dma_start3A_409 = arith.constant 0 : i32
        %dma_start3A_410 = tpu.memref_slice %arg6[%dma_start3A_407, %dma_start3A_408, %dma_start3A_409] : memref<2x416x64xf32, #tpu.memory_space<vmem>> -> memref<1x128x64xf32, #tpu.memory_space<vmem>>
        %dma_start3A_411 = tpu.memref_squeeze %dma_start3A_410 : memref<1x128x64xf32, #tpu.memory_space<vmem>> -> memref<128x64xf32, #tpu.memory_space<vmem>>
        %dma_start3A_412 = tpu.memref_slice %arg5[%add3A_406] : memref<13312xi32, #tpu.memory_space<vmem>> -> memref<128xi32, #tpu.memory_space<vmem>>
        %dma_start3A_413 = arith.constant 0 : i32
        %dma_start3A_414 = arith.constant 0 : i32
        %dma_start3A_415 = tpu.memref_slice %arg2[%dma_start3A_413, %dma_start3A_414] : memref<1000000x64xf32, #tpu.memory_space<hbm>> -> memref<1000000x64xf32, #tpu.memory_space<hbm>>
        tpu.enqueue_indirect_dma source(%dma_start3A_415 : memref<1000000x64xf32, #tpu.memory_space<hbm>>) target(%dma_start3A_411 : memref<128x64xf32, #tpu.memory_space<vmem>>) offsets(%dma_start3A_412 : memref<128xi32, #tpu.memory_space<vmem>>) semaphore(%arg8 : memref<!tpu.dma_semaphore, #tpu.memory_space<semaphore_mem>>)
        %mul3A_416 = arith.constant 416 : i32
        %mul3A_417 = arith.muli %add3A_376, %mul3A_416 : i32
        %add3A_418 = arith.constant 384 : i32
        %add3A_419 = arith.addi %mul3A_417, %add3A_418 : i32
        %dma_start3A_420 = arith.constant 0 : i32
        %dma_start3A_421 = arith.constant 384 : i32
        %dma_start3A_422 = arith.constant 0 : i32
        %dma_start3A_423 = tpu.memref_slice %arg6[%dma_start3A_420, %dma_start3A_421, %dma_start3A_422] : memref<2x416x64xf32, #tpu.memory_space<vmem>> -> memref<1x32x64xf32, #tpu.memory_space<vmem>>
        %dma_start3A_424 = tpu.memref_squeeze %dma_start3A_423 : memref<1x32x64xf32, #tpu.memory_space<vmem>> -> memref<32x64xf32, #tpu.memory_space<vmem>>
        %dma_start3A_425 = tpu.memref_slice %arg5[%add3A_419] : memref<13312xi32, #tpu.memory_space<vmem>> -> memref<32xi32, #tpu.memory_space<vmem>>
        %dma_start3A_426 = arith.constant 0 : i32
        %dma_start3A_427 = arith.constant 0 : i32
        %dma_start3A_428 = tpu.memref_slice %arg2[%dma_start3A_426, %dma_start3A_427] : memref<1000000x64xf32, #tpu.memory_space<hbm>> -> memref<1000000x64xf32, #tpu.memory_space<hbm>>
        tpu.enqueue_indirect_dma source(%dma_start3A_428 : memref<1000000x64xf32, #tpu.memory_space<hbm>>) target(%dma_start3A_424 : memref<32x64xf32, #tpu.memory_space<vmem>>) offsets(%dma_start3A_425 : memref<32xi32, #tpu.memory_space<vmem>>) semaphore(%arg8 : memref<!tpu.dma_semaphore, #tpu.memory_space<semaphore_mem>>)
      } else {
      }
      %dma_wait3A_238 = arith.constant 1 : i32
      %dma_wait3A_239 = arith.constant 0 : i32
      %dma_wait3A_240 = arith.constant 0 : i32
      %dma_wait3A_241 = tpu.memref_slice %arg6[%dma_wait3A_238, %dma_wait3A_239, %dma_wait3A_240] : memref<2x416x64xf32, #tpu.memory_space<vmem>> -> memref<1x128x64xf32, #tpu.memory_space<vmem>>
      %dma_wait3A_242 = tpu.memref_squeeze %dma_wait3A_241 : memref<1x128x64xf32, #tpu.memory_space<vmem>> -> memref<128x64xf32, #tpu.memory_space<vmem>>
      %dma_wait3A_243 = arith.constant 0 : i32
      %dma_wait3A_244 = arith.constant 0 : i32
      %dma_wait3A_245 = tpu.memref_slice %arg2[%dma_wait3A_243, %dma_wait3A_244] : memref<1000000x64xf32, #tpu.memory_space<hbm>> -> memref<128x64xf32, #tpu.memory_space<hbm>>
      %dma_wait3A_246 = arith.constant 0 : i32
      %dma_wait3A_247 = arith.constant 0 : i32
      %dma_wait3A_248 = tpu.memref_slice %arg6[%dma_wait3A_238, %dma_wait3A_246, %dma_wait3A_247] : memref<2x416x64xf32, #tpu.memory_space<vmem>> -> memref<1x128x64xf32, #tpu.memory_space<vmem>>
      %dma_wait3A_249 = tpu.memref_squeeze %dma_wait3A_248 : memref<1x128x64xf32, #tpu.memory_space<vmem>> -> memref<128x64xf32, #tpu.memory_space<vmem>>
      %dma_wait3A_250 = arith.constant 0 : i32
      %dma_wait3A_251 = arith.constant 0 : i32
      %dma_wait3A_252 = tpu.memref_slice %arg2[%dma_wait3A_250, %dma_wait3A_251] : memref<1000000x64xf32, #tpu.memory_space<hbm>> -> memref<128x64xf32, #tpu.memory_space<hbm>>
      tpu.wait_dma2 semaphore(%arg9 : memref<!tpu.dma_semaphore, #tpu.memory_space<semaphore_mem>>) src(%dma_wait3A_252 : memref<128x64xf32, #tpu.memory_space<hbm>>) dst(%dma_wait3A_249 : memref<128x64xf32, #tpu.memory_space<vmem>>)
      %dma_wait3A_253 = arith.constant 1 : i32
      %dma_wait3A_254 = arith.constant 128 : i32
      %dma_wait3A_255 = arith.constant 0 : i32
      %dma_wait3A_256 = tpu.memref_slice %arg6[%dma_wait3A_253, %dma_wait3A_254, %dma_wait3A_255] : memref<2x416x64xf32, #tpu.memory_space<vmem>> -> memref<1x128x64xf32, #tpu.memory_space<vmem>>
      %dma_wait3A_257 = tpu.memref_squeeze %dma_wait3A_256 : memref<1x128x64xf32, #tpu.memory_space<vmem>> -> memref<128x64xf32, #tpu.memory_space<vmem>>
      %dma_wait3A_258 = arith.constant 0 : i32
      %dma_wait3A_259 = arith.constant 0 : i32
      %dma_wait3A_260 = tpu.memref_slice %arg2[%dma_wait3A_258, %dma_wait3A_259] : memref<1000000x64xf32, #tpu.memory_space<hbm>> -> memref<128x64xf32, #tpu.memory_space<hbm>>
      %dma_wait3A_261 = arith.constant 128 : i32
      %dma_wait3A_262 = arith.constant 0 : i32
      %dma_wait3A_263 = tpu.memref_slice %arg6[%dma_wait3A_253, %dma_wait3A_261, %dma_wait3A_262] : memref<2x416x64xf32, #tpu.memory_space<vmem>> -> memref<1x128x64xf32, #tpu.memory_space<vmem>>
      %dma_wait3A_264 = tpu.memref_squeeze %dma_wait3A_263 : memref<1x128x64xf32, #tpu.memory_space<vmem>> -> memref<128x64xf32, #tpu.memory_space<vmem>>
      %dma_wait3A_265 = arith.constant 0 : i32
      %dma_wait3A_266 = arith.constant 0 : i32
      %dma_wait3A_267 = tpu.memref_slice %arg2[%dma_wait3A_265, %dma_wait3A_266] : memref<1000000x64xf32, #tpu.memory_space<hbm>> -> memref<128x64xf32, #tpu.memory_space<hbm>>
      tpu.wait_dma2 semaphore(%arg9 : memref<!tpu.dma_semaphore, #tpu.memory_space<semaphore_mem>>) src(%dma_wait3A_267 : memref<128x64xf32, #tpu.memory_space<hbm>>) dst(%dma_wait3A_264 : memref<128x64xf32, #tpu.memory_space<vmem>>)
      %dma_wait3A_268 = arith.constant 1 : i32
      %dma_wait3A_269 = arith.constant 256 : i32
      %dma_wait3A_270 = arith.constant 0 : i32
      %dma_wait3A_271 = tpu.memref_slice %arg6[%dma_wait3A_268, %dma_wait3A_269, %dma_wait3A_270] : memref<2x416x64xf32, #tpu.memory_space<vmem>> -> memref<1x128x64xf32, #tpu.memory_space<vmem>>
      %dma_wait3A_272 = tpu.memref_squeeze %dma_wait3A_271 : memref<1x128x64xf32, #tpu.memory_space<vmem>> -> memref<128x64xf32, #tpu.memory_space<vmem>>
      %dma_wait3A_273 = arith.constant 0 : i32
      %dma_wait3A_274 = arith.constant 0 : i32
      %dma_wait3A_275 = tpu.memref_slice %arg2[%dma_wait3A_273, %dma_wait3A_274] : memref<1000000x64xf32, #tpu.memory_space<hbm>> -> memref<128x64xf32, #tpu.memory_space<hbm>>
      %dma_wait3A_276 = arith.constant 256 : i32
      %dma_wait3A_277 = arith.constant 0 : i32
      %dma_wait3A_278 = tpu.memref_slice %arg6[%dma_wait3A_268, %dma_wait3A_276, %dma_wait3A_277] : memref<2x416x64xf32, #tpu.memory_space<vmem>> -> memref<1x128x64xf32, #tpu.memory_space<vmem>>
      %dma_wait3A_279 = tpu.memref_squeeze %dma_wait3A_278 : memref<1x128x64xf32, #tpu.memory_space<vmem>> -> memref<128x64xf32, #tpu.memory_space<vmem>>
      %dma_wait3A_280 = arith.constant 0 : i32
      %dma_wait3A_281 = arith.constant 0 : i32
      %dma_wait3A_282 = tpu.memref_slice %arg2[%dma_wait3A_280, %dma_wait3A_281] : memref<1000000x64xf32, #tpu.memory_space<hbm>> -> memref<128x64xf32, #tpu.memory_space<hbm>>
      tpu.wait_dma2 semaphore(%arg9 : memref<!tpu.dma_semaphore, #tpu.memory_space<semaphore_mem>>) src(%dma_wait3A_282 : memref<128x64xf32, #tpu.memory_space<hbm>>) dst(%dma_wait3A_279 : memref<128x64xf32, #tpu.memory_space<vmem>>)
      %dma_wait3A_283 = arith.constant 1 : i32
      %dma_wait3A_284 = arith.constant 384 : i32
      %dma_wait3A_285 = arith.constant 0 : i32
      %dma_wait3A_286 = tpu.memref_slice %arg6[%dma_wait3A_283, %dma_wait3A_284, %dma_wait3A_285] : memref<2x416x64xf32, #tpu.memory_space<vmem>> -> memref<1x32x64xf32, #tpu.memory_space<vmem>>
      %dma_wait3A_287 = tpu.memref_squeeze %dma_wait3A_286 : memref<1x32x64xf32, #tpu.memory_space<vmem>> -> memref<32x64xf32, #tpu.memory_space<vmem>>
      %dma_wait3A_288 = arith.constant 0 : i32
      %dma_wait3A_289 = arith.constant 0 : i32
      %dma_wait3A_290 = tpu.memref_slice %arg2[%dma_wait3A_288, %dma_wait3A_289] : memref<1000000x64xf32, #tpu.memory_space<hbm>> -> memref<32x64xf32, #tpu.memory_space<hbm>>
      %dma_wait3A_291 = arith.constant 384 : i32
      %dma_wait3A_292 = arith.constant 0 : i32
      %dma_wait3A_293 = tpu.memref_slice %arg6[%dma_wait3A_283, %dma_wait3A_291, %dma_wait3A_292] : memref<2x416x64xf32, #tpu.memory_space<vmem>> -> memref<1x32x64xf32, #tpu.memory_space<vmem>>
      %dma_wait3A_294 = tpu.memref_squeeze %dma_wait3A_293 : memref<1x32x64xf32, #tpu.memory_space<vmem>> -> memref<32x64xf32, #tpu.memory_space<vmem>>
      %dma_wait3A_295 = arith.constant 0 : i32
      %dma_wait3A_296 = arith.constant 0 : i32
      %dma_wait3A_297 = tpu.memref_slice %arg2[%dma_wait3A_295, %dma_wait3A_296] : memref<1000000x64xf32, #tpu.memory_space<hbm>> -> memref<32x64xf32, #tpu.memory_space<hbm>>
      tpu.wait_dma2 semaphore(%arg9 : memref<!tpu.dma_semaphore, #tpu.memory_space<semaphore_mem>>) src(%dma_wait3A_297 : memref<32x64xf32, #tpu.memory_space<hbm>>) dst(%dma_wait3A_294 : memref<32x64xf32, #tpu.memory_space<vmem>>)
      %ge3A_298 = arith.constant 1 : i32
      %ge3A_299 = arith.cmpi sge, %add3A_230, %ge3A_298 : i32
      %convert_element_type3A_300 = arith.extui %ge3A_299 : i1 to i32
      %cond3A_301 = arith.constant 0 : i32
      %cond3A_302 = arith.cmpi ne, %convert_element_type3A_300, %cond3A_301 : i32
      scf.if %cond3A_302 {
        %dma_wait3A_375 = arith.constant 0 : i32
        %dma_wait3A_376 = arith.constant 0 : i32
        %dma_wait3A_377 = arith.constant 0 : i32
        %dma_wait3A_378 = arith.constant 0 : i32
        %dma_wait3A_379 = arith.constant 0 : i32
        %dma_wait3A_380 = arith.constant 0 : i32
        %dma_wait3A_381 = tpu.memref_slice %arg7[%dma_wait3A_375, %dma_wait3A_377, %dma_wait3A_378, %dma_wait3A_379, %dma_wait3A_380] : memref<1x26x8x8x17xf32, #tpu.memory_space<vmem>> -> memref<1x26x8x8x16xf32, #tpu.memory_space<vmem>>
        %dma_wait3A_382 = tpu.memref_squeeze %dma_wait3A_381 : memref<1x26x8x8x16xf32, #tpu.memory_space<vmem>> -> memref<26x8x8x16xf32, #tpu.memory_space<vmem>>
        %dma_wait3A_383 = arith.constant 0 : i32
        %dma_wait3A_384 = arith.constant 0 : i32
        %dma_wait3A_385 = arith.constant 0 : i32
        %dma_wait3A_386 = arith.constant 0 : i32
        %dma_wait3A_387 = tpu.memref_slice %arg4[%dma_wait3A_383, %dma_wait3A_384, %dma_wait3A_376, %dma_wait3A_385, %dma_wait3A_386] : memref<26x8x128x8x128xf32, #tpu.memory_space<hbm>> -> memref<26x8x1x8x16xf32, #tpu.memory_space<hbm>>
        %dma_wait3A_388 = tpu.memref_squeeze %dma_wait3A_387 : memref<26x8x1x8x16xf32, #tpu.memory_space<hbm>> -> memref<26x8x8x16xf32, #tpu.memory_space<hbm>>
        %dma_wait3A_389 = arith.constant 0 : i32
        %dma_wait3A_390 = arith.constant 0 : i32
        %dma_wait3A_391 = arith.constant 0 : i32
        %dma_wait3A_392 = arith.constant 0 : i32
        %dma_wait3A_393 = tpu.memref_slice %arg4[%dma_wait3A_389, %dma_wait3A_390, %dma_wait3A_376, %dma_wait3A_391, %dma_wait3A_392] : memref<26x8x128x8x128xf32, #tpu.memory_space<hbm>> -> memref<26x8x1x8x16xf32, #tpu.memory_space<hbm>>
        %dma_wait3A_394 = tpu.memref_squeeze %dma_wait3A_393 : memref<26x8x1x8x16xf32, #tpu.memory_space<hbm>> -> memref<26x8x8x16xf32, #tpu.memory_space<hbm>>
        %dma_wait3A_395 = arith.constant 0 : i32
        %dma_wait3A_396 = arith.constant 0 : i32
        %dma_wait3A_397 = arith.constant 0 : i32
        %dma_wait3A_398 = arith.constant 0 : i32
        %dma_wait3A_399 = tpu.memref_slice %arg7[%dma_wait3A_375, %dma_wait3A_395, %dma_wait3A_396, %dma_wait3A_397, %dma_wait3A_398] : memref<1x26x8x8x17xf32, #tpu.memory_space<vmem>> -> memref<1x26x8x8x16xf32, #tpu.memory_space<vmem>>
        %dma_wait3A_400 = tpu.memref_squeeze %dma_wait3A_399 : memref<1x26x8x8x16xf32, #tpu.memory_space<vmem>> -> memref<26x8x8x16xf32, #tpu.memory_space<vmem>>
        tpu.wait_dma2 semaphore(%arg10 : memref<!tpu.dma_semaphore, #tpu.memory_space<semaphore_mem>>) src(%dma_wait3A_400 : memref<26x8x8x16xf32, #tpu.memory_space<vmem>>) dst(%dma_wait3A_394 : memref<26x8x8x16xf32, #tpu.memory_space<hbm>>)
      } else {
      }
      %parallel_loop3A_303 = arith.constant 0 : i32
      %parallel_loop3A_304 = arith.constant 26 : i32
      %parallel_loop3A_305 = arith.constant 1 : i32
      %parallel_loop3A_306 = arith.constant 0 : i32
      scf.for %parallel_loop3A_375 = %parallel_loop3A_303 to %parallel_loop3A_304 step %parallel_loop3A_305  : i32 {
        %parallel_loop3A_376 = vector.broadcast %parallel_loop3A_375 : i32 to vector<16xi32>
        %parallel_loop3A_377 = arith.constant 0 : i32
        %parallel_loop3A_378 = vector.broadcast %parallel_loop3A_377 : i32 to vector<16xi32>
        %parallel_loop3A_379 = arith.constant 16 : i32
        %parallel_loop3A_380 = arith.muli %parallel_loop3A_375, %parallel_loop3A_379 : i32
        %parallel_loop3A_381 = arith.constant 0 : i32
        %parallel_loop3A_382 = arith.addi %parallel_loop3A_380, %parallel_loop3A_381 : i32
        %parallel_loop3A_383 = arith.constant 1 : i32
        %parallel_loop3A_384 = arith.index_cast %parallel_loop3A_383 : i32 to index
        %parallel_loop3A_385 = arith.index_cast %parallel_loop3A_382 : i32 to index
        %parallel_loop3A_386 = arith.constant 0 : index
        %parallel_loop3A_387 = tpu.vector_load %arg6[%parallel_loop3A_384, %parallel_loop3A_385, %parallel_loop3A_386] {strides = array<i32>} : memref<2x416x64xf32, #tpu.memory_space<vmem>>, vector<16xf32>,
        %parallel_loop3A_388 = arith.constant 0 : i32
        %parallel_loop3A_389 = arith.constant 0 : i32
        %parallel_loop3A_390 = arith.constant 0 : i32
        %parallel_loop3A_391 = arith.constant 0 : i32
        %parallel_loop3A_392 = tpu.memref_slice %arg7[%parallel_loop3A_306, %parallel_loop3A_388, %parallel_loop3A_389, %parallel_loop3A_390, %parallel_loop3A_391] : memref<1x26x8x8x17xf32, #tpu.memory_space<vmem>> -> memref<1x26x8x8x17xf32, #tpu.memory_space<vmem>>
        %parallel_loop3A_393 = tpu.memref_squeeze %parallel_loop3A_392 : memref<1x26x8x8x17xf32, #tpu.memory_space<vmem>> -> memref<26x8x8x17xf32, #tpu.memory_space<vmem>>
        tpu.vector_store_idx %parallel_loop3A_393[%parallel_loop3A_376, %shift_right_arithmetic3A_5, %and3A_25, %parallel_loop3A_378], %parallel_loop3A_387 : memref<26x8x8x17xf32, #tpu.memory_space<vmem>>[vector<16xi32>, vector<16xi32>, vector<16xi32>, vector<16xi32>], vector<16xf32>,
        %parallel_loop3A_394 = arith.constant 1 : i32
        %parallel_loop3A_395 = arith.index_cast %parallel_loop3A_394 : i32 to index
        %parallel_loop3A_396 = arith.index_cast %parallel_loop3A_382 : i32 to index
        %parallel_loop3A_397 = arith.constant 16 : index
        %parallel_loop3A_398 = tpu.vector_load %arg6[%parallel_loop3A_395, %parallel_loop3A_396, %parallel_loop3A_397] {strides = array<i32>} : memref<2x416x64xf32, #tpu.memory_space<vmem>>, vector<16xf32>,
        %parallel_loop3A_399 = arith.constant 0 : i32
        %parallel_loop3A_400 = arith.constant 0 : i32
        %parallel_loop3A_401 = arith.constant 0 : i32
        %parallel_loop3A_402 = arith.constant 0 : i32
        %parallel_loop3A_403 = tpu.memref_slice %arg7[%parallel_loop3A_306, %parallel_loop3A_399, %parallel_loop3A_400, %parallel_loop3A_401, %parallel_loop3A_402] : memref<1x26x8x8x17xf32, #tpu.memory_space<vmem>> -> memref<1x26x8x8x17xf32, #tpu.memory_space<vmem>>
        %parallel_loop3A_404 = tpu.memref_squeeze %parallel_loop3A_403 : memref<1x26x8x8x17xf32, #tpu.memory_space<vmem>> -> memref<26x8x8x17xf32, #tpu.memory_space<vmem>>
        tpu.vector_store_idx %parallel_loop3A_404[%parallel_loop3A_376, %shift_right_arithmetic3A_11, %and3A_25, %parallel_loop3A_378], %parallel_loop3A_398 : memref<26x8x8x17xf32, #tpu.memory_space<vmem>>[vector<16xi32>, vector<16xi32>, vector<16xi32>, vector<16xi32>], vector<16xf32>,
        %parallel_loop3A_405 = arith.constant 1 : i32
        %parallel_loop3A_406 = arith.index_cast %parallel_loop3A_405 : i32 to index
        %parallel_loop3A_407 = arith.index_cast %parallel_loop3A_382 : i32 to index
        %parallel_loop3A_408 = arith.constant 32 : index
        %parallel_loop3A_409 = tpu.vector_load %arg6[%parallel_loop3A_406, %parallel_loop3A_407, %parallel_loop3A_408] {strides = array<i32>} : memref<2x416x64xf32, #tpu.memory_space<vmem>>, vector<16xf32>,
        %parallel_loop3A_410 = arith.constant 0 : i32
        %parallel_loop3A_411 = arith.constant 0 : i32
        %parallel_loop3A_412 = arith.constant 0 : i32
        %parallel_loop3A_413 = arith.constant 0 : i32
        %parallel_loop3A_414 = tpu.memref_slice %arg7[%parallel_loop3A_306, %parallel_loop3A_410, %parallel_loop3A_411, %parallel_loop3A_412, %parallel_loop3A_413] : memref<1x26x8x8x17xf32, #tpu.memory_space<vmem>> -> memref<1x26x8x8x17xf32, #tpu.memory_space<vmem>>
        %parallel_loop3A_415 = tpu.memref_squeeze %parallel_loop3A_414 : memref<1x26x8x8x17xf32, #tpu.memory_space<vmem>> -> memref<26x8x8x17xf32, #tpu.memory_space<vmem>>
        tpu.vector_store_idx %parallel_loop3A_415[%parallel_loop3A_376, %shift_right_arithmetic3A_17, %and3A_25, %parallel_loop3A_378], %parallel_loop3A_409 : memref<26x8x8x17xf32, #tpu.memory_space<vmem>>[vector<16xi32>, vector<16xi32>, vector<16xi32>, vector<16xi32>], vector<16xf32>,
        %parallel_loop3A_416 = arith.constant 1 : i32
        %parallel_loop3A_417 = arith.index_cast %parallel_loop3A_416 : i32 to index
        %parallel_loop3A_418 = arith.index_cast %parallel_loop3A_382 : i32 to index
        %parallel_loop3A_419 = arith.constant 48 : index
        %parallel_loop3A_420 = tpu.vector_load %arg6[%parallel_loop3A_417, %parallel_loop3A_418, %parallel_loop3A_419] {strides = array<i32>} : memref<2x416x64xf32, #tpu.memory_space<vmem>>, vector<16xf32>,
        %parallel_loop3A_421 = arith.constant 0 : i32
        %parallel_loop3A_422 = arith.constant 0 : i32
        %parallel_loop3A_423 = arith.constant 0 : i32
        %parallel_loop3A_424 = arith.constant 0 : i32
        %parallel_loop3A_425 = tpu.memref_slice %arg7[%parallel_loop3A_306, %parallel_loop3A_421, %parallel_loop3A_422, %parallel_loop3A_423, %parallel_loop3A_424] : memref<1x26x8x8x17xf32, #tpu.memory_space<vmem>> -> memref<1x26x8x8x17xf32, #tpu.memory_space<vmem>>
        %parallel_loop3A_426 = tpu.memref_squeeze %parallel_loop3A_425 : memref<1x26x8x8x17xf32, #tpu.memory_space<vmem>> -> memref<26x8x8x17xf32, #tpu.memory_space<vmem>>
        tpu.vector_store_idx %parallel_loop3A_426[%parallel_loop3A_376, %shift_right_arithmetic3A_23, %and3A_25, %parallel_loop3A_378], %parallel_loop3A_420 : memref<26x8x8x17xf32, #tpu.memory_space<vmem>>[vector<16xi32>, vector<16xi32>, vector<16xi32>, vector<16xi32>], vector<16xf32>,
        %parallel_loop3A_427 = arith.constant 1 : i32
        %parallel_loop3A_428 = vector.broadcast %parallel_loop3A_427 : i32 to vector<16xi32>
        %parallel_loop3A_429 = arith.constant 16 : i32
        %parallel_loop3A_430 = arith.muli %parallel_loop3A_375, %parallel_loop3A_429 : i32
        %parallel_loop3A_431 = arith.constant 1 : i32
        %parallel_loop3A_432 = arith.addi %parallel_loop3A_430, %parallel_loop3A_431 : i32
        %parallel_loop3A_433 = arith.constant 1 : i32
        %parallel_loop3A_434 = arith.index_cast %parallel_loop3A_433 : i32 to index
        %parallel_loop3A_435 = arith.index_cast %parallel_loop3A_432 : i32 to index
        %parallel_loop3A_436 = arith.constant 0 : index
        %parallel_loop3A_437 = tpu.vector_load %arg6[%parallel_loop3A_434, %parallel_loop3A_435, %parallel_loop3A_436] {strides = array<i32>} : memref<2x416x64xf32, #tpu.memory_space<vmem>>, vector<16xf32>,
        %parallel_loop3A_438 = arith.constant 0 : i32
        %parallel_loop3A_439 = arith.constant 0 : i32
        %parallel_loop3A_440 = arith.constant 0 : i32
        %parallel_loop3A_441 = arith.constant 0 : i32
        %parallel_loop3A_442 = tpu.memref_slice %arg7[%parallel_loop3A_306, %parallel_loop3A_438, %parallel_loop3A_439, %parallel_loop3A_440, %parallel_loop3A_441] : memref<1x26x8x8x17xf32, #tpu.memory_space<vmem>> -> memref<1x26x8x8x17xf32, #tpu.memory_space<vmem>>
        %parallel_loop3A_443 = tpu.memref_squeeze %parallel_loop3A_442 : memref<1x26x8x8x17xf32, #tpu.memory_space<vmem>> -> memref<26x8x8x17xf32, #tpu.memory_space<vmem>>
        tpu.vector_store_idx %parallel_loop3A_443[%parallel_loop3A_376, %shift_right_arithmetic3A_5, %and3A_25, %parallel_loop3A_428], %parallel_loop3A_437 : memref<26x8x8x17xf32, #tpu.memory_space<vmem>>[vector<16xi32>, vector<16xi32>, vector<16xi32>, vector<16xi32>], vector<16xf32>,
        %parallel_loop3A_444 = arith.constant 1 : i32
        %parallel_loop3A_445 = arith.index_cast %parallel_loop3A_444 : i32 to index
        %parallel_loop3A_446 = arith.index_cast %parallel_loop3A_432 : i32 to index
        %parallel_loop3A_447 = arith.constant 16 : index
        %parallel_loop3A_448 = tpu.vector_load %arg6[%parallel_loop3A_445, %parallel_loop3A_446, %parallel_loop3A_447] {strides = array<i32>} : memref<2x416x64xf32, #tpu.memory_space<vmem>>, vector<16xf32>,
        %parallel_loop3A_449 = arith.constant 0 : i32
        %parallel_loop3A_450 = arith.constant 0 : i32
        %parallel_loop3A_451 = arith.constant 0 : i32
        %parallel_loop3A_452 = arith.constant 0 : i32
        %parallel_loop3A_453 = tpu.memref_slice %arg7[%parallel_loop3A_306, %parallel_loop3A_449, %parallel_loop3A_450, %parallel_loop3A_451, %parallel_loop3A_452] : memref<1x26x8x8x17xf32, #tpu.memory_space<vmem>> -> memref<1x26x8x8x17xf32, #tpu.memory_space<vmem>>
        %parallel_loop3A_454 = tpu.memref_squeeze %parallel_loop3A_453 : memref<1x26x8x8x17xf32, #tpu.memory_space<vmem>> -> memref<26x8x8x17xf32, #tpu.memory_space<vmem>>
        tpu.vector_store_idx %parallel_loop3A_454[%parallel_loop3A_376, %shift_right_arithmetic3A_11, %and3A_25, %parallel_loop3A_428], %parallel_loop3A_448 : memref<26x8x8x17xf32, #tpu.memory_space<vmem>>[vector<16xi32>, vector<16xi32>, vector<16xi32>, vector<16xi32>], vector<16xf32>,
        %parallel_loop3A_455 = arith.constant 1 : i32
        %parallel_loop3A_456 = arith.index_cast %parallel_loop3A_455 : i32 to index
        %parallel_loop3A_457 = arith.index_cast %parallel_loop3A_432 : i32 to index
        %parallel_loop3A_458 = arith.constant 32 : index
        %parallel_loop3A_459 = tpu.vector_load %arg6[%parallel_loop3A_456, %parallel_loop3A_457, %parallel_loop3A_458] {strides = array<i32>} : memref<2x416x64xf32, #tpu.memory_space<vmem>>, vector<16xf32>,
        %parallel_loop3A_460 = arith.constant 0 : i32
        %parallel_loop3A_461 = arith.constant 0 : i32
        %parallel_loop3A_462 = arith.constant 0 : i32
        %parallel_loop3A_463 = arith.constant 0 : i32
        %parallel_loop3A_464 = tpu.memref_slice %arg7[%parallel_loop3A_306, %parallel_loop3A_460, %parallel_loop3A_461, %parallel_loop3A_462, %parallel_loop3A_463] : memref<1x26x8x8x17xf32, #tpu.memory_space<vmem>> -> memref<1x26x8x8x17xf32, #tpu.memory_space<vmem>>
        %parallel_loop3A_465 = tpu.memref_squeeze %parallel_loop3A_464 : memref<1x26x8x8x17xf32, #tpu.memory_space<vmem>> -> memref<26x8x8x17xf32, #tpu.memory_space<vmem>>
        tpu.vector_store_idx %parallel_loop3A_465[%parallel_loop3A_376, %shift_right_arithmetic3A_17, %and3A_25, %parallel_loop3A_428], %parallel_loop3A_459 : memref<26x8x8x17xf32, #tpu.memory_space<vmem>>[vector<16xi32>, vector<16xi32>, vector<16xi32>, vector<16xi32>], vector<16xf32>,
        %parallel_loop3A_466 = arith.constant 1 : i32
        %parallel_loop3A_467 = arith.index_cast %parallel_loop3A_466 : i32 to index
        %parallel_loop3A_468 = arith.index_cast %parallel_loop3A_432 : i32 to index
        %parallel_loop3A_469 = arith.constant 48 : index
        %parallel_loop3A_470 = tpu.vector_load %arg6[%parallel_loop3A_467, %parallel_loop3A_468, %parallel_loop3A_469] {strides = array<i32>} : memref<2x416x64xf32, #tpu.memory_space<vmem>>, vector<16xf32>,
        %parallel_loop3A_471 = arith.constant 0 : i32
        %parallel_loop3A_472 = arith.constant 0 : i32
        %parallel_loop3A_473 = arith.constant 0 : i32
        %parallel_loop3A_474 = arith.constant 0 : i32
        %parallel_loop3A_475 = tpu.memref_slice %arg7[%parallel_loop3A_306, %parallel_loop3A_471, %parallel_loop3A_472, %parallel_loop3A_473, %parallel_loop3A_474] : memref<1x26x8x8x17xf32, #tpu.memory_space<vmem>> -> memref<1x26x8x8x17xf32, #tpu.memory_space<vmem>>
        %parallel_loop3A_476 = tpu.memref_squeeze %parallel_loop3A_475 : memref<1x26x8x8x17xf32, #tpu.memory_space<vmem>> -> memref<26x8x8x17xf32, #tpu.memory_space<vmem>>
        tpu.vector_store_idx %parallel_loop3A_476[%parallel_loop3A_376, %shift_right_arithmetic3A_23, %and3A_25, %parallel_loop3A_428], %parallel_loop3A_470 : memref<26x8x8x17xf32, #tpu.memory_space<vmem>>[vector<16xi32>, vector<16xi32>, vector<16xi32>, vector<16xi32>], vector<16xf32>,
        %parallel_loop3A_477 = arith.constant 2 : i32
        %parallel_loop3A_478 = vector.broadcast %parallel_loop3A_477 : i32 to vector<16xi32>
        %parallel_loop3A_479 = arith.constant 16 : i32
        %parallel_loop3A_480 = arith.muli %parallel_loop3A_375, %parallel_loop3A_479 : i32
        %parallel_loop3A_481 = arith.constant 2 : i32
        %parallel_loop3A_482 = arith.addi %parallel_loop3A_480, %parallel_loop3A_481 : i32
        %parallel_loop3A_483 = arith.constant 1 : i32
        %parallel_loop3A_484 = arith.index_cast %parallel_loop3A_483 : i32 to index
        %parallel_loop3A_485 = arith.index_cast %parallel_loop3A_482 : i32 to index
        %parallel_loop3A_486 = arith.constant 0 : index
        %parallel_loop3A_487 = tpu.vector_load %arg6[%parallel_loop3A_484, %parallel_loop3A_485, %parallel_loop3A_486] {strides = array<i32>} : memref<2x416x64xf32, #tpu.memory_space<vmem>>, vector<16xf32>,
        %parallel_loop3A_488 = arith.constant 0 : i32
        %parallel_loop3A_489 = arith.constant 0 : i32
        %parallel_loop3A_490 = arith.constant 0 : i32
        %parallel_loop3A_491 = arith.constant 0 : i32
        %parallel_loop3A_492 = tpu.memref_slice %arg7[%parallel_loop3A_306, %parallel_loop3A_488, %parallel_loop3A_489, %parallel_loop3A_490, %parallel_loop3A_491] : memref<1x26x8x8x17xf32, #tpu.memory_space<vmem>> -> memref<1x26x8x8x17xf32, #tpu.memory_space<vmem>>
        %parallel_loop3A_493 = tpu.memref_squeeze %parallel_loop3A_492 : memref<1x26x8x8x17xf32, #tpu.memory_space<vmem>> -> memref<26x8x8x17xf32, #tpu.memory_space<vmem>>
        tpu.vector_store_idx %parallel_loop3A_493[%parallel_loop3A_376, %shift_right_arithmetic3A_5, %and3A_25, %parallel_loop3A_478], %parallel_loop3A_487 : memref<26x8x8x17xf32, #tpu.memory_space<vmem>>[vector<16xi32>, vector<16xi32>, vector<16xi32>, vector<16xi32>], vector<16xf32>,
        %parallel_loop3A_494 = arith.constant 1 : i32
        %parallel_loop3A_495 = arith.index_cast %parallel_loop3A_494 : i32 to index
        %parallel_loop3A_496 = arith.index_cast %parallel_loop3A_482 : i32 to index
        %parallel_loop3A_497 = arith.constant 16 : index
        %parallel_loop3A_498 = tpu.vector_load %arg6[%parallel_loop3A_495, %parallel_loop3A_496, %parallel_loop3A_497] {strides = array<i32>} : memref<2x416x64xf32, #tpu.memory_space<vmem>>, vector<16xf32>,
        %parallel_loop3A_499 = arith.constant 0 : i32
        %parallel_loop3A_500 = arith.constant 0 : i32
        %parallel_loop3A_501 = arith.constant 0 : i32
        %parallel_loop3A_502 = arith.constant 0 : i32
        %parallel_loop3A_503 = tpu.memref_slice %arg7[%parallel_loop3A_306, %parallel_loop3A_499, %parallel_loop3A_500, %parallel_loop3A_501, %parallel_loop3A_502] : memref<1x26x8x8x17xf32, #tpu.memory_space<vmem>> -> memref<1x26x8x8x17xf32, #tpu.memory_space<vmem>>
        %parallel_loop3A_504 = tpu.memref_squeeze %parallel_loop3A_503 : memref<1x26x8x8x17xf32, #tpu.memory_space<vmem>> -> memref<26x8x8x17xf32, #tpu.memory_space<vmem>>
        tpu.vector_store_idx %parallel_loop3A_504[%parallel_loop3A_376, %shift_right_arithmetic3A_11, %and3A_25, %parallel_loop3A_478], %parallel_loop3A_498 : memref<26x8x8x17xf32, #tpu.memory_space<vmem>>[vector<16xi32>, vector<16xi32>, vector<16xi32>, vector<16xi32>], vector<16xf32>,
        %parallel_loop3A_505 = arith.constant 1 : i32
        %parallel_loop3A_506 = arith.index_cast %parallel_loop3A_505 : i32 to index
        %parallel_loop3A_507 = arith.index_cast %parallel_loop3A_482 : i32 to index
        %parallel_loop3A_508 = arith.constant 32 : index
        %parallel_loop3A_509 = tpu.vector_load %arg6[%parallel_loop3A_506, %parallel_loop3A_507, %parallel_loop3A_508] {strides = array<i32>} : memref<2x416x64xf32, #tpu.memory_space<vmem>>, vector<16xf32>,
        %parallel_loop3A_510 = arith.constant 0 : i32
        %parallel_loop3A_511 = arith.constant 0 : i32
        %parallel_loop3A_512 = arith.constant 0 : i32
        %parallel_loop3A_513 = arith.constant 0 : i32
        %parallel_loop3A_514 = tpu.memref_slice %arg7[%parallel_loop3A_306, %parallel_loop3A_510, %parallel_loop3A_511, %parallel_loop3A_512, %parallel_loop3A_513] : memref<1x26x8x8x17xf32, #tpu.memory_space<vmem>> -> memref<1x26x8x8x17xf32, #tpu.memory_space<vmem>>
        %parallel_loop3A_515 = tpu.memref_squeeze %parallel_loop3A_514 : memref<1x26x8x8x17xf32, #tpu.memory_space<vmem>> -> memref<26x8x8x17xf32, #tpu.memory_space<vmem>>
        tpu.vector_store_idx %parallel_loop3A_515[%parallel_loop3A_376, %shift_right_arithmetic3A_17, %and3A_25, %parallel_loop3A_478], %parallel_loop3A_509 : memref<26x8x8x17xf32, #tpu.memory_space<vmem>>[vector<16xi32>, vector<16xi32>, vector<16xi32>, vector<16xi32>], vector<16xf32>,
        %parallel_loop3A_516 = arith.constant 1 : i32
        %parallel_loop3A_517 = arith.index_cast %parallel_loop3A_516 : i32 to index
        %parallel_loop3A_518 = arith.index_cast %parallel_loop3A_482 : i32 to index
        %parallel_loop3A_519 = arith.constant 48 : index
        %parallel_loop3A_520 = tpu.vector_load %arg6[%parallel_loop3A_517, %parallel_loop3A_518, %parallel_loop3A_519] {strides = array<i32>} : memref<2x416x64xf32, #tpu.memory_space<vmem>>, vector<16xf32>,
        %parallel_loop3A_521 = arith.constant 0 : i32
        %parallel_loop3A_522 = arith.constant 0 : i32
        %parallel_loop3A_523 = arith.constant 0 : i32
        %parallel_loop3A_524 = arith.constant 0 : i32
        %parallel_loop3A_525 = tpu.memref_slice %arg7[%parallel_loop3A_306, %parallel_loop3A_521, %parallel_loop3A_522, %parallel_loop3A_523, %parallel_loop3A_524] : memref<1x26x8x8x17xf32, #tpu.memory_space<vmem>> -> memref<1x26x8x8x17xf32, #tpu.memory_space<vmem>>
        %parallel_loop3A_526 = tpu.memref_squeeze %parallel_loop3A_525 : memref<1x26x8x8x17xf32, #tpu.memory_space<vmem>> -> memref<26x8x8x17xf32, #tpu.memory_space<vmem>>
        tpu.vector_store_idx %parallel_loop3A_526[%parallel_loop3A_376, %shift_right_arithmetic3A_23, %and3A_25, %parallel_loop3A_478], %parallel_loop3A_520 : memref<26x8x8x17xf32, #tpu.memory_space<vmem>>[vector<16xi32>, vector<16xi32>, vector<16xi32>, vector<16xi32>], vector<16xf32>,
        %parallel_loop3A_527 = arith.constant 3 : i32
        %parallel_loop3A_528 = vector.broadcast %parallel_loop3A_527 : i32 to vector<16xi32>
        %parallel_loop3A_529 = arith.constant 16 : i32
        %parallel_loop3A_530 = arith.muli %parallel_loop3A_375, %parallel_loop3A_529 : i32
        %parallel_loop3A_531 = arith.constant 3 : i32
        %parallel_loop3A_532 = arith.addi %parallel_loop3A_530, %parallel_loop3A_531 : i32
        %parallel_loop3A_533 = arith.constant 1 : i32
        %parallel_loop3A_534 = arith.index_cast %parallel_loop3A_533 : i32 to index
        %parallel_loop3A_535 = arith.index_cast %parallel_loop3A_532 : i32 to index
        %parallel_loop3A_536 = arith.constant 0 : index
        %parallel_loop3A_537 = tpu.vector_load %arg6[%parallel_loop3A_534, %parallel_loop3A_535, %parallel_loop3A_536] {strides = array<i32>} : memref<2x416x64xf32, #tpu.memory_space<vmem>>, vector<16xf32>,
        %parallel_loop3A_538 = arith.constant 0 : i32
        %parallel_loop3A_539 = arith.constant 0 : i32
        %parallel_loop3A_540 = arith.constant 0 : i32
        %parallel_loop3A_541 = arith.constant 0 : i32
        %parallel_loop3A_542 = tpu.memref_slice %arg7[%parallel_loop3A_306, %parallel_loop3A_538, %parallel_loop3A_539, %parallel_loop3A_540, %parallel_loop3A_541] : memref<1x26x8x8x17xf32, #tpu.memory_space<vmem>> -> memref<1x26x8x8x17xf32, #tpu.memory_space<vmem>>
        %parallel_loop3A_543 = tpu.memref_squeeze %parallel_loop3A_542 : memref<1x26x8x8x17xf32, #tpu.memory_space<vmem>> -> memref<26x8x8x17xf32, #tpu.memory_space<vmem>>
        tpu.vector_store_idx %parallel_loop3A_543[%parallel_loop3A_376, %shift_right_arithmetic3A_5, %and3A_25, %parallel_loop3A_528], %parallel_loop3A_537 : memref<26x8x8x17xf32, #tpu.memory_space<vmem>>[vector<16xi32>, vector<16xi32>, vector<16xi32>, vector<16xi32>], vector<16xf32>,
        %parallel_loop3A_544 = arith.constant 1 : i32
        %parallel_loop3A_545 = arith.index_cast %parallel_loop3A_544 : i32 to index
        %parallel_loop3A_546 = arith.index_cast %parallel_loop3A_532 : i32 to index
        %parallel_loop3A_547 = arith.constant 16 : index
        %parallel_loop3A_548 = tpu.vector_load %arg6[%parallel_loop3A_545, %parallel_loop3A_546, %parallel_loop3A_547] {strides = array<i32>} : memref<2x416x64xf32, #tpu.memory_space<vmem>>, vector<16xf32>,
        %parallel_loop3A_549 = arith.constant 0 : i32
        %parallel_loop3A_550 = arith.constant 0 : i32
        %parallel_loop3A_551 = arith.constant 0 : i32
        %parallel_loop3A_552 = arith.constant 0 : i32
        %parallel_loop3A_553 = tpu.memref_slice %arg7[%parallel_loop3A_306, %parallel_loop3A_549, %parallel_loop3A_550, %parallel_loop3A_551, %parallel_loop3A_552] : memref<1x26x8x8x17xf32, #tpu.memory_space<vmem>> -> memref<1x26x8x8x17xf32, #tpu.memory_space<vmem>>
        %parallel_loop3A_554 = tpu.memref_squeeze %parallel_loop3A_553 : memref<1x26x8x8x17xf32, #tpu.memory_space<vmem>> -> memref<26x8x8x17xf32, #tpu.memory_space<vmem>>
        tpu.vector_store_idx %parallel_loop3A_554[%parallel_loop3A_376, %shift_right_arithmetic3A_11, %and3A_25, %parallel_loop3A_528], %parallel_loop3A_548 : memref<26x8x8x17xf32, #tpu.memory_space<vmem>>[vector<16xi32>, vector<16xi32>, vector<16xi32>, vector<16xi32>], vector<16xf32>,
        %parallel_loop3A_555 = arith.constant 1 : i32
        %parallel_loop3A_556 = arith.index_cast %parallel_loop3A_555 : i32 to index
        %parallel_loop3A_557 = arith.index_cast %parallel_loop3A_532 : i32 to index
        %parallel_loop3A_558 = arith.constant 32 : index
        %parallel_loop3A_559 = tpu.vector_load %arg6[%parallel_loop3A_556, %parallel_loop3A_557, %parallel_loop3A_558] {strides = array<i32>} : memref<2x416x64xf32, #tpu.memory_space<vmem>>, vector<16xf32>,
        %parallel_loop3A_560 = arith.constant 0 : i32
        %parallel_loop3A_561 = arith.constant 0 : i32
        %parallel_loop3A_562 = arith.constant 0 : i32
        %parallel_loop3A_563 = arith.constant 0 : i32
        %parallel_loop3A_564 = tpu.memref_slice %arg7[%parallel_loop3A_306, %parallel_loop3A_560, %parallel_loop3A_561, %parallel_loop3A_562, %parallel_loop3A_563] : memref<1x26x8x8x17xf32, #tpu.memory_space<vmem>> -> memref<1x26x8x8x17xf32, #tpu.memory_space<vmem>>
        %parallel_loop3A_565 = tpu.memref_squeeze %parallel_loop3A_564 : memref<1x26x8x8x17xf32, #tpu.memory_space<vmem>> -> memref<26x8x8x17xf32, #tpu.memory_space<vmem>>
        tpu.vector_store_idx %parallel_loop3A_565[%parallel_loop3A_376, %shift_right_arithmetic3A_17, %and3A_25, %parallel_loop3A_528], %parallel_loop3A_559 : memref<26x8x8x17xf32, #tpu.memory_space<vmem>>[vector<16xi32>, vector<16xi32>, vector<16xi32>, vector<16xi32>], vector<16xf32>,
        %parallel_loop3A_566 = arith.constant 1 : i32
        %parallel_loop3A_567 = arith.index_cast %parallel_loop3A_566 : i32 to index
        %parallel_loop3A_568 = arith.index_cast %parallel_loop3A_532 : i32 to index
        %parallel_loop3A_569 = arith.constant 48 : index
        %parallel_loop3A_570 = tpu.vector_load %arg6[%parallel_loop3A_567, %parallel_loop3A_568, %parallel_loop3A_569] {strides = array<i32>} : memref<2x416x64xf32, #tpu.memory_space<vmem>>, vector<16xf32>,
        %parallel_loop3A_571 = arith.constant 0 : i32
        %parallel_loop3A_572 = arith.constant 0 : i32
        %parallel_loop3A_573 = arith.constant 0 : i32
        %parallel_loop3A_574 = arith.constant 0 : i32
        %parallel_loop3A_575 = tpu.memref_slice %arg7[%parallel_loop3A_306, %parallel_loop3A_571, %parallel_loop3A_572, %parallel_loop3A_573, %parallel_loop3A_574] : memref<1x26x8x8x17xf32, #tpu.memory_space<vmem>> -> memref<1x26x8x8x17xf32, #tpu.memory_space<vmem>>
        %parallel_loop3A_576 = tpu.memref_squeeze %parallel_loop3A_575 : memref<1x26x8x8x17xf32, #tpu.memory_space<vmem>> -> memref<26x8x8x17xf32, #tpu.memory_space<vmem>>
        tpu.vector_store_idx %parallel_loop3A_576[%parallel_loop3A_376, %shift_right_arithmetic3A_23, %and3A_25, %parallel_loop3A_528], %parallel_loop3A_570 : memref<26x8x8x17xf32, #tpu.memory_space<vmem>>[vector<16xi32>, vector<16xi32>, vector<16xi32>, vector<16xi32>], vector<16xf32>,
        %parallel_loop3A_577 = arith.constant 4 : i32
        %parallel_loop3A_578 = vector.broadcast %parallel_loop3A_577 : i32 to vector<16xi32>
        %parallel_loop3A_579 = arith.constant 16 : i32
        %parallel_loop3A_580 = arith.muli %parallel_loop3A_375, %parallel_loop3A_579 : i32
        %parallel_loop3A_581 = arith.constant 4 : i32
        %parallel_loop3A_582 = arith.addi %parallel_loop3A_580, %parallel_loop3A_581 : i32
        %parallel_loop3A_583 = arith.constant 1 : i32
        %parallel_loop3A_584 = arith.index_cast %parallel_loop3A_583 : i32 to index
        %parallel_loop3A_585 = arith.index_cast %parallel_loop3A_582 : i32 to index
        %parallel_loop3A_586 = arith.constant 0 : index
        %parallel_loop3A_587 = tpu.vector_load %arg6[%parallel_loop3A_584, %parallel_loop3A_585, %parallel_loop3A_586] {strides = array<i32>} : memref<2x416x64xf32, #tpu.memory_space<vmem>>, vector<16xf32>,
        %parallel_loop3A_588 = arith.constant 0 : i32
        %parallel_loop3A_589 = arith.constant 0 : i32
        %parallel_loop3A_590 = arith.constant 0 : i32
        %parallel_loop3A_591 = arith.constant 0 : i32
        %parallel_loop3A_592 = tpu.memref_slice %arg7[%parallel_loop3A_306, %parallel_loop3A_588, %parallel_loop3A_589, %parallel_loop3A_590, %parallel_loop3A_591] : memref<1x26x8x8x17xf32, #tpu.memory_space<vmem>> -> memref<1x26x8x8x17xf32, #tpu.memory_space<vmem>>
        %parallel_loop3A_593 = tpu.memref_squeeze %parallel_loop3A_592 : memref<1x26x8x8x17xf32, #tpu.memory_space<vmem>> -> memref<26x8x8x17xf32, #tpu.memory_space<vmem>>
        tpu.vector_store_idx %parallel_loop3A_593[%parallel_loop3A_376, %shift_right_arithmetic3A_5, %and3A_25, %parallel_loop3A_578], %parallel_loop3A_587 : memref<26x8x8x17xf32, #tpu.memory_space<vmem>>[vector<16xi32>, vector<16xi32>, vector<16xi32>, vector<16xi32>], vector<16xf32>,
        %parallel_loop3A_594 = arith.constant 1 : i32
        %parallel_loop3A_595 = arith.index_cast %parallel_loop3A_594 : i32 to index
        %parallel_loop3A_596 = arith.index_cast %parallel_loop3A_582 : i32 to index
        %parallel_loop3A_597 = arith.constant 16 : index
        %parallel_loop3A_598 = tpu.vector_load %arg6[%parallel_loop3A_595, %parallel_loop3A_596, %parallel_loop3A_597] {strides = array<i32>} : memref<2x416x64xf32, #tpu.memory_space<vmem>>, vector<16xf32>,
        %parallel_loop3A_599 = arith.constant 0 : i32
        %parallel_loop3A_600 = arith.constant 0 : i32
        %parallel_loop3A_601 = arith.constant 0 : i32
        %parallel_loop3A_602 = arith.constant 0 : i32
        %parallel_loop3A_603 = tpu.memref_slice %arg7[%parallel_loop3A_306, %parallel_loop3A_599, %parallel_loop3A_600, %parallel_loop3A_601, %parallel_loop3A_602] : memref<1x26x8x8x17xf32, #tpu.memory_space<vmem>> -> memref<1x26x8x8x17xf32, #tpu.memory_space<vmem>>
        %parallel_loop3A_604 = tpu.memref_squeeze %parallel_loop3A_603 : memref<1x26x8x8x17xf32, #tpu.memory_space<vmem>> -> memref<26x8x8x17xf32, #tpu.memory_space<vmem>>
        tpu.vector_store_idx %parallel_loop3A_604[%parallel_loop3A_376, %shift_right_arithmetic3A_11, %and3A_25, %parallel_loop3A_578], %parallel_loop3A_598 : memref<26x8x8x17xf32, #tpu.memory_space<vmem>>[vector<16xi32>, vector<16xi32>, vector<16xi32>, vector<16xi32>], vector<16xf32>,
        %parallel_loop3A_605 = arith.constant 1 : i32
        %parallel_loop3A_606 = arith.index_cast %parallel_loop3A_605 : i32 to index
        %parallel_loop3A_607 = arith.index_cast %parallel_loop3A_582 : i32 to index
        %parallel_loop3A_608 = arith.constant 32 : index
        %parallel_loop3A_609 = tpu.vector_load %arg6[%parallel_loop3A_606, %parallel_loop3A_607, %parallel_loop3A_608] {strides = array<i32>} : memref<2x416x64xf32, #tpu.memory_space<vmem>>, vector<16xf32>,
        %parallel_loop3A_610 = arith.constant 0 : i32
        %parallel_loop3A_611 = arith.constant 0 : i32
        %parallel_loop3A_612 = arith.constant 0 : i32
        %parallel_loop3A_613 = arith.constant 0 : i32
        %parallel_loop3A_614 = tpu.memref_slice %arg7[%parallel_loop3A_306, %parallel_loop3A_610, %parallel_loop3A_611, %parallel_loop3A_612, %parallel_loop3A_613] : memref<1x26x8x8x17xf32, #tpu.memory_space<vmem>> -> memref<1x26x8x8x17xf32, #tpu.memory_space<vmem>>
        %parallel_loop3A_615 = tpu.memref_squeeze %parallel_loop3A_614 : memref<1x26x8x8x17xf32, #tpu.memory_space<vmem>> -> memref<26x8x8x17xf32, #tpu.memory_space<vmem>>
        tpu.vector_store_idx %parallel_loop3A_615[%parallel_loop3A_376, %shift_right_arithmetic3A_17, %and3A_25, %parallel_loop3A_578], %parallel_loop3A_609 : memref<26x8x8x17xf32, #tpu.memory_space<vmem>>[vector<16xi32>, vector<16xi32>, vector<16xi32>, vector<16xi32>], vector<16xf32>,
        %parallel_loop3A_616 = arith.constant 1 : i32
        %parallel_loop3A_617 = arith.index_cast %parallel_loop3A_616 : i32 to index
        %parallel_loop3A_618 = arith.index_cast %parallel_loop3A_582 : i32 to index
        %parallel_loop3A_619 = arith.constant 48 : index
        %parallel_loop3A_620 = tpu.vector_load %arg6[%parallel_loop3A_617, %parallel_loop3A_618, %parallel_loop3A_619] {strides = array<i32>} : memref<2x416x64xf32, #tpu.memory_space<vmem>>, vector<16xf32>,
        %parallel_loop3A_621 = arith.constant 0 : i32
        %parallel_loop3A_622 = arith.constant 0 : i32
        %parallel_loop3A_623 = arith.constant 0 : i32
        %parallel_loop3A_624 = arith.constant 0 : i32
        %parallel_loop3A_625 = tpu.memref_slice %arg7[%parallel_loop3A_306, %parallel_loop3A_621, %parallel_loop3A_622, %parallel_loop3A_623, %parallel_loop3A_624] : memref<1x26x8x8x17xf32, #tpu.memory_space<vmem>> -> memref<1x26x8x8x17xf32, #tpu.memory_space<vmem>>
        %parallel_loop3A_626 = tpu.memref_squeeze %parallel_loop3A_625 : memref<1x26x8x8x17xf32, #tpu.memory_space<vmem>> -> memref<26x8x8x17xf32, #tpu.memory_space<vmem>>
        tpu.vector_store_idx %parallel_loop3A_626[%parallel_loop3A_376, %shift_right_arithmetic3A_23, %and3A_25, %parallel_loop3A_578], %parallel_loop3A_620 : memref<26x8x8x17xf32, #tpu.memory_space<vmem>>[vector<16xi32>, vector<16xi32>, vector<16xi32>, vector<16xi32>], vector<16xf32>,
        %parallel_loop3A_627 = arith.constant 5 : i32
        %parallel_loop3A_628 = vector.broadcast %parallel_loop3A_627 : i32 to vector<16xi32>
        %parallel_loop3A_629 = arith.constant 16 : i32
        %parallel_loop3A_630 = arith.muli %parallel_loop3A_375, %parallel_loop3A_629 : i32
        %parallel_loop3A_631 = arith.constant 5 : i32
        %parallel_loop3A_632 = arith.addi %parallel_loop3A_630, %parallel_loop3A_631 : i32
        %parallel_loop3A_633 = arith.constant 1 : i32
        %parallel_loop3A_634 = arith.index_cast %parallel_loop3A_633 : i32 to index
        %parallel_loop3A_635 = arith.index_cast %parallel_loop3A_632 : i32 to index
        %parallel_loop3A_636 = arith.constant 0 : index
        %parallel_loop3A_637 = tpu.vector_load %arg6[%parallel_loop3A_634, %parallel_loop3A_635, %parallel_loop3A_636] {strides = array<i32>} : memref<2x416x64xf32, #tpu.memory_space<vmem>>, vector<16xf32>,
        %parallel_loop3A_638 = arith.constant 0 : i32
        %parallel_loop3A_639 = arith.constant 0 : i32
        %parallel_loop3A_640 = arith.constant 0 : i32
        %parallel_loop3A_641 = arith.constant 0 : i32
        %parallel_loop3A_642 = tpu.memref_slice %arg7[%parallel_loop3A_306, %parallel_loop3A_638, %parallel_loop3A_639, %parallel_loop3A_640, %parallel_loop3A_641] : memref<1x26x8x8x17xf32, #tpu.memory_space<vmem>> -> memref<1x26x8x8x17xf32, #tpu.memory_space<vmem>>
        %parallel_loop3A_643 = tpu.memref_squeeze %parallel_loop3A_642 : memref<1x26x8x8x17xf32, #tpu.memory_space<vmem>> -> memref<26x8x8x17xf32, #tpu.memory_space<vmem>>
        tpu.vector_store_idx %parallel_loop3A_643[%parallel_loop3A_376, %shift_right_arithmetic3A_5, %and3A_25, %parallel_loop3A_628], %parallel_loop3A_637 : memref<26x8x8x17xf32, #tpu.memory_space<vmem>>[vector<16xi32>, vector<16xi32>, vector<16xi32>, vector<16xi32>], vector<16xf32>,
        %parallel_loop3A_644 = arith.constant 1 : i32
        %parallel_loop3A_645 = arith.index_cast %parallel_loop3A_644 : i32 to index
        %parallel_loop3A_646 = arith.index_cast %parallel_loop3A_632 : i32 to index
        %parallel_loop3A_647 = arith.constant 16 : index
        %parallel_loop3A_648 = tpu.vector_load %arg6[%parallel_loop3A_645, %parallel_loop3A_646, %parallel_loop3A_647] {strides = array<i32>} : memref<2x416x64xf32, #tpu.memory_space<vmem>>, vector<16xf32>,
        %parallel_loop3A_649 = arith.constant 0 : i32
        %parallel_loop3A_650 = arith.constant 0 : i32
        %parallel_loop3A_651 = arith.constant 0 : i32
        %parallel_loop3A_652 = arith.constant 0 : i32
        %parallel_loop3A_653 = tpu.memref_slice %arg7[%parallel_loop3A_306, %parallel_loop3A_649, %parallel_loop3A_650, %parallel_loop3A_651, %parallel_loop3A_652] : memref<1x26x8x8x17xf32, #tpu.memory_space<vmem>> -> memref<1x26x8x8x17xf32, #tpu.memory_space<vmem>>
        %parallel_loop3A_654 = tpu.memref_squeeze %parallel_loop3A_653 : memref<1x26x8x8x17xf32, #tpu.memory_space<vmem>> -> memref<26x8x8x17xf32, #tpu.memory_space<vmem>>
        tpu.vector_store_idx %parallel_loop3A_654[%parallel_loop3A_376, %shift_right_arithmetic3A_11, %and3A_25, %parallel_loop3A_628], %parallel_loop3A_648 : memref<26x8x8x17xf32, #tpu.memory_space<vmem>>[vector<16xi32>, vector<16xi32>, vector<16xi32>, vector<16xi32>], vector<16xf32>,
        %parallel_loop3A_655 = arith.constant 1 : i32
        %parallel_loop3A_656 = arith.index_cast %parallel_loop3A_655 : i32 to index
        %parallel_loop3A_657 = arith.index_cast %parallel_loop3A_632 : i32 to index
        %parallel_loop3A_658 = arith.constant 32 : index
        %parallel_loop3A_659 = tpu.vector_load %arg6[%parallel_loop3A_656, %parallel_loop3A_657, %parallel_loop3A_658] {strides = array<i32>} : memref<2x416x64xf32, #tpu.memory_space<vmem>>, vector<16xf32>,
        %parallel_loop3A_660 = arith.constant 0 : i32
        %parallel_loop3A_661 = arith.constant 0 : i32
        %parallel_loop3A_662 = arith.constant 0 : i32
        %parallel_loop3A_663 = arith.constant 0 : i32
        %parallel_loop3A_664 = tpu.memref_slice %arg7[%parallel_loop3A_306, %parallel_loop3A_660, %parallel_loop3A_661, %parallel_loop3A_662, %parallel_loop3A_663] : memref<1x26x8x8x17xf32, #tpu.memory_space<vmem>> -> memref<1x26x8x8x17xf32, #tpu.memory_space<vmem>>
        %parallel_loop3A_665 = tpu.memref_squeeze %parallel_loop3A_664 : memref<1x26x8x8x17xf32, #tpu.memory_space<vmem>> -> memref<26x8x8x17xf32, #tpu.memory_space<vmem>>
        tpu.vector_store_idx %parallel_loop3A_665[%parallel_loop3A_376, %shift_right_arithmetic3A_17, %and3A_25, %parallel_loop3A_628], %parallel_loop3A_659 : memref<26x8x8x17xf32, #tpu.memory_space<vmem>>[vector<16xi32>, vector<16xi32>, vector<16xi32>, vector<16xi32>], vector<16xf32>,
        %parallel_loop3A_666 = arith.constant 1 : i32
        %parallel_loop3A_667 = arith.index_cast %parallel_loop3A_666 : i32 to index
        %parallel_loop3A_668 = arith.index_cast %parallel_loop3A_632 : i32 to index
        %parallel_loop3A_669 = arith.constant 48 : index
        %parallel_loop3A_670 = tpu.vector_load %arg6[%parallel_loop3A_667, %parallel_loop3A_668, %parallel_loop3A_669] {strides = array<i32>} : memref<2x416x64xf32, #tpu.memory_space<vmem>>, vector<16xf32>,
        %parallel_loop3A_671 = arith.constant 0 : i32
        %parallel_loop3A_672 = arith.constant 0 : i32
        %parallel_loop3A_673 = arith.constant 0 : i32
        %parallel_loop3A_674 = arith.constant 0 : i32
        %parallel_loop3A_675 = tpu.memref_slice %arg7[%parallel_loop3A_306, %parallel_loop3A_671, %parallel_loop3A_672, %parallel_loop3A_673, %parallel_loop3A_674] : memref<1x26x8x8x17xf32, #tpu.memory_space<vmem>> -> memref<1x26x8x8x17xf32, #tpu.memory_space<vmem>>
        %parallel_loop3A_676 = tpu.memref_squeeze %parallel_loop3A_675 : memref<1x26x8x8x17xf32, #tpu.memory_space<vmem>> -> memref<26x8x8x17xf32, #tpu.memory_space<vmem>>
        tpu.vector_store_idx %parallel_loop3A_676[%parallel_loop3A_376, %shift_right_arithmetic3A_23, %and3A_25, %parallel_loop3A_628], %parallel_loop3A_670 : memref<26x8x8x17xf32, #tpu.memory_space<vmem>>[vector<16xi32>, vector<16xi32>, vector<16xi32>, vector<16xi32>], vector<16xf32>,
        %parallel_loop3A_677 = arith.constant 6 : i32
        %parallel_loop3A_678 = vector.broadcast %parallel_loop3A_677 : i32 to vector<16xi32>
        %parallel_loop3A_679 = arith.constant 16 : i32
        %parallel_loop3A_680 = arith.muli %parallel_loop3A_375, %parallel_loop3A_679 : i32
        %parallel_loop3A_681 = arith.constant 6 : i32
        %parallel_loop3A_682 = arith.addi %parallel_loop3A_680, %parallel_loop3A_681 : i32
        %parallel_loop3A_683 = arith.constant 1 : i32
        %parallel_loop3A_684 = arith.index_cast %parallel_loop3A_683 : i32 to index
        %parallel_loop3A_685 = arith.index_cast %parallel_loop3A_682 : i32 to index
        %parallel_loop3A_686 = arith.constant 0 : index
        %parallel_loop3A_687 = tpu.vector_load %arg6[%parallel_loop3A_684, %parallel_loop3A_685, %parallel_loop3A_686] {strides = array<i32>} : memref<2x416x64xf32, #tpu.memory_space<vmem>>, vector<16xf32>,
        %parallel_loop3A_688 = arith.constant 0 : i32
        %parallel_loop3A_689 = arith.constant 0 : i32
        %parallel_loop3A_690 = arith.constant 0 : i32
        %parallel_loop3A_691 = arith.constant 0 : i32
        %parallel_loop3A_692 = tpu.memref_slice %arg7[%parallel_loop3A_306, %parallel_loop3A_688, %parallel_loop3A_689, %parallel_loop3A_690, %parallel_loop3A_691] : memref<1x26x8x8x17xf32, #tpu.memory_space<vmem>> -> memref<1x26x8x8x17xf32, #tpu.memory_space<vmem>>
        %parallel_loop3A_693 = tpu.memref_squeeze %parallel_loop3A_692 : memref<1x26x8x8x17xf32, #tpu.memory_space<vmem>> -> memref<26x8x8x17xf32, #tpu.memory_space<vmem>>
        tpu.vector_store_idx %parallel_loop3A_693[%parallel_loop3A_376, %shift_right_arithmetic3A_5, %and3A_25, %parallel_loop3A_678], %parallel_loop3A_687 : memref<26x8x8x17xf32, #tpu.memory_space<vmem>>[vector<16xi32>, vector<16xi32>, vector<16xi32>, vector<16xi32>], vector<16xf32>,
        %parallel_loop3A_694 = arith.constant 1 : i32
        %parallel_loop3A_695 = arith.index_cast %parallel_loop3A_694 : i32 to index
        %parallel_loop3A_696 = arith.index_cast %parallel_loop3A_682 : i32 to index
        %parallel_loop3A_697 = arith.constant 16 : index
        %parallel_loop3A_698 = tpu.vector_load %arg6[%parallel_loop3A_695, %parallel_loop3A_696, %parallel_loop3A_697] {strides = array<i32>} : memref<2x416x64xf32, #tpu.memory_space<vmem>>, vector<16xf32>,
        %parallel_loop3A_699 = arith.constant 0 : i32
        %parallel_loop3A_700 = arith.constant 0 : i32
        %parallel_loop3A_701 = arith.constant 0 : i32
        %parallel_loop3A_702 = arith.constant 0 : i32
        %parallel_loop3A_703 = tpu.memref_slice %arg7[%parallel_loop3A_306, %parallel_loop3A_699, %parallel_loop3A_700, %parallel_loop3A_701, %parallel_loop3A_702] : memref<1x26x8x8x17xf32, #tpu.memory_space<vmem>> -> memref<1x26x8x8x17xf32, #tpu.memory_space<vmem>>
        %parallel_loop3A_704 = tpu.memref_squeeze %parallel_loop3A_703 : memref<1x26x8x8x17xf32, #tpu.memory_space<vmem>> -> memref<26x8x8x17xf32, #tpu.memory_space<vmem>>
        tpu.vector_store_idx %parallel_loop3A_704[%parallel_loop3A_376, %shift_right_arithmetic3A_11, %and3A_25, %parallel_loop3A_678], %parallel_loop3A_698 : memref<26x8x8x17xf32, #tpu.memory_space<vmem>>[vector<16xi32>, vector<16xi32>, vector<16xi32>, vector<16xi32>], vector<16xf32>,
        %parallel_loop3A_705 = arith.constant 1 : i32
        %parallel_loop3A_706 = arith.index_cast %parallel_loop3A_705 : i32 to index
        %parallel_loop3A_707 = arith.index_cast %parallel_loop3A_682 : i32 to index
        %parallel_loop3A_708 = arith.constant 32 : index
        %parallel_loop3A_709 = tpu.vector_load %arg6[%parallel_loop3A_706, %parallel_loop3A_707, %parallel_loop3A_708] {strides = array<i32>} : memref<2x416x64xf32, #tpu.memory_space<vmem>>, vector<16xf32>,
        %parallel_loop3A_710 = arith.constant 0 : i32
        %parallel_loop3A_711 = arith.constant 0 : i32
        %parallel_loop3A_712 = arith.constant 0 : i32
        %parallel_loop3A_713 = arith.constant 0 : i32
        %parallel_loop3A_714 = tpu.memref_slice %arg7[%parallel_loop3A_306, %parallel_loop3A_710, %parallel_loop3A_711, %parallel_loop3A_712, %parallel_loop3A_713] : memref<1x26x8x8x17xf32, #tpu.memory_space<vmem>> -> memref<1x26x8x8x17xf32, #tpu.memory_space<vmem>>
        %parallel_loop3A_715 = tpu.memref_squeeze %parallel_loop3A_714 : memref<1x26x8x8x17xf32, #tpu.memory_space<vmem>> -> memref<26x8x8x17xf32, #tpu.memory_space<vmem>>
        tpu.vector_store_idx %parallel_loop3A_715[%parallel_loop3A_376, %shift_right_arithmetic3A_17, %and3A_25, %parallel_loop3A_678], %parallel_loop3A_709 : memref<26x8x8x17xf32, #tpu.memory_space<vmem>>[vector<16xi32>, vector<16xi32>, vector<16xi32>, vector<16xi32>], vector<16xf32>,
        %parallel_loop3A_716 = arith.constant 1 : i32
        %parallel_loop3A_717 = arith.index_cast %parallel_loop3A_716 : i32 to index
        %parallel_loop3A_718 = arith.index_cast %parallel_loop3A_682 : i32 to index
        %parallel_loop3A_719 = arith.constant 48 : index
        %parallel_loop3A_720 = tpu.vector_load %arg6[%parallel_loop3A_717, %parallel_loop3A_718, %parallel_loop3A_719] {strides = array<i32>} : memref<2x416x64xf32, #tpu.memory_space<vmem>>, vector<16xf32>,
        %parallel_loop3A_721 = arith.constant 0 : i32
        %parallel_loop3A_722 = arith.constant 0 : i32
        %parallel_loop3A_723 = arith.constant 0 : i32
        %parallel_loop3A_724 = arith.constant 0 : i32
        %parallel_loop3A_725 = tpu.memref_slice %arg7[%parallel_loop3A_306, %parallel_loop3A_721, %parallel_loop3A_722, %parallel_loop3A_723, %parallel_loop3A_724] : memref<1x26x8x8x17xf32, #tpu.memory_space<vmem>> -> memref<1x26x8x8x17xf32, #tpu.memory_space<vmem>>
        %parallel_loop3A_726 = tpu.memref_squeeze %parallel_loop3A_725 : memref<1x26x8x8x17xf32, #tpu.memory_space<vmem>> -> memref<26x8x8x17xf32, #tpu.memory_space<vmem>>
        tpu.vector_store_idx %parallel_loop3A_726[%parallel_loop3A_376, %shift_right_arithmetic3A_23, %and3A_25, %parallel_loop3A_678], %parallel_loop3A_720 : memref<26x8x8x17xf32, #tpu.memory_space<vmem>>[vector<16xi32>, vector<16xi32>, vector<16xi32>, vector<16xi32>], vector<16xf32>,
        %parallel_loop3A_727 = arith.constant 7 : i32
        %parallel_loop3A_728 = vector.broadcast %parallel_loop3A_727 : i32 to vector<16xi32>
        %parallel_loop3A_729 = arith.constant 16 : i32
        %parallel_loop3A_730 = arith.muli %parallel_loop3A_375, %parallel_loop3A_729 : i32
        %parallel_loop3A_731 = arith.constant 7 : i32
        %parallel_loop3A_732 = arith.addi %parallel_loop3A_730, %parallel_loop3A_731 : i32
        %parallel_loop3A_733 = arith.constant 1 : i32
        %parallel_loop3A_734 = arith.index_cast %parallel_loop3A_733 : i32 to index
        %parallel_loop3A_735 = arith.index_cast %parallel_loop3A_732 : i32 to index
        %parallel_loop3A_736 = arith.constant 0 : index
        %parallel_loop3A_737 = tpu.vector_load %arg6[%parallel_loop3A_734, %parallel_loop3A_735, %parallel_loop3A_736] {strides = array<i32>} : memref<2x416x64xf32, #tpu.memory_space<vmem>>, vector<16xf32>,
        %parallel_loop3A_738 = arith.constant 0 : i32
        %parallel_loop3A_739 = arith.constant 0 : i32
        %parallel_loop3A_740 = arith.constant 0 : i32
        %parallel_loop3A_741 = arith.constant 0 : i32
        %parallel_loop3A_742 = tpu.memref_slice %arg7[%parallel_loop3A_306, %parallel_loop3A_738, %parallel_loop3A_739, %parallel_loop3A_740, %parallel_loop3A_741] : memref<1x26x8x8x17xf32, #tpu.memory_space<vmem>> -> memref<1x26x8x8x17xf32, #tpu.memory_space<vmem>>
        %parallel_loop3A_743 = tpu.memref_squeeze %parallel_loop3A_742 : memref<1x26x8x8x17xf32, #tpu.memory_space<vmem>> -> memref<26x8x8x17xf32, #tpu.memory_space<vmem>>
        tpu.vector_store_idx %parallel_loop3A_743[%parallel_loop3A_376, %shift_right_arithmetic3A_5, %and3A_25, %parallel_loop3A_728], %parallel_loop3A_737 : memref<26x8x8x17xf32, #tpu.memory_space<vmem>>[vector<16xi32>, vector<16xi32>, vector<16xi32>, vector<16xi32>], vector<16xf32>,
        %parallel_loop3A_744 = arith.constant 1 : i32
        %parallel_loop3A_745 = arith.index_cast %parallel_loop3A_744 : i32 to index
        %parallel_loop3A_746 = arith.index_cast %parallel_loop3A_732 : i32 to index
        %parallel_loop3A_747 = arith.constant 16 : index
        %parallel_loop3A_748 = tpu.vector_load %arg6[%parallel_loop3A_745, %parallel_loop3A_746, %parallel_loop3A_747] {strides = array<i32>} : memref<2x416x64xf32, #tpu.memory_space<vmem>>, vector<16xf32>,
        %parallel_loop3A_749 = arith.constant 0 : i32
        %parallel_loop3A_750 = arith.constant 0 : i32
        %parallel_loop3A_751 = arith.constant 0 : i32
        %parallel_loop3A_752 = arith.constant 0 : i32
        %parallel_loop3A_753 = tpu.memref_slice %arg7[%parallel_loop3A_306, %parallel_loop3A_749, %parallel_loop3A_750, %parallel_loop3A_751, %parallel_loop3A_752] : memref<1x26x8x8x17xf32, #tpu.memory_space<vmem>> -> memref<1x26x8x8x17xf32, #tpu.memory_space<vmem>>
        %parallel_loop3A_754 = tpu.memref_squeeze %parallel_loop3A_753 : memref<1x26x8x8x17xf32, #tpu.memory_space<vmem>> -> memref<26x8x8x17xf32, #tpu.memory_space<vmem>>
        tpu.vector_store_idx %parallel_loop3A_754[%parallel_loop3A_376, %shift_right_arithmetic3A_11, %and3A_25, %parallel_loop3A_728], %parallel_loop3A_748 : memref<26x8x8x17xf32, #tpu.memory_space<vmem>>[vector<16xi32>, vector<16xi32>, vector<16xi32>, vector<16xi32>], vector<16xf32>,
        %parallel_loop3A_755 = arith.constant 1 : i32
        %parallel_loop3A_756 = arith.index_cast %parallel_loop3A_755 : i32 to index
        %parallel_loop3A_757 = arith.index_cast %parallel_loop3A_732 : i32 to index
        %parallel_loop3A_758 = arith.constant 32 : index
        %parallel_loop3A_759 = tpu.vector_load %arg6[%parallel_loop3A_756, %parallel_loop3A_757, %parallel_loop3A_758] {strides = array<i32>} : memref<2x416x64xf32, #tpu.memory_space<vmem>>, vector<16xf32>,
        %parallel_loop3A_760 = arith.constant 0 : i32
        %parallel_loop3A_761 = arith.constant 0 : i32
        %parallel_loop3A_762 = arith.constant 0 : i32
        %parallel_loop3A_763 = arith.constant 0 : i32
        %parallel_loop3A_764 = tpu.memref_slice %arg7[%parallel_loop3A_306, %parallel_loop3A_760, %parallel_loop3A_761, %parallel_loop3A_762, %parallel_loop3A_763] : memref<1x26x8x8x17xf32, #tpu.memory_space<vmem>> -> memref<1x26x8x8x17xf32, #tpu.memory_space<vmem>>
        %parallel_loop3A_765 = tpu.memref_squeeze %parallel_loop3A_764 : memref<1x26x8x8x17xf32, #tpu.memory_space<vmem>> -> memref<26x8x8x17xf32, #tpu.memory_space<vmem>>
        tpu.vector_store_idx %parallel_loop3A_765[%parallel_loop3A_376, %shift_right_arithmetic3A_17, %and3A_25, %parallel_loop3A_728], %parallel_loop3A_759 : memref<26x8x8x17xf32, #tpu.memory_space<vmem>>[vector<16xi32>, vector<16xi32>, vector<16xi32>, vector<16xi32>], vector<16xf32>,
        %parallel_loop3A_766 = arith.constant 1 : i32
        %parallel_loop3A_767 = arith.index_cast %parallel_loop3A_766 : i32 to index
        %parallel_loop3A_768 = arith.index_cast %parallel_loop3A_732 : i32 to index
        %parallel_loop3A_769 = arith.constant 48 : index
        %parallel_loop3A_770 = tpu.vector_load %arg6[%parallel_loop3A_767, %parallel_loop3A_768, %parallel_loop3A_769] {strides = array<i32>} : memref<2x416x64xf32, #tpu.memory_space<vmem>>, vector<16xf32>,
        %parallel_loop3A_771 = arith.constant 0 : i32
        %parallel_loop3A_772 = arith.constant 0 : i32
        %parallel_loop3A_773 = arith.constant 0 : i32
        %parallel_loop3A_774 = arith.constant 0 : i32
        %parallel_loop3A_775 = tpu.memref_slice %arg7[%parallel_loop3A_306, %parallel_loop3A_771, %parallel_loop3A_772, %parallel_loop3A_773, %parallel_loop3A_774] : memref<1x26x8x8x17xf32, #tpu.memory_space<vmem>> -> memref<1x26x8x8x17xf32, #tpu.memory_space<vmem>>
        %parallel_loop3A_776 = tpu.memref_squeeze %parallel_loop3A_775 : memref<1x26x8x8x17xf32, #tpu.memory_space<vmem>> -> memref<26x8x8x17xf32, #tpu.memory_space<vmem>>
        tpu.vector_store_idx %parallel_loop3A_776[%parallel_loop3A_376, %shift_right_arithmetic3A_23, %and3A_25, %parallel_loop3A_728], %parallel_loop3A_770 : memref<26x8x8x17xf32, #tpu.memory_space<vmem>>[vector<16xi32>, vector<16xi32>, vector<16xi32>, vector<16xi32>], vector<16xf32>,
        %parallel_loop3A_777 = arith.constant 8 : i32
        %parallel_loop3A_778 = vector.broadcast %parallel_loop3A_777 : i32 to vector<16xi32>
        %parallel_loop3A_779 = arith.constant 16 : i32
        %parallel_loop3A_780 = arith.muli %parallel_loop3A_375, %parallel_loop3A_779 : i32
        %parallel_loop3A_781 = arith.constant 8 : i32
        %parallel_loop3A_782 = arith.addi %parallel_loop3A_780, %parallel_loop3A_781 : i32
        %parallel_loop3A_783 = arith.constant 1 : i32
        %parallel_loop3A_784 = arith.index_cast %parallel_loop3A_783 : i32 to index
        %parallel_loop3A_785 = arith.index_cast %parallel_loop3A_782 : i32 to index
        %parallel_loop3A_786 = arith.constant 0 : index
        %parallel_loop3A_787 = tpu.vector_load %arg6[%parallel_loop3A_784, %parallel_loop3A_785, %parallel_loop3A_786] {strides = array<i32>} : memref<2x416x64xf32, #tpu.memory_space<vmem>>, vector<16xf32>,
        %parallel_loop3A_788 = arith.constant 0 : i32
        %parallel_loop3A_789 = arith.constant 0 : i32
        %parallel_loop3A_790 = arith.constant 0 : i32
        %parallel_loop3A_791 = arith.constant 0 : i32
        %parallel_loop3A_792 = tpu.memref_slice %arg7[%parallel_loop3A_306, %parallel_loop3A_788, %parallel_loop3A_789, %parallel_loop3A_790, %parallel_loop3A_791] : memref<1x26x8x8x17xf32, #tpu.memory_space<vmem>> -> memref<1x26x8x8x17xf32, #tpu.memory_space<vmem>>
        %parallel_loop3A_793 = tpu.memref_squeeze %parallel_loop3A_792 : memref<1x26x8x8x17xf32, #tpu.memory_space<vmem>> -> memref<26x8x8x17xf32, #tpu.memory_space<vmem>>
        tpu.vector_store_idx %parallel_loop3A_793[%parallel_loop3A_376, %shift_right_arithmetic3A_5, %and3A_25, %parallel_loop3A_778], %parallel_loop3A_787 : memref<26x8x8x17xf32, #tpu.memory_space<vmem>>[vector<16xi32>, vector<16xi32>, vector<16xi32>, vector<16xi32>], vector<16xf32>,
        %parallel_loop3A_794 = arith.constant 1 : i32
        %parallel_loop3A_795 = arith.index_cast %parallel_loop3A_794 : i32 to index
        %parallel_loop3A_796 = arith.index_cast %parallel_loop3A_782 : i32 to index
        %parallel_loop3A_797 = arith.constant 16 : index
        %parallel_loop3A_798 = tpu.vector_load %arg6[%parallel_loop3A_795, %parallel_loop3A_796, %parallel_loop3A_797] {strides = array<i32>} : memref<2x416x64xf32, #tpu.memory_space<vmem>>, vector<16xf32>,
        %parallel_loop3A_799 = arith.constant 0 : i32
        %parallel_loop3A_800 = arith.constant 0 : i32
        %parallel_loop3A_801 = arith.constant 0 : i32
        %parallel_loop3A_802 = arith.constant 0 : i32
        %parallel_loop3A_803 = tpu.memref_slice %arg7[%parallel_loop3A_306, %parallel_loop3A_799, %parallel_loop3A_800, %parallel_loop3A_801, %parallel_loop3A_802] : memref<1x26x8x8x17xf32, #tpu.memory_space<vmem>> -> memref<1x26x8x8x17xf32, #tpu.memory_space<vmem>>
        %parallel_loop3A_804 = tpu.memref_squeeze %parallel_loop3A_803 : memref<1x26x8x8x17xf32, #tpu.memory_space<vmem>> -> memref<26x8x8x17xf32, #tpu.memory_space<vmem>>
        tpu.vector_store_idx %parallel_loop3A_804[%parallel_loop3A_376, %shift_right_arithmetic3A_11, %and3A_25, %parallel_loop3A_778], %parallel_loop3A_798 : memref<26x8x8x17xf32, #tpu.memory_space<vmem>>[vector<16xi32>, vector<16xi32>, vector<16xi32>, vector<16xi32>], vector<16xf32>,
        %parallel_loop3A_805 = arith.constant 1 : i32
        %parallel_loop3A_806 = arith.index_cast %parallel_loop3A_805 : i32 to index
        %parallel_loop3A_807 = arith.index_cast %parallel_loop3A_782 : i32 to index
        %parallel_loop3A_808 = arith.constant 32 : index
        %parallel_loop3A_809 = tpu.vector_load %arg6[%parallel_loop3A_806, %parallel_loop3A_807, %parallel_loop3A_808] {strides = array<i32>} : memref<2x416x64xf32, #tpu.memory_space<vmem>>, vector<16xf32>,
        %parallel_loop3A_810 = arith.constant 0 : i32
        %parallel_loop3A_811 = arith.constant 0 : i32
        %parallel_loop3A_812 = arith.constant 0 : i32
        %parallel_loop3A_813 = arith.constant 0 : i32
        %parallel_loop3A_814 = tpu.memref_slice %arg7[%parallel_loop3A_306, %parallel_loop3A_810, %parallel_loop3A_811, %parallel_loop3A_812, %parallel_loop3A_813] : memref<1x26x8x8x17xf32, #tpu.memory_space<vmem>> -> memref<1x26x8x8x17xf32, #tpu.memory_space<vmem>>
        %parallel_loop3A_815 = tpu.memref_squeeze %parallel_loop3A_814 : memref<1x26x8x8x17xf32, #tpu.memory_space<vmem>> -> memref<26x8x8x17xf32, #tpu.memory_space<vmem>>
        tpu.vector_store_idx %parallel_loop3A_815[%parallel_loop3A_376, %shift_right_arithmetic3A_17, %and3A_25, %parallel_loop3A_778], %parallel_loop3A_809 : memref<26x8x8x17xf32, #tpu.memory_space<vmem>>[vector<16xi32>, vector<16xi32>, vector<16xi32>, vector<16xi32>], vector<16xf32>,
        %parallel_loop3A_816 = arith.constant 1 : i32
        %parallel_loop3A_817 = arith.index_cast %parallel_loop3A_816 : i32 to index
        %parallel_loop3A_818 = arith.index_cast %parallel_loop3A_782 : i32 to index
        %parallel_loop3A_819 = arith.constant 48 : index
        %parallel_loop3A_820 = tpu.vector_load %arg6[%parallel_loop3A_817, %parallel_loop3A_818, %parallel_loop3A_819] {strides = array<i32>} : memref<2x416x64xf32, #tpu.memory_space<vmem>>, vector<16xf32>,
        %parallel_loop3A_821 = arith.constant 0 : i32
        %parallel_loop3A_822 = arith.constant 0 : i32
        %parallel_loop3A_823 = arith.constant 0 : i32
        %parallel_loop3A_824 = arith.constant 0 : i32
        %parallel_loop3A_825 = tpu.memref_slice %arg7[%parallel_loop3A_306, %parallel_loop3A_821, %parallel_loop3A_822, %parallel_loop3A_823, %parallel_loop3A_824] : memref<1x26x8x8x17xf32, #tpu.memory_space<vmem>> -> memref<1x26x8x8x17xf32, #tpu.memory_space<vmem>>
        %parallel_loop3A_826 = tpu.memref_squeeze %parallel_loop3A_825 : memref<1x26x8x8x17xf32, #tpu.memory_space<vmem>> -> memref<26x8x8x17xf32, #tpu.memory_space<vmem>>
        tpu.vector_store_idx %parallel_loop3A_826[%parallel_loop3A_376, %shift_right_arithmetic3A_23, %and3A_25, %parallel_loop3A_778], %parallel_loop3A_820 : memref<26x8x8x17xf32, #tpu.memory_space<vmem>>[vector<16xi32>, vector<16xi32>, vector<16xi32>, vector<16xi32>], vector<16xf32>,
        %parallel_loop3A_827 = arith.constant 9 : i32
        %parallel_loop3A_828 = vector.broadcast %parallel_loop3A_827 : i32 to vector<16xi32>
        %parallel_loop3A_829 = arith.constant 16 : i32
        %parallel_loop3A_830 = arith.muli %parallel_loop3A_375, %parallel_loop3A_829 : i32
        %parallel_loop3A_831 = arith.constant 9 : i32
        %parallel_loop3A_832 = arith.addi %parallel_loop3A_830, %parallel_loop3A_831 : i32
        %parallel_loop3A_833 = arith.constant 1 : i32
        %parallel_loop3A_834 = arith.index_cast %parallel_loop3A_833 : i32 to index
        %parallel_loop3A_835 = arith.index_cast %parallel_loop3A_832 : i32 to index
        %parallel_loop3A_836 = arith.constant 0 : index
        %parallel_loop3A_837 = tpu.vector_load %arg6[%parallel_loop3A_834, %parallel_loop3A_835, %parallel_loop3A_836] {strides = array<i32>} : memref<2x416x64xf32, #tpu.memory_space<vmem>>, vector<16xf32>,
        %parallel_loop3A_838 = arith.constant 0 : i32
        %parallel_loop3A_839 = arith.constant 0 : i32
        %parallel_loop3A_840 = arith.constant 0 : i32
        %parallel_loop3A_841 = arith.constant 0 : i32
        %parallel_loop3A_842 = tpu.memref_slice %arg7[%parallel_loop3A_306, %parallel_loop3A_838, %parallel_loop3A_839, %parallel_loop3A_840, %parallel_loop3A_841] : memref<1x26x8x8x17xf32, #tpu.memory_space<vmem>> -> memref<1x26x8x8x17xf32, #tpu.memory_space<vmem>>
        %parallel_loop3A_843 = tpu.memref_squeeze %parallel_loop3A_842 : memref<1x26x8x8x17xf32, #tpu.memory_space<vmem>> -> memref<26x8x8x17xf32, #tpu.memory_space<vmem>>
        tpu.vector_store_idx %parallel_loop3A_843[%parallel_loop3A_376, %shift_right_arithmetic3A_5, %and3A_25, %parallel_loop3A_828], %parallel_loop3A_837 : memref<26x8x8x17xf32, #tpu.memory_space<vmem>>[vector<16xi32>, vector<16xi32>, vector<16xi32>, vector<16xi32>], vector<16xf32>,
        %parallel_loop3A_844 = arith.constant 1 : i32
        %parallel_loop3A_845 = arith.index_cast %parallel_loop3A_844 : i32 to index
        %parallel_loop3A_846 = arith.index_cast %parallel_loop3A_832 : i32 to index
        %parallel_loop3A_847 = arith.constant 16 : index
        %parallel_loop3A_848 = tpu.vector_load %arg6[%parallel_loop3A_845, %parallel_loop3A_846, %parallel_loop3A_847] {strides = array<i32>} : memref<2x416x64xf32, #tpu.memory_space<vmem>>, vector<16xf32>,
        %parallel_loop3A_849 = arith.constant 0 : i32
        %parallel_loop3A_850 = arith.constant 0 : i32
        %parallel_loop3A_851 = arith.constant 0 : i32
        %parallel_loop3A_852 = arith.constant 0 : i32
        %parallel_loop3A_853 = tpu.memref_slice %arg7[%parallel_loop3A_306, %parallel_loop3A_849, %parallel_loop3A_850, %parallel_loop3A_851, %parallel_loop3A_852] : memref<1x26x8x8x17xf32, #tpu.memory_space<vmem>> -> memref<1x26x8x8x17xf32, #tpu.memory_space<vmem>>
        %parallel_loop3A_854 = tpu.memref_squeeze %parallel_loop3A_853 : memref<1x26x8x8x17xf32, #tpu.memory_space<vmem>> -> memref<26x8x8x17xf32, #tpu.memory_space<vmem>>
        tpu.vector_store_idx %parallel_loop3A_854[%parallel_loop3A_376, %shift_right_arithmetic3A_11, %and3A_25, %parallel_loop3A_828], %parallel_loop3A_848 : memref<26x8x8x17xf32, #tpu.memory_space<vmem>>[vector<16xi32>, vector<16xi32>, vector<16xi32>, vector<16xi32>], vector<16xf32>,
        %parallel_loop3A_855 = arith.constant 1 : i32
        %parallel_loop3A_856 = arith.index_cast %parallel_loop3A_855 : i32 to index
        %parallel_loop3A_857 = arith.index_cast %parallel_loop3A_832 : i32 to index
        %parallel_loop3A_858 = arith.constant 32 : index
        %parallel_loop3A_859 = tpu.vector_load %arg6[%parallel_loop3A_856, %parallel_loop3A_857, %parallel_loop3A_858] {strides = array<i32>} : memref<2x416x64xf32, #tpu.memory_space<vmem>>, vector<16xf32>,
        %parallel_loop3A_860 = arith.constant 0 : i32
        %parallel_loop3A_861 = arith.constant 0 : i32
        %parallel_loop3A_862 = arith.constant 0 : i32
        %parallel_loop3A_863 = arith.constant 0 : i32
        %parallel_loop3A_864 = tpu.memref_slice %arg7[%parallel_loop3A_306, %parallel_loop3A_860, %parallel_loop3A_861, %parallel_loop3A_862, %parallel_loop3A_863] : memref<1x26x8x8x17xf32, #tpu.memory_space<vmem>> -> memref<1x26x8x8x17xf32, #tpu.memory_space<vmem>>
        %parallel_loop3A_865 = tpu.memref_squeeze %parallel_loop3A_864 : memref<1x26x8x8x17xf32, #tpu.memory_space<vmem>> -> memref<26x8x8x17xf32, #tpu.memory_space<vmem>>
        tpu.vector_store_idx %parallel_loop3A_865[%parallel_loop3A_376, %shift_right_arithmetic3A_17, %and3A_25, %parallel_loop3A_828], %parallel_loop3A_859 : memref<26x8x8x17xf32, #tpu.memory_space<vmem>>[vector<16xi32>, vector<16xi32>, vector<16xi32>, vector<16xi32>], vector<16xf32>,
        %parallel_loop3A_866 = arith.constant 1 : i32
        %parallel_loop3A_867 = arith.index_cast %parallel_loop3A_866 : i32 to index
        %parallel_loop3A_868 = arith.index_cast %parallel_loop3A_832 : i32 to index
        %parallel_loop3A_869 = arith.constant 48 : index
        %parallel_loop3A_870 = tpu.vector_load %arg6[%parallel_loop3A_867, %parallel_loop3A_868, %parallel_loop3A_869] {strides = array<i32>} : memref<2x416x64xf32, #tpu.memory_space<vmem>>, vector<16xf32>,
        %parallel_loop3A_871 = arith.constant 0 : i32
        %parallel_loop3A_872 = arith.constant 0 : i32
        %parallel_loop3A_873 = arith.constant 0 : i32
        %parallel_loop3A_874 = arith.constant 0 : i32
        %parallel_loop3A_875 = tpu.memref_slice %arg7[%parallel_loop3A_306, %parallel_loop3A_871, %parallel_loop3A_872, %parallel_loop3A_873, %parallel_loop3A_874] : memref<1x26x8x8x17xf32, #tpu.memory_space<vmem>> -> memref<1x26x8x8x17xf32, #tpu.memory_space<vmem>>
        %parallel_loop3A_876 = tpu.memref_squeeze %parallel_loop3A_875 : memref<1x26x8x8x17xf32, #tpu.memory_space<vmem>> -> memref<26x8x8x17xf32, #tpu.memory_space<vmem>>
        tpu.vector_store_idx %parallel_loop3A_876[%parallel_loop3A_376, %shift_right_arithmetic3A_23, %and3A_25, %parallel_loop3A_828], %parallel_loop3A_870 : memref<26x8x8x17xf32, #tpu.memory_space<vmem>>[vector<16xi32>, vector<16xi32>, vector<16xi32>, vector<16xi32>], vector<16xf32>,
        %parallel_loop3A_877 = arith.constant 10 : i32
        %parallel_loop3A_878 = vector.broadcast %parallel_loop3A_877 : i32 to vector<16xi32>
        %parallel_loop3A_879 = arith.constant 16 : i32
        %parallel_loop3A_880 = arith.muli %parallel_loop3A_375, %parallel_loop3A_879 : i32
        %parallel_loop3A_881 = arith.constant 10 : i32
        %parallel_loop3A_882 = arith.addi %parallel_loop3A_880, %parallel_loop3A_881 : i32
        %parallel_loop3A_883 = arith.constant 1 : i32
        %parallel_loop3A_884 = arith.index_cast %parallel_loop3A_883 : i32 to index
        %parallel_loop3A_885 = arith.index_cast %parallel_loop3A_882 : i32 to index
        %parallel_loop3A_886 = arith.constant 0 : index
        %parallel_loop3A_887 = tpu.vector_load %arg6[%parallel_loop3A_884, %parallel_loop3A_885, %parallel_loop3A_886] {strides = array<i32>} : memref<2x416x64xf32, #tpu.memory_space<vmem>>, vector<16xf32>,
        %parallel_loop3A_888 = arith.constant 0 : i32
        %parallel_loop3A_889 = arith.constant 0 : i32
        %parallel_loop3A_890 = arith.constant 0 : i32
        %parallel_loop3A_891 = arith.constant 0 : i32
        %parallel_loop3A_892 = tpu.memref_slice %arg7[%parallel_loop3A_306, %parallel_loop3A_888, %parallel_loop3A_889, %parallel_loop3A_890, %parallel_loop3A_891] : memref<1x26x8x8x17xf32, #tpu.memory_space<vmem>> -> memref<1x26x8x8x17xf32, #tpu.memory_space<vmem>>
        %parallel_loop3A_893 = tpu.memref_squeeze %parallel_loop3A_892 : memref<1x26x8x8x17xf32, #tpu.memory_space<vmem>> -> memref<26x8x8x17xf32, #tpu.memory_space<vmem>>
        tpu.vector_store_idx %parallel_loop3A_893[%parallel_loop3A_376, %shift_right_arithmetic3A_5, %and3A_25, %parallel_loop3A_878], %parallel_loop3A_887 : memref<26x8x8x17xf32, #tpu.memory_space<vmem>>[vector<16xi32>, vector<16xi32>, vector<16xi32>, vector<16xi32>], vector<16xf32>,
        %parallel_loop3A_894 = arith.constant 1 : i32
        %parallel_loop3A_895 = arith.index_cast %parallel_loop3A_894 : i32 to index
        %parallel_loop3A_896 = arith.index_cast %parallel_loop3A_882 : i32 to index
        %parallel_loop3A_897 = arith.constant 16 : index
        %parallel_loop3A_898 = tpu.vector_load %arg6[%parallel_loop3A_895, %parallel_loop3A_896, %parallel_loop3A_897] {strides = array<i32>} : memref<2x416x64xf32, #tpu.memory_space<vmem>>, vector<16xf32>,
        %parallel_loop3A_899 = arith.constant 0 : i32
        %parallel_loop3A_900 = arith.constant 0 : i32
        %parallel_loop3A_901 = arith.constant 0 : i32
        %parallel_loop3A_902 = arith.constant 0 : i32
        %parallel_loop3A_903 = tpu.memref_slice %arg7[%parallel_loop3A_306, %parallel_loop3A_899, %parallel_loop3A_900, %parallel_loop3A_901, %parallel_loop3A_902] : memref<1x26x8x8x17xf32, #tpu.memory_space<vmem>> -> memref<1x26x8x8x17xf32, #tpu.memory_space<vmem>>
        %parallel_loop3A_904 = tpu.memref_squeeze %parallel_loop3A_903 : memref<1x26x8x8x17xf32, #tpu.memory_space<vmem>> -> memref<26x8x8x17xf32, #tpu.memory_space<vmem>>
        tpu.vector_store_idx %parallel_loop3A_904[%parallel_loop3A_376, %shift_right_arithmetic3A_11, %and3A_25, %parallel_loop3A_878], %parallel_loop3A_898 : memref<26x8x8x17xf32, #tpu.memory_space<vmem>>[vector<16xi32>, vector<16xi32>, vector<16xi32>, vector<16xi32>], vector<16xf32>,
        %parallel_loop3A_905 = arith.constant 1 : i32
        %parallel_loop3A_906 = arith.index_cast %parallel_loop3A_905 : i32 to index
        %parallel_loop3A_907 = arith.index_cast %parallel_loop3A_882 : i32 to index
        %parallel_loop3A_908 = arith.constant 32 : index
        %parallel_loop3A_909 = tpu.vector_load %arg6[%parallel_loop3A_906, %parallel_loop3A_907, %parallel_loop3A_908] {strides = array<i32>} : memref<2x416x64xf32, #tpu.memory_space<vmem>>, vector<16xf32>,
        %parallel_loop3A_910 = arith.constant 0 : i32
        %parallel_loop3A_911 = arith.constant 0 : i32
        %parallel_loop3A_912 = arith.constant 0 : i32
        %parallel_loop3A_913 = arith.constant 0 : i32
        %parallel_loop3A_914 = tpu.memref_slice %arg7[%parallel_loop3A_306, %parallel_loop3A_910, %parallel_loop3A_911, %parallel_loop3A_912, %parallel_loop3A_913] : memref<1x26x8x8x17xf32, #tpu.memory_space<vmem>> -> memref<1x26x8x8x17xf32, #tpu.memory_space<vmem>>
        %parallel_loop3A_915 = tpu.memref_squeeze %parallel_loop3A_914 : memref<1x26x8x8x17xf32, #tpu.memory_space<vmem>> -> memref<26x8x8x17xf32, #tpu.memory_space<vmem>>
        tpu.vector_store_idx %parallel_loop3A_915[%parallel_loop3A_376, %shift_right_arithmetic3A_17, %and3A_25, %parallel_loop3A_878], %parallel_loop3A_909 : memref<26x8x8x17xf32, #tpu.memory_space<vmem>>[vector<16xi32>, vector<16xi32>, vector<16xi32>, vector<16xi32>], vector<16xf32>,
        %parallel_loop3A_916 = arith.constant 1 : i32
        %parallel_loop3A_917 = arith.index_cast %parallel_loop3A_916 : i32 to index
        %parallel_loop3A_918 = arith.index_cast %parallel_loop3A_882 : i32 to index
        %parallel_loop3A_919 = arith.constant 48 : index
        %parallel_loop3A_920 = tpu.vector_load %arg6[%parallel_loop3A_917, %parallel_loop3A_918, %parallel_loop3A_919] {strides = array<i32>} : memref<2x416x64xf32, #tpu.memory_space<vmem>>, vector<16xf32>,
        %parallel_loop3A_921 = arith.constant 0 : i32
        %parallel_loop3A_922 = arith.constant 0 : i32
        %parallel_loop3A_923 = arith.constant 0 : i32
        %parallel_loop3A_924 = arith.constant 0 : i32
        %parallel_loop3A_925 = tpu.memref_slice %arg7[%parallel_loop3A_306, %parallel_loop3A_921, %parallel_loop3A_922, %parallel_loop3A_923, %parallel_loop3A_924] : memref<1x26x8x8x17xf32, #tpu.memory_space<vmem>> -> memref<1x26x8x8x17xf32, #tpu.memory_space<vmem>>
        %parallel_loop3A_926 = tpu.memref_squeeze %parallel_loop3A_925 : memref<1x26x8x8x17xf32, #tpu.memory_space<vmem>> -> memref<26x8x8x17xf32, #tpu.memory_space<vmem>>
        tpu.vector_store_idx %parallel_loop3A_926[%parallel_loop3A_376, %shift_right_arithmetic3A_23, %and3A_25, %parallel_loop3A_878], %parallel_loop3A_920 : memref<26x8x8x17xf32, #tpu.memory_space<vmem>>[vector<16xi32>, vector<16xi32>, vector<16xi32>, vector<16xi32>], vector<16xf32>,
        %parallel_loop3A_927 = arith.constant 11 : i32
        %parallel_loop3A_928 = vector.broadcast %parallel_loop3A_927 : i32 to vector<16xi32>
        %parallel_loop3A_929 = arith.constant 16 : i32
        %parallel_loop3A_930 = arith.muli %parallel_loop3A_375, %parallel_loop3A_929 : i32
        %parallel_loop3A_931 = arith.constant 11 : i32
        %parallel_loop3A_932 = arith.addi %parallel_loop3A_930, %parallel_loop3A_931 : i32
        %parallel_loop3A_933 = arith.constant 1 : i32
        %parallel_loop3A_934 = arith.index_cast %parallel_loop3A_933 : i32 to index
        %parallel_loop3A_935 = arith.index_cast %parallel_loop3A_932 : i32 to index
        %parallel_loop3A_936 = arith.constant 0 : index
        %parallel_loop3A_937 = tpu.vector_load %arg6[%parallel_loop3A_934, %parallel_loop3A_935, %parallel_loop3A_936] {strides = array<i32>} : memref<2x416x64xf32, #tpu.memory_space<vmem>>, vector<16xf32>,
        %parallel_loop3A_938 = arith.constant 0 : i32
        %parallel_loop3A_939 = arith.constant 0 : i32
        %parallel_loop3A_940 = arith.constant 0 : i32
        %parallel_loop3A_941 = arith.constant 0 : i32
        %parallel_loop3A_942 = tpu.memref_slice %arg7[%parallel_loop3A_306, %parallel_loop3A_938, %parallel_loop3A_939, %parallel_loop3A_940, %parallel_loop3A_941] : memref<1x26x8x8x17xf32, #tpu.memory_space<vmem>> -> memref<1x26x8x8x17xf32, #tpu.memory_space<vmem>>
        %parallel_loop3A_943 = tpu.memref_squeeze %parallel_loop3A_942 : memref<1x26x8x8x17xf32, #tpu.memory_space<vmem>> -> memref<26x8x8x17xf32, #tpu.memory_space<vmem>>
        tpu.vector_store_idx %parallel_loop3A_943[%parallel_loop3A_376, %shift_right_arithmetic3A_5, %and3A_25, %parallel_loop3A_928], %parallel_loop3A_937 : memref<26x8x8x17xf32, #tpu.memory_space<vmem>>[vector<16xi32>, vector<16xi32>, vector<16xi32>, vector<16xi32>], vector<16xf32>,
        %parallel_loop3A_944 = arith.constant 1 : i32
        %parallel_loop3A_945 = arith.index_cast %parallel_loop3A_944 : i32 to index
        %parallel_loop3A_946 = arith.index_cast %parallel_loop3A_932 : i32 to index
        %parallel_loop3A_947 = arith.constant 16 : index
        %parallel_loop3A_948 = tpu.vector_load %arg6[%parallel_loop3A_945, %parallel_loop3A_946, %parallel_loop3A_947] {strides = array<i32>} : memref<2x416x64xf32, #tpu.memory_space<vmem>>, vector<16xf32>,
        %parallel_loop3A_949 = arith.constant 0 : i32
        %parallel_loop3A_950 = arith.constant 0 : i32
        %parallel_loop3A_951 = arith.constant 0 : i32
        %parallel_loop3A_952 = arith.constant 0 : i32
        %parallel_loop3A_953 = tpu.memref_slice %arg7[%parallel_loop3A_306, %parallel_loop3A_949, %parallel_loop3A_950, %parallel_loop3A_951, %parallel_loop3A_952] : memref<1x26x8x8x17xf32, #tpu.memory_space<vmem>> -> memref<1x26x8x8x17xf32, #tpu.memory_space<vmem>>
        %parallel_loop3A_954 = tpu.memref_squeeze %parallel_loop3A_953 : memref<1x26x8x8x17xf32, #tpu.memory_space<vmem>> -> memref<26x8x8x17xf32, #tpu.memory_space<vmem>>
        tpu.vector_store_idx %parallel_loop3A_954[%parallel_loop3A_376, %shift_right_arithmetic3A_11, %and3A_25, %parallel_loop3A_928], %parallel_loop3A_948 : memref<26x8x8x17xf32, #tpu.memory_space<vmem>>[vector<16xi32>, vector<16xi32>, vector<16xi32>, vector<16xi32>], vector<16xf32>,
        %parallel_loop3A_955 = arith.constant 1 : i32
        %parallel_loop3A_956 = arith.index_cast %parallel_loop3A_955 : i32 to index
        %parallel_loop3A_957 = arith.index_cast %parallel_loop3A_932 : i32 to index
        %parallel_loop3A_958 = arith.constant 32 : index
        %parallel_loop3A_959 = tpu.vector_load %arg6[%parallel_loop3A_956, %parallel_loop3A_957, %parallel_loop3A_958] {strides = array<i32>} : memref<2x416x64xf32, #tpu.memory_space<vmem>>, vector<16xf32>,
        %parallel_loop3A_960 = arith.constant 0 : i32
        %parallel_loop3A_961 = arith.constant 0 : i32
        %parallel_loop3A_962 = arith.constant 0 : i32
        %parallel_loop3A_963 = arith.constant 0 : i32
        %parallel_loop3A_964 = tpu.memref_slice %arg7[%parallel_loop3A_306, %parallel_loop3A_960, %parallel_loop3A_961, %parallel_loop3A_962, %parallel_loop3A_963] : memref<1x26x8x8x17xf32, #tpu.memory_space<vmem>> -> memref<1x26x8x8x17xf32, #tpu.memory_space<vmem>>
        %parallel_loop3A_965 = tpu.memref_squeeze %parallel_loop3A_964 : memref<1x26x8x8x17xf32, #tpu.memory_space<vmem>> -> memref<26x8x8x17xf32, #tpu.memory_space<vmem>>
        tpu.vector_store_idx %parallel_loop3A_965[%parallel_loop3A_376, %shift_right_arithmetic3A_17, %and3A_25, %parallel_loop3A_928], %parallel_loop3A_959 : memref<26x8x8x17xf32, #tpu.memory_space<vmem>>[vector<16xi32>, vector<16xi32>, vector<16xi32>, vector<16xi32>], vector<16xf32>,
        %parallel_loop3A_966 = arith.constant 1 : i32
        %parallel_loop3A_967 = arith.index_cast %parallel_loop3A_966 : i32 to index
        %parallel_loop3A_968 = arith.index_cast %parallel_loop3A_932 : i32 to index
        %parallel_loop3A_969 = arith.constant 48 : index
        %parallel_loop3A_970 = tpu.vector_load %arg6[%parallel_loop3A_967, %parallel_loop3A_968, %parallel_loop3A_969] {strides = array<i32>} : memref<2x416x64xf32, #tpu.memory_space<vmem>>, vector<16xf32>,
        %parallel_loop3A_971 = arith.constant 0 : i32
        %parallel_loop3A_972 = arith.constant 0 : i32
        %parallel_loop3A_973 = arith.constant 0 : i32
        %parallel_loop3A_974 = arith.constant 0 : i32
        %parallel_loop3A_975 = tpu.memref_slice %arg7[%parallel_loop3A_306, %parallel_loop3A_971, %parallel_loop3A_972, %parallel_loop3A_973, %parallel_loop3A_974] : memref<1x26x8x8x17xf32, #tpu.memory_space<vmem>> -> memref<1x26x8x8x17xf32, #tpu.memory_space<vmem>>
        %parallel_loop3A_976 = tpu.memref_squeeze %parallel_loop3A_975 : memref<1x26x8x8x17xf32, #tpu.memory_space<vmem>> -> memref<26x8x8x17xf32, #tpu.memory_space<vmem>>
        tpu.vector_store_idx %parallel_loop3A_976[%parallel_loop3A_376, %shift_right_arithmetic3A_23, %and3A_25, %parallel_loop3A_928], %parallel_loop3A_970 : memref<26x8x8x17xf32, #tpu.memory_space<vmem>>[vector<16xi32>, vector<16xi32>, vector<16xi32>, vector<16xi32>], vector<16xf32>,
        %parallel_loop3A_977 = arith.constant 12 : i32
        %parallel_loop3A_978 = vector.broadcast %parallel_loop3A_977 : i32 to vector<16xi32>
        %parallel_loop3A_979 = arith.constant 16 : i32
        %parallel_loop3A_980 = arith.muli %parallel_loop3A_375, %parallel_loop3A_979 : i32
        %parallel_loop3A_981 = arith.constant 12 : i32
        %parallel_loop3A_982 = arith.addi %parallel_loop3A_980, %parallel_loop3A_981 : i32
        %parallel_loop3A_983 = arith.constant 1 : i32
        %parallel_loop3A_984 = arith.index_cast %parallel_loop3A_983 : i32 to index
        %parallel_loop3A_985 = arith.index_cast %parallel_loop3A_982 : i32 to index
        %parallel_loop3A_986 = arith.constant 0 : index
        %parallel_loop3A_987 = tpu.vector_load %arg6[%parallel_loop3A_984, %parallel_loop3A_985, %parallel_loop3A_986] {strides = array<i32>} : memref<2x416x64xf32, #tpu.memory_space<vmem>>, vector<16xf32>,
        %parallel_loop3A_988 = arith.constant 0 : i32
        %parallel_loop3A_989 = arith.constant 0 : i32
        %parallel_loop3A_990 = arith.constant 0 : i32
        %parallel_loop3A_991 = arith.constant 0 : i32
        %parallel_loop3A_992 = tpu.memref_slice %arg7[%parallel_loop3A_306, %parallel_loop3A_988, %parallel_loop3A_989, %parallel_loop3A_990, %parallel_loop3A_991] : memref<1x26x8x8x17xf32, #tpu.memory_space<vmem>> -> memref<1x26x8x8x17xf32, #tpu.memory_space<vmem>>
        %parallel_loop3A_993 = tpu.memref_squeeze %parallel_loop3A_992 : memref<1x26x8x8x17xf32, #tpu.memory_space<vmem>> -> memref<26x8x8x17xf32, #tpu.memory_space<vmem>>
        tpu.vector_store_idx %parallel_loop3A_993[%parallel_loop3A_376, %shift_right_arithmetic3A_5, %and3A_25, %parallel_loop3A_978], %parallel_loop3A_987 : memref<26x8x8x17xf32, #tpu.memory_space<vmem>>[vector<16xi32>, vector<16xi32>, vector<16xi32>, vector<16xi32>], vector<16xf32>,
        %parallel_loop3A_994 = arith.constant 1 : i32
        %parallel_loop3A_995 = arith.index_cast %parallel_loop3A_994 : i32 to index
        %parallel_loop3A_996 = arith.index_cast %parallel_loop3A_982 : i32 to index
        %parallel_loop3A_997 = arith.constant 16 : index
        %parallel_loop3A_998 = tpu.vector_load %arg6[%parallel_loop3A_995, %parallel_loop3A_996, %parallel_loop3A_997] {strides = array<i32>} : memref<2x416x64xf32, #tpu.memory_space<vmem>>, vector<16xf32>,
        %parallel_loop3A_999 = arith.constant 0 : i32
        %parallel_loop3A_1000 = arith.constant 0 : i32
        %parallel_loop3A_1001 = arith.constant 0 : i32
        %parallel_loop3A_1002 = arith.constant 0 : i32
        %parallel_loop3A_1003 = tpu.memref_slice %arg7[%parallel_loop3A_306, %parallel_loop3A_999, %parallel_loop3A_1000, %parallel_loop3A_1001, %parallel_loop3A_1002] : memref<1x26x8x8x17xf32, #tpu.memory_space<vmem>> -> memref<1x26x8x8x17xf32, #tpu.memory_space<vmem>>
        %parallel_loop3A_1004 = tpu.memref_squeeze %parallel_loop3A_1003 : memref<1x26x8x8x17xf32, #tpu.memory_space<vmem>> -> memref<26x8x8x17xf32, #tpu.memory_space<vmem>>
        tpu.vector_store_idx %parallel_loop3A_1004[%parallel_loop3A_376, %shift_right_arithmetic3A_11, %and3A_25, %parallel_loop3A_978], %parallel_loop3A_998 : memref<26x8x8x17xf32, #tpu.memory_space<vmem>>[vector<16xi32>, vector<16xi32>, vector<16xi32>, vector<16xi32>], vector<16xf32>,
        %parallel_loop3A_1005 = arith.constant 1 : i32
        %parallel_loop3A_1006 = arith.index_cast %parallel_loop3A_1005 : i32 to index
        %parallel_loop3A_1007 = arith.index_cast %parallel_loop3A_982 : i32 to index
        %parallel_loop3A_1008 = arith.constant 32 : index
        %parallel_loop3A_1009 = tpu.vector_load %arg6[%parallel_loop3A_1006, %parallel_loop3A_1007, %parallel_loop3A_1008] {strides = array<i32>} : memref<2x416x64xf32, #tpu.memory_space<vmem>>, vector<16xf32>,
        %parallel_loop3A_1010 = arith.constant 0 : i32
        %parallel_loop3A_1011 = arith.constant 0 : i32
        %parallel_loop3A_1012 = arith.constant 0 : i32
        %parallel_loop3A_1013 = arith.constant 0 : i32
        %parallel_loop3A_1014 = tpu.memref_slice %arg7[%parallel_loop3A_306, %parallel_loop3A_1010, %parallel_loop3A_1011, %parallel_loop3A_1012, %parallel_loop3A_1013] : memref<1x26x8x8x17xf32, #tpu.memory_space<vmem>> -> memref<1x26x8x8x17xf32, #tpu.memory_space<vmem>>
        %parallel_loop3A_1015 = tpu.memref_squeeze %parallel_loop3A_1014 : memref<1x26x8x8x17xf32, #tpu.memory_space<vmem>> -> memref<26x8x8x17xf32, #tpu.memory_space<vmem>>
        tpu.vector_store_idx %parallel_loop3A_1015[%parallel_loop3A_376, %shift_right_arithmetic3A_17, %and3A_25, %parallel_loop3A_978], %parallel_loop3A_1009 : memref<26x8x8x17xf32, #tpu.memory_space<vmem>>[vector<16xi32>, vector<16xi32>, vector<16xi32>, vector<16xi32>], vector<16xf32>,
        %parallel_loop3A_1016 = arith.constant 1 : i32
        %parallel_loop3A_1017 = arith.index_cast %parallel_loop3A_1016 : i32 to index
        %parallel_loop3A_1018 = arith.index_cast %parallel_loop3A_982 : i32 to index
        %parallel_loop3A_1019 = arith.constant 48 : index
        %parallel_loop3A_1020 = tpu.vector_load %arg6[%parallel_loop3A_1017, %parallel_loop3A_1018, %parallel_loop3A_1019] {strides = array<i32>} : memref<2x416x64xf32, #tpu.memory_space<vmem>>, vector<16xf32>,
        %parallel_loop3A_1021 = arith.constant 0 : i32
        %parallel_loop3A_1022 = arith.constant 0 : i32
        %parallel_loop3A_1023 = arith.constant 0 : i32
        %parallel_loop3A_1024 = arith.constant 0 : i32
        %parallel_loop3A_1025 = tpu.memref_slice %arg7[%parallel_loop3A_306, %parallel_loop3A_1021, %parallel_loop3A_1022, %parallel_loop3A_1023, %parallel_loop3A_1024] : memref<1x26x8x8x17xf32, #tpu.memory_space<vmem>> -> memref<1x26x8x8x17xf32, #tpu.memory_space<vmem>>
        %parallel_loop3A_1026 = tpu.memref_squeeze %parallel_loop3A_1025 : memref<1x26x8x8x17xf32, #tpu.memory_space<vmem>> -> memref<26x8x8x17xf32, #tpu.memory_space<vmem>>
        tpu.vector_store_idx %parallel_loop3A_1026[%parallel_loop3A_376, %shift_right_arithmetic3A_23, %and3A_25, %parallel_loop3A_978], %parallel_loop3A_1020 : memref<26x8x8x17xf32, #tpu.memory_space<vmem>>[vector<16xi32>, vector<16xi32>, vector<16xi32>, vector<16xi32>], vector<16xf32>,
        %parallel_loop3A_1027 = arith.constant 13 : i32
        %parallel_loop3A_1028 = vector.broadcast %parallel_loop3A_1027 : i32 to vector<16xi32>
        %parallel_loop3A_1029 = arith.constant 16 : i32
        %parallel_loop3A_1030 = arith.muli %parallel_loop3A_375, %parallel_loop3A_1029 : i32
        %parallel_loop3A_1031 = arith.constant 13 : i32
        %parallel_loop3A_1032 = arith.addi %parallel_loop3A_1030, %parallel_loop3A_1031 : i32
        %parallel_loop3A_1033 = arith.constant 1 : i32
        %parallel_loop3A_1034 = arith.index_cast %parallel_loop3A_1033 : i32 to index
        %parallel_loop3A_1035 = arith.index_cast %parallel_loop3A_1032 : i32 to index
        %parallel_loop3A_1036 = arith.constant 0 : index
        %parallel_loop3A_1037 = tpu.vector_load %arg6[%parallel_loop3A_1034, %parallel_loop3A_1035, %parallel_loop3A_1036] {strides = array<i32>} : memref<2x416x64xf32, #tpu.memory_space<vmem>>, vector<16xf32>,
        %parallel_loop3A_1038 = arith.constant 0 : i32
        %parallel_loop3A_1039 = arith.constant 0 : i32
        %parallel_loop3A_1040 = arith.constant 0 : i32
        %parallel_loop3A_1041 = arith.constant 0 : i32
        %parallel_loop3A_1042 = tpu.memref_slice %arg7[%parallel_loop3A_306, %parallel_loop3A_1038, %parallel_loop3A_1039, %parallel_loop3A_1040, %parallel_loop3A_1041] : memref<1x26x8x8x17xf32, #tpu.memory_space<vmem>> -> memref<1x26x8x8x17xf32, #tpu.memory_space<vmem>>
        %parallel_loop3A_1043 = tpu.memref_squeeze %parallel_loop3A_1042 : memref<1x26x8x8x17xf32, #tpu.memory_space<vmem>> -> memref<26x8x8x17xf32, #tpu.memory_space<vmem>>
        tpu.vector_store_idx %parallel_loop3A_1043[%parallel_loop3A_376, %shift_right_arithmetic3A_5, %and3A_25, %parallel_loop3A_1028], %parallel_loop3A_1037 : memref<26x8x8x17xf32, #tpu.memory_space<vmem>>[vector<16xi32>, vector<16xi32>, vector<16xi32>, vector<16xi32>], vector<16xf32>,
        %parallel_loop3A_1044 = arith.constant 1 : i32
        %parallel_loop3A_1045 = arith.index_cast %parallel_loop3A_1044 : i32 to index
        %parallel_loop3A_1046 = arith.index_cast %parallel_loop3A_1032 : i32 to index
        %parallel_loop3A_1047 = arith.constant 16 : index
        %parallel_loop3A_1048 = tpu.vector_load %arg6[%parallel_loop3A_1045, %parallel_loop3A_1046, %parallel_loop3A_1047] {strides = array<i32>} : memref<2x416x64xf32, #tpu.memory_space<vmem>>, vector<16xf32>,
        %parallel_loop3A_1049 = arith.constant 0 : i32
        %parallel_loop3A_1050 = arith.constant 0 : i32
        %parallel_loop3A_1051 = arith.constant 0 : i32
        %parallel_loop3A_1052 = arith.constant 0 : i32
        %parallel_loop3A_1053 = tpu.memref_slice %arg7[%parallel_loop3A_306, %parallel_loop3A_1049, %parallel_loop3A_1050, %parallel_loop3A_1051, %parallel_loop3A_1052] : memref<1x26x8x8x17xf32, #tpu.memory_space<vmem>> -> memref<1x26x8x8x17xf32, #tpu.memory_space<vmem>>
        %parallel_loop3A_1054 = tpu.memref_squeeze %parallel_loop3A_1053 : memref<1x26x8x8x17xf32, #tpu.memory_space<vmem>> -> memref<26x8x8x17xf32, #tpu.memory_space<vmem>>
        tpu.vector_store_idx %parallel_loop3A_1054[%parallel_loop3A_376, %shift_right_arithmetic3A_11, %and3A_25, %parallel_loop3A_1028], %parallel_loop3A_1048 : memref<26x8x8x17xf32, #tpu.memory_space<vmem>>[vector<16xi32>, vector<16xi32>, vector<16xi32>, vector<16xi32>], vector<16xf32>,
        %parallel_loop3A_1055 = arith.constant 1 : i32
        %parallel_loop3A_1056 = arith.index_cast %parallel_loop3A_1055 : i32 to index
        %parallel_loop3A_1057 = arith.index_cast %parallel_loop3A_1032 : i32 to index
        %parallel_loop3A_1058 = arith.constant 32 : index
        %parallel_loop3A_1059 = tpu.vector_load %arg6[%parallel_loop3A_1056, %parallel_loop3A_1057, %parallel_loop3A_1058] {strides = array<i32>} : memref<2x416x64xf32, #tpu.memory_space<vmem>>, vector<16xf32>,
        %parallel_loop3A_1060 = arith.constant 0 : i32
        %parallel_loop3A_1061 = arith.constant 0 : i32
        %parallel_loop3A_1062 = arith.constant 0 : i32
        %parallel_loop3A_1063 = arith.constant 0 : i32
        %parallel_loop3A_1064 = tpu.memref_slice %arg7[%parallel_loop3A_306, %parallel_loop3A_1060, %parallel_loop3A_1061, %parallel_loop3A_1062, %parallel_loop3A_1063] : memref<1x26x8x8x17xf32, #tpu.memory_space<vmem>> -> memref<1x26x8x8x17xf32, #tpu.memory_space<vmem>>
        %parallel_loop3A_1065 = tpu.memref_squeeze %parallel_loop3A_1064 : memref<1x26x8x8x17xf32, #tpu.memory_space<vmem>> -> memref<26x8x8x17xf32, #tpu.memory_space<vmem>>
        tpu.vector_store_idx %parallel_loop3A_1065[%parallel_loop3A_376, %shift_right_arithmetic3A_17, %and3A_25, %parallel_loop3A_1028], %parallel_loop3A_1059 : memref<26x8x8x17xf32, #tpu.memory_space<vmem>>[vector<16xi32>, vector<16xi32>, vector<16xi32>, vector<16xi32>], vector<16xf32>,
        %parallel_loop3A_1066 = arith.constant 1 : i32
        %parallel_loop3A_1067 = arith.index_cast %parallel_loop3A_1066 : i32 to index
        %parallel_loop3A_1068 = arith.index_cast %parallel_loop3A_1032 : i32 to index
        %parallel_loop3A_1069 = arith.constant 48 : index
        %parallel_loop3A_1070 = tpu.vector_load %arg6[%parallel_loop3A_1067, %parallel_loop3A_1068, %parallel_loop3A_1069] {strides = array<i32>} : memref<2x416x64xf32, #tpu.memory_space<vmem>>, vector<16xf32>,
        %parallel_loop3A_1071 = arith.constant 0 : i32
        %parallel_loop3A_1072 = arith.constant 0 : i32
        %parallel_loop3A_1073 = arith.constant 0 : i32
        %parallel_loop3A_1074 = arith.constant 0 : i32
        %parallel_loop3A_1075 = tpu.memref_slice %arg7[%parallel_loop3A_306, %parallel_loop3A_1071, %parallel_loop3A_1072, %parallel_loop3A_1073, %parallel_loop3A_1074] : memref<1x26x8x8x17xf32, #tpu.memory_space<vmem>> -> memref<1x26x8x8x17xf32, #tpu.memory_space<vmem>>
        %parallel_loop3A_1076 = tpu.memref_squeeze %parallel_loop3A_1075 : memref<1x26x8x8x17xf32, #tpu.memory_space<vmem>> -> memref<26x8x8x17xf32, #tpu.memory_space<vmem>>
        tpu.vector_store_idx %parallel_loop3A_1076[%parallel_loop3A_376, %shift_right_arithmetic3A_23, %and3A_25, %parallel_loop3A_1028], %parallel_loop3A_1070 : memref<26x8x8x17xf32, #tpu.memory_space<vmem>>[vector<16xi32>, vector<16xi32>, vector<16xi32>, vector<16xi32>], vector<16xf32>,
        %parallel_loop3A_1077 = arith.constant 14 : i32
        %parallel_loop3A_1078 = vector.broadcast %parallel_loop3A_1077 : i32 to vector<16xi32>
        %parallel_loop3A_1079 = arith.constant 16 : i32
        %parallel_loop3A_1080 = arith.muli %parallel_loop3A_375, %parallel_loop3A_1079 : i32
        %parallel_loop3A_1081 = arith.constant 14 : i32
        %parallel_loop3A_1082 = arith.addi %parallel_loop3A_1080, %parallel_loop3A_1081 : i32
        %parallel_loop3A_1083 = arith.constant 1 : i32
        %parallel_loop3A_1084 = arith.index_cast %parallel_loop3A_1083 : i32 to index
        %parallel_loop3A_1085 = arith.index_cast %parallel_loop3A_1082 : i32 to index
        %parallel_loop3A_1086 = arith.constant 0 : index
        %parallel_loop3A_1087 = tpu.vector_load %arg6[%parallel_loop3A_1084, %parallel_loop3A_1085, %parallel_loop3A_1086] {strides = array<i32>} : memref<2x416x64xf32, #tpu.memory_space<vmem>>, vector<16xf32>,
        %parallel_loop3A_1088 = arith.constant 0 : i32
        %parallel_loop3A_1089 = arith.constant 0 : i32
        %parallel_loop3A_1090 = arith.constant 0 : i32
        %parallel_loop3A_1091 = arith.constant 0 : i32
        %parallel_loop3A_1092 = tpu.memref_slice %arg7[%parallel_loop3A_306, %parallel_loop3A_1088, %parallel_loop3A_1089, %parallel_loop3A_1090, %parallel_loop3A_1091] : memref<1x26x8x8x17xf32, #tpu.memory_space<vmem>> -> memref<1x26x8x8x17xf32, #tpu.memory_space<vmem>>
        %parallel_loop3A_1093 = tpu.memref_squeeze %parallel_loop3A_1092 : memref<1x26x8x8x17xf32, #tpu.memory_space<vmem>> -> memref<26x8x8x17xf32, #tpu.memory_space<vmem>>
        tpu.vector_store_idx %parallel_loop3A_1093[%parallel_loop3A_376, %shift_right_arithmetic3A_5, %and3A_25, %parallel_loop3A_1078], %parallel_loop3A_1087 : memref<26x8x8x17xf32, #tpu.memory_space<vmem>>[vector<16xi32>, vector<16xi32>, vector<16xi32>, vector<16xi32>], vector<16xf32>,
        %parallel_loop3A_1094 = arith.constant 1 : i32
        %parallel_loop3A_1095 = arith.index_cast %parallel_loop3A_1094 : i32 to index
        %parallel_loop3A_1096 = arith.index_cast %parallel_loop3A_1082 : i32 to index
        %parallel_loop3A_1097 = arith.constant 16 : index
        %parallel_loop3A_1098 = tpu.vector_load %arg6[%parallel_loop3A_1095, %parallel_loop3A_1096, %parallel_loop3A_1097] {strides = array<i32>} : memref<2x416x64xf32, #tpu.memory_space<vmem>>, vector<16xf32>,
        %parallel_loop3A_1099 = arith.constant 0 : i32
        %parallel_loop3A_1100 = arith.constant 0 : i32
        %parallel_loop3A_1101 = arith.constant 0 : i32
        %parallel_loop3A_1102 = arith.constant 0 : i32
        %parallel_loop3A_1103 = tpu.memref_slice %arg7[%parallel_loop3A_306, %parallel_loop3A_1099, %parallel_loop3A_1100, %parallel_loop3A_1101, %parallel_loop3A_1102] : memref<1x26x8x8x17xf32, #tpu.memory_space<vmem>> -> memref<1x26x8x8x17xf32, #tpu.memory_space<vmem>>
        %parallel_loop3A_1104 = tpu.memref_squeeze %parallel_loop3A_1103 : memref<1x26x8x8x17xf32, #tpu.memory_space<vmem>> -> memref<26x8x8x17xf32, #tpu.memory_space<vmem>>
        tpu.vector_store_idx %parallel_loop3A_1104[%parallel_loop3A_376, %shift_right_arithmetic3A_11, %and3A_25, %parallel_loop3A_1078], %parallel_loop3A_1098 : memref<26x8x8x17xf32, #tpu.memory_space<vmem>>[vector<16xi32>, vector<16xi32>, vector<16xi32>, vector<16xi32>], vector<16xf32>,
        %parallel_loop3A_1105 = arith.constant 1 : i32
        %parallel_loop3A_1106 = arith.index_cast %parallel_loop3A_1105 : i32 to index
        %parallel_loop3A_1107 = arith.index_cast %parallel_loop3A_1082 : i32 to index
        %parallel_loop3A_1108 = arith.constant 32 : index
        %parallel_loop3A_1109 = tpu.vector_load %arg6[%parallel_loop3A_1106, %parallel_loop3A_1107, %parallel_loop3A_1108] {strides = array<i32>} : memref<2x416x64xf32, #tpu.memory_space<vmem>>, vector<16xf32>,
        %parallel_loop3A_1110 = arith.constant 0 : i32
        %parallel_loop3A_1111 = arith.constant 0 : i32
        %parallel_loop3A_1112 = arith.constant 0 : i32
        %parallel_loop3A_1113 = arith.constant 0 : i32
        %parallel_loop3A_1114 = tpu.memref_slice %arg7[%parallel_loop3A_306, %parallel_loop3A_1110, %parallel_loop3A_1111, %parallel_loop3A_1112, %parallel_loop3A_1113] : memref<1x26x8x8x17xf32, #tpu.memory_space<vmem>> -> memref<1x26x8x8x17xf32, #tpu.memory_space<vmem>>
        %parallel_loop3A_1115 = tpu.memref_squeeze %parallel_loop3A_1114 : memref<1x26x8x8x17xf32, #tpu.memory_space<vmem>> -> memref<26x8x8x17xf32, #tpu.memory_space<vmem>>
        tpu.vector_store_idx %parallel_loop3A_1115[%parallel_loop3A_376, %shift_right_arithmetic3A_17, %and3A_25, %parallel_loop3A_1078], %parallel_loop3A_1109 : memref<26x8x8x17xf32, #tpu.memory_space<vmem>>[vector<16xi32>, vector<16xi32>, vector<16xi32>, vector<16xi32>], vector<16xf32>,
        %parallel_loop3A_1116 = arith.constant 1 : i32
        %parallel_loop3A_1117 = arith.index_cast %parallel_loop3A_1116 : i32 to index
        %parallel_loop3A_1118 = arith.index_cast %parallel_loop3A_1082 : i32 to index
        %parallel_loop3A_1119 = arith.constant 48 : index
        %parallel_loop3A_1120 = tpu.vector_load %arg6[%parallel_loop3A_1117, %parallel_loop3A_1118, %parallel_loop3A_1119] {strides = array<i32>} : memref<2x416x64xf32, #tpu.memory_space<vmem>>, vector<16xf32>,
        %parallel_loop3A_1121 = arith.constant 0 : i32
        %parallel_loop3A_1122 = arith.constant 0 : i32
        %parallel_loop3A_1123 = arith.constant 0 : i32
        %parallel_loop3A_1124 = arith.constant 0 : i32
        %parallel_loop3A_1125 = tpu.memref_slice %arg7[%parallel_loop3A_306, %parallel_loop3A_1121, %parallel_loop3A_1122, %parallel_loop3A_1123, %parallel_loop3A_1124] : memref<1x26x8x8x17xf32, #tpu.memory_space<vmem>> -> memref<1x26x8x8x17xf32, #tpu.memory_space<vmem>>
        %parallel_loop3A_1126 = tpu.memref_squeeze %parallel_loop3A_1125 : memref<1x26x8x8x17xf32, #tpu.memory_space<vmem>> -> memref<26x8x8x17xf32, #tpu.memory_space<vmem>>
        tpu.vector_store_idx %parallel_loop3A_1126[%parallel_loop3A_376, %shift_right_arithmetic3A_23, %and3A_25, %parallel_loop3A_1078], %parallel_loop3A_1120 : memref<26x8x8x17xf32, #tpu.memory_space<vmem>>[vector<16xi32>, vector<16xi32>, vector<16xi32>, vector<16xi32>], vector<16xf32>,
        %parallel_loop3A_1127 = arith.constant 15 : i32
        %parallel_loop3A_1128 = vector.broadcast %parallel_loop3A_1127 : i32 to vector<16xi32>
        %parallel_loop3A_1129 = arith.constant 16 : i32
        %parallel_loop3A_1130 = arith.muli %parallel_loop3A_375, %parallel_loop3A_1129 : i32
        %parallel_loop3A_1131 = arith.constant 15 : i32
        %parallel_loop3A_1132 = arith.addi %parallel_loop3A_1130, %parallel_loop3A_1131 : i32
        %parallel_loop3A_1133 = arith.constant 1 : i32
        %parallel_loop3A_1134 = arith.index_cast %parallel_loop3A_1133 : i32 to index
        %parallel_loop3A_1135 = arith.index_cast %parallel_loop3A_1132 : i32 to index
        %parallel_loop3A_1136 = arith.constant 0 : index
        %parallel_loop3A_1137 = tpu.vector_load %arg6[%parallel_loop3A_1134, %parallel_loop3A_1135, %parallel_loop3A_1136] {strides = array<i32>} : memref<2x416x64xf32, #tpu.memory_space<vmem>>, vector<16xf32>,
        %parallel_loop3A_1138 = arith.constant 0 : i32
        %parallel_loop3A_1139 = arith.constant 0 : i32
        %parallel_loop3A_1140 = arith.constant 0 : i32
        %parallel_loop3A_1141 = arith.constant 0 : i32
        %parallel_loop3A_1142 = tpu.memref_slice %arg7[%parallel_loop3A_306, %parallel_loop3A_1138, %parallel_loop3A_1139, %parallel_loop3A_1140, %parallel_loop3A_1141] : memref<1x26x8x8x17xf32, #tpu.memory_space<vmem>> -> memref<1x26x8x8x17xf32, #tpu.memory_space<vmem>>
        %parallel_loop3A_1143 = tpu.memref_squeeze %parallel_loop3A_1142 : memref<1x26x8x8x17xf32, #tpu.memory_space<vmem>> -> memref<26x8x8x17xf32, #tpu.memory_space<vmem>>
        tpu.vector_store_idx %parallel_loop3A_1143[%parallel_loop3A_376, %shift_right_arithmetic3A_5, %and3A_25, %parallel_loop3A_1128], %parallel_loop3A_1137 : memref<26x8x8x17xf32, #tpu.memory_space<vmem>>[vector<16xi32>, vector<16xi32>, vector<16xi32>, vector<16xi32>], vector<16xf32>,
        %parallel_loop3A_1144 = arith.constant 1 : i32
        %parallel_loop3A_1145 = arith.index_cast %parallel_loop3A_1144 : i32 to index
        %parallel_loop3A_1146 = arith.index_cast %parallel_loop3A_1132 : i32 to index
        %parallel_loop3A_1147 = arith.constant 16 : index
        %parallel_loop3A_1148 = tpu.vector_load %arg6[%parallel_loop3A_1145, %parallel_loop3A_1146, %parallel_loop3A_1147] {strides = array<i32>} : memref<2x416x64xf32, #tpu.memory_space<vmem>>, vector<16xf32>,
        %parallel_loop3A_1149 = arith.constant 0 : i32
        %parallel_loop3A_1150 = arith.constant 0 : i32
        %parallel_loop3A_1151 = arith.constant 0 : i32
        %parallel_loop3A_1152 = arith.constant 0 : i32
        %parallel_loop3A_1153 = tpu.memref_slice %arg7[%parallel_loop3A_306, %parallel_loop3A_1149, %parallel_loop3A_1150, %parallel_loop3A_1151, %parallel_loop3A_1152] : memref<1x26x8x8x17xf32, #tpu.memory_space<vmem>> -> memref<1x26x8x8x17xf32, #tpu.memory_space<vmem>>
        %parallel_loop3A_1154 = tpu.memref_squeeze %parallel_loop3A_1153 : memref<1x26x8x8x17xf32, #tpu.memory_space<vmem>> -> memref<26x8x8x17xf32, #tpu.memory_space<vmem>>
        tpu.vector_store_idx %parallel_loop3A_1154[%parallel_loop3A_376, %shift_right_arithmetic3A_11, %and3A_25, %parallel_loop3A_1128], %parallel_loop3A_1148 : memref<26x8x8x17xf32, #tpu.memory_space<vmem>>[vector<16xi32>, vector<16xi32>, vector<16xi32>, vector<16xi32>], vector<16xf32>,
        %parallel_loop3A_1155 = arith.constant 1 : i32
        %parallel_loop3A_1156 = arith.index_cast %parallel_loop3A_1155 : i32 to index
        %parallel_loop3A_1157 = arith.index_cast %parallel_loop3A_1132 : i32 to index
        %parallel_loop3A_1158 = arith.constant 32 : index
        %parallel_loop3A_1159 = tpu.vector_load %arg6[%parallel_loop3A_1156, %parallel_loop3A_1157, %parallel_loop3A_1158] {strides = array<i32>} : memref<2x416x64xf32, #tpu.memory_space<vmem>>, vector<16xf32>,
        %parallel_loop3A_1160 = arith.constant 0 : i32
        %parallel_loop3A_1161 = arith.constant 0 : i32
        %parallel_loop3A_1162 = arith.constant 0 : i32
        %parallel_loop3A_1163 = arith.constant 0 : i32
        %parallel_loop3A_1164 = tpu.memref_slice %arg7[%parallel_loop3A_306, %parallel_loop3A_1160, %parallel_loop3A_1161, %parallel_loop3A_1162, %parallel_loop3A_1163] : memref<1x26x8x8x17xf32, #tpu.memory_space<vmem>> -> memref<1x26x8x8x17xf32, #tpu.memory_space<vmem>>
        %parallel_loop3A_1165 = tpu.memref_squeeze %parallel_loop3A_1164 : memref<1x26x8x8x17xf32, #tpu.memory_space<vmem>> -> memref<26x8x8x17xf32, #tpu.memory_space<vmem>>
        tpu.vector_store_idx %parallel_loop3A_1165[%parallel_loop3A_376, %shift_right_arithmetic3A_17, %and3A_25, %parallel_loop3A_1128], %parallel_loop3A_1159 : memref<26x8x8x17xf32, #tpu.memory_space<vmem>>[vector<16xi32>, vector<16xi32>, vector<16xi32>, vector<16xi32>], vector<16xf32>,
        %parallel_loop3A_1166 = arith.constant 1 : i32
        %parallel_loop3A_1167 = arith.index_cast %parallel_loop3A_1166 : i32 to index
        %parallel_loop3A_1168 = arith.index_cast %parallel_loop3A_1132 : i32 to index
        %parallel_loop3A_1169 = arith.constant 48 : index
        %parallel_loop3A_1170 = tpu.vector_load %arg6[%parallel_loop3A_1167, %parallel_loop3A_1168, %parallel_loop3A_1169] {strides = array<i32>} : memref<2x416x64xf32, #tpu.memory_space<vmem>>, vector<16xf32>,
        %parallel_loop3A_1171 = arith.constant 0 : i32
        %parallel_loop3A_1172 = arith.constant 0 : i32
        %parallel_loop3A_1173 = arith.constant 0 : i32
        %parallel_loop3A_1174 = arith.constant 0 : i32
        %parallel_loop3A_1175 = tpu.memref_slice %arg7[%parallel_loop3A_306, %parallel_loop3A_1171, %parallel_loop3A_1172, %parallel_loop3A_1173, %parallel_loop3A_1174] : memref<1x26x8x8x17xf32, #tpu.memory_space<vmem>> -> memref<1x26x8x8x17xf32, #tpu.memory_space<vmem>>
        %parallel_loop3A_1176 = tpu.memref_squeeze %parallel_loop3A_1175 : memref<1x26x8x8x17xf32, #tpu.memory_space<vmem>> -> memref<26x8x8x17xf32, #tpu.memory_space<vmem>>
        tpu.vector_store_idx %parallel_loop3A_1176[%parallel_loop3A_376, %shift_right_arithmetic3A_23, %and3A_25, %parallel_loop3A_1128], %parallel_loop3A_1170 : memref<26x8x8x17xf32, #tpu.memory_space<vmem>>[vector<16xi32>, vector<16xi32>, vector<16xi32>, vector<16xi32>], vector<16xf32>,
      } {sc.loop_unroll_factor = 2 : i64, sc.parallel_access}
      %mul3A_307 = arith.constant 4 : i32
      %mul3A_308 = arith.muli %mul3A_307, %add3A : i32
      %jit3A_309 = arith.constant 8 : i32
      %div3A_310 = arith.divsi %add3A_230, %jit3A_309 : i32
      %sign3A_311 = arith.constant 0 : i32
      %sign3A_312 = arith.cmpi sgt, %add3A_230, %sign3A_311 : i32
      %sign3A_313 = arith.extui %sign3A_312 : i1 to i32
      %sign3A_314 = arith.constant 0 : i32
      %sign3A_315 = arith.cmpi slt, %add3A_230, %sign3A_314 : i32
      %sign3A_316 = arith.extui %sign3A_315 : i1 to i32
      %sign3A_317 = arith.subi %sign3A_313, %sign3A_316 : i32
      %sign3A_318 = arith.constant 0 : i32
      %sign3A_319 = arith.cmpi sgt, %jit3A_309, %sign3A_318 : i32
      %sign3A_320 = arith.extui %sign3A_319 : i1 to i32
      %sign3A_321 = arith.constant 0 : i32
      %sign3A_322 = arith.cmpi slt, %jit3A_309, %sign3A_321 : i32
      %sign3A_323 = arith.extui %sign3A_322 : i1 to i32
      %sign3A_324 = arith.subi %sign3A_320, %sign3A_323 : i32
      %ne3A_325 = arith.cmpi ne, %sign3A_317, %sign3A_324 : i32
      %rem3A_326 = arith.remsi %add3A_230, %jit3A_309 : i32
      %ne3A_327 = arith.constant 0 : i32
      %ne3A_328 = arith.cmpi ne, %rem3A_326, %ne3A_327 : i32
      %and3A_329 = arith.andi %ne3A_325, %ne3A_328 : i1
      %sub3A_330 = arith.constant 1 : i32
      %sub3A_331 = arith.subi %div3A_310, %sub3A_330 : i32
      %select_n3A_332 = arith.select %and3A_329, %sub3A_331, %div3A_310 : i32
      %add3A_333 = arith.addi %mul3A_308, %select_n3A_332 : i32
      %jit3A_334 = arith.constant 8 : i32
      %eq3A_335 = arith.constant 0 : i32
      %eq3A_336 = arith.cmpi eq, %jit3A_334, %eq3A_335 : i32
      %jit3A_337 = arith.constant 1 : i32
      %select_n3A_338 = arith.select %eq3A_336, %jit3A_337, %jit3A_334 : i32
      %rem3A_339 = arith.remsi %add3A_230, %select_n3A_338 : i32
      %ne3A_340 = arith.constant 0 : i32
      %ne3A_341 = arith.cmpi ne, %rem3A_339, %ne3A_340 : i32
      %lt3A_342 = arith.constant 0 : i32
      %lt3A_343 = arith.cmpi slt, %rem3A_339, %lt3A_342 : i32
      %lt3A_344 = arith.constant 0 : i32
      %lt3A_345 = arith.cmpi slt, %select_n3A_338, %lt3A_344 : i32
      %ne3A_346 = arith.xori %lt3A_343, %lt3A_345 : i1
      %and3A_347 = arith.andi %ne3A_346, %ne3A_341 : i1
      %add3A_348 = arith.addi %rem3A_339, %select_n3A_338 : i32
      %select_n3A_349 = arith.select %and3A_347, %add3A_348, %rem3A_339 : i32
      %mul3A_350 = arith.constant 16 : i32
      %mul3A_351 = arith.muli %select_n3A_349, %mul3A_350 : i32
      %dma_start3A_352 = arith.constant 0 : i32
      %dma_start3A_353 = arith.constant 0 : i32
      %dma_start3A_354 = arith.constant 0 : i32
      %dma_start3A_355 = arith.constant 0 : i32
      %dma_start3A_356 = arith.constant 0 : i32
      %dma_start3A_357 = tpu.memref_slice %arg7[%dma_start3A_352, %dma_start3A_353, %dma_start3A_354, %dma_start3A_355, %dma_start3A_356] : memref<1x26x8x8x17xf32, #tpu.memory_space<vmem>> -> memref<1x26x8x8x16xf32, #tpu.memory_space<vmem>>
      %dma_start3A_358 = tpu.memref_squeeze %dma_start3A_357 : memref<1x26x8x8x16xf32, #tpu.memory_space<vmem>> -> memref<26x8x8x16xf32, #tpu.memory_space<vmem>>
      %dma_start3A_359 = arith.constant 0 : i32
      %dma_start3A_360 = arith.constant 0 : i32
      %dma_start3A_361 = arith.constant 0 : i32
      %dma_start3A_362 = tpu.memref_slice %arg4[%dma_start3A_359, %dma_start3A_360, %add3A_333, %dma_start3A_361, %mul3A_351] : memref<26x8x128x8x128xf32, #tpu.memory_space<hbm>> -> memref<26x8x1x8x16xf32, #tpu.memory_space<hbm>>
      %dma_start3A_363 = tpu.memref_squeeze %dma_start3A_362 : memref<26x8x1x8x16xf32, #tpu.memory_space<hbm>> -> memref<26x8x8x16xf32, #tpu.memory_space<hbm>>
      %dma_start3A_364 = arith.constant 0 : i32
      %dma_start3A_365 = arith.constant 0 : i32
      %dma_start3A_366 = arith.constant 0 : i32
      %dma_start3A_367 = tpu.memref_slice %arg4[%dma_start3A_364, %dma_start3A_365, %add3A_333, %dma_start3A_366, %mul3A_351] : memref<26x8x128x8x128xf32, #tpu.memory_space<hbm>> -> memref<26x8x1x8x16xf32, #tpu.memory_space<hbm>>
      %dma_start3A_368 = tpu.memref_squeeze %dma_start3A_367 : memref<26x8x1x8x16xf32, #tpu.memory_space<hbm>> -> memref<26x8x8x16xf32, #tpu.memory_space<hbm>>
      %dma_start3A_369 = arith.constant 0 : i32
      %dma_start3A_370 = arith.constant 0 : i32
      %dma_start3A_371 = arith.constant 0 : i32
      %dma_start3A_372 = arith.constant 0 : i32
      %dma_start3A_373 = tpu.memref_slice %arg7[%dma_start3A_352, %dma_start3A_369, %dma_start3A_370, %dma_start3A_371, %dma_start3A_372] : memref<1x26x8x8x17xf32, #tpu.memory_space<vmem>> -> memref<1x26x8x8x16xf32, #tpu.memory_space<vmem>>
      %dma_start3A_374 = tpu.memref_squeeze %dma_start3A_373 : memref<1x26x8x8x16xf32, #tpu.memory_space<vmem>> -> memref<26x8x8x16xf32, #tpu.memory_space<vmem>>
      tpu.enqueue_dma source(%dma_start3A_374 : memref<26x8x8x16xf32, #tpu.memory_space<vmem>>) target(%dma_start3A_368 : memref<26x8x8x16xf32, #tpu.memory_space<hbm>>) target_semaphore(%arg10 : memref<!tpu.dma_semaphore, #tpu.memory_space<semaphore_mem>>)
    }
    %scan3A_69 = arith.constant 16 : i32
    %dma_wait3A = arith.constant 0 : i32
    %dma_wait3A_70 = arith.constant 0 : i32
    %dma_wait3A_71 = arith.constant 0 : i32
    %dma_wait3A_72 = arith.constant 0 : i32
    %dma_wait3A_73 = arith.constant 0 : i32
    %dma_wait3A_74 = arith.constant 0 : i32
    %dma_wait3A_75 = tpu.memref_slice %arg7[%dma_wait3A, %dma_wait3A_71, %dma_wait3A_72, %dma_wait3A_73, %dma_wait3A_74] : memref<1x26x8x8x17xf32, #tpu.memory_space<vmem>> -> memref<1x26x8x8x16xf32, #tpu.memory_space<vmem>>
    %dma_wait3A_76 = tpu.memref_squeeze %dma_wait3A_75 : memref<1x26x8x8x16xf32, #tpu.memory_space<vmem>> -> memref<26x8x8x16xf32, #tpu.memory_space<vmem>>
    %dma_wait3A_77 = arith.constant 0 : i32
    %dma_wait3A_78 = arith.constant 0 : i32
    %dma_wait3A_79 = arith.constant 0 : i32
    %dma_wait3A_80 = arith.constant 0 : i32
    %dma_wait3A_81 = tpu.memref_slice %arg4[%dma_wait3A_77, %dma_wait3A_78, %dma_wait3A_70, %dma_wait3A_79, %dma_wait3A_80] : memref<26x8x128x8x128xf32, #tpu.memory_space<hbm>> -> memref<26x8x1x8x16xf32, #tpu.memory_space<hbm>>
    %dma_wait3A_82 = tpu.memref_squeeze %dma_wait3A_81 : memref<26x8x1x8x16xf32, #tpu.memory_space<hbm>> -> memref<26x8x8x16xf32, #tpu.memory_space<hbm>>
    %dma_wait3A_83 = arith.constant 0 : i32
    %dma_wait3A_84 = arith.constant 0 : i32
    %dma_wait3A_85 = arith.constant 0 : i32
    %dma_wait3A_86 = arith.constant 0 : i32
    %dma_wait3A_87 = tpu.memref_slice %arg4[%dma_wait3A_83, %dma_wait3A_84, %dma_wait3A_70, %dma_wait3A_85, %dma_wait3A_86] : memref<26x8x128x8x128xf32, #tpu.memory_space<hbm>> -> memref<26x8x1x8x16xf32, #tpu.memory_space<hbm>>
    %dma_wait3A_88 = tpu.memref_squeeze %dma_wait3A_87 : memref<26x8x1x8x16xf32, #tpu.memory_space<hbm>> -> memref<26x8x8x16xf32, #tpu.memory_space<hbm>>
    %dma_wait3A_89 = arith.constant 0 : i32
    %dma_wait3A_90 = arith.constant 0 : i32
    %dma_wait3A_91 = arith.constant 0 : i32
    %dma_wait3A_92 = arith.constant 0 : i32
    %dma_wait3A_93 = tpu.memref_slice %arg7[%dma_wait3A, %dma_wait3A_89, %dma_wait3A_90, %dma_wait3A_91, %dma_wait3A_92] : memref<1x26x8x8x17xf32, #tpu.memory_space<vmem>> -> memref<1x26x8x8x16xf32, #tpu.memory_space<vmem>>
    %dma_wait3A_94 = tpu.memref_squeeze %dma_wait3A_93 : memref<1x26x8x8x16xf32, #tpu.memory_space<vmem>> -> memref<26x8x8x16xf32, #tpu.memory_space<vmem>>
    tpu.wait_dma2 semaphore(%arg10 : memref<!tpu.dma_semaphore, #tpu.memory_space<semaphore_mem>>) src(%dma_wait3A_94 : memref<26x8x8x16xf32, #tpu.memory_space<vmem>>) dst(%dma_wait3A_88 : memref<26x8x8x16xf32, #tpu.memory_space<hbm>>)
    return
  }
}

</mosaic_0001>

<sc_bundles>
// kernel: kernel.3.cloned.1.call-start
scs
__scs_entry_jumppad:
0x0: {  	(pc) =	sbr.rel $0x88, $3  }
0x1: {  	(tag) =	ssettag $0x0;
	lr =	simm.s32 $0x1  }
0x2: {  	[smem:$0x3F9F] =	sst lr;
	_ =	strace $0xD0000000  }
0x3: {  	_ = 	snop  }
0x4: {  	_ = 	snop  }
0x5: {  	_ = 	snop  }
0x6: {  	_ = 	snop  }
0x7: {  	_ = 	snop  }
__scs_overlays_trampoline_lowered:
0x8: {  	[smem:$0x3FAE] =	sst s0  }
0x9: {  	[smem:$0x3FAF] =	sst s1  }
0xa: {  	[smem:$0x3FB0] =	sst s2  }
0xb: {  	[smem:$0x3FB1] =	sst s3  }
0xc: {  	[smem:$0x3FB2] =	sst s4  }
0xd: {  	[smem:$0x3FB3] =	sst s5  }
0xe: {  	[smem:$0x3FB4] =	sst s6  }
0xf: {  	[smem:$0x3FB5] =	sst s7  }
0x10: {  	[smem:$0x3FB6] =	sst s8  }
0x11: {  	[smem:$0x3FB7] =	sst s9;
	s0 =	simm.s32 @!p0 $0x0  }
0x12: {  	s1 =	sld [smem:$0x3F9D];
	s0 =	simm.s32 @p0 $0x1  }
0x13: {  	[smem:$0x3FB8] =	sst s0;
	s0 =	simm.s32 @!p1 $0x0  }
0x14: {  	s2 =	sld [smem:$0x3F9C];
	s0 =	simm.s32 @p1 $0x1  }
0x15: {  	[smem:$0x3FB9] =	sst s0;
	s0 =	simm.s32 @!p2 $0x0  }
0x16: {  	s3 =	sld [smem:$0x3FDB];
	s0 =	simm.s32 @p2 $0x1  }
0x17: {  	s4 =	simm.s32 $0x1BF5;
	[smem:$0x3FBB] =	sst s0  }
0x18: {  	s0 =	sld [smem:$0x3F9E];
	_ =	swait.ge [sflag:s4], $0x0  }
0x19: {  	s7 =	sld [smem:$0x3F9F]  }
0x1a: {  	s8 =	sadd.s32 $0xFFFFE003, lr  }
0x1b: {  	s9 =	sadd.s32 $0xFFFFFEF7, lr;
	s5 =	simm.s32 $0xFFFFFFFF;
	p2 =	slt.u32 s8, $0xFFFFF086  }
0x1c: {  	p1 =	slt.u32 s9, $0xF7A;
	s5 =	simm.s32 @!p2 $0x0  }
0x1d: {  	s5 =	simm.s32 @p1 $0x1;
	p0 =	seq.s32 s7, s2  }
0x1e: {  	s7 =	smul.u32 @!p0 $0xF7A, s2;
	p2 =	seq.s32 @!p0 s5, $0x0  }
0x1f: {  	s9 =	smul.u32 $0xF7A, s1;
	s8 =	simm.s32 @!p0 $0x1BF5;
	p2 =	por !p2, p0  }
0x20: {  	[sflag:s8] =	ssyncset.s32 @!p0 $0xFFFFF086;
	s6 =	sadd.s32 @!p0 s3, s7;
	s7 =	simm.s32 @!p0 $0x108  }
0x21: {  	s3 =	sadd.s32 s3, s9;
	s6 =	sadd.s32 @!p0 $0x88, s6;
	s7 =	simm.s32 @p2 $0x1082  }
0x22: {  	[simem:s7], [sflag:s8] =	dma.local @!p0 [hbm:s6], $0xF7A  }
0x23: {  	s9 =	sor.u32 $0xD0000000, s2;
	s6 =	simm.s32 $0x108;
	_ =	swait.ge @!p0 [sflag:s8], $0x0  }
0x24: {  	s3 =	sadd.s32 $0x88, s3;
	s6 =	simm.s32 @!p1 $0x1082;
	[sflag:s4] =	ssyncset.s32 $0xFFFFF086  }
0x25: {  	[simem:s6], [sflag:s4] =	dma.local [hbm:s3], $0xF7A  }
0x26: {  	[smem:$0x3F9F] =	sst s1;
	(tag) =	ssettag s2;
	_ =	strace s9  }
0x27: {  	s1 =	sld [smem:$0x3FAF]  }
0x28: {  	s2 =	sld [smem:$0x3FB0]  }
0x29: {  	s4 =	sld [smem:$0x3FB2]  }
0x2a: {  	p0 =	seq.s32 s5, $0x0;
	s5 =	sld [smem:$0x3FB3]  }
0x2b: {  	s6 =	sld [smem:$0x3FB4]  }
0x2c: {  	s7 =	sld [smem:$0x3FB5]  }
0x2d: {  	s3 =	simm.s32 $0x108;
	s8 =	sld [smem:$0x3FB6]  }
0x2e: {  	s3 =	simm.s32 @!p0 $0x1082;
	s9 =	sld [smem:$0x3FB7]  }
0x2f: {  	lr =	sadd.s32 s0, s3;
	s0 =	sld [smem:$0x3FAE]  }
0x30: {  	s3 =	sld [smem:$0x3FB1]  }
0x31: {  	[smem:$0x3FBA] =	sst s10  }
0x32: {  	s10 =	sld [smem:$0x3FB8];
	_ =	sdelay $0x3  }
0x33: {  	p0 =	seq.s32 s10, $0x1;
	s10 =	sld [smem:$0x3FBA];
	_ =	sdelay $0x3  }
0x34: {  	[smem:$0x3FBA] =	sst s10  }
0x35: {  	s10 =	sld [smem:$0x3FB9];
	_ =	sdelay $0x3  }
0x36: {  	p1 =	seq.s32 s10, $0x1;
	s10 =	sld [smem:$0x3FBA];
	_ =	sdelay $0x3  }
0x37: {  	[smem:$0x3FBA] =	sst s10  }
0x38: {  	s10 =	sld [smem:$0x3FBB]  }
0x39: {  	_ = 	snop;
	(pc) =	sbr.ind lr, $3  }
0x3a: {  	_ = 	snop  }
0x3b: {  	_ = 	snop  }
0x3c: {  	p2 =	seq.s32 s10, $0x1;
	s10 =	sld [smem:$0x3FBA]  }
0x3d: {  	_ =	shalt  }
0x3e: {  	_ =	shalt  }
0x3f: {  	_ =	shalt  }
0x40: {  	_ =	shalt  }
0x41: {  	_ =	shalt  }
0x42: {  	_ =	shalt  }
0x43: {  	_ =	shalt  }
0x44: {  	_ =	shalt  }
0x45: {  	_ =	shalt  }
0x46: {  	_ =	shalt  }
0x47: {  	_ =	shalt  }
0x48: {  	_ =	shalt  }
0x49: {  	_ =	shalt  }
0x4a: {  	_ =	shalt  }
0x4b: {  	_ =	shalt  }
0x4c: {  	_ =	shalt  }
0x4d: {  	_ =	shalt  }
0x4e: {  	_ =	shalt  }
0x4f: {  	_ =	shalt  }
0x50: {  	_ =	shalt  }
0x51: {  	_ =	shalt  }
0x52: {  	_ =	shalt  }
0x53: {  	_ =	shalt  }
0x54: {  	_ =	shalt  }
0x55: {  	_ =	shalt  }
0x56: {  	_ =	shalt  }
0x57: {  	_ =	shalt  }
0x58: {  	_ =	shalt  }
0x59: {  	_ =	shalt  }
0x5a: {  	_ =	shalt  }
0x5b: {  	_ =	shalt  }
0x5c: {  	_ =	shalt  }
0x5d: {  	_ =	shalt  }
0x5e: {  	_ =	shalt  }
0x5f: {  	_ =	shalt  }
0x60: {  	_ =	shalt  }
0x61: {  	_ =	shalt  }
0x62: {  	_ =	shalt  }
0x63: {  	_ =	shalt  }
0x64: {  	_ =	shalt  }
0x65: {  	_ =	shalt  }
0x66: {  	_ =	shalt  }
0x67: {  	_ =	shalt  }
0x68: {  	_ =	shalt  }
0x69: {  	_ =	shalt  }
0x6a: {  	_ =	shalt  }
0x6b: {  	_ =	shalt  }
0x6c: {  	_ =	shalt  }
0x6d: {  	_ =	shalt  }
0x6e: {  	_ =	shalt  }
0x6f: {  	_ =	shalt  }
0x70: {  	_ =	shalt  }
0x71: {  	_ =	shalt  }
0x72: {  	_ =	shalt  }
0x73: {  	_ =	shalt  }
0x74: {  	_ =	shalt  }
0x75: {  	_ =	shalt  }
0x76: {  	_ =	shalt  }
0x77: {  	_ =	shalt  }
0x78: {  	_ =	shalt  }
0x79: {  	_ =	shalt  }
0x7a: {  	_ =	shalt  }
0x7b: {  	_ =	shalt  }
0x7c: {  	_ =	shalt  }
0x7d: {  	_ =	shalt  }
0x7e: {  	_ =	shalt  }
0x7f: {  	_ =	shalt  }
0x80: {  	_ =	shalt  }
0x81: {  	_ =	shalt  }
0x82: {  	_ =	shalt  }
0x83: {  	_ =	shalt  }
0x84: {  	_ =	shalt  }
0x85: {  	_ =	shalt  }
0x86: {  	_ =	shalt  }
0x87: {  	_ =	shalt  }
.Lfunc_end0:
.L_simem_size_0:
called_computation_lowered:
.L_overlay_start_0:
0x88: {  	s2 =	sld [smem:$0x3FD9]  }
0x89: {  	s3 =	sld [smem:$0x3FFE];
	_ =	sdelay $0x1  }
0x8a: {  	s1 =	srdreg.scid  }
0x8b: {  	s0 =	sand.u32 $0x1, s1  }
0x8c: {  	s17 =	sshll.u32 s0, $0xA;
	s2 =	sadd.s32 s3, s2  }
0x8d: {  	s2 =	sadd.s32 s2, s17  }
0x8e: {  	[smem:$0x3FC6] =	sst s2  }
0x8f: {  	_ = 	snop  }
0x90: {  	s2 =	sld [smem:$0x3FD0];
	(tm) =	ssettm $0x1  }
0x91: {  	s18 =	sld [smem:$0x3FFB];
	_ =	sdelay $0x3  }
0x92: {  	_ =	strace s18  }
0x93: {  	s3 =	sld [smem:$0x3FFC];
	_ =	sdelay $0x3  }
0x94: {  	_ =	strace s3  }
0x95: {  	s3 =	sld [smem:$0x3FFD];
	_ =	sdelay $0x3  }
0x96: {  	_ =	strace s3  }
0x97: {  	_ =	strace $0x8FFFFFFF  }
0x98: {  	s19 =	sld [smem:$0x3FDB];
	_ =	sdelay $0x1  }
0x99: {  	s4 =	simm.s32 $_scs_section_size  }
0x9a: {  	s5 =	simm.s32 $_size__tile_overlayer_lowered;
	s6 =	simm.s32 $_tile_overlayer_lowered  }
0x9b: {  	s22 =	simm.s32 $0x1BFF;
	s21 =	sshll.u32 s6, $0x1;
	s3 =	sadd.s32 s4, s19  }
0x9c: {  	s7 =	simm.s32 $0x0;
	s20 =	sshll.u32 s5, $0x1;
	s5 =	sadd.s32 s21, s3  }
0x9d: {  	[timem:s7], [sflag:s22] =	dma.local [hbm:s5], s20  }
0x9e: {  	_ =	swait.ge [sflag:s22], s20  }
0x9f: {  	s4 =	ssub.s32 $0x0, s20;
	[sflag:s22] =	ssyncset.done $0x0  }
0xa0: {  	[sflag:s22] =	ssyncadd.s32 s4;
	_ =	sdelay $0x1  }
0xa1: {  	s23 =	simm.s32 $0x1B8B  }
0xa2: {  	_ =	swait.ge [sflag:s23], $0x1  }
0xa3: {  	[sflag:s23] =	ssyncset.done $0x0  }
0xa4: {  	s25 =	simm.s32 $0x1B8E;
	s24 =	sld [smem:$0x3FFE];
	[sflag:s23] =	ssyncadd.s32 $0xFFFFFFFF  }
0xa5: {  	s26 =	simm.s32 $execute0_lowered;
	[smem:$0x3FD2] =	sst s25  }
0xa6: {  	s5 =	sshll.u32 s26, $0x1;
	_ =	strace $0x80000046;
	[dreg:$0x1] =	wrdreg $0xFFFFFFFF  }
0xa7: {  	s28 =	simm.s32 $_size_execute0_lowered;
	s3 =	sadd.s32 s3, s5;
	[dreg:$0x0] =	wrdreg $0x0  }
0xa8: {  	s5 =	sshll.u32 s28, $0x1;
	[dreg:$0x2] =	wrdreg s3  }
0xa9: {  	[dreg:$0x3] =	wrdreg s5  }
0xaa: {  	[dreg:$0x4] =	wrdreg $0xC0  }
0xab: {  	_ =	task [dreg:s7], $0x5FFFF  }
0xac: {  	[dreg:$0x1] =	wrdreg $0xFFFFFFFF  }
0xad: {  	[dreg:$0x0] =	wrdreg $0x60  }
0xae: {  	[dreg:$0x2] =	wrdreg s24  }
0xaf: {  	[dreg:$0x3] =	wrdreg s2  }
0xb0: {  	[dreg:$0x4] =	wrdreg $0x9  }
0xb1: {  	_ =	task.clear_ibuf [dreg:s7], $0x5FFFF;
	_ =	strace $0x90000046  }
0xb2: {  	s29 =	simm.s32 $0x9;
	_ =	strace $0x80000048  }
0xb3: {  	_ =	swait.ge [sflag:s29], $0x1  }
0xb4: {  	[sflag:s29] =	ssyncadd.s32 $0xFFFFFFFF  }
0xb5: {  	_ =	strace $0x90000048  }
0xb6: {  	_ =	sfence  }
0xb7: {  	s30 =	sld [smem:$0x0];
	_ =	sdelay $0x2  }
0xb8: {  	s31 =	sshll.u32 s1, $0xD;
	s1 =	sshrl.u32 s1, $0x2  }
0xb9: {  	s3 =	sand.u32 $0x4000, s31;
	s1 =	sadd.s32 s1, s30  }
0xba: {  	s0 =	sor.u32 s3, s0;
	s1 =	sshll.u32 s1, $0x11  }
0xbb: {  	s0 =	sor.u32 s1, s0  }
0xbc: {  	s0 =	sadd.s32 $0x8F2B, s0  }
0xbd: {  	[sflag:s0] =	ssyncadd.remote.s32 $0x1  }
0xbe: {  	_ =	sfence.sel $0xFFFF  }
0xbf: {  	[dreg:$0x0] =	wrdreg $0xFFFFFFFF;
	(pc) =	sbr.abs _section_cstart, $3  }
0xc0: {  	[dreg:$0x1] =	wrdreg $0xFFFFFFFF  }
0xc1: {  	_ =	task.clear_ibuf [dreg:s7], $0x2FFFF;
	_ =	strace $0x9FFFFFFF  }
0xc2: {  	(tm) =	ssettm $0x7FFFFFFF  }
0xc3: {  	_ =	shalt  }
tec
execute0_lowered:
.L_overlay_start_1:
0x0: {  	(tag) =	ssettag $0x1  }
0x1: {  	v0 =	vlaneseq.u32  }
0x2: {  	s3 =	stileid.u32;
	v18 =	vmul.u32 $0x18, v0  }
0x3: {  	s0 =	rddreg [dreg:$0x0];
	s4 =	sshll.u32 s3, $0x1;
	s3 =	simm.s32 $0x0  }
0x4: {  	[smem:$0x7FF] =	sst s3;
	v0 =	vadd.s32 $0x30B, v18  }
0x5: {  	s2 =	rddreg [dreg:$0x1];
	_ =	strace $0x80000047;
	v52 =	vadd.s32 $0x48B, v18;
	[tilespmem:$0x1FC70] =	vst v0  }
0x6: {  	v54 =	vadd.s32 $0x18C, v18;
	[tilespmem:$0x1FC80] =	vst v52  }
0x7: {  	v60 =	vadd.s32 $0x48C, v18;
	[tilespmem:$0x1FC90] =	vst v54  }
0x8: {  	v45 =	vadd.s32 $0xD, v18;
	[tilespmem:$0x1FCA0] =	vst v60  }
0x9: {  	v47 =	vadd.s32 $0x18D, v18;
	[tilespmem:$0x1FCB0] =	vst v45  }
0xa: {  	v50 =	vadd.s32 $0x30D, v18;
	[tilespmem:$0x1FCC0] =	vst v47  }
0xb: {  	v43 =	vadd.s32 $0x30A, v18;
	[tilespmem:$0x1FCD0] =	vst v50  }
0xc: {  	v41 =	vadd.s32 $0xB, v18;
	[tilespmem:$0x1FD70] =	vst v43  }
0xd: {  	v28 =	vadd.s32 $0x18B, v18;
	[tilespmem:$0x1FD80] =	vst v41  }
0xe: {  	v23 =	vadd.s32 $0xC, v18;
	[tilespmem:$0x1FD90] =	vst v28  }
0xf: {  	v15 =	vadd.s32 $0x30C, v18;
	[tilespmem:$0x1FDA0] =	vst v23  }
0x10: {  	v46 =	vor.u32 $0x6, v18;
	[tilespmem:$0x1FDB0] =	vst v15  }
0x11: {  	v34 =	vadd.s32 $0x306, v18;
	[tilespmem:$0x1FDC0] =	vst v46  }
0x12: {  	v36 =	vor.u32 $0x7, v18;
	[tilespmem:$0x1FDD0] =	vst v34  }
0x13: {  	v49 =	vadd.s32 $0x307, v18;
	[tilespmem:$0x1FDE0] =	vst v36  }
0x14: {  	v51 =	vadd.s32 $0x8, v18;
	[tilespmem:$0x1FDF0] =	vst v49  }
0x15: {  	v56 =	vadd.s32 $0x308, v18;
	[tilespmem:$0x1FE00] =	vst v51  }
0x16: {  	v58 =	vadd.s32 $0x9, v18;
	[tilespmem:$0x1FE10] =	vst v56  }
0x17: {  	v48 =	vadd.s32 $0x309, v18;
	[tilespmem:$0x1FE20] =	vst v58  }
0x18: {  	v32 =	vadd.s32 $0x485, v18;
	[tilespmem:$0x1FE30] =	vst v48  }
0x19: {  	v33 =	vadd.s32 $0x186, v18;
	[tilespmem:$0x1FE40] =	vst v32  }
0x1a: {  	v35 =	vadd.s32 $0x486, v18;
	[tilespmem:$0x1FE50] =	vst v33  }
0x1b: {  	v37 =	vadd.s32 $0x187, v18;
	[tilespmem:$0x1FE60] =	vst v35  }
0x1c: {  	v29 =	vadd.s32 $0x183, v18;
	[tilespmem:$0x1FE70] =	vst v37  }
0x1d: {  	v38 =	vadd.s32 $0x303, v18;
	[tilespmem:$0x1FE80] =	vst v29  }
0x1e: {  	v26 =	vadd.s32 $0x483, v18;
	[tilespmem:$0x1FE90] =	vst v38  }
0x1f: {  	v39 =	vor.u32 $0x4, v18;
	[tilespmem:$0x1FEA0] =	vst v26  }
0x20: {  	v40 =	vadd.s32 $0x184, v18;
	[tilespmem:$0x1FEB0] =	vst v39  }
0x21: {  	v42 =	vadd.s32 $0x304, v18;
	[tilespmem:$0x1FEC0] =	vst v40  }
0x22: {  	v5 =	vadd.s32 $0x484, v18;
	[tilespmem:$0x1FED0] =	vst v42  }
0x23: {  	v55 =	vadd.s32 $0x188, v18;
	[tilespmem:$0x1FEE0] =	vst v5  }
0x24: {  	v57 =	vadd.s32 $0x488, v18;
	[tilespmem:$0x1FEF0] =	vst v55  }
0x25: {  	v62 =	vadd.s32 $0xA, v18;
	[tilespmem:$0x1FF00] =	vst v57  }
0x26: {  	v59 =	vadd.s32 $0x189, v18;
	[tilespmem:$0x1FF10] =	vst v62  }
0x27: {  	v61 =	vadd.s32 $0x489, v18;
	[tilespmem:$0x1FF20] =	vst v59  }
0x28: {  	v27 =	vadd.s32 $0x48A, v18;
	[tilespmem:$0x1FF30] =	vst v61  }
0x29: {  	v6 =	vor.u32 $0x1, v18;
	[tilespmem:$0x1FF40] =	vst v27  }
0x2a: {  	v7 =	vadd.s32 $0x181, v18;
	[tilespmem:$0x1FF50] =	vst v6  }
0x2b: {  	v8 =	vadd.s32 $0x301, v18;
	[tilespmem:$0x1FF60] =	vst v7  }
0x2c: {  	v9 =	vadd.s32 $0x481, v18;
	[tilespmem:$0x1FF70] =	vst v8  }
0x2d: {  	v10 =	vor.u32 $0x2, v18;
	[tilespmem:$0x1FF80] =	vst v9  }
0x2e: {  	v11 =	vadd.s32 $0x182, v18;
	[tilespmem:$0x1FF90] =	vst v10  }
0x2f: {  	v12 =	vadd.s32 $0x302, v18;
	[tilespmem:$0x1FFA0] =	vst v11  }
0x30: {  	v13 =	vadd.s32 $0x482, v18;
	[tilespmem:$0x1FFB0] =	vst v12  }
0x31: {  	v30 =	vor.u32 $0x3, v18;
	[tilespmem:$0x1FFC0] =	vst v13  }
0x32: {  	v44 =	vadd.s32 $0x305, v18;
	[tilespmem:$0x1FFD0] =	vst v30  }
0x33: {  	v63 =	vadd.s32 $0x18A, v18;
	[tilespmem:$0x1FFE0] =	vst v44  }
0x34: {  	s1 =	srdreg.scid;
	v52 =	vadd.s32 $0x48D, v18;
	[tilespmem:$0x1FFF0] =	vst v63  }
0x35: {  	s8 =	simm.s32 $0x4;
	s9 =	simm.s32 $0x80;
	s12 =	simm.s32 $0x100;
	v54 =	vadd.s32 $0xE, v18;
	[tilespmem:$0x1FCE0] =	vst v52  }
0x36: {  	s13 =	simm.s32 $0x7400;
	s14 =	simm.s32 $0x20;
	s15 =	simm.s32 $0x180;
	v60 =	vadd.s32 $0x18E, v18;
	[tilespmem:$0x1FCF0] =	vst v54  }
0x37: {  	s16 =	simm.s32 $0x9400;
	s17 =	simm.s32 $0x9C00;
	s18 =	simm.s32 $0xBC00;
	v45 =	vadd.s32 $0x30E, v18;
	[tilespmem:$0x1FD00] =	vst v60  }
0x38: {  	s19 =	simm.s32 $0xDC00;
	s20 =	simm.s32 $0xFC00;
	s1 =	sand.u32 $0x1, s1;
	v47 =	vadd.s32 $0x48E, v18;
	[tilespmem:$0x1FD10] =	vst v45  }
0x39: {  	s21 =	simm.s32 $0x1;
	s22 =	simm.s32 $0x10400;
	s6 =	sor.u32 s1, s4;
	v50 =	vadd.s32 $0xF, v18;
	[tilespmem:$0x1FD20] =	vst v47  }
0x3a: {  	s23 =	simm.s32 $0x2;
	s1 =	ssub.s32 $0x2, s1;
	s5 =	smul.u32 $0x680, s6;
	[tilespmem:$0x1FD30] =	vst v50;
	v52 =	vadd.s32 $0x18F, v18  }
0x3b: {  	s24 =	simm.s32 $0x3;
	s25 =	simm.s32 $0x0;
	v19 =	vadd.s32 $0x180, v18;
	s7 =	sshrl.u32 s1, $0x1;
	v54 =	vadd.s32 $0x30F, v18;
	[tilespmem:$0x1FD40] =	vst v52  }
0x3c: {  	s4 =	sadd.s32 $0xF42A00, s0;
	v20 =	vadd.s32 $0x300, v18;
	v21 =	vadd.s32 $0x480, v18;
	s1 =	ssub.s32 s1, s7;
	s0 =	sadd.s32 s5, s0;
	v60 =	vadd.s32 $0x48F, v18;
	[tilespmem:$0x1FD50] =	vst v54  }
0x3d: {  	v16 =	vor.u32 $0x5, v18;
	v17 =	vadd.s32 $0x185, v18;
	v53 =	vadd.s32 $0x487, v18;
	s6 =	sshll.u32 s6, $0x9;
	s7 =	smax.u32 s1, $0x1;
	s5 =	sadd.s32 $0x600, s0;
	[tilespmem:$0x1FD60] =	vst v60  }
.LBB2_1:
0x3e: {  	[tilespmem:s3], [sflag:$0x4] =	stream.linear.gather [hbm4b:s5+s3], $0x3400, $0x38;
	[tilespmem:$0x1A000] =	vst v63  }
0x3f: {  	_ =	swait.ge [sflag:s8], $0x3400  }
0x40: {  	[sflag:s8] =	ssyncset.done $0x0  }
0x41: {  	s0 =	simm.s32 $0x3400;
	[sflag:s8] =	ssyncadd.s32 $0xFFFFCC00  }
0x42: {  	[tilespmem:s0], [sflag:$0x1] =	stream.indirect.gather [hbm4b:s4+s9], $0x40, s3, s9, $0xb8;
	[tilespmem:$0x1A000] =	vst v63  }
0x43: {  	s31 =	simm.s32 $0x5400  }
0x44: {  	[tilespmem:s31], [sflag:$0x1] =	stream.indirect.gather [hbm4b:s4+s9], $0x40, s9, s9, $0xb8;
	[tilespmem:$0x1A000] =	vst v63  }
0x45: {  	_ = 	snop  }
0x46: {  	[tilespmem:s13], [sflag:$0x1] =	stream.indirect.gather [hbm4b:s4+s9], $0x40, s12, s9, $0xb8;
	[tilespmem:$0x1A000] =	vst v63  }
0x47: {  	s26 =	simm.s32 $0x0  }
0x48: {  	[tilespmem:s16], [sflag:$0x1] =	stream.indirect.gather [hbm4b:s4+s14], $0x40, s15, s14, $0xb8;
	[tilespmem:$0x1A000] =	vst v63  }
.LBB2_2:
0x49: {  	s28 =	sshllo.u32 s26, $0x1  }
0x4a: {  	s0 =	smul.u32 $0x680, s28;
	_ =	sdelay $0x1  }
0x4b: {  	s0 =	sshra.s32 s0, $0x2  }
0x4c: {  	[tilespmem:s17], [sflag:$0x2] =	stream.indirect.gather [hbm4b:s4+s9], $0x40, s0, s9, $0xb8;
	[tilespmem:$0x1A000] =	vst v63  }
0x4d: {  	s1 =	sadd.s32 $0x80, s0  }
0x4e: {  	[tilespmem:s18], [sflag:$0x2] =	stream.indirect.gather [hbm4b:s4+s9], $0x40, s1, s9, $0xb8;
	[tilespmem:$0x1A000] =	vst v63  }
0x4f: {  	s11 =	sadd.s32 $0x100, s0  }
0x50: {  	[tilespmem:s19], [sflag:$0x2] =	stream.indirect.gather [hbm4b:s4+s9], $0x40, s11, s9, $0xb8;
	[tilespmem:$0x1A000] =	vst v63  }
0x51: {  	s0 =	sadd.s32 $0x180, s0  }
0x52: {  	[tilespmem:s20], [sflag:$0x2] =	stream.indirect.gather [hbm4b:s4+s14], $0x40, s0, s14, $0xb8;
	[tilespmem:$0x1A000] =	vst v63  }
0x53: {  	_ =	swait.ge [sflag:s21], $0x2000  }
0x54: {  	[sflag:s21] =	ssyncset.done $0x0  }
0x55: {  	[sflag:s21] =	ssyncadd.s32 $0xFFFFE000  }
0x56: {  	_ =	swait.ge [sflag:s21], $0x2000  }
0x57: {  	[sflag:s21] =	ssyncset.done $0x0  }
0x58: {  	[sflag:s21] =	ssyncadd.s32 $0xFFFFE000  }
0x59: {  	_ =	swait.ge [sflag:s21], $0x2000  }
0x5a: {  	[sflag:s21] =	ssyncset.done $0x0  }
0x5b: {  	[sflag:s21] =	ssyncadd.s32 $0xFFFFE000  }
0x5c: {  	s10 =	simm.s32 $0x1;
	_ =	swait.ge [sflag:s21], $0x800  }
0x5d: {  	p0 =	seq.s32 s26, $0x0;
	v0 =	vmov s10;
	s11 =	simm.s32 $0x0;
	[sflag:s21] =	ssyncset.done $0x0  }
0x5e: {  	v0 =	vmul.u32 $0x600, v0;
	v1 =	vmov s11;
	s0 =	simm.s32 @!p0 $0x3;
	[sflag:s21] =	ssyncadd.s32 $0xFFFFF800  }
0x5f: {  	v1 =	vmul.u32 $0x600, v1;
	_ =	swait.ge @!p0 [sflag:s0], $0x6800  }
0x60: {  	v22 =	vbroadcast v0, $0x0;
	[sflag:s0] =	ssyncset.done @!p0 $0x0  }
0x61: {  	s31 =	simm.s32 $0x3800;
	v4 =	vbroadcast v1, $0x0;
	[sflag:s0] =	ssyncadd.s32 @!p0 $0xFFFF9800  }
0x62: {  	v1 =	vor.u32 v18, v22;
	v0 =	vld [tilespmem:s31+$0x0]  }
0x63: {  	v3 =	vor.u32 v18, v4;
	v2 =	vld [tilespmem:s31+$0xFFFFFC00];
	_ =	sdelay $0x3  }
0x64: {  	[tilespmem:v1+s22+$0x0] =	vst.idx.msk $0xffff, v0  }
0x65: {  	[tilespmem:v3+s22+$0x0] =	vst.idx.msk $0xffff, v2;
	v1 =	vadd.s32 v19, v22;
	v0 =	vld [tilespmem:s31+$0x10]  }
0x66: {  	v3 =	vadd.s32 v19, v4;
	v2 =	vld [tilespmem:s31+$0xFFFFFC10];
	_ =	sdelay $0x3  }
0x67: {  	[tilespmem:v1+s22+$0x0] =	vst.idx.msk $0xffff, v0  }
0x68: {  	[tilespmem:v3+s22+$0x0] =	vst.idx.msk $0xffff, v2;
	v1 =	vadd.s32 v20, v22;
	v0 =	vld [tilespmem:s31+$0x20]  }
0x69: {  	v3 =	vadd.s32 v20, v4;
	v2 =	vld [tilespmem:s31+$0xFFFFFC20];
	_ =	sdelay $0x3  }
0x6a: {  	[tilespmem:v1+s22+$0x0] =	vst.idx.msk $0xffff, v0  }
0x6b: {  	[tilespmem:v3+s22+$0x0] =	vst.idx.msk $0xffff, v2;
	v1 =	vadd.s32 v21, v22;
	v0 =	vld [tilespmem:s31+$0x30]  }
0x6c: {  	v3 =	vadd.s32 v21, v4;
	v2 =	vld [tilespmem:s31+$0xFFFFFC30];
	_ =	sdelay $0x3  }
0x6d: {  	[tilespmem:v1+s22+$0x0] =	vst.idx.msk $0xffff, v0  }
0x6e: {  	[tilespmem:v3+s22+$0x0] =	vst.idx.msk $0xffff, v2;
	v1 =	vor.u32 v6, v22;
	v0 =	vld [tilespmem:s31+$0x40]  }
0x6f: {  	v3 =	vor.u32 v6, v4;
	v2 =	vld [tilespmem:s31+$0xFFFFFC40];
	_ =	sdelay $0x3  }
0x70: {  	[tilespmem:v1+s22+$0x0] =	vst.idx.msk $0xffff, v0  }
0x71: {  	[tilespmem:v3+s22+$0x0] =	vst.idx.msk $0xffff, v2  }
0x72: {  	v1 =	vadd.s32 v7, v22;
	v0 =	vld [tilespmem:s31+$0x50]  }
0x73: {  	v3 =	vadd.s32 v7, v4;
	v2 =	vld [tilespmem:s31+$0xFFFFFC50];
	_ =	sdelay $0x3  }
0x74: {  	[tilespmem:v1+s22+$0x0] =	vst.idx.msk $0xffff, v0  }
0x75: {  	[tilespmem:v3+s22+$0x0] =	vst.idx.msk $0xffff, v2;
	v1 =	vadd.s32 v8, v22;
	v0 =	vld [tilespmem:s31+$0x60]  }
0x76: {  	v3 =	vadd.s32 v8, v4;
	v2 =	vld [tilespmem:s31+$0xFFFFFC60];
	_ =	sdelay $0x3  }
0x77: {  	[tilespmem:v1+s22+$0x0] =	vst.idx.msk $0xffff, v0  }
0x78: {  	[tilespmem:v3+s22+$0x0] =	vst.idx.msk $0xffff, v2;
	v1 =	vadd.s32 v9, v22;
	v0 =	vld [tilespmem:s31+$0x70]  }
0x79: {  	v3 =	vadd.s32 v9, v4;
	v2 =	vld [tilespmem:s31+$0xFFFFFC70];
	_ =	sdelay $0x3  }
0x7a: {  	[tilespmem:v1+s22+$0x0] =	vst.idx.msk $0xffff, v0  }
0x7b: {  	[tilespmem:v3+s22+$0x0] =	vst.idx.msk $0xffff, v2;
	v1 =	vor.u32 v10, v22;
	v0 =	vld [tilespmem:s31+$0x80]  }
0x7c: {  	v3 =	vor.u32 v10, v4;
	v2 =	vld [tilespmem:s31+$0xFFFFFC80];
	_ =	sdelay $0x3  }
0x7d: {  	[tilespmem:v1+s22+$0x0] =	vst.idx.msk $0xffff, v0  }
0x7e: {  	[tilespmem:v3+s22+$0x0] =	vst.idx.msk $0xffff, v2;
	v1 =	vadd.s32 v11, v22;
	v0 =	vld [tilespmem:s31+$0x90]  }
0x7f: {  	v3 =	vadd.s32 v11, v4;
	v2 =	vld [tilespmem:s31+$0xFFFFFC90];
	_ =	sdelay $0x3  }
0x80: {  	[tilespmem:v1+s22+$0x0] =	vst.idx.msk $0xffff, v0  }
0x81: {  	[tilespmem:v3+s22+$0x0] =	vst.idx.msk $0xffff, v2;
	v1 =	vadd.s32 v12, v22;
	v0 =	vld [tilespmem:s31+$0xA0]  }
0x82: {  	v3 =	vadd.s32 v12, v4;
	v2 =	vld [tilespmem:s31+$0xFFFFFCA0];
	_ =	sdelay $0x3  }
0x83: {  	[tilespmem:v1+s22+$0x0] =	vst.idx.msk $0xffff, v0  }
0x84: {  	[tilespmem:v3+s22+$0x0] =	vst.idx.msk $0xffff, v2;
	v1 =	vadd.s32 v13, v22;
	v0 =	vld [tilespmem:s31+$0xB0]  }
0x85: {  	v3 =	vadd.s32 v13, v4;
	v2 =	vld [tilespmem:s31+$0xFFFFFCB0];
	_ =	sdelay $0x3  }
0x86: {  	[tilespmem:v1+s22+$0x0] =	vst.idx.msk $0xffff, v0  }
0x87: {  	[tilespmem:v3+s22+$0x0] =	vst.idx.msk $0xffff, v2;
	v1 =	vor.u32 v30, v22;
	v0 =	vld [tilespmem:s31+$0xC0]  }
0x88: {  	v3 =	vor.u32 v30, v4;
	v2 =	vld [tilespmem:s31+$0xFFFFFCC0];
	_ =	sdelay $0x3  }
0x89: {  	[tilespmem:v1+s22+$0x0] =	vst.idx.msk $0xffff, v0  }
0x8a: {  	[tilespmem:v3+s22+$0x0] =	vst.idx.msk $0xffff, v2;
	v1 =	vadd.s32 v29, v22;
	v0 =	vld [tilespmem:s31+$0xD0]  }
0x8b: {  	v3 =	vadd.s32 v29, v4;
	v2 =	vld [tilespmem:s31+$0xFFFFFCD0];
	_ =	sdelay $0x3  }
0x8c: {  	[tilespmem:v1+s22+$0x0] =	vst.idx.msk $0xffff, v0  }
0x8d: {  	[tilespmem:v3+s22+$0x0] =	vst.idx.msk $0xffff, v2;
	v1 =	vadd.s32 v38, v22;
	v0 =	vld [tilespmem:s31+$0xE0]  }
0x8e: {  	v3 =	vadd.s32 v38, v4;
	v2 =	vld [tilespmem:s31+$0xFFFFFCE0];
	_ =	sdelay $0x3  }
0x8f: {  	[tilespmem:v1+s22+$0x0] =	vst.idx.msk $0xffff, v0  }
0x90: {  	[tilespmem:v3+s22+$0x0] =	vst.idx.msk $0xffff, v2;
	v1 =	vadd.s32 v26, v22;
	v0 =	vld [tilespmem:s31+$0xF0]  }
0x91: {  	v3 =	vadd.s32 v26, v4;
	v2 =	vld [tilespmem:s31+$0xFFFFFCF0];
	_ =	sdelay $0x3  }
0x92: {  	[tilespmem:v1+s22+$0x0] =	vst.idx.msk $0xffff, v0  }
0x93: {  	[tilespmem:v3+s22+$0x0] =	vst.idx.msk $0xffff, v2;
	v1 =	vor.u32 v39, v22;
	v0 =	vld [tilespmem:s31+$0x100]  }
0x94: {  	v3 =	vor.u32 v39, v4;
	v2 =	vld [tilespmem:s31+$0xFFFFFD00];
	_ =	sdelay $0x3  }
0x95: {  	[tilespmem:v1+s22+$0x0] =	vst.idx.msk $0xffff, v0  }
0x96: {  	[tilespmem:v3+s22+$0x0] =	vst.idx.msk $0xffff, v2;
	v1 =	vadd.s32 v40, v22;
	v0 =	vld [tilespmem:s31+$0x110]  }
0x97: {  	v3 =	vadd.s32 v40, v4;
	v2 =	vld [tilespmem:s31+$0xFFFFFD10];
	_ =	sdelay $0x3  }
0x98: {  	[tilespmem:v1+s22+$0x0] =	vst.idx.msk $0xffff, v0  }
0x99: {  	[tilespmem:v3+s22+$0x0] =	vst.idx.msk $0xffff, v2;
	v1 =	vadd.s32 v42, v22;
	v0 =	vld [tilespmem:s31+$0x120]  }
0x9a: {  	v3 =	vadd.s32 v42, v4;
	v2 =	vld [tilespmem:s31+$0xFFFFFD20];
	_ =	sdelay $0x3  }
0x9b: {  	[tilespmem:v1+s22+$0x0] =	vst.idx.msk $0xffff, v0  }
0x9c: {  	[tilespmem:v3+s22+$0x0] =	vst.idx.msk $0xffff, v2;
	v1 =	vadd.s32 v5, v22;
	v0 =	vld [tilespmem:s31+$0x130]  }
0x9d: {  	v3 =	vadd.s32 v5, v4;
	v2 =	vld [tilespmem:s31+$0xFFFFFD30];
	_ =	sdelay $0x3  }
0x9e: {  	[tilespmem:v1+s22+$0x0] =	vst.idx.msk $0xffff, v0  }
0x9f: {  	[tilespmem:v3+s22+$0x0] =	vst.idx.msk $0xffff, v2;
	v1 =	vor.u32 v16, v22;
	v0 =	vld [tilespmem:s31+$0x140]  }
0xa0: {  	v3 =	vor.u32 v16, v4;
	v2 =	vld [tilespmem:s31+$0xFFFFFD40]  }
0xa1: {  	s10 =	simm.s32 $0x3  }
0xa2: {  	v24 =	vmov v5;
	s11 =	simm.s32 $0x2;
	v5 =	vmov s10  }
0xa3: {  	v50 =	vmov v6;
	v6 =	vmov s11;
	v5 =	vmul.u32 $0x600, v5  }
0xa4: {  	v6 =	vmul.u32 $0x600, v6;
	[tilespmem:v1+s22+$0x0] =	vst.idx.msk $0xffff, v0  }
0xa5: {  	v0 =	vbroadcast v5, $0x0;
	[tilespmem:v3+s22+$0x0] =	vst.idx.msk $0xffff, v2;
	v3 =	vadd.s32 v17, v22;
	v2 =	vld [tilespmem:s31+$0x150]  }
0xa6: {  	s29 =	simm.s32 $0x4000;
	v1 =	vbroadcast v6, $0x0;
	v6 =	vadd.s32 v17, v4;
	v5 =	vld [tilespmem:s31+$0xFFFFFD50]  }
0xa7: {  	v52 =	vmov v7;
	v54 =	vmov v8;
	v7 =	vld [tilespmem:s29+$0x0];
	v8 =	vor.u32 v18, v0  }
0xa8: {  	v25 =	vmov v9;
	v31 =	vmov v10;
	v9 =	vld [tilespmem:s29+$0xFFFFFC00];
	v10 =	vor.u32 v18, v1;
	_ =	sdelay $0x1  }
0xa9: {  	[tilespmem:v3+s22+$0x0] =	vst.idx.msk $0xffff, v2  }
0xaa: {  	[tilespmem:v6+s22+$0x0] =	vst.idx.msk $0xffff, v5;
	v3 =	vadd.s32 v44, v22;
	v2 =	vld [tilespmem:s31+$0x160]  }
0xab: {  	v6 =	vadd.s32 v44, v4;
	[tilespmem:v8+s22+$0x0] =	vst.idx.msk $0xffff, v7;
	v5 =	vld [tilespmem:s31+$0xFFFFFD60]  }
0xac: {  	[tilespmem:v10+s22+$0x0] =	vst.idx.msk $0xffff, v9;
	v8 =	vadd.s32 v19, v0;
	v7 =	vld [tilespmem:s29+$0x10]  }
0xad: {  	v10 =	vadd.s32 v19, v1;
	v9 =	vld [tilespmem:s29+$0xFFFFFC10];
	_ =	sdelay $0x1  }
0xae: {  	[tilespmem:v3+s22+$0x0] =	vst.idx.msk $0xffff, v2  }
0xaf: {  	[tilespmem:v6+s22+$0x0] =	vst.idx.msk $0xffff, v5;
	v3 =	vadd.s32 v32, v22;
	v2 =	vld [tilespmem:s31+$0x170]  }
0xb0: {  	v6 =	vadd.s32 v32, v4;
	[tilespmem:v8+s22+$0x0] =	vst.idx.msk $0xffff, v7;
	v5 =	vld [tilespmem:s31+$0xFFFFFD70]  }
0xb1: {  	[tilespmem:v10+s22+$0x0] =	vst.idx.msk $0xffff, v9;
	v8 =	vadd.s32 v20, v0;
	v7 =	vld [tilespmem:s29+$0x20]  }
0xb2: {  	v10 =	vadd.s32 v20, v1;
	v9 =	vld [tilespmem:s29+$0xFFFFFC20];
	_ =	sdelay $0x1  }
0xb3: {  	[tilespmem:v3+s22+$0x0] =	vst.idx.msk $0xffff, v2  }
0xb4: {  	[tilespmem:v6+s22+$0x0] =	vst.idx.msk $0xffff, v5;
	v3 =	vor.u32 v46, v22;
	v2 =	vld [tilespmem:s31+$0x180]  }
0xb5: {  	v6 =	vor.u32 v46, v4;
	[tilespmem:v8+s22+$0x0] =	vst.idx.msk $0xffff, v7;
	v5 =	vld [tilespmem:s31+$0xFFFFFD80]  }
0xb6: {  	[tilespmem:v10+s22+$0x0] =	vst.idx.msk $0xffff, v9;
	v8 =	vadd.s32 v21, v0;
	v7 =	vld [tilespmem:s29+$0x30]  }
0xb7: {  	v10 =	vadd.s32 v21, v1;
	v9 =	vld [tilespmem:s29+$0xFFFFFC30];
	_ =	sdelay $0x1  }
0xb8: {  	[tilespmem:v3+s22+$0x0] =	vst.idx.msk $0xffff, v2  }
0xb9: {  	[tilespmem:v6+s22+$0x0] =	vst.idx.msk $0xffff, v5;
	v3 =	vadd.s32 v33, v22;
	v2 =	vld [tilespmem:s31+$0x190]  }
0xba: {  	v6 =	vadd.s32 v33, v4;
	[tilespmem:v8+s22+$0x0] =	vst.idx.msk $0xffff, v7;
	v5 =	vld [tilespmem:s31+$0xFFFFFD90]  }
0xbb: {  	[tilespmem:v10+s22+$0x0] =	vst.idx.msk $0xffff, v9;
	v8 =	vor.u32 v50, v0;
	v7 =	vld [tilespmem:s29+$0x40]  }
0xbc: {  	v10 =	vor.u32 v50, v1;
	v9 =	vld [tilespmem:s29+$0xFFFFFC40];
	_ =	sdelay $0x1  }
0xbd: {  	[tilespmem:v3+s22+$0x0] =	vst.idx.msk $0xffff, v2  }
0xbe: {  	[tilespmem:v6+s22+$0x0] =	vst.idx.msk $0xffff, v5;
	v3 =	vadd.s32 v34, v22;
	v2 =	vld [tilespmem:s31+$0x1A0]  }
0xbf: {  	v6 =	vadd.s32 v34, v4;
	[tilespmem:v8+s22+$0x0] =	vst.idx.msk $0xffff, v7;
	v5 =	vld [tilespmem:s31+$0xFFFFFDA0]  }
0xc0: {  	[tilespmem:v10+s22+$0x0] =	vst.idx.msk $0xffff, v9;
	v8 =	vadd.s32 v52, v0;
	v7 =	vld [tilespmem:s29+$0x50]  }
0xc1: {  	v10 =	vadd.s32 v52, v1;
	v9 =	vld [tilespmem:s29+$0xFFFFFC50];
	_ =	sdelay $0x1  }
0xc2: {  	[tilespmem:v3+s22+$0x0] =	vst.idx.msk $0xffff, v2  }
0xc3: {  	[tilespmem:v6+s22+$0x0] =	vst.idx.msk $0xffff, v5;
	v3 =	vadd.s32 v35, v22;
	v2 =	vld [tilespmem:s31+$0x1B0]  }
0xc4: {  	v6 =	vadd.s32 v35, v4;
	[tilespmem:v8+s22+$0x0] =	vst.idx.msk $0xffff, v7;
	v5 =	vld [tilespmem:s31+$0xFFFFFDB0]  }
0xc5: {  	[tilespmem:v10+s22+$0x0] =	vst.idx.msk $0xffff, v9;
	v8 =	vadd.s32 v54, v0;
	v7 =	vld [tilespmem:s29+$0x60]  }
0xc6: {  	v10 =	vadd.s32 v54, v1;
	v9 =	vld [tilespmem:s29+$0xFFFFFC60];
	_ =	sdelay $0x1  }
0xc7: {  	[tilespmem:v3+s22+$0x0] =	vst.idx.msk $0xffff, v2  }
0xc8: {  	[tilespmem:v6+s22+$0x0] =	vst.idx.msk $0xffff, v5;
	v3 =	vor.u32 v36, v22;
	v2 =	vld [tilespmem:s31+$0x1C0]  }
0xc9: {  	v6 =	vor.u32 v36, v4;
	[tilespmem:v8+s22+$0x0] =	vst.idx.msk $0xffff, v7;
	v5 =	vld [tilespmem:s31+$0xFFFFFDC0]  }
0xca: {  	[tilespmem:v10+s22+$0x0] =	vst.idx.msk $0xffff, v9;
	v8 =	vadd.s32 v25, v0;
	v7 =	vld [tilespmem:s29+$0x70]  }
0xcb: {  	v10 =	vadd.s32 v25, v1;
	v9 =	vld [tilespmem:s29+$0xFFFFFC70];
	_ =	sdelay $0x1  }
0xcc: {  	[tilespmem:v3+s22+$0x0] =	vst.idx.msk $0xffff, v2  }
0xcd: {  	[tilespmem:v6+s22+$0x0] =	vst.idx.msk $0xffff, v5;
	v3 =	vadd.s32 v37, v22;
	v2 =	vld [tilespmem:s31+$0x1D0]  }
0xce: {  	v6 =	vadd.s32 v37, v4;
	[tilespmem:v8+s22+$0x0] =	vst.idx.msk $0xffff, v7;
	v5 =	vld [tilespmem:s31+$0xFFFFFDD0]  }
0xcf: {  	[tilespmem:v10+s22+$0x0] =	vst.idx.msk $0xffff, v9;
	v8 =	vor.u32 v31, v0;
	v7 =	vld [tilespmem:s29+$0x80]  }
0xd0: {  	v10 =	vor.u32 v31, v1;
	v9 =	vld [tilespmem:s29+$0xFFFFFC80];
	_ =	sdelay $0x1  }
0xd1: {  	[tilespmem:v3+s22+$0x0] =	vst.idx.msk $0xffff, v2  }
0xd2: {  	[tilespmem:v6+s22+$0x0] =	vst.idx.msk $0xffff, v5;
	v3 =	vadd.s32 v49, v22;
	v2 =	vld [tilespmem:s31+$0x1E0]  }
0xd3: {  	v6 =	vadd.s32 v49, v4;
	[tilespmem:v8+s22+$0x0] =	vst.idx.msk $0xffff, v7;
	v5 =	vld [tilespmem:s31+$0xFFFFFDE0]  }
0xd4: {  	[tilespmem:v10+s22+$0x0] =	vst.idx.msk $0xffff, v9;
	v8 =	vadd.s32 v11, v0;
	v7 =	vld [tilespmem:s29+$0x90]  }
0xd5: {  	v10 =	vadd.s32 v11, v1;
	v9 =	vld [tilespmem:s29+$0xFFFFFC90];
	_ =	sdelay $0x1  }
0xd6: {  	[tilespmem:v3+s22+$0x0] =	vst.idx.msk $0xffff, v2  }
0xd7: {  	[tilespmem:v6+s22+$0x0] =	vst.idx.msk $0xffff, v5;
	v3 =	vadd.s32 v53, v22;
	v2 =	vld [tilespmem:s31+$0x1F0]  }
0xd8: {  	v6 =	vadd.s32 v53, v4;
	[tilespmem:v8+s22+$0x0] =	vst.idx.msk $0xffff, v7;
	v5 =	vld [tilespmem:s31+$0xFFFFFDF0]  }
0xd9: {  	[tilespmem:v10+s22+$0x0] =	vst.idx.msk $0xffff, v9;
	v8 =	vadd.s32 v12, v0;
	v7 =	vld [tilespmem:s29+$0xA0]  }
0xda: {  	v10 =	vadd.s32 v12, v1;
	v9 =	vld [tilespmem:s29+$0xFFFFFCA0];
	_ =	sdelay $0x1  }
0xdb: {  	[tilespmem:v3+s22+$0x0] =	vst.idx.msk $0xffff, v2  }
0xdc: {  	[tilespmem:v6+s22+$0x0] =	vst.idx.msk $0xffff, v5;
	v3 =	vor.u32 v51, v22;
	v2 =	vld [tilespmem:s31+$0x200]  }
0xdd: {  	v6 =	vor.u32 v51, v4;
	[tilespmem:v8+s22+$0x0] =	vst.idx.msk $0xffff, v7;
	v5 =	vld [tilespmem:s31+$0xFFFFFE00]  }
0xde: {  	[tilespmem:v10+s22+$0x0] =	vst.idx.msk $0xffff, v9;
	v8 =	vadd.s32 v13, v0;
	v7 =	vld [tilespmem:s29+$0xB0]  }
0xdf: {  	v10 =	vadd.s32 v13, v1;
	v9 =	vld [tilespmem:s29+$0xFFFFFCB0];
	_ =	sdelay $0x1  }
0xe0: {  	[tilespmem:v3+s22+$0x0] =	vst.idx.msk $0xffff, v2  }
0xe1: {  	[tilespmem:v6+s22+$0x0] =	vst.idx.msk $0xffff, v5;
	v3 =	vadd.s32 v55, v22;
	v2 =	vld [tilespmem:s31+$0x210]  }
0xe2: {  	v6 =	vadd.s32 v55, v4;
	[tilespmem:v8+s22+$0x0] =	vst.idx.msk $0xffff, v7;
	v5 =	vld [tilespmem:s31+$0xFFFFFE10]  }
0xe3: {  	[tilespmem:v10+s22+$0x0] =	vst.idx.msk $0xffff, v9;
	v8 =	vor.u32 v30, v0;
	v7 =	vld [tilespmem:s29+$0xC0]  }
0xe4: {  	v10 =	vor.u32 v30, v1;
	v9 =	vld [tilespmem:s29+$0xFFFFFCC0];
	_ =	sdelay $0x1  }
0xe5: {  	[tilespmem:v3+s22+$0x0] =	vst.idx.msk $0xffff, v2  }
0xe6: {  	[tilespmem:v6+s22+$0x0] =	vst.idx.msk $0xffff, v5;
	v3 =	vadd.s32 v56, v22;
	v2 =	vld [tilespmem:s31+$0x220]  }
0xe7: {  	v6 =	vadd.s32 v56, v4;
	[tilespmem:v8+s22+$0x0] =	vst.idx.msk $0xffff, v7;
	v5 =	vld [tilespmem:s31+$0xFFFFFE20]  }
0xe8: {  	[tilespmem:v10+s22+$0x0] =	vst.idx.msk $0xffff, v9;
	v8 =	vadd.s32 v29, v0;
	v7 =	vld [tilespmem:s29+$0xD0]  }
0xe9: {  	v10 =	vadd.s32 v29, v1;
	v9 =	vld [tilespmem:s29+$0xFFFFFCD0];
	_ =	sdelay $0x1  }
0xea: {  	[tilespmem:v3+s22+$0x0] =	vst.idx.msk $0xffff, v2  }
0xeb: {  	[tilespmem:v6+s22+$0x0] =	vst.idx.msk $0xffff, v5;
	v3 =	vadd.s32 v57, v22;
	v2 =	vld [tilespmem:s31+$0x230]  }
0xec: {  	v6 =	vadd.s32 v57, v4;
	[tilespmem:v8+s22+$0x0] =	vst.idx.msk $0xffff, v7;
	v5 =	vld [tilespmem:s31+$0xFFFFFE30]  }
0xed: {  	[tilespmem:v10+s22+$0x0] =	vst.idx.msk $0xffff, v9;
	v8 =	vadd.s32 v38, v0;
	v7 =	vld [tilespmem:s29+$0xE0]  }
0xee: {  	v10 =	vadd.s32 v38, v1;
	v9 =	vld [tilespmem:s29+$0xFFFFFCE0];
	_ =	sdelay $0x1  }
0xef: {  	[tilespmem:v3+s22+$0x0] =	vst.idx.msk $0xffff, v2  }
0xf0: {  	[tilespmem:v6+s22+$0x0] =	vst.idx.msk $0xffff, v5;
	v3 =	vor.u32 v58, v22;
	v2 =	vld [tilespmem:s31+$0x240]  }
0xf1: {  	v6 =	vor.u32 v58, v4;
	[tilespmem:v8+s22+$0x0] =	vst.idx.msk $0xffff, v7;
	v5 =	vld [tilespmem:s31+$0xFFFFFE40]  }
0xf2: {  	[tilespmem:v10+s22+$0x0] =	vst.idx.msk $0xffff, v9;
	v8 =	vadd.s32 v26, v0;
	v7 =	vld [tilespmem:s29+$0xF0]  }
0xf3: {  	v10 =	vadd.s32 v26, v1;
	v9 =	vld [tilespmem:s29+$0xFFFFFCF0];
	_ =	sdelay $0x1  }
0xf4: {  	[tilespmem:v3+s22+$0x0] =	vst.idx.msk $0xffff, v2  }
0xf5: {  	[tilespmem:v6+s22+$0x0] =	vst.idx.msk $0xffff, v5;
	v3 =	vadd.s32 v59, v22;
	v2 =	vld [tilespmem:s31+$0x250]  }
0xf6: {  	v6 =	vadd.s32 v59, v4;
	[tilespmem:v8+s22+$0x0] =	vst.idx.msk $0xffff, v7;
	v5 =	vld [tilespmem:s31+$0xFFFFFE50]  }
0xf7: {  	[tilespmem:v10+s22+$0x0] =	vst.idx.msk $0xffff, v9;
	v8 =	vor.u32 v39, v0;
	v7 =	vld [tilespmem:s29+$0x100]  }
0xf8: {  	v10 =	vor.u32 v39, v1;
	v9 =	vld [tilespmem:s29+$0xFFFFFD00];
	_ =	sdelay $0x1  }
0xf9: {  	[tilespmem:v3+s22+$0x0] =	vst.idx.msk $0xffff, v2  }
0xfa: {  	[tilespmem:v6+s22+$0x0] =	vst.idx.msk $0xffff, v5;
	v3 =	vadd.s32 v48, v22;
	v2 =	vld [tilespmem:s31+$0x260]  }
0xfb: {  	v6 =	vadd.s32 v48, v4;
	[tilespmem:v8+s22+$0x0] =	vst.idx.msk $0xffff, v7;
	v5 =	vld [tilespmem:s31+$0xFFFFFE60]  }
0xfc: {  	[tilespmem:v10+s22+$0x0] =	vst.idx.msk $0xffff, v9;
	v8 =	vadd.s32 v40, v0;
	v7 =	vld [tilespmem:s29+$0x110]  }
0xfd: {  	v10 =	vadd.s32 v40, v1;
	v9 =	vld [tilespmem:s29+$0xFFFFFD10];
	_ =	sdelay $0x1  }
0xfe: {  	[tilespmem:v3+s22+$0x0] =	vst.idx.msk $0xffff, v2  }
0xff: {  	[tilespmem:v6+s22+$0x0] =	vst.idx.msk $0xffff, v5;
	v3 =	vadd.s32 v61, v22;
	v2 =	vld [tilespmem:s31+$0x270]  }
0x100: {  	v6 =	vadd.s32 v61, v4;
	[tilespmem:v8+s22+$0x0] =	vst.idx.msk $0xffff, v7;
	v5 =	vld [tilespmem:s31+$0xFFFFFE70]  }
0x101: {  	[tilespmem:v10+s22+$0x0] =	vst.idx.msk $0xffff, v9;
	v8 =	vadd.s32 v42, v0;
	v7 =	vld [tilespmem:s29+$0x120]  }
0x102: {  	v10 =	vadd.s32 v42, v1;
	v9 =	vld [tilespmem:s29+$0xFFFFFD20];
	_ =	sdelay $0x1  }
0x103: {  	[tilespmem:v3+s22+$0x0] =	vst.idx.msk $0xffff, v2  }
0x104: {  	[tilespmem:v6+s22+$0x0] =	vst.idx.msk $0xffff, v5;
	v3 =	vor.u32 v62, v22;
	v2 =	vld [tilespmem:s31+$0x280]  }
0x105: {  	v6 =	vor.u32 v62, v4;
	[tilespmem:v8+s22+$0x0] =	vst.idx.msk $0xffff, v7;
	v5 =	vld [tilespmem:s31+$0xFFFFFE80]  }
0x106: {  	[tilespmem:v10+s22+$0x0] =	vst.idx.msk $0xffff, v9;
	v8 =	vadd.s32 v24, v0;
	v7 =	vld [tilespmem:s29+$0x130]  }
0x107: {  	v10 =	vadd.s32 v24, v1;
	v9 =	vld [tilespmem:s29+$0xFFFFFD30];
	_ =	sdelay $0x1  }
0x108: {  	[tilespmem:v3+s22+$0x0] =	vst.idx.msk $0xffff, v2  }
0x109: {  	[tilespmem:v6+s22+$0x0] =	vst.idx.msk $0xffff, v5;
	v3 =	vadd.s32 v63, v22;
	v2 =	vld [tilespmem:s31+$0x290]  }
0x10a: {  	v6 =	vadd.s32 v63, v4;
	[tilespmem:v8+s22+$0x0] =	vst.idx.msk $0xffff, v7;
	v5 =	vld [tilespmem:s31+$0xFFFFFE90]  }
0x10b: {  	[tilespmem:v10+s22+$0x0] =	vst.idx.msk $0xffff, v9;
	v8 =	vor.u32 v16, v0;
	v7 =	vld [tilespmem:s29+$0x140]  }
0x10c: {  	v10 =	vor.u32 v16, v1;
	v9 =	vld [tilespmem:s29+$0xFFFFFD40]  }
0x10d: {  	s10 =	simm.s32 $0x5  }
0x10e: {  	v60 =	vmov v11;
	s11 =	simm.s32 $0x4;
	v11 =	vmov s10;
	[tilespmem:v3+s22+$0x0] =	vst.idx.msk $0xffff, v2  }
0x10f: {  	v2 =	vmov s11;
	v3 =	vmul.u32 $0x600, v11;
	[tilespmem:v6+s22+$0x0] =	vst.idx.msk $0xffff, v5;
	v6 =	vadd.s32 v43, v22;
	v5 =	vld [tilespmem:s31+$0x2A0]  }
0x110: {  	v11 =	vmul.u32 $0x600, v2;
	[tilespmem:v8+s22+$0x0] =	vst.idx.msk $0xffff, v7;
	v7 =	vld [tilespmem:s31+$0xFFFFFEA0];
	v8 =	vadd.s32 v43, v4  }
0x111: {  	[tilespmem:v10+s22+$0x0] =	vst.idx.msk $0xffff, v9;
	v10 =	vadd.s32 v17, v0;
	v2 =	vbroadcast v3, $0x0;
	v9 =	vld [tilespmem:s29+$0x150]  }
0x112: {  	v45 =	vmov v12;
	s30 =	simm.s32 $0x4800;
	v12 =	vadd.s32 v17, v1;
	v3 =	vbroadcast v11, $0x0;
	v11 =	vld [tilespmem:s29+$0xFFFFFD50]  }
0x113: {  	v47 =	vmov v13;
	v13 =	vld [tilespmem:s30+$0x0];
	v14 =	vor.u32 v18, v2  }
0x114: {  	[tilespmem:v6+s22+$0x0] =	vst.idx.msk $0xffff, v5;
	v5 =	vld [tilespmem:s30+$0xFFFFFC00];
	v6 =	vor.u32 v18, v3  }
0x115: {  	[tilespmem:v8+s22+$0x0] =	vst.idx.msk $0xffff, v7;
	v8 =	vadd.s32 v27, v22;
	v7 =	vld [tilespmem:s31+$0x2B0]  }
0x116: {  	[tilespmem:v10+s22+$0x0] =	vst.idx.msk $0xffff, v9;
	v9 =	vld [tilespmem:s31+$0xFFFFFEB0];
	v10 =	vadd.s32 v27, v4  }
0x117: {  	[tilespmem:v12+s22+$0x0] =	vst.idx.msk $0xffff, v11;
	v11 =	vld [tilespmem:s29+$0x160];
	v12 =	vadd.s32 v44, v0  }
0x118: {  	[tilespmem:v14+s22+$0x0] =	vst.idx.msk $0xffff, v13;
	v13 =	vld [tilespmem:s29+$0xFFFFFD60];
	v14 =	vadd.s32 v44, v1  }
0x119: {  	[tilespmem:v6+s22+$0x0] =	vst.idx.msk $0xffff, v5;
	v5 =	vld [tilespmem:s30+$0x10];
	v6 =	vadd.s32 v19, v2  }
0x11a: {  	[tilespmem:v8+s22+$0x0] =	vst.idx.msk $0xffff, v7;
	v7 =	vld [tilespmem:s30+$0xFFFFFC10];
	v8 =	vadd.s32 v19, v3  }
0x11b: {  	[tilespmem:v10+s22+$0x0] =	vst.idx.msk $0xffff, v9;
	v10 =	vor.u32 v41, v22;
	v9 =	vld [tilespmem:s31+$0x2C0]  }
0x11c: {  	[tilespmem:v12+s22+$0x0] =	vst.idx.msk $0xffff, v11;
	v11 =	vld [tilespmem:s31+$0xFFFFFEC0];
	v12 =	vor.u32 v41, v4  }
0x11d: {  	[tilespmem:v14+s22+$0x0] =	vst.idx.msk $0xffff, v13;
	v13 =	vld [tilespmem:s29+$0x170];
	v14 =	vadd.s32 v32, v0  }
0x11e: {  	[tilespmem:v6+s22+$0x0] =	vst.idx.msk $0xffff, v5;
	v5 =	vld [tilespmem:s29+$0xFFFFFD70];
	v6 =	vadd.s32 v32, v1  }
0x11f: {  	[tilespmem:v8+s22+$0x0] =	vst.idx.msk $0xffff, v7;
	v7 =	vld [tilespmem:s30+$0x20];
	v8 =	vadd.s32 v20, v2  }
0x120: {  	[tilespmem:v10+s22+$0x0] =	vst.idx.msk $0xffff, v9;
	v9 =	vld [tilespmem:s30+$0xFFFFFC20];
	v10 =	vadd.s32 v20, v3  }
0x121: {  	[tilespmem:v12+s22+$0x0] =	vst.idx.msk $0xffff, v11;
	v12 =	vadd.s32 v28, v22;
	v11 =	vld [tilespmem:s31+$0x2D0]  }
0x122: {  	[tilespmem:v14+s22+$0x0] =	vst.idx.msk $0xffff, v13;
	v13 =	vld [tilespmem:s31+$0xFFFFFED0];
	v14 =	vadd.s32 v28, v4  }
0x123: {  	[tilespmem:v6+s22+$0x0] =	vst.idx.msk $0xffff, v5  }
0x124: {  	[tilespmem:v8+s22+$0x0] =	vst.idx.msk $0xffff, v7  }
0x125: {  	[tilespmem:v10+s22+$0x0] =	vst.idx.msk $0xffff, v9  }
0x126: {  	[tilespmem:v12+s22+$0x0] =	vst.idx.msk $0xffff, v11  }
0x127: {  	[tilespmem:v14+s22+$0x0] =	vst.idx.msk $0xffff, v13  }
0x128: {  	v41 =	vmov v27;
	v27 =	vmov v28;
	v28 =	vld [tilespmem:$0x1FC70]  }
0x129: {  	v5 =	vld [tilespmem:s29+$0x180];
	v6 =	vor.u32 v46, v0  }
0x12a: {  	v7 =	vld [tilespmem:s29+$0xFFFFFD80];
	v8 =	vor.u32 v46, v1  }
0x12b: {  	v9 =	vld [tilespmem:s30+$0x30];
	v10 =	vadd.s32 v21, v2  }
0x12c: {  	v11 =	vld [tilespmem:s30+$0xFFFFFC30];
	v12 =	vadd.s32 v21, v3  }
0x12d: {  	v13 =	vld [tilespmem:s31+$0x2E0];
	v14 =	vadd.s32 v28, v22  }
0x12e: {  	[tilespmem:v6+s22+$0x0] =	vst.idx.msk $0xffff, v5;
	v5 =	vld [tilespmem:s31+$0xFFFFFEE0];
	v6 =	vadd.s32 v28, v4  }
0x12f: {  	[tilespmem:v8+s22+$0x0] =	vst.idx.msk $0xffff, v7  }
0x130: {  	[tilespmem:v10+s22+$0x0] =	vst.idx.msk $0xffff, v9  }
0x131: {  	[tilespmem:v12+s22+$0x0] =	vst.idx.msk $0xffff, v11  }
0x132: {  	[tilespmem:v14+s22+$0x0] =	vst.idx.msk $0xffff, v13  }
0x133: {  	[tilespmem:v6+s22+$0x0] =	vst.idx.msk $0xffff, v5  }
0x134: {  	v46 =	vld [tilespmem:$0x1FC80]  }
0x135: {  	v7 =	vld [tilespmem:s29+$0x190];
	v8 =	vadd.s32 v33, v0  }
0x136: {  	v9 =	vld [tilespmem:s29+$0xFFFFFD90];
	v10 =	vadd.s32 v33, v1  }
0x137: {  	v11 =	vld [tilespmem:s30+$0x40];
	v12 =	vor.u32 v50, v2  }
0x138: {  	v13 =	vld [tilespmem:s30+$0xFFFFFC40];
	v14 =	vor.u32 v50, v3  }
0x139: {  	v5 =	vld [tilespmem:s31+$0x2F0];
	v6 =	vadd.s32 v46, v22  }
0x13a: {  	[tilespmem:v8+s22+$0x0] =	vst.idx.msk $0xffff, v7;
	v7 =	vld [tilespmem:s31+$0xFFFFFEF0];
	v8 =	vadd.s32 v46, v4  }
0x13b: {  	[tilespmem:v10+s22+$0x0] =	vst.idx.msk $0xffff, v9;
	v10 =	vadd.s32 v34, v0;
	v9 =	vld [tilespmem:s29+$0x1A0]  }
0x13c: {  	[tilespmem:v12+s22+$0x0] =	vst.idx.msk $0xffff, v11;
	v12 =	vadd.s32 v34, v1;
	v11 =	vld [tilespmem:s29+$0xFFFFFDA0]  }
0x13d: {  	[tilespmem:v14+s22+$0x0] =	vst.idx.msk $0xffff, v13;
	v13 =	vld [tilespmem:s30+$0x50];
	v14 =	vadd.s32 v52, v2  }
0x13e: {  	[tilespmem:v6+s22+$0x0] =	vst.idx.msk $0xffff, v5;
	v5 =	vld [tilespmem:s30+$0xFFFFFC50];
	v6 =	vadd.s32 v52, v3  }
0x13f: {  	[tilespmem:v8+s22+$0x0] =	vst.idx.msk $0xffff, v7;
	v8 =	vor.u32 v23, v22;
	v7 =	vld [tilespmem:s31+$0x300]  }
0x140: {  	[tilespmem:v10+s22+$0x0] =	vst.idx.msk $0xffff, v9;
	v10 =	vor.u32 v23, v4;
	v9 =	vld [tilespmem:s31+$0xFFFFFF00]  }
0x141: {  	[tilespmem:v12+s22+$0x0] =	vst.idx.msk $0xffff, v11  }
0x142: {  	[tilespmem:v14+s22+$0x0] =	vst.idx.msk $0xffff, v13  }
0x143: {  	[tilespmem:v6+s22+$0x0] =	vst.idx.msk $0xffff, v5  }
0x144: {  	[tilespmem:v8+s22+$0x0] =	vst.idx.msk $0xffff, v7  }
0x145: {  	[tilespmem:v10+s22+$0x0] =	vst.idx.msk $0xffff, v9  }
0x146: {  	v23 =	vld [tilespmem:$0x1FC90]  }
0x147: {  	v12 =	vadd.s32 v35, v0;
	v11 =	vld [tilespmem:s29+$0x1B0]  }
0x148: {  	v13 =	vld [tilespmem:s29+$0xFFFFFDB0];
	v14 =	vadd.s32 v35, v1  }
0x149: {  	v5 =	vld [tilespmem:s30+$0x60];
	v6 =	vadd.s32 v54, v2  }
0x14a: {  	v7 =	vld [tilespmem:s30+$0xFFFFFC60];
	v8 =	vadd.s32 v54, v3  }
0x14b: {  	v9 =	vld [tilespmem:s31+$0x310];
	v10 =	vadd.s32 v23, v22  }
0x14c: {  	[tilespmem:v12+s22+$0x0] =	vst.idx.msk $0xffff, v11;
	v11 =	vld [tilespmem:s31+$0xFFFFFF10];
	v12 =	vadd.s32 v23, v4  }
0x14d: {  	[tilespmem:v14+s22+$0x0] =	vst.idx.msk $0xffff, v13;
	v14 =	vor.u32 v36, v0;
	v13 =	vld [tilespmem:s29+$0x1C0]  }
0x14e: {  	[tilespmem:v6+s22+$0x0] =	vst.idx.msk $0xffff, v5;
	v5 =	vld [tilespmem:s29+$0xFFFFFDC0];
	v6 =	vor.u32 v36, v1  }
0x14f: {  	[tilespmem:v8+s22+$0x0] =	vst.idx.msk $0xffff, v7;
	v7 =	vld [tilespmem:s30+$0x70];
	v8 =	vadd.s32 v25, v2  }
0x150: {  	[tilespmem:v10+s22+$0x0] =	vst.idx.msk $0xffff, v9;
	v9 =	vld [tilespmem:s30+$0xFFFFFC70];
	v10 =	vadd.s32 v25, v3  }
0x151: {  	[tilespmem:v12+s22+$0x0] =	vst.idx.msk $0xffff, v11;
	v12 =	vadd.s32 v15, v22;
	v11 =	vld [tilespmem:s31+$0x320]  }
0x152: {  	[tilespmem:v14+s22+$0x0] =	vst.idx.msk $0xffff, v13;
	v14 =	vadd.s32 v15, v4;
	v13 =	vld [tilespmem:s31+$0xFFFFFF20]  }
0x153: {  	[tilespmem:v6+s22+$0x0] =	vst.idx.msk $0xffff, v5  }
0x154: {  	[tilespmem:v8+s22+$0x0] =	vst.idx.msk $0xffff, v7  }
0x155: {  	[tilespmem:v10+s22+$0x0] =	vst.idx.msk $0xffff, v9  }
0x156: {  	[tilespmem:v12+s22+$0x0] =	vst.idx.msk $0xffff, v11  }
0x157: {  	[tilespmem:v14+s22+$0x0] =	vst.idx.msk $0xffff, v13  }
0x158: {  	v32 =	vld [tilespmem:$0x1FCA0]  }
0x159: {  	v5 =	vld [tilespmem:s29+$0x1D0];
	v6 =	vadd.s32 v37, v0  }
0x15a: {  	v7 =	vld [tilespmem:s29+$0xFFFFFDD0];
	v8 =	vadd.s32 v37, v1  }
0x15b: {  	v9 =	vld [tilespmem:s30+$0x80];
	v10 =	vor.u32 v31, v2  }
0x15c: {  	v11 =	vld [tilespmem:s30+$0xFFFFFC80];
	v12 =	vor.u32 v31, v3  }
0x15d: {  	v13 =	vld [tilespmem:s31+$0x330];
	v14 =	vadd.s32 v32, v22  }
0x15e: {  	[tilespmem:v6+s22+$0x0] =	vst.idx.msk $0xffff, v5;
	v5 =	vld [tilespmem:s31+$0xFFFFFF30];
	v6 =	vadd.s32 v32, v4  }
0x15f: {  	[tilespmem:v8+s22+$0x0] =	vst.idx.msk $0xffff, v7  }
0x160: {  	[tilespmem:v10+s22+$0x0] =	vst.idx.msk $0xffff, v9  }
0x161: {  	[tilespmem:v12+s22+$0x0] =	vst.idx.msk $0xffff, v11  }
0x162: {  	[tilespmem:v14+s22+$0x0] =	vst.idx.msk $0xffff, v13  }
0x163: {  	[tilespmem:v6+s22+$0x0] =	vst.idx.msk $0xffff, v5  }
0x164: {  	v33 =	vld [tilespmem:$0x1FCB0]  }
0x165: {  	v8 =	vadd.s32 v49, v0;
	v7 =	vld [tilespmem:s29+$0x1E0]  }
0x166: {  	v9 =	vld [tilespmem:s29+$0xFFFFFDE0];
	v10 =	vadd.s32 v49, v1  }
0x167: {  	v11 =	vld [tilespmem:s30+$0x90];
	v12 =	vadd.s32 v60, v2  }
0x168: {  	v13 =	vld [tilespmem:s30+$0xFFFFFC90];
	v14 =	vadd.s32 v60, v3  }
0x169: {  	v5 =	vld [tilespmem:s31+$0x340];
	v6 =	vor.u32 v33, v22  }
0x16a: {  	[tilespmem:v8+s22+$0x0] =	vst.idx.msk $0xffff, v7;
	v7 =	vld [tilespmem:s31+$0xFFFFFF40];
	v8 =	vor.u32 v33, v4  }
0x16b: {  	[tilespmem:v10+s22+$0x0] =	vst.idx.msk $0xffff, v9  }
0x16c: {  	[tilespmem:v12+s22+$0x0] =	vst.idx.msk $0xffff, v11  }
0x16d: {  	[tilespmem:v14+s22+$0x0] =	vst.idx.msk $0xffff, v13  }
0x16e: {  	[tilespmem:v6+s22+$0x0] =	vst.idx.msk $0xffff, v5  }
0x16f: {  	[tilespmem:v8+s22+$0x0] =	vst.idx.msk $0xffff, v7  }
0x170: {  	v34 =	vld [tilespmem:$0x1FCC0]  }
0x171: {  	v10 =	vadd.s32 v53, v0;
	v9 =	vld [tilespmem:s29+$0x1F0]  }
0x172: {  	v12 =	vadd.s32 v53, v1;
	v11 =	vld [tilespmem:s29+$0xFFFFFDF0]  }
0x173: {  	v13 =	vld [tilespmem:s30+$0xA0];
	v14 =	vadd.s32 v45, v2  }
0x174: {  	v5 =	vld [tilespmem:s30+$0xFFFFFCA0];
	v6 =	vadd.s32 v45, v3  }
0x175: {  	v7 =	vld [tilespmem:s31+$0x350];
	v8 =	vadd.s32 v34, v22  }
0x176: {  	[tilespmem:v10+s22+$0x0] =	vst.idx.msk $0xffff, v9;
	v9 =	vld [tilespmem:s31+$0xFFFFFF50];
	v10 =	vadd.s32 v34, v4  }
0x177: {  	[tilespmem:v12+s22+$0x0] =	vst.idx.msk $0xffff, v11  }
0x178: {  	[tilespmem:v14+s22+$0x0] =	vst.idx.msk $0xffff, v13  }
0x179: {  	[tilespmem:v6+s22+$0x0] =	vst.idx.msk $0xffff, v5  }
0x17a: {  	[tilespmem:v8+s22+$0x0] =	vst.idx.msk $0xffff, v7  }
0x17b: {  	[tilespmem:v10+s22+$0x0] =	vst.idx.msk $0xffff, v9  }
0x17c: {  	v35 =	vld [tilespmem:$0x1FCD0]  }
0x17d: {  	v12 =	vor.u32 v51, v0;
	v11 =	vld [tilespmem:s29+$0x200]  }
0x17e: {  	v14 =	vor.u32 v51, v1;
	v13 =	vld [tilespmem:s29+$0xFFFFFE00]  }
0x17f: {  	v5 =	vld [tilespmem:s30+$0xB0];
	v6 =	vadd.s32 v47, v2  }
0x180: {  	v7 =	vld [tilespmem:s30+$0xFFFFFCB0];
	v8 =	vadd.s32 v47, v3  }
0x181: {  	v9 =	vld [tilespmem:s31+$0x360];
	v10 =	vadd.s32 v35, v22  }
0x182: {  	[tilespmem:v12+s22+$0x0] =	vst.idx.msk $0xffff, v11;
	v11 =	vld [tilespmem:s31+$0xFFFFFF60];
	v12 =	vadd.s32 v35, v4  }
0x183: {  	[tilespmem:v14+s22+$0x0] =	vst.idx.msk $0xffff, v13  }
0x184: {  	[tilespmem:v6+s22+$0x0] =	vst.idx.msk $0xffff, v5  }
0x185: {  	[tilespmem:v8+s22+$0x0] =	vst.idx.msk $0xffff, v7  }
0x186: {  	[tilespmem:v10+s22+$0x0] =	vst.idx.msk $0xffff, v9  }
0x187: {  	[tilespmem:v12+s22+$0x0] =	vst.idx.msk $0xffff, v11  }
0x188: {  	v36 =	vld [tilespmem:$0x1FCE0]  }
0x189: {  	v14 =	vadd.s32 v55, v0;
	v13 =	vld [tilespmem:s29+$0x210]  }
0x18a: {  	v6 =	vadd.s32 v55, v1;
	v5 =	vld [tilespmem:s29+$0xFFFFFE10]  }
0x18b: {  	v7 =	vld [tilespmem:s30+$0xC0];
	v8 =	vor.u32 v30, v2  }
0x18c: {  	v9 =	vld [tilespmem:s30+$0xFFFFFCC0];
	v10 =	vor.u32 v30, v3  }
0x18d: {  	v11 =	vld [tilespmem:s31+$0x370];
	v12 =	vadd.s32 v36, v22  }
0x18e: {  	[tilespmem:v14+s22+$0x0] =	vst.idx.msk $0xffff, v13;
	v13 =	vld [tilespmem:s31+$0xFFFFFF70];
	v14 =	vadd.s32 v36, v4  }
0x18f: {  	[tilespmem:v6+s22+$0x0] =	vst.idx.msk $0xffff, v5  }
0x190: {  	[tilespmem:v8+s22+$0x0] =	vst.idx.msk $0xffff, v7  }
0x191: {  	[tilespmem:v10+s22+$0x0] =	vst.idx.msk $0xffff, v9  }
0x192: {  	[tilespmem:v12+s22+$0x0] =	vst.idx.msk $0xffff, v11  }
0x193: {  	[tilespmem:v14+s22+$0x0] =	vst.idx.msk $0xffff, v13  }
0x194: {  	v37 =	vld [tilespmem:$0x1FCF0]  }
0x195: {  	v6 =	vadd.s32 v56, v0;
	v5 =	vld [tilespmem:s29+$0x220]  }
0x196: {  	v8 =	vadd.s32 v56, v1;
	v7 =	vld [tilespmem:s29+$0xFFFFFE20]  }
0x197: {  	v9 =	vld [tilespmem:s30+$0xD0];
	v10 =	vadd.s32 v29, v2  }
0x198: {  	v11 =	vld [tilespmem:s30+$0xFFFFFCD0];
	v12 =	vadd.s32 v29, v3  }
0x199: {  	v13 =	vld [tilespmem:s31+$0x380];
	v14 =	vor.u32 v37, v22  }
0x19a: {  	[tilespmem:v6+s22+$0x0] =	vst.idx.msk $0xffff, v5;
	v5 =	vld [tilespmem:s31+$0xFFFFFF80];
	v6 =	vor.u32 v37, v4  }
0x19b: {  	[tilespmem:v8+s22+$0x0] =	vst.idx.msk $0xffff, v7  }
0x19c: {  	[tilespmem:v10+s22+$0x0] =	vst.idx.msk $0xffff, v9  }
0x19d: {  	[tilespmem:v12+s22+$0x0] =	vst.idx.msk $0xffff, v11  }
0x19e: {  	[tilespmem:v14+s22+$0x0] =	vst.idx.msk $0xffff, v13  }
0x19f: {  	[tilespmem:v6+s22+$0x0] =	vst.idx.msk $0xffff, v5  }
0x1a0: {  	v12 =	vadd.s32 v38, v2;
	v14 =	vadd.s32 v38, v3;
	v38 =	vld [tilespmem:$0x1FD00]  }
0x1a1: {  	v8 =	vadd.s32 v57, v0;
	v7 =	vld [tilespmem:s29+$0x230]  }
0x1a2: {  	v10 =	vadd.s32 v57, v1;
	v9 =	vld [tilespmem:s29+$0xFFFFFE30]  }
0x1a3: {  	v11 =	vld [tilespmem:s30+$0xE0]  }
0x1a4: {  	v13 =	vld [tilespmem:s30+$0xFFFFFCE0]  }
0x1a5: {  	v5 =	vld [tilespmem:s31+$0x390];
	v6 =	vadd.s32 v38, v22  }
0x1a6: {  	[tilespmem:v8+s22+$0x0] =	vst.idx.msk $0xffff, v7;
	v7 =	vld [tilespmem:s31+$0xFFFFFF90];
	v8 =	vadd.s32 v38, v4  }
0x1a7: {  	[tilespmem:v10+s22+$0x0] =	vst.idx.msk $0xffff, v9  }
0x1a8: {  	[tilespmem:v12+s22+$0x0] =	vst.idx.msk $0xffff, v11  }
0x1a9: {  	[tilespmem:v14+s22+$0x0] =	vst.idx.msk $0xffff, v13  }
0x1aa: {  	[tilespmem:v6+s22+$0x0] =	vst.idx.msk $0xffff, v5  }
0x1ab: {  	[tilespmem:v8+s22+$0x0] =	vst.idx.msk $0xffff, v7  }
0x1ac: {  	v14 =	vadd.s32 v26, v2;
	v6 =	vadd.s32 v26, v3;
	v26 =	vmov v15;
	v15 =	vld [tilespmem:$0x1FD10]  }
0x1ad: {  	v10 =	vor.u32 v58, v0;
	v9 =	vld [tilespmem:s29+$0x240]  }
0x1ae: {  	v12 =	vor.u32 v58, v1;
	v11 =	vld [tilespmem:s29+$0xFFFFFE40]  }
0x1af: {  	v13 =	vld [tilespmem:s30+$0xF0]  }
0x1b0: {  	v5 =	vld [tilespmem:s30+$0xFFFFFCF0]  }
0x1b1: {  	v7 =	vld [tilespmem:s31+$0x3A0];
	v8 =	vadd.s32 v15, v22  }
0x1b2: {  	[tilespmem:v10+s22+$0x0] =	vst.idx.msk $0xffff, v9;
	v9 =	vld [tilespmem:s31+$0xFFFFFFA0];
	v10 =	vadd.s32 v15, v4  }
0x1b3: {  	[tilespmem:v12+s22+$0x0] =	vst.idx.msk $0xffff, v11  }
0x1b4: {  	[tilespmem:v14+s22+$0x0] =	vst.idx.msk $0xffff, v13  }
0x1b5: {  	[tilespmem:v6+s22+$0x0] =	vst.idx.msk $0xffff, v5  }
0x1b6: {  	[tilespmem:v8+s22+$0x0] =	vst.idx.msk $0xffff, v7  }
0x1b7: {  	[tilespmem:v10+s22+$0x0] =	vst.idx.msk $0xffff, v9  }
0x1b8: {  	v6 =	vor.u32 v39, v2;
	v8 =	vor.u32 v39, v3;
	v39 =	vld [tilespmem:$0x1FD20]  }
0x1b9: {  	v12 =	vadd.s32 v59, v0;
	v11 =	vld [tilespmem:s29+$0x250]  }
0x1ba: {  	v14 =	vadd.s32 v59, v1;
	v13 =	vld [tilespmem:s29+$0xFFFFFE50]  }
0x1bb: {  	v5 =	vld [tilespmem:s30+$0x100]  }
0x1bc: {  	v7 =	vld [tilespmem:s30+$0xFFFFFD00]  }
0x1bd: {  	v9 =	vld [tilespmem:s31+$0x3B0];
	v10 =	vadd.s32 v39, v22  }
0x1be: {  	[tilespmem:v12+s22+$0x0] =	vst.idx.msk $0xffff, v11;
	v11 =	vld [tilespmem:s31+$0xFFFFFFB0];
	v12 =	vadd.s32 v39, v4  }
0x1bf: {  	[tilespmem:v14+s22+$0x0] =	vst.idx.msk $0xffff, v13  }
0x1c0: {  	[tilespmem:v6+s22+$0x0] =	vst.idx.msk $0xffff, v5  }
0x1c1: {  	[tilespmem:v8+s22+$0x0] =	vst.idx.msk $0xffff, v7  }
0x1c2: {  	[tilespmem:v10+s22+$0x0] =	vst.idx.msk $0xffff, v9  }
0x1c3: {  	[tilespmem:v12+s22+$0x0] =	vst.idx.msk $0xffff, v11  }
0x1c4: {  	v8 =	vadd.s32 v40, v2;
	v10 =	vadd.s32 v40, v3;
	v40 =	vld [tilespmem:$0x1FD30]  }
0x1c5: {  	v14 =	vadd.s32 v48, v0;
	v13 =	vld [tilespmem:s29+$0x260]  }
0x1c6: {  	v6 =	vadd.s32 v48, v1;
	v5 =	vld [tilespmem:s29+$0xFFFFFE60]  }
0x1c7: {  	v7 =	vld [tilespmem:s30+$0x110]  }
0x1c8: {  	v9 =	vld [tilespmem:s30+$0xFFFFFD10]  }
0x1c9: {  	v11 =	vld [tilespmem:s31+$0x3C0];
	v12 =	vor.u32 v40, v22  }
0x1ca: {  	[tilespmem:v14+s22+$0x0] =	vst.idx.msk $0xffff, v13;
	v13 =	vld [tilespmem:s31+$0xFFFFFFC0];
	v14 =	vor.u32 v40, v4  }
0x1cb: {  	[tilespmem:v6+s22+$0x0] =	vst.idx.msk $0xffff, v5  }
0x1cc: {  	[tilespmem:v8+s22+$0x0] =	vst.idx.msk $0xffff, v7  }
0x1cd: {  	[tilespmem:v10+s22+$0x0] =	vst.idx.msk $0xffff, v9  }
0x1ce: {  	[tilespmem:v12+s22+$0x0] =	vst.idx.msk $0xffff, v11  }
0x1cf: {  	[tilespmem:v14+s22+$0x0] =	vst.idx.msk $0xffff, v13  }
0x1d0: {  	v23 =	vld [tilespmem:$0x1FD40]  }
0x1d1: {  	v6 =	vadd.s32 v61, v0;
	v5 =	vld [tilespmem:s29+$0x270]  }
0x1d2: {  	v8 =	vadd.s32 v61, v1;
	v7 =	vld [tilespmem:s29+$0xFFFFFE70]  }
0x1d3: {  	v9 =	vld [tilespmem:s30+$0x120];
	v10 =	vadd.s32 v42, v2  }
0x1d4: {  	v11 =	vld [tilespmem:s30+$0xFFFFFD20];
	v12 =	vadd.s32 v42, v3  }
0x1d5: {  	v13 =	vld [tilespmem:s31+$0x3D0];
	v14 =	vadd.s32 v23, v22  }
0x1d6: {  	[tilespmem:v6+s22+$0x0] =	vst.idx.msk $0xffff, v5;
	v15 =	vld [tilespmem:s31+$0xFFFFFFD0];
	v6 =	vadd.s32 v23, v4  }
0x1d7: {  	v42 =	vmov v26;
	v26 =	vld [tilespmem:$0x1FD80];
	[tilespmem:v8+s22+$0x0] =	vst.idx.msk $0xffff, v7  }
0x1d8: {  	[tilespmem:v10+s22+$0x0] =	vst.idx.msk $0xffff, v9  }
0x1d9: {  	[tilespmem:v12+s22+$0x0] =	vst.idx.msk $0xffff, v11  }
0x1da: {  	[tilespmem:v14+s22+$0x0] =	vst.idx.msk $0xffff, v13  }
0x1db: {  	[tilespmem:v6+s22+$0x0] =	vst.idx.msk $0xffff, v15  }
0x1dc: {  	v48 =	vld [tilespmem:$0x1FD50]  }
0x1dd: {  	v8 =	vor.u32 v62, v0;
	v23 =	vld [tilespmem:s29+$0x280]  }
0x1de: {  	v56 =	vmov v25;
	v10 =	vor.u32 v62, v1;
	v25 =	vld [tilespmem:s29+$0xFFFFFE80]  }
0x1df: {  	v11 =	vld [tilespmem:s30+$0x130];
	v12 =	vadd.s32 v24, v2  }
0x1e0: {  	v5 =	vadd.s32 v24, v3;
	v13 =	vld [tilespmem:s30+$0xFFFFFD30]  }
0x1e1: {  	v7 =	vld [tilespmem:s31+$0x3E0];
	v6 =	vadd.s32 v48, v22  }
0x1e2: {  	[tilespmem:v8+s22+$0x0] =	vst.idx.msk $0xffff, v23;
	v23 =	vld [tilespmem:s31+$0xFFFFFFE0];
	v9 =	vadd.s32 v48, v4  }
0x1e3: {  	[tilespmem:v10+s22+$0x0] =	vst.idx.msk $0xffff, v25  }
0x1e4: {  	[tilespmem:v12+s22+$0x0] =	vst.idx.msk $0xffff, v11  }
0x1e5: {  	[tilespmem:v5+s22+$0x0] =	vst.idx.msk $0xffff, v13  }
0x1e6: {  	[tilespmem:v6+s22+$0x0] =	vst.idx.msk $0xffff, v7  }
0x1e7: {  	v14 =	vld [tilespmem:s29+$0x290];
	[tilespmem:v9+s22+$0x0] =	vst.idx.msk $0xffff, v23  }
0x1e8: {  	v29 =	vmov v46;
	v46 =	vld [tilespmem:$0x1FD60]  }
0x1e9: {  	v11 =	vld [tilespmem:s29+$0xFFFFFE90]  }
0x1ea: {  	v15 =	vadd.s32 v63, v0;
	v8 =	vld [tilespmem:s30+$0x140]  }
0x1eb: {  	v13 =	vadd.s32 v63, v1;
	v6 =	vld [tilespmem:s30+$0xFFFFFD40]  }
0x1ec: {  	v49 =	vmov v30;
	v12 =	vor.u32 v16, v2;
	v7 =	vld [tilespmem:s31+$0x3F0]  }
0x1ed: {  	s1 =	simm.s32 $0x6;
	s0 =	simm.s32 $0x8;
	s10 =	simm.s32 $0x7;
	v51 =	vmovc v41;
	v41 =	vmovc v24;
	v58 =	vmov v31;
	v10 =	vor.u32 v16, v3;
	v30 =	vld [tilespmem:$0x1FDA0];
	v9 =	vadd.s32 v46, v22  }
.LBB2_3:
0x1ee: {  	_ = 	snop  }
0x1ef: {  	v5 =	vmov s10;
	[tilespmem:v15+s22+$0x0] =	vst.idx.msk $0xffff, v14;
	v14 =	vld [tilespmem:s31+$0xFFFFFFF0];
	v15 =	vadd.s32 v46, v4;
	s31 =	smov.u32 s29  }
0x1f0: {  	v5 =	vmul.u32 $0x600, v5;
	v4 =	vmovc v1;
	v1 =	vmovc v3;
	v3 =	vmov s1;
	[tilespmem:v13+s22+$0x0] =	vst.idx.msk $0xffff, v11;
	v11 =	vld [tilespmem:s31+$0x2A0];
	v13 =	vadd.s32 v43, v0  }
0x1f1: {  	v3 =	vmul.u32 $0x600, v3;
	[tilespmem:v12+s22+$0x0] =	vst.idx.msk $0xffff, v8;
	v8 =	vld [tilespmem:s31+$0xFFFFFEA0];
	v12 =	vadd.s32 v43, v4  }
0x1f2: {  	s29 =	smov.u32 s30;
	v5 =	vbroadcast v5, $0x0;
	[tilespmem:v10+s22+$0x0] =	vst.idx.msk $0xffff, v6;
	v6 =	vld [tilespmem:s30+$0x150];
	v10 =	vadd.s32 v17, v2  }
0x1f3: {  	v31 =	vmovc v16;
	v43 =	vmov v17;
	v17 =	vadd.s32 v17, v1;
	s30 =	sadd.s32 $0x800, s30;
	[tilespmem:v9+s22+$0x0] =	vst.idx.msk $0xffff, v7;
	v3 =	vbroadcast v3, $0x0;
	v16 =	vld [tilespmem:s29+$0xFFFFFD50]  }
0x1f4: {  	v7 =	vld [tilespmem:s30+$0x0];
	v9 =	vor.u32 v18, v5;
	[tilespmem:v15+s22+$0x0] =	vst.idx.msk $0xffff, v14  }
0x1f5: {  	v15 =	vor.u32 v18, v3;
	v14 =	vld [tilespmem:s30+$0xFFFFFC00];
	[tilespmem:v13+s22+$0x0] =	vst.idx.msk $0xffff, v11  }
0x1f6: {  	[tilespmem:v12+s22+$0x0] =	vst.idx.msk $0xffff, v8;
	v11 =	vadd.s32 v51, v0;
	v8 =	vld [tilespmem:s31+$0x2B0]  }
0x1f7: {  	[tilespmem:v10+s22+$0x0] =	vst.idx.msk $0xffff, v6;
	v6 =	vld [tilespmem:s31+$0xFFFFFEB0];
	v10 =	vadd.s32 v51, v4  }
0x1f8: {  	v13 =	vadd.s32 v44, v2;
	[tilespmem:v17+s22+$0x0] =	vst.idx.msk $0xffff, v16;
	v12 =	vld [tilespmem:s29+$0x160]  }
0x1f9: {  	[tilespmem:v9+s22+$0x0] =	vst.idx.msk $0xffff, v7;
	v7 =	vld [tilespmem:s29+$0xFFFFFD60]  }
0x1fa: {  	[tilespmem:v15+s22+$0x0] =	vst.idx.msk $0xffff, v14;
	v14 =	vld [tilespmem:s30+$0x10]  }
0x1fb: {  	v16 =	vld [tilespmem:s30+$0xFFFFFC10];
	[tilespmem:v11+s22+$0x0] =	vst.idx.msk $0xffff, v8  }
0x1fc: {  	[tilespmem:v10+s22+$0x0] =	vst.idx.msk $0xffff, v6;
	v6 =	vld [tilespmem:s31+$0x2C0]  }
0x1fd: {  	v9 =	vadd.s32 v44, v1;
	[tilespmem:v13+s22+$0x0] =	vst.idx.msk $0xffff, v12;
	v13 =	vld [tilespmem:$0x1FE40]  }
0x1fe: {  	v15 =	vadd.s32 v19, v5  }
0x1ff: {  	v17 =	vadd.s32 v19, v3  }
0x200: {  	v8 =	vor.u32 v26, v0  }
0x201: {  	v11 =	vor.u32 v26, v4;
	v10 =	vld [tilespmem:s31+$0xFFFFFEC0]  }
0x202: {  	[tilespmem:v9+s22+$0x0] =	vst.idx.msk $0xffff, v7;
	v7 =	vld [tilespmem:s29+$0x170];
	v9 =	vadd.s32 v13, v2  }
0x203: {  	v12 =	vld [tilespmem:s29+$0xFFFFFD70];
	[tilespmem:v15+s22+$0x0] =	vst.idx.msk $0xffff, v14;
	v13 =	vadd.s32 v13, v1  }
0x204: {  	[tilespmem:v17+s22+$0x0] =	vst.idx.msk $0xffff, v16;
	v14 =	vld [tilespmem:s30+$0x20]  }
0x205: {  	v16 =	vld [tilespmem:s30+$0xFFFFFC20];
	[tilespmem:v8+s22+$0x0] =	vst.idx.msk $0xffff, v6  }
0x206: {  	[tilespmem:v11+s22+$0x0] =	vst.idx.msk $0xffff, v10;
	v6 =	vld [tilespmem:s31+$0x2D0]  }
0x207: {  	[tilespmem:v9+s22+$0x0] =	vst.idx.msk $0xffff, v7;
	v7 =	vld [tilespmem:s31+$0xFFFFFED0]  }
0x208: {  	[tilespmem:v13+s22+$0x0] =	vst.idx.msk $0xffff, v12;
	v13 =	vld [tilespmem:$0x1FDC0]  }
0x209: {  	v15 =	vadd.s32 v20, v5  }
0x20a: {  	v17 =	vadd.s32 v20, v3  }
0x20b: {  	v9 =	vadd.s32 v27, v4  }
0x20c: {  	v8 =	vadd.s32 v27, v0  }
0x20d: {  	v12 =	vld [tilespmem:s29+$0xFFFFFD80];
	v11 =	vor.u32 v13, v2;
	v13 =	vor.u32 v13, v1  }
0x20e: {  	v10 =	vld [tilespmem:s29+$0x180];
	[tilespmem:v15+s22+$0x0] =	vst.idx.msk $0xffff, v14  }
0x20f: {  	[tilespmem:v17+s22+$0x0] =	vst.idx.msk $0xffff, v16;
	v14 =	vld [tilespmem:s30+$0x30]  }
0x210: {  	v16 =	vld [tilespmem:s30+$0xFFFFFC30];
	[tilespmem:v9+s22+$0x0] =	vst.idx.msk $0xffff, v7  }
0x211: {  	[tilespmem:v8+s22+$0x0] =	vst.idx.msk $0xffff, v6;
	v8 =	vld [tilespmem:s31+$0xFFFFFEE0]  }
0x212: {  	[tilespmem:v13+s22+$0x0] =	vst.idx.msk $0xffff, v12;
	v13 =	vld [tilespmem:$0x1FE50];
	_ =	sdelay $0x1  }
0x213: {  	v17 =	vadd.s32 v21, v3  }
0x214: {  	v9 =	vadd.s32 v28, v4  }
0x215: {  	v6 =	vld [tilespmem:s31+$0x2E0]  }
0x216: {  	[tilespmem:v11+s22+$0x0] =	vst.idx.msk $0xffff, v10;
	v12 =	vld [tilespmem:s29+$0xFFFFFD90];
	v11 =	vadd.s32 v13, v2;
	v13 =	vadd.s32 v13, v1;
	_ =	sdelay $0x1  }
0x217: {  	v15 =	vadd.s32 v21, v5;
	v10 =	vld [tilespmem:s29+$0x190];
	[tilespmem:v17+s22+$0x0] =	vst.idx.msk $0xffff, v16  }
0x218: {  	v7 =	vadd.s32 v28, v0;
	v16 =	vld [tilespmem:s30+$0xFFFFFC40];
	[tilespmem:v9+s22+$0x0] =	vst.idx.msk $0xffff, v8  }
0x219: {  	v8 =	vld [tilespmem:s31+$0xFFFFFEF0]  }
0x21a: {  	[tilespmem:v13+s22+$0x0] =	vst.idx.msk $0xffff, v12;
	v13 =	vld [tilespmem:$0x1FDD0];
	_ =	sdelay $0x1  }
0x21b: {  	[tilespmem:v15+s22+$0x0] =	vst.idx.msk $0xffff, v14;
	v17 =	vor.u32 v50, v3  }
0x21c: {  	v14 =	vld [tilespmem:s30+$0x40];
	[tilespmem:v7+s22+$0x0] =	vst.idx.msk $0xffff, v6;
	v9 =	vadd.s32 v29, v4  }
0x21d: {  	v6 =	vld [tilespmem:s31+$0x2F0]  }
0x21e: {  	[tilespmem:v11+s22+$0x0] =	vst.idx.msk $0xffff, v10;
	v12 =	vld [tilespmem:s29+$0xFFFFFDA0];
	v11 =	vadd.s32 v13, v2;
	v13 =	vadd.s32 v13, v1;
	_ =	sdelay $0x1  }
0x21f: {  	v15 =	vor.u32 v50, v5;
	v10 =	vld [tilespmem:s29+$0x1A0];
	[tilespmem:v17+s22+$0x0] =	vst.idx.msk $0xffff, v16  }
0x220: {  	v7 =	vadd.s32 v29, v0;
	v16 =	vld [tilespmem:s30+$0xFFFFFC50];
	[tilespmem:v9+s22+$0x0] =	vst.idx.msk $0xffff, v8  }
0x221: {  	v8 =	vld [tilespmem:s31+$0xFFFFFF00]  }
0x222: {  	[tilespmem:v13+s22+$0x0] =	vst.idx.msk $0xffff, v12;
	v13 =	vld [tilespmem:$0x1FE60]  }
0x223: {  	v17 =	vadd.s32 v52, v3  }
0x224: {  	[tilespmem:v15+s22+$0x0] =	vst.idx.msk $0xffff, v14  }
0x225: {  	v14 =	vld [tilespmem:s30+$0x50];
	[tilespmem:v7+s22+$0x0] =	vst.idx.msk $0xffff, v6;
	v9 =	vor.u32 v30, v4  }
0x226: {  	v6 =	vld [tilespmem:s31+$0x300]  }
0x227: {  	[tilespmem:v11+s22+$0x0] =	vst.idx.msk $0xffff, v10;
	v12 =	vld [tilespmem:s29+$0xFFFFFDB0];
	v11 =	vadd.s32 v13, v2;
	v13 =	vadd.s32 v13, v1  }
0x228: {  	v10 =	vld [tilespmem:s29+$0x1B0];
	[tilespmem:v17+s22+$0x0] =	vst.idx.msk $0xffff, v16  }
0x229: {  	v15 =	vadd.s32 v52, v5;
	v16 =	vld [tilespmem:s30+$0xFFFFFC60]  }
0x22a: {  	v7 =	vor.u32 v30, v0;
	[tilespmem:v9+s22+$0x0] =	vst.idx.msk $0xffff, v8;
	v9 =	vld [tilespmem:$0x1FC90]  }
0x22b: {  	v8 =	vld [tilespmem:s31+$0xFFFFFF10]  }
0x22c: {  	[tilespmem:v13+s22+$0x0] =	vst.idx.msk $0xffff, v12;
	v13 =	vld [tilespmem:$0x1FDE0];
	_ =	sdelay $0x1  }
0x22d: {  	[tilespmem:v15+s22+$0x0] =	vst.idx.msk $0xffff, v14;
	v17 =	vadd.s32 v54, v3  }
0x22e: {  	v14 =	vld [tilespmem:s30+$0x60];
	[tilespmem:v7+s22+$0x0] =	vst.idx.msk $0xffff, v6;
	v7 =	vadd.s32 v9, v0;
	v9 =	vadd.s32 v9, v4  }
0x22f: {  	v6 =	vld [tilespmem:s31+$0x310]  }
0x230: {  	[tilespmem:v11+s22+$0x0] =	vst.idx.msk $0xffff, v10;
	v12 =	vld [tilespmem:s29+$0xFFFFFDC0];
	v11 =	vor.u32 v13, v2;
	v13 =	vor.u32 v13, v1;
	_ =	sdelay $0x1  }
0x231: {  	v15 =	vadd.s32 v54, v5;
	v10 =	vld [tilespmem:s29+$0x1C0];
	[tilespmem:v17+s22+$0x0] =	vst.idx.msk $0xffff, v16  }
0x232: {  	v16 =	vld [tilespmem:s30+$0xFFFFFC70];
	[tilespmem:v9+s22+$0x0] =	vst.idx.msk $0xffff, v8  }
0x233: {  	v8 =	vld [tilespmem:s31+$0xFFFFFF20]  }
0x234: {  	[tilespmem:v13+s22+$0x0] =	vst.idx.msk $0xffff, v12;
	v13 =	vld [tilespmem:$0x1FE70];
	_ =	sdelay $0x1  }
0x235: {  	[tilespmem:v15+s22+$0x0] =	vst.idx.msk $0xffff, v14;
	v17 =	vadd.s32 v56, v3  }
0x236: {  	v14 =	vld [tilespmem:s30+$0x70];
	[tilespmem:v7+s22+$0x0] =	vst.idx.msk $0xffff, v6;
	v9 =	vadd.s32 v42, v4  }
0x237: {  	v6 =	vld [tilespmem:s31+$0x320]  }
0x238: {  	[tilespmem:v11+s22+$0x0] =	vst.idx.msk $0xffff, v10;
	v12 =	vld [tilespmem:s29+$0xFFFFFDD0];
	v11 =	vadd.s32 v13, v2;
	v13 =	vadd.s32 v13, v1;
	_ =	sdelay $0x1  }
0x239: {  	v15 =	vadd.s32 v56, v5;
	v10 =	vld [tilespmem:s29+$0x1D0];
	[tilespmem:v17+s22+$0x0] =	vst.idx.msk $0xffff, v16  }
0x23a: {  	v7 =	vadd.s32 v42, v0;
	v16 =	vld [tilespmem:s30+$0xFFFFFC80];
	[tilespmem:v9+s22+$0x0] =	vst.idx.msk $0xffff, v8  }
0x23b: {  	v8 =	vld [tilespmem:s31+$0xFFFFFF30]  }
0x23c: {  	[tilespmem:v13+s22+$0x0] =	vst.idx.msk $0xffff, v12;
	v13 =	vld [tilespmem:$0x1FDF0];
	_ =	sdelay $0x1  }
0x23d: {  	[tilespmem:v15+s22+$0x0] =	vst.idx.msk $0xffff, v14;
	v17 =	vor.u32 v58, v3  }
0x23e: {  	v14 =	vld [tilespmem:s30+$0x80];
	[tilespmem:v7+s22+$0x0] =	vst.idx.msk $0xffff, v6;
	v9 =	vadd.s32 v32, v4  }
0x23f: {  	v15 =	vor.u32 v58, v5;
	v6 =	vld [tilespmem:s31+$0x330]  }
0x240: {  	[tilespmem:v11+s22+$0x0] =	vst.idx.msk $0xffff, v10;
	v12 =	vld [tilespmem:s29+$0xFFFFFDE0];
	v11 =	vadd.s32 v13, v2;
	v13 =	vadd.s32 v13, v1  }
0x241: {  	v7 =	vadd.s32 v32, v0  }
0x242: {  	v10 =	vld [tilespmem:s29+$0x1E0];
	[tilespmem:v17+s22+$0x0] =	vst.idx.msk $0xffff, v16  }
0x243: {  	v17 =	vadd.s32 v60, v3;
	v16 =	vld [tilespmem:s30+$0xFFFFFC90];
	[tilespmem:v9+s22+$0x0] =	vst.idx.msk $0xffff, v8  }
0x244: {  	[tilespmem:v15+s22+$0x0] =	vst.idx.msk $0xffff, v14;
	v9 =	vor.u32 v33, v4;
	v8 =	vld [tilespmem:s31+$0xFFFFFF40]  }
0x245: {  	v14 =	vld [tilespmem:s30+$0x90];
	[tilespmem:v13+s22+$0x0] =	vst.idx.msk $0xffff, v12  }
0x246: {  	[tilespmem:v7+s22+$0x0] =	vst.idx.msk $0xffff, v6;
	v13 =	vadd.s32 v53, v1;
	v12 =	vld [tilespmem:s29+$0xFFFFFDF0]  }
0x247: {  	v15 =	vadd.s32 v60, v5;
	v6 =	vld [tilespmem:s31+$0x340];
	[tilespmem:v11+s22+$0x0] =	vst.idx.msk $0xffff, v10  }
0x248: {  	v10 =	vld [tilespmem:s29+$0x1F0];
	[tilespmem:v17+s22+$0x0] =	vst.idx.msk $0xffff, v16  }
0x249: {  	v7 =	vor.u32 v33, v0;
	v16 =	vld [tilespmem:s30+$0xFFFFFCA0];
	[tilespmem:v9+s22+$0x0] =	vst.idx.msk $0xffff, v8  }
0x24a: {  	v8 =	vld [tilespmem:s31+$0xFFFFFF50]  }
0x24b: {  	v11 =	vadd.s32 v53, v2;
	[tilespmem:v13+s22+$0x0] =	vst.idx.msk $0xffff, v12;
	v13 =	vld [tilespmem:$0x1FE00]  }
0x24c: {  	[tilespmem:v15+s22+$0x0] =	vst.idx.msk $0xffff, v14;
	v17 =	vadd.s32 v45, v3  }
0x24d: {  	v15 =	vadd.s32 v45, v5;
	v14 =	vld [tilespmem:s30+$0xA0]  }
0x24e: {  	[tilespmem:v7+s22+$0x0] =	vst.idx.msk $0xffff, v6;
	v9 =	vadd.s32 v34, v4  }
0x24f: {  	v7 =	vadd.s32 v34, v0;
	v6 =	vld [tilespmem:s31+$0x350]  }
0x250: {  	[tilespmem:v11+s22+$0x0] =	vst.idx.msk $0xffff, v10;
	v12 =	vld [tilespmem:s29+$0xFFFFFE00];
	v11 =	vor.u32 v13, v2;
	v13 =	vor.u32 v13, v1  }
0x251: {  	v10 =	vld [tilespmem:s29+$0x200];
	[tilespmem:v17+s22+$0x0] =	vst.idx.msk $0xffff, v16  }
0x252: {  	[tilespmem:v15+s22+$0x0] =	vst.idx.msk $0xffff, v14;
	v17 =	vadd.s32 v47, v3;
	v16 =	vld [tilespmem:s30+$0xFFFFFCB0]  }
0x253: {  	v15 =	vadd.s32 v47, v5;
	v14 =	vld [tilespmem:s30+$0xB0];
	[tilespmem:v9+s22+$0x0] =	vst.idx.msk $0xffff, v8  }
0x254: {  	[tilespmem:v7+s22+$0x0] =	vst.idx.msk $0xffff, v6;
	v9 =	vadd.s32 v35, v4;
	v8 =	vld [tilespmem:s31+$0xFFFFFF60]  }
0x255: {  	v6 =	vld [tilespmem:s31+$0x360];
	[tilespmem:v13+s22+$0x0] =	vst.idx.msk $0xffff, v12  }
0x256: {  	[tilespmem:v11+s22+$0x0] =	vst.idx.msk $0xffff, v10;
	v13 =	vadd.s32 v55, v1;
	v12 =	vld [tilespmem:s29+$0xFFFFFE10]  }
0x257: {  	v10 =	vld [tilespmem:s29+$0x210];
	[tilespmem:v17+s22+$0x0] =	vst.idx.msk $0xffff, v16  }
0x258: {  	[tilespmem:v15+s22+$0x0] =	vst.idx.msk $0xffff, v14;
	v17 =	vor.u32 v49, v3;
	v16 =	vld [tilespmem:s30+$0xFFFFFCC0]  }
0x259: {  	v14 =	vld [tilespmem:s30+$0xC0];
	[tilespmem:v9+s22+$0x0] =	vst.idx.msk $0xffff, v8  }
0x25a: {  	v7 =	vadd.s32 v35, v0;
	v8 =	vld [tilespmem:s31+$0xFFFFFF70]  }
0x25b: {  	v11 =	vadd.s32 v55, v2;
	[tilespmem:v13+s22+$0x0] =	vst.idx.msk $0xffff, v12;
	v13 =	vld [tilespmem:$0x1FE10]  }
0x25c: {  	v12 =	vld [tilespmem:s29+$0xFFFFFE20]  }
0x25d: {  	v15 =	vor.u32 v49, v5;
	[tilespmem:v17+s22+$0x0] =	vst.idx.msk $0xffff, v16;
	v17 =	vld [tilespmem:$0x1FE80];
	_ =	sdelay $0x1  }
0x25e: {  	[tilespmem:v7+s22+$0x0] =	vst.idx.msk $0xffff, v6;
	v9 =	vadd.s32 v36, v4  }
0x25f: {  	v6 =	vld [tilespmem:s31+$0x370];
	[tilespmem:v11+s22+$0x0] =	vst.idx.msk $0xffff, v10;
	v11 =	vadd.s32 v13, v2;
	v13 =	vadd.s32 v13, v1  }
0x260: {  	v10 =	vld [tilespmem:s29+$0x220]  }
0x261: {  	[tilespmem:v15+s22+$0x0] =	vst.idx.msk $0xffff, v14;
	v16 =	vld [tilespmem:s30+$0xFFFFFCD0];
	v15 =	vadd.s32 v17, v5;
	v17 =	vadd.s32 v17, v3;
	_ =	sdelay $0x1  }
0x262: {  	v7 =	vadd.s32 v36, v0;
	v14 =	vld [tilespmem:s30+$0xD0];
	[tilespmem:v9+s22+$0x0] =	vst.idx.msk $0xffff, v8  }
0x263: {  	v8 =	vld [tilespmem:s31+$0xFFFFFF80];
	[tilespmem:v13+s22+$0x0] =	vst.idx.msk $0xffff, v12  }
0x264: {  	v12 =	vld [tilespmem:s29+$0xFFFFFE30]  }
0x265: {  	[tilespmem:v17+s22+$0x0] =	vst.idx.msk $0xffff, v16;
	v17 =	vld [tilespmem:$0x1FE90]  }
0x266: {  	v9 =	vor.u32 v37, v4  }
0x267: {  	[tilespmem:v7+s22+$0x0] =	vst.idx.msk $0xffff, v6  }
0x268: {  	v6 =	vld [tilespmem:s31+$0x380];
	[tilespmem:v11+s22+$0x0] =	vst.idx.msk $0xffff, v10;
	v13 =	vadd.s32 v57, v1  }
0x269: {  	v10 =	vld [tilespmem:s29+$0x230]  }
0x26a: {  	[tilespmem:v15+s22+$0x0] =	vst.idx.msk $0xffff, v14;
	v16 =	vld [tilespmem:s30+$0xFFFFFCE0];
	v15 =	vadd.s32 v17, v5;
	v17 =	vadd.s32 v17, v3  }
0x26b: {  	v14 =	vld [tilespmem:s30+$0xE0];
	[tilespmem:v9+s22+$0x0] =	vst.idx.msk $0xffff, v8  }
0x26c: {  	v7 =	vor.u32 v37, v0;
	v8 =	vld [tilespmem:s31+$0xFFFFFF90]  }
0x26d: {  	v11 =	vadd.s32 v57, v2;
	[tilespmem:v13+s22+$0x0] =	vst.idx.msk $0xffff, v12;
	v13 =	vld [tilespmem:$0x1FE20]  }
0x26e: {  	v12 =	vld [tilespmem:s29+$0xFFFFFE40]  }
0x26f: {  	[tilespmem:v17+s22+$0x0] =	vst.idx.msk $0xffff, v16;
	v17 =	vld [tilespmem:$0x1FEA0]  }
0x270: {  	v9 =	vadd.s32 v38, v4  }
0x271: {  	[tilespmem:v7+s22+$0x0] =	vst.idx.msk $0xffff, v6  }
0x272: {  	v6 =	vld [tilespmem:s31+$0x390];
	[tilespmem:v11+s22+$0x0] =	vst.idx.msk $0xffff, v10;
	v11 =	vor.u32 v13, v2;
	v13 =	vor.u32 v13, v1  }
0x273: {  	v10 =	vld [tilespmem:s29+$0x240]  }
0x274: {  	[tilespmem:v15+s22+$0x0] =	vst.idx.msk $0xffff, v14;
	v16 =	vld [tilespmem:s30+$0xFFFFFCF0];
	v15 =	vadd.s32 v17, v5;
	v17 =	vadd.s32 v17, v3  }
0x275: {  	v7 =	vadd.s32 v38, v0;
	[tilespmem:v9+s22+$0x0] =	vst.idx.msk $0xffff, v8;
	v9 =	vld [tilespmem:$0x1FD10]  }
0x276: {  	v14 =	vld [tilespmem:s30+$0xF0]  }
0x277: {  	v8 =	vld [tilespmem:s31+$0xFFFFFFA0];
	[tilespmem:v13+s22+$0x0] =	vst.idx.msk $0xffff, v12  }
0x278: {  	v12 =	vld [tilespmem:s29+$0xFFFFFE50]  }
0x279: {  	[tilespmem:v17+s22+$0x0] =	vst.idx.msk $0xffff, v16;
	v17 =	vld [tilespmem:$0x1FEB0]  }
0x27a: {  	[tilespmem:v7+s22+$0x0] =	vst.idx.msk $0xffff, v6;
	v7 =	vadd.s32 v9, v0;
	v9 =	vadd.s32 v9, v4;
	_ =	sdelay $0x1  }
0x27b: {  	v6 =	vld [tilespmem:s31+$0x3A0];
	[tilespmem:v11+s22+$0x0] =	vst.idx.msk $0xffff, v10;
	v13 =	vadd.s32 v59, v1  }
0x27c: {  	v10 =	vld [tilespmem:s29+$0x250]  }
0x27d: {  	[tilespmem:v15+s22+$0x0] =	vst.idx.msk $0xffff, v14;
	v16 =	vld [tilespmem:s30+$0xFFFFFD00];
	v15 =	vor.u32 v17, v5;
	v17 =	vor.u32 v17, v3  }
0x27e: {  	v14 =	vld [tilespmem:s30+$0x100];
	[tilespmem:v9+s22+$0x0] =	vst.idx.msk $0xffff, v8  }
0x27f: {  	v8 =	vld [tilespmem:s31+$0xFFFFFFB0]  }
0x280: {  	v11 =	vadd.s32 v59, v2;
	[tilespmem:v13+s22+$0x0] =	vst.idx.msk $0xffff, v12;
	v13 =	vld [tilespmem:$0x1FE30]  }
0x281: {  	v12 =	vld [tilespmem:s29+$0xFFFFFE60]  }
0x282: {  	[tilespmem:v17+s22+$0x0] =	vst.idx.msk $0xffff, v16;
	v17 =	vld [tilespmem:$0x1FEC0]  }
0x283: {  	[tilespmem:v7+s22+$0x0] =	vst.idx.msk $0xffff, v6;
	v9 =	vadd.s32 v39, v4  }
0x284: {  	v7 =	vadd.s32 v39, v0;
	v6 =	vld [tilespmem:s31+$0x3B0]  }
0x285: {  	[tilespmem:v11+s22+$0x0] =	vst.idx.msk $0xffff, v10;
	v11 =	vadd.s32 v13, v2;
	v13 =	vadd.s32 v13, v1  }
0x286: {  	v10 =	vld [tilespmem:s29+$0x260]  }
0x287: {  	[tilespmem:v15+s22+$0x0] =	vst.idx.msk $0xffff, v14;
	v16 =	vld [tilespmem:s30+$0xFFFFFD10];
	v15 =	vadd.s32 v17, v5;
	v17 =	vadd.s32 v17, v3  }
0x288: {  	v14 =	vld [tilespmem:s30+$0x110];
	[tilespmem:v9+s22+$0x0] =	vst.idx.msk $0xffff, v8  }
0x289: {  	[tilespmem:v7+s22+$0x0] =	vst.idx.msk $0xffff, v6;
	v9 =	vor.u32 v40, v4;
	v8 =	vld [tilespmem:s31+$0xFFFFFFC0]  }
0x28a: {  	v6 =	vld [tilespmem:s31+$0x3C0];
	[tilespmem:v13+s22+$0x0] =	vst.idx.msk $0xffff, v12  }
0x28b: {  	v12 =	vld [tilespmem:s29+$0xFFFFFE70]  }
0x28c: {  	[tilespmem:v17+s22+$0x0] =	vst.idx.msk $0xffff, v16;
	v17 =	vld [tilespmem:$0x1FED0]  }
0x28d: {  	v7 =	vor.u32 v40, v0;
	[tilespmem:v11+s22+$0x0] =	vst.idx.msk $0xffff, v10;
	v16 =	vld [tilespmem:s30+$0xFFFFFD20]  }
0x28e: {  	[tilespmem:v9+s22+$0x0] =	vst.idx.msk $0xffff, v8;
	v9 =	vld [tilespmem:$0x1FD40]  }
0x28f: {  	v11 =	vadd.s32 v61, v2;
	v10 =	vld [tilespmem:s29+$0x270]  }
0x290: {  	v13 =	vadd.s32 v61, v1;
	[tilespmem:v15+s22+$0x0] =	vst.idx.msk $0xffff, v14  }
0x291: {  	v14 =	vld [tilespmem:s30+$0x120];
	v15 =	vadd.s32 v17, v5  }
0x292: {  	[tilespmem:v7+s22+$0x0] =	vst.idx.msk $0xffff, v6;
	v17 =	vadd.s32 v17, v3  }
0x293: {  	v6 =	vld [tilespmem:s31+$0x3D0];
	v7 =	vadd.s32 v9, v0  }
0x294: {  	[tilespmem:v11+s22+$0x0] =	vst.idx.msk $0xffff, v10;
	v8 =	vld [tilespmem:s31+$0xFFFFFFD0];
	v9 =	vadd.s32 v9, v4  }
0x295: {  	[tilespmem:v13+s22+$0x0] =	vst.idx.msk $0xffff, v12;
	v11 =	vor.u32 v62, v2;
	v10 =	vld [tilespmem:s29+$0x280]  }
0x296: {  	v13 =	vor.u32 v62, v1;
	v12 =	vld [tilespmem:s29+$0xFFFFFE80];
	[tilespmem:v15+s22+$0x0] =	vst.idx.msk $0xffff, v14  }
0x297: {  	[tilespmem:v17+s22+$0x0] =	vst.idx.msk $0xffff, v16;
	v17 =	vadd.s32 v41, v5;
	v16 =	vld [tilespmem:s30+$0x130]  }
0x298: {  	v22 =	vmov v18;
	v23 =	vmov v19;
	v19 =	vadd.s32 v41, v3;
	v18 =	vld [tilespmem:s30+$0xFFFFFD30];
	[tilespmem:v7+s22+$0x0] =	vst.idx.msk $0xffff, v6  }
0x299: {  	[tilespmem:v9+s22+$0x0] =	vst.idx.msk $0xffff, v8;
	v9 =	vadd.s32 v48, v0;
	v7 =	vld [tilespmem:s31+$0x3E0]  }
0x29a: {  	v24 =	vmov v20;
	v25 =	vmov v21;
	v21 =	vadd.s32 v48, v4;
	[tilespmem:v11+s22+$0x0] =	vst.idx.msk $0xffff, v10;
	v20 =	vld [tilespmem:s31+$0xFFFFFFE0]  }
0x29b: {  	p0 =	slt.u32 s0, $0x18;
	[tilespmem:v13+s22+$0x0] =	vst.idx.msk $0xffff, v12;
	v14 =	vld [tilespmem:s29+$0x290]  }
.Ltmp0:
0x29c: {  	v11 =	vld [tilespmem:s29+$0xFFFFFE90];
	[tilespmem:v17+s22+$0x0] =	vst.idx.msk $0xffff, v16;
	(pc) =	sbr.rel @p0 .LBB2_3-.Ltmp0, $4  }
0x29d: {  	v15 =	vadd.s32 v63, v2;
	v17 =	vmov v43;
	v43 =	vld [tilespmem:$0x1FD70];
	[tilespmem:v19+s22+$0x0] =	vst.idx.msk $0xffff, v18  }
0x29e: {  	v13 =	vadd.s32 v63, v1;
	v12 =	vor.u32 v31, v5;
	v8 =	vld [tilespmem:s30+$0x140];
	[tilespmem:v9+s22+$0x0] =	vst.idx.msk $0xffff, v7  }
0x29f: {  	s1 =	smov.u32 s0;
	v10 =	vor.u32 v31, v3;
	v16 =	vmovc v31;
	v19 =	vmov v23;
	v18 =	vmov v22;
	v6 =	vld [tilespmem:s30+$0xFFFFFD40];
	[tilespmem:v21+s22+$0x0] =	vst.idx.msk $0xffff, v20  }
0x2a0: {  	s0 =	sadd.s32 $0x2, s0;
	s10 =	sadd.s32 $0x1, s1;
	v21 =	vmovc v25;
	v20 =	vmovc v24;
	v9 =	vadd.s32 v46, v0;
	v0 =	vmov v2;
	v2 =	vmov v5;
	v7 =	vld [tilespmem:s31+$0x3F0]  }
0x2a1: {  	_ =	sdelay $0x3  }
0x2a2: {  	[tilespmem:v15+s22+$0x0] =	vst.idx.msk $0xffff, v14;
	v14 =	vld [tilespmem:s31+$0xFFFFFFF0];
	_ =	sdelay $0x2  }
0x2a3: {  	v4 =	vadd.s32 v46, v4  }
0x2a4: {  	[tilespmem:$0x1FC10] =	vst v4  }
0x2a5: {  	[tilespmem:$0x1FC00] =	vst v14  }
0x2a6: {  	[tilespmem:v13+s22+$0x0] =	vst.idx.msk $0xffff, v11;
	v11 =	vld [tilespmem:s29+$0x2A0];
	_ =	sdelay $0x4  }
0x2a7: {  	[tilespmem:$0x1FC20] =	vst v11  }
0x2a8: {  	[tilespmem:v12+s22+$0x0] =	vst.idx.msk $0xffff, v8  }
0x2a9: {  	[tilespmem:v10+s22+$0x0] =	vst.idx.msk $0xffff, v6  }
0x2aa: {  	[tilespmem:v9+s22+$0x0] =	vst.idx.msk $0xffff, v7  }
0x2ab: {  	v11 =	vld [tilespmem:$0x1FC10];
	_ =	sdelay $0x2  }
0x2ac: {  	v14 =	vld [tilespmem:$0x1FC00];
	_ =	sdelay $0x3  }
0x2ad: {  	v5 =	vmov s10;
	s11 =	sadd.s32 $0x800, s30  }
0x2ae: {  	v5 =	vmul.u32 $0x600, v5;
	[tilespmem:v11+s22+$0x0] =	vst.idx.msk $0xffff, v14;
	v11 =	vld [tilespmem:s11+$0xFFFFFC00]  }
0x2af: {  	v4 =	vmov s1;
	v8 =	vld [tilespmem:s29+$0xFFFFFEA0];
	v12 =	vadd.s32 v43, v1  }
0x2b0: {  	v15 =	vmul.u32 $0x600, v4;
	v4 =	vbroadcast v5, $0x0;
	v6 =	vadd.s32 v17, v2;
	v5 =	vld [tilespmem:s30+$0x150];
	_ =	sdelay $0x1  }
0x2b1: {  	v9 =	vld [tilespmem:s11+$0x0]  }
0x2b2: {  	v10 =	vld [tilespmem:s30+$0xFFFFFD50];
	[tilespmem:$0x1FC30] =	vst v11  }
0x2b3: {  	v13 =	vadd.s32 v43, v0;
	v11 =	vld [tilespmem:$0x1FC20];
	[tilespmem:v12+s22+$0x0] =	vst.idx.msk $0xffff, v8  }
0x2b4: {  	[tilespmem:v6+s22+$0x0] =	vst.idx.msk $0xffff, v5;
	v5 =	vld [tilespmem:s29+$0xFFFFFEB0]  }
0x2b5: {  	v7 =	vadd.s32 v17, v3  }
0x2b6: {  	v14 =	vor.u32 v18, v4;
	_ =	sdelay $0x1  }
0x2b7: {  	[tilespmem:v13+s22+$0x0] =	vst.idx.msk $0xffff, v11  }
0x2b8: {  	v8 =	vld [tilespmem:s29+$0x2B0];
	[tilespmem:$0x1FC40] =	vst v5  }
0x2b9: {  	v15 =	vbroadcast v15, $0x0;
	[tilespmem:v7+s22+$0x0] =	vst.idx.msk $0xffff, v10  }
0x2ba: {  	v12 =	vadd.s32 v51, v0;
	[tilespmem:v14+s22+$0x0] =	vst.idx.msk $0xffff, v9  }
0x2bb: {  	v11 =	vor.u32 v18, v15;
	v5 =	vld [tilespmem:$0x1FC30];
	_ =	sdelay $0x3  }
0x2bc: {  	[tilespmem:v12+s22+$0x0] =	vst.idx.msk $0xffff, v8  }
0x2bd: {  	[tilespmem:v11+s22+$0x0] =	vst.idx.msk $0xffff, v5  }
0x2be: {  	v6 =	vadd.s32 v51, v1;
	v12 =	vld [tilespmem:$0x1FC40];
	_ =	sdelay $0x4  }
0x2bf: {  	[tilespmem:v6+s22+$0x0] =	vst.idx.msk $0xffff, v12;
	v6 =	vld [tilespmem:s29+$0x2C0];
	_ =	sdelay $0x1  }
0x2c0: {  	v7 =	vld [tilespmem:s30+$0x160]  }
0x2c1: {  	v9 =	vld [tilespmem:s30+$0xFFFFFD60]  }
0x2c2: {  	v11 =	vld [tilespmem:s11+$0x10]  }
0x2c3: {  	v10 =	vadd.s32 v44, v2;
	v5 =	vld [tilespmem:s11+$0xFFFFFC10];
	[tilespmem:$0x1FC50] =	vst v6  }
0x2c4: {  	v6 =	vld [tilespmem:s29+$0xFFFFFEC0]  }
0x2c5: {  	v14 =	vadd.s32 v19, v4  }
0x2c6: {  	v8 =	vadd.s32 v19, v15  }
0x2c7: {  	v13 =	vadd.s32 v44, v3  }
0x2c8: {  	[tilespmem:v10+s22+$0x0] =	vst.idx.msk $0xffff, v7  }
0x2c9: {  	[tilespmem:$0x1FC60] =	vst v6  }
0x2ca: {  	[tilespmem:v14+s22+$0x0] =	vst.idx.msk $0xffff, v11  }
0x2cb: {  	v7 =	vadd.s32 v20, v4;
	[tilespmem:v8+s22+$0x0] =	vst.idx.msk $0xffff, v5;
	v6 =	vld [tilespmem:s11+$0x20]  }
0x2cc: {  	[tilespmem:v13+s22+$0x0] =	vst.idx.msk $0xffff, v9;
	v9 =	vadd.s32 v20, v15;
	v8 =	vld [tilespmem:s11+$0xFFFFFC20];
	_ =	sdelay $0x3  }
0x2cd: {  	[tilespmem:v7+s22+$0x0] =	vst.idx.msk $0xffff, v6  }
0x2ce: {  	[tilespmem:v9+s22+$0x0] =	vst.idx.msk $0xffff, v8;
	v7 =	vadd.s32 v21, v4;
	v6 =	vld [tilespmem:s11+$0x30]  }
0x2cf: {  	v9 =	vadd.s32 v21, v15;
	v8 =	vld [tilespmem:s11+$0xFFFFFC30];
	_ =	sdelay $0x3  }
0x2d0: {  	[tilespmem:v7+s22+$0x0] =	vst.idx.msk $0xffff, v6  }
0x2d1: {  	[tilespmem:v9+s22+$0x0] =	vst.idx.msk $0xffff, v8;
	v7 =	vor.u32 v50, v4;
	v6 =	vld [tilespmem:s11+$0x40]  }
0x2d2: {  	v9 =	vor.u32 v50, v15;
	v8 =	vld [tilespmem:s11+$0xFFFFFC40];
	_ =	sdelay $0x3  }
0x2d3: {  	[tilespmem:v7+s22+$0x0] =	vst.idx.msk $0xffff, v6  }
0x2d4: {  	[tilespmem:v9+s22+$0x0] =	vst.idx.msk $0xffff, v8;
	v7 =	vadd.s32 v52, v4;
	v6 =	vld [tilespmem:s11+$0x50]  }
0x2d5: {  	v9 =	vadd.s32 v52, v15;
	v8 =	vld [tilespmem:s11+$0xFFFFFC50];
	_ =	sdelay $0x3  }
0x2d6: {  	[tilespmem:v7+s22+$0x0] =	vst.idx.msk $0xffff, v6  }
0x2d7: {  	[tilespmem:v9+s22+$0x0] =	vst.idx.msk $0xffff, v8;
	v7 =	vadd.s32 v54, v4;
	v6 =	vld [tilespmem:s11+$0x60]  }
0x2d8: {  	v9 =	vadd.s32 v54, v15;
	v8 =	vld [tilespmem:s11+$0xFFFFFC60];
	_ =	sdelay $0x3  }
0x2d9: {  	[tilespmem:v7+s22+$0x0] =	vst.idx.msk $0xffff, v6  }
0x2da: {  	[tilespmem:v9+s22+$0x0] =	vst.idx.msk $0xffff, v8;
	v7 =	vadd.s32 v56, v4;
	v6 =	vld [tilespmem:s11+$0x70]  }
0x2db: {  	v9 =	vadd.s32 v56, v15;
	v8 =	vld [tilespmem:s11+$0xFFFFFC70];
	_ =	sdelay $0x3  }
0x2dc: {  	[tilespmem:v7+s22+$0x0] =	vst.idx.msk $0xffff, v6  }
0x2dd: {  	[tilespmem:v9+s22+$0x0] =	vst.idx.msk $0xffff, v8;
	v7 =	vor.u32 v58, v4;
	v6 =	vld [tilespmem:s11+$0x80]  }
0x2de: {  	v9 =	vor.u32 v58, v15;
	v8 =	vld [tilespmem:s11+$0xFFFFFC80];
	_ =	sdelay $0x3  }
0x2df: {  	[tilespmem:v7+s22+$0x0] =	vst.idx.msk $0xffff, v6  }
0x2e0: {  	[tilespmem:v9+s22+$0x0] =	vst.idx.msk $0xffff, v8;
	v7 =	vadd.s32 v60, v4;
	v6 =	vld [tilespmem:s11+$0x90]  }
0x2e1: {  	v9 =	vadd.s32 v60, v15;
	v8 =	vld [tilespmem:s11+$0xFFFFFC90];
	_ =	sdelay $0x3  }
0x2e2: {  	[tilespmem:v7+s22+$0x0] =	vst.idx.msk $0xffff, v6  }
0x2e3: {  	[tilespmem:v9+s22+$0x0] =	vst.idx.msk $0xffff, v8;
	v7 =	vadd.s32 v45, v4;
	v6 =	vld [tilespmem:s11+$0xA0]  }
0x2e4: {  	v9 =	vadd.s32 v45, v15;
	v8 =	vld [tilespmem:s11+$0xFFFFFCA0];
	_ =	sdelay $0x3  }
0x2e5: {  	[tilespmem:v7+s22+$0x0] =	vst.idx.msk $0xffff, v6  }
0x2e6: {  	[tilespmem:v9+s22+$0x0] =	vst.idx.msk $0xffff, v8;
	v7 =	vadd.s32 v47, v4;
	v6 =	vld [tilespmem:s11+$0xB0]  }
0x2e7: {  	v9 =	vadd.s32 v47, v15;
	v8 =	vld [tilespmem:s11+$0xFFFFFCB0];
	_ =	sdelay $0x3  }
0x2e8: {  	[tilespmem:v7+s22+$0x0] =	vst.idx.msk $0xffff, v6  }
0x2e9: {  	[tilespmem:v9+s22+$0x0] =	vst.idx.msk $0xffff, v8;
	v7 =	vor.u32 v49, v4;
	v6 =	vld [tilespmem:s11+$0xC0]  }
0x2ea: {  	v9 =	vor.u32 v49, v15;
	v8 =	vld [tilespmem:s11+$0xFFFFFCC0];
	_ =	sdelay $0x3  }
0x2eb: {  	[tilespmem:v7+s22+$0x0] =	vst.idx.msk $0xffff, v6  }
0x2ec: {  	[tilespmem:v9+s22+$0x0] =	vst.idx.msk $0xffff, v8  }
0x2ed: {  	v5 =	vld [tilespmem:$0x1FE80];
	_ =	sdelay $0x4  }
0x2ee: {  	v6 =	vld [tilespmem:s11+$0xD0];
	v7 =	vadd.s32 v5, v4  }
0x2ef: {  	v8 =	vld [tilespmem:s11+$0xFFFFFCD0];
	v9 =	vadd.s32 v5, v15;
	_ =	sdelay $0x3  }
0x2f0: {  	[tilespmem:v7+s22+$0x0] =	vst.idx.msk $0xffff, v6  }
0x2f1: {  	[tilespmem:v9+s22+$0x0] =	vst.idx.msk $0xffff, v8  }
0x2f2: {  	v5 =	vld [tilespmem:$0x1FE90];
	_ =	sdelay $0x4  }
0x2f3: {  	v6 =	vld [tilespmem:s11+$0xE0];
	v7 =	vadd.s32 v5, v4  }
0x2f4: {  	v8 =	vld [tilespmem:s11+$0xFFFFFCE0];
	v9 =	vadd.s32 v5, v15;
	_ =	sdelay $0x3  }
0x2f5: {  	[tilespmem:v7+s22+$0x0] =	vst.idx.msk $0xffff, v6  }
0x2f6: {  	[tilespmem:v9+s22+$0x0] =	vst.idx.msk $0xffff, v8  }
0x2f7: {  	v5 =	vld [tilespmem:$0x1FEA0];
	_ =	sdelay $0x4  }
0x2f8: {  	v6 =	vld [tilespmem:s11+$0xF0];
	v7 =	vadd.s32 v5, v4  }
0x2f9: {  	v8 =	vld [tilespmem:s11+$0xFFFFFCF0];
	v9 =	vadd.s32 v5, v15;
	_ =	sdelay $0x3  }
0x2fa: {  	[tilespmem:v7+s22+$0x0] =	vst.idx.msk $0xffff, v6  }
0x2fb: {  	[tilespmem:v9+s22+$0x0] =	vst.idx.msk $0xffff, v8  }
0x2fc: {  	v5 =	vld [tilespmem:$0x1FEB0];
	_ =	sdelay $0x4  }
0x2fd: {  	v6 =	vld [tilespmem:s11+$0x100];
	v7 =	vor.u32 v5, v4  }
0x2fe: {  	v8 =	vld [tilespmem:s11+$0xFFFFFD00];
	v9 =	vor.u32 v5, v15;
	_ =	sdelay $0x3  }
0x2ff: {  	[tilespmem:v7+s22+$0x0] =	vst.idx.msk $0xffff, v6  }
0x300: {  	[tilespmem:v9+s22+$0x0] =	vst.idx.msk $0xffff, v8  }
0x301: {  	v5 =	vld [tilespmem:$0x1FEC0];
	_ =	sdelay $0x4  }
0x302: {  	v6 =	vld [tilespmem:s11+$0x110];
	v7 =	vadd.s32 v5, v4  }
0x303: {  	v8 =	vld [tilespmem:s11+$0xFFFFFD10];
	v9 =	vadd.s32 v5, v15;
	_ =	sdelay $0x3  }
0x304: {  	[tilespmem:v7+s22+$0x0] =	vst.idx.msk $0xffff, v6  }
0x305: {  	[tilespmem:v9+s22+$0x0] =	vst.idx.msk $0xffff, v8  }
0x306: {  	v5 =	vld [tilespmem:$0x1FED0];
	_ =	sdelay $0x4  }
0x307: {  	v6 =	vld [tilespmem:s11+$0x120];
	v7 =	vadd.s32 v5, v4  }
0x308: {  	v8 =	vld [tilespmem:s11+$0xFFFFFD20];
	v9 =	vadd.s32 v5, v15;
	_ =	sdelay $0x3  }
0x309: {  	[tilespmem:v7+s22+$0x0] =	vst.idx.msk $0xffff, v6  }
0x30a: {  	[tilespmem:v9+s22+$0x0] =	vst.idx.msk $0xffff, v8;
	v7 =	vadd.s32 v41, v4;
	v6 =	vld [tilespmem:s11+$0x130]  }
0x30b: {  	v9 =	vadd.s32 v41, v15;
	v8 =	vld [tilespmem:s11+$0xFFFFFD30];
	_ =	sdelay $0x3  }
0x30c: {  	[tilespmem:v7+s22+$0x0] =	vst.idx.msk $0xffff, v6  }
0x30d: {  	[tilespmem:v9+s22+$0x0] =	vst.idx.msk $0xffff, v8;
	v7 =	vor.u32 v16, v4;
	v6 =	vld [tilespmem:s11+$0x140]  }
0x30e: {  	v9 =	vor.u32 v16, v15;
	v8 =	vld [tilespmem:s11+$0xFFFFFD40];
	_ =	sdelay $0x3  }
0x30f: {  	[tilespmem:v7+s22+$0x0] =	vst.idx.msk $0xffff, v6  }
0x310: {  	[tilespmem:v9+s22+$0x0] =	vst.idx.msk $0xffff, v8;
	v7 =	vadd.s32 v17, v4;
	v6 =	vld [tilespmem:s11+$0x150]  }
0x311: {  	v9 =	vadd.s32 v17, v15;
	v8 =	vld [tilespmem:s11+$0xFFFFFD50];
	_ =	sdelay $0x3  }
0x312: {  	[tilespmem:v7+s22+$0x0] =	vst.idx.msk $0xffff, v6  }
0x313: {  	[tilespmem:v9+s22+$0x0] =	vst.idx.msk $0xffff, v8  }
0x314: {  	v60 =	vld [tilespmem:$0x1FE40];
	_ =	sdelay $0x2  }
0x315: {  	v7 =	vadd.s32 v44, v4;
	v6 =	vld [tilespmem:s11+$0x160]  }
0x316: {  	v9 =	vadd.s32 v44, v15;
	v8 =	vld [tilespmem:s11+$0xFFFFFD60]  }
0x317: {  	v10 =	vld [tilespmem:s30+$0x170];
	v11 =	vadd.s32 v60, v2  }
0x318: {  	v12 =	vld [tilespmem:s30+$0xFFFFFD70];
	v13 =	vadd.s32 v60, v3;
	_ =	sdelay $0x1  }
0x319: {  	[tilespmem:v7+s22+$0x0] =	vst.idx.msk $0xffff, v6  }
0x31a: {  	[tilespmem:v9+s22+$0x0] =	vst.idx.msk $0xffff, v8  }
0x31b: {  	[tilespmem:v11+s22+$0x0] =	vst.idx.msk $0xffff, v10  }
0x31c: {  	[tilespmem:v13+s22+$0x0] =	vst.idx.msk $0xffff, v12  }
0x31d: {  	v58 =	vmov v4;
	v7 =	vadd.s32 v60, v4;
	v4 =	vld [tilespmem:$0x1FDC0];
	_ =	sdelay $0x2  }
0x31e: {  	v6 =	vld [tilespmem:s11+$0x170]  }
0x31f: {  	v9 =	vadd.s32 v60, v15;
	v8 =	vld [tilespmem:s11+$0xFFFFFD70]  }
0x320: {  	v10 =	vld [tilespmem:s30+$0x180];
	v11 =	vor.u32 v4, v2  }
0x321: {  	v12 =	vld [tilespmem:s30+$0xFFFFFD80];
	v13 =	vor.u32 v4, v3;
	_ =	sdelay $0x1  }
0x322: {  	[tilespmem:v7+s22+$0x0] =	vst.idx.msk $0xffff, v6  }
0x323: {  	[tilespmem:v9+s22+$0x0] =	vst.idx.msk $0xffff, v8  }
0x324: {  	[tilespmem:v11+s22+$0x0] =	vst.idx.msk $0xffff, v10  }
0x325: {  	[tilespmem:v13+s22+$0x0] =	vst.idx.msk $0xffff, v12  }
0x326: {  	v54 =	vld [tilespmem:$0x1FE50];
	_ =	sdelay $0x2  }
0x327: {  	v6 =	vld [tilespmem:s11+$0x180];
	v7 =	vor.u32 v4, v58  }
0x328: {  	v8 =	vld [tilespmem:s11+$0xFFFFFD80];
	v9 =	vor.u32 v4, v15  }
0x329: {  	v10 =	vld [tilespmem:s30+$0x190];
	v11 =	vadd.s32 v54, v2  }
0x32a: {  	v12 =	vld [tilespmem:s30+$0xFFFFFD90];
	v13 =	vadd.s32 v54, v3;
	_ =	sdelay $0x1  }
0x32b: {  	[tilespmem:v7+s22+$0x0] =	vst.idx.msk $0xffff, v6  }
0x32c: {  	[tilespmem:v9+s22+$0x0] =	vst.idx.msk $0xffff, v8  }
0x32d: {  	[tilespmem:v11+s22+$0x0] =	vst.idx.msk $0xffff, v10  }
0x32e: {  	[tilespmem:v13+s22+$0x0] =	vst.idx.msk $0xffff, v12  }
0x32f: {  	v45 =	vld [tilespmem:$0x1FDD0];
	_ =	sdelay $0x2  }
0x330: {  	v6 =	vld [tilespmem:s11+$0x190];
	v7 =	vadd.s32 v54, v58  }
0x331: {  	v8 =	vld [tilespmem:s11+$0xFFFFFD90];
	v9 =	vadd.s32 v54, v15  }
0x332: {  	v10 =	vld [tilespmem:s30+$0x1A0];
	v11 =	vadd.s32 v45, v2  }
0x333: {  	v12 =	vld [tilespmem:s30+$0xFFFFFDA0];
	v13 =	vadd.s32 v45, v3;
	_ =	sdelay $0x1  }
0x334: {  	[tilespmem:v7+s22+$0x0] =	vst.idx.msk $0xffff, v6  }
0x335: {  	[tilespmem:v9+s22+$0x0] =	vst.idx.msk $0xffff, v8  }
0x336: {  	[tilespmem:v11+s22+$0x0] =	vst.idx.msk $0xffff, v10  }
0x337: {  	[tilespmem:v13+s22+$0x0] =	vst.idx.msk $0xffff, v12  }
0x338: {  	v47 =	vld [tilespmem:$0x1FE60];
	_ =	sdelay $0x2  }
0x339: {  	v6 =	vld [tilespmem:s11+$0x1A0];
	v7 =	vadd.s32 v45, v58  }
0x33a: {  	v8 =	vld [tilespmem:s11+$0xFFFFFDA0];
	v9 =	vadd.s32 v45, v15  }
0x33b: {  	v10 =	vld [tilespmem:s30+$0x1B0];
	v11 =	vadd.s32 v47, v2  }
0x33c: {  	v12 =	vld [tilespmem:s30+$0xFFFFFDB0];
	v13 =	vadd.s32 v47, v3;
	_ =	sdelay $0x1  }
0x33d: {  	[tilespmem:v7+s22+$0x0] =	vst.idx.msk $0xffff, v6  }
0x33e: {  	[tilespmem:v9+s22+$0x0] =	vst.idx.msk $0xffff, v8  }
0x33f: {  	[tilespmem:v11+s22+$0x0] =	vst.idx.msk $0xffff, v10  }
0x340: {  	[tilespmem:v13+s22+$0x0] =	vst.idx.msk $0xffff, v12  }
0x341: {  	v44 =	vld [tilespmem:$0x1FDE0];
	_ =	sdelay $0x2  }
0x342: {  	v6 =	vld [tilespmem:s11+$0x1B0];
	v7 =	vadd.s32 v47, v58  }
0x343: {  	v8 =	vld [tilespmem:s11+$0xFFFFFDB0];
	v9 =	vadd.s32 v47, v15  }
0x344: {  	v10 =	vld [tilespmem:s30+$0x1C0];
	v11 =	vor.u32 v44, v2  }
0x345: {  	v12 =	vld [tilespmem:s30+$0xFFFFFDC0];
	v13 =	vor.u32 v44, v3;
	_ =	sdelay $0x1  }
0x346: {  	[tilespmem:v7+s22+$0x0] =	vst.idx.msk $0xffff, v6  }
0x347: {  	[tilespmem:v9+s22+$0x0] =	vst.idx.msk $0xffff, v8  }
0x348: {  	[tilespmem:v11+s22+$0x0] =	vst.idx.msk $0xffff, v10  }
0x349: {  	[tilespmem:v13+s22+$0x0] =	vst.idx.msk $0xffff, v12  }
0x34a: {  	v49 =	vld [tilespmem:$0x1FE70];
	_ =	sdelay $0x2  }
0x34b: {  	v6 =	vld [tilespmem:s11+$0x1C0];
	v7 =	vor.u32 v44, v58  }
0x34c: {  	v8 =	vld [tilespmem:s11+$0xFFFFFDC0];
	v9 =	vor.u32 v44, v15  }
0x34d: {  	v10 =	vld [tilespmem:s30+$0x1D0];
	v11 =	vadd.s32 v49, v2  }
0x34e: {  	v12 =	vld [tilespmem:s30+$0xFFFFFDD0];
	v13 =	vadd.s32 v49, v3;
	_ =	sdelay $0x1  }
0x34f: {  	[tilespmem:v7+s22+$0x0] =	vst.idx.msk $0xffff, v6  }
0x350: {  	[tilespmem:v9+s22+$0x0] =	vst.idx.msk $0xffff, v8  }
0x351: {  	[tilespmem:v11+s22+$0x0] =	vst.idx.msk $0xffff, v10  }
0x352: {  	[tilespmem:v13+s22+$0x0] =	vst.idx.msk $0xffff, v12  }
0x353: {  	v50 =	vld [tilespmem:$0x1FDF0];
	_ =	sdelay $0x2  }
0x354: {  	v6 =	vld [tilespmem:s11+$0x1D0];
	v7 =	vadd.s32 v49, v58  }
0x355: {  	v8 =	vld [tilespmem:s11+$0xFFFFFDD0];
	v9 =	vadd.s32 v49, v15  }
0x356: {  	v10 =	vld [tilespmem:s30+$0x1E0];
	v11 =	vadd.s32 v50, v2  }
0x357: {  	v12 =	vld [tilespmem:s30+$0xFFFFFDE0];
	v13 =	vadd.s32 v50, v3;
	_ =	sdelay $0x1  }
0x358: {  	[tilespmem:v7+s22+$0x0] =	vst.idx.msk $0xffff, v6  }
0x359: {  	[tilespmem:v9+s22+$0x0] =	vst.idx.msk $0xffff, v8;
	v6 =	vld [tilespmem:s11+$0x1E0];
	v7 =	vadd.s32 v50, v58  }
0x35a: {  	v8 =	vld [tilespmem:s11+$0xFFFFFDE0];
	v9 =	vadd.s32 v50, v15;
	[tilespmem:v11+s22+$0x0] =	vst.idx.msk $0xffff, v10  }
0x35b: {  	[tilespmem:v13+s22+$0x0] =	vst.idx.msk $0xffff, v12;
	v11 =	vadd.s32 v53, v2;
	v10 =	vld [tilespmem:s30+$0x1F0]  }
0x35c: {  	v13 =	vadd.s32 v53, v3;
	v12 =	vld [tilespmem:s30+$0xFFFFFDF0];
	_ =	sdelay $0x1  }
0x35d: {  	[tilespmem:v7+s22+$0x0] =	vst.idx.msk $0xffff, v6  }
0x35e: {  	[tilespmem:v9+s22+$0x0] =	vst.idx.msk $0xffff, v8  }
0x35f: {  	[tilespmem:v11+s22+$0x0] =	vst.idx.msk $0xffff, v10  }
0x360: {  	[tilespmem:v13+s22+$0x0] =	vst.idx.msk $0xffff, v12  }
0x361: {  	v52 =	vld [tilespmem:$0x1FE00];
	_ =	sdelay $0x2  }
0x362: {  	v7 =	vadd.s32 v53, v58;
	v6 =	vld [tilespmem:s11+$0x1F0]  }
0x363: {  	v9 =	vadd.s32 v53, v15;
	v8 =	vld [tilespmem:s11+$0xFFFFFDF0]  }
0x364: {  	v10 =	vld [tilespmem:s30+$0x200];
	v11 =	vor.u32 v52, v2  }
0x365: {  	v12 =	vld [tilespmem:s30+$0xFFFFFE00];
	v13 =	vor.u32 v52, v3;
	_ =	sdelay $0x1  }
0x366: {  	[tilespmem:v7+s22+$0x0] =	vst.idx.msk $0xffff, v6  }
0x367: {  	[tilespmem:v9+s22+$0x0] =	vst.idx.msk $0xffff, v8;
	v6 =	vld [tilespmem:s11+$0x200];
	v7 =	vor.u32 v52, v58  }
0x368: {  	v8 =	vld [tilespmem:s11+$0xFFFFFE00];
	v9 =	vor.u32 v52, v15;
	[tilespmem:v11+s22+$0x0] =	vst.idx.msk $0xffff, v10  }
0x369: {  	[tilespmem:v13+s22+$0x0] =	vst.idx.msk $0xffff, v12;
	v11 =	vadd.s32 v55, v2;
	v10 =	vld [tilespmem:s30+$0x210]  }
0x36a: {  	v13 =	vadd.s32 v55, v3;
	v12 =	vld [tilespmem:s30+$0xFFFFFE10];
	_ =	sdelay $0x1  }
0x36b: {  	[tilespmem:v7+s22+$0x0] =	vst.idx.msk $0xffff, v6  }
0x36c: {  	[tilespmem:v9+s22+$0x0] =	vst.idx.msk $0xffff, v8  }
0x36d: {  	[tilespmem:v11+s22+$0x0] =	vst.idx.msk $0xffff, v10  }
0x36e: {  	[tilespmem:v13+s22+$0x0] =	vst.idx.msk $0xffff, v12  }
0x36f: {  	v14 =	vld [tilespmem:$0x1FE10];
	_ =	sdelay $0x2  }
0x370: {  	v7 =	vadd.s32 v55, v58;
	v6 =	vld [tilespmem:s11+$0x210]  }
0x371: {  	v9 =	vadd.s32 v55, v15;
	v8 =	vld [tilespmem:s11+$0xFFFFFE10]  }
0x372: {  	v10 =	vld [tilespmem:s30+$0x220];
	v11 =	vadd.s32 v14, v2  }
0x373: {  	v12 =	vld [tilespmem:s30+$0xFFFFFE20];
	v13 =	vadd.s32 v14, v3;
	_ =	sdelay $0x1  }
0x374: {  	[tilespmem:v7+s22+$0x0] =	vst.idx.msk $0xffff, v6  }
0x375: {  	[tilespmem:v9+s22+$0x0] =	vst.idx.msk $0xffff, v8;
	v6 =	vld [tilespmem:s11+$0x220];
	v7 =	vadd.s32 v14, v58  }
0x376: {  	v8 =	vld [tilespmem:s11+$0xFFFFFE20];
	v9 =	vadd.s32 v14, v15;
	[tilespmem:v11+s22+$0x0] =	vst.idx.msk $0xffff, v10  }
0x377: {  	[tilespmem:v13+s22+$0x0] =	vst.idx.msk $0xffff, v12;
	v11 =	vadd.s32 v57, v2;
	v10 =	vld [tilespmem:s30+$0x230]  }
0x378: {  	v13 =	vadd.s32 v57, v3;
	v12 =	vld [tilespmem:s30+$0xFFFFFE30];
	_ =	sdelay $0x1  }
0x379: {  	[tilespmem:v7+s22+$0x0] =	vst.idx.msk $0xffff, v6  }
0x37a: {  	[tilespmem:v9+s22+$0x0] =	vst.idx.msk $0xffff, v8  }
0x37b: {  	[tilespmem:v11+s22+$0x0] =	vst.idx.msk $0xffff, v10  }
0x37c: {  	[tilespmem:v13+s22+$0x0] =	vst.idx.msk $0xffff, v12  }
0x37d: {  	v56 =	vld [tilespmem:$0x1FE20];
	_ =	sdelay $0x2  }
0x37e: {  	v7 =	vadd.s32 v57, v58;
	v6 =	vld [tilespmem:s11+$0x230]  }
0x37f: {  	v9 =	vadd.s32 v57, v15;
	v8 =	vld [tilespmem:s11+$0xFFFFFE30]  }
0x380: {  	v10 =	vld [tilespmem:s30+$0x240];
	v11 =	vor.u32 v56, v2  }
0x381: {  	v12 =	vld [tilespmem:s30+$0xFFFFFE40];
	v13 =	vor.u32 v56, v3;
	_ =	sdelay $0x1  }
0x382: {  	[tilespmem:v7+s22+$0x0] =	vst.idx.msk $0xffff, v6  }
0x383: {  	[tilespmem:v9+s22+$0x0] =	vst.idx.msk $0xffff, v8;
	v6 =	vld [tilespmem:s11+$0x240];
	v7 =	vor.u32 v56, v58  }
0x384: {  	v8 =	vld [tilespmem:s11+$0xFFFFFE40];
	v9 =	vor.u32 v56, v15;
	[tilespmem:v11+s22+$0x0] =	vst.idx.msk $0xffff, v10  }
0x385: {  	[tilespmem:v13+s22+$0x0] =	vst.idx.msk $0xffff, v12;
	v11 =	vadd.s32 v59, v2;
	v10 =	vld [tilespmem:s30+$0x250]  }
0x386: {  	v13 =	vadd.s32 v59, v3;
	v12 =	vld [tilespmem:s30+$0xFFFFFE50];
	_ =	sdelay $0x1  }
0x387: {  	[tilespmem:v7+s22+$0x0] =	vst.idx.msk $0xffff, v6  }
0x388: {  	[tilespmem:v9+s22+$0x0] =	vst.idx.msk $0xffff, v8  }
0x389: {  	[tilespmem:v11+s22+$0x0] =	vst.idx.msk $0xffff, v10  }
0x38a: {  	[tilespmem:v13+s22+$0x0] =	vst.idx.msk $0xffff, v12  }
0x38b: {  	v14 =	vld [tilespmem:$0x1FE30]  }
0x38c: {  	v7 =	vadd.s32 v59, v58;
	v6 =	vld [tilespmem:s11+$0x250]  }
0x38d: {  	v9 =	vadd.s32 v59, v15;
	v8 =	vld [tilespmem:s11+$0xFFFFFE50];
	_ =	sdelay $0x2  }
0x38e: {  	v10 =	vld [tilespmem:s30+$0x260];
	v11 =	vadd.s32 v14, v2  }
0x38f: {  	v12 =	vld [tilespmem:s30+$0xFFFFFE60];
	[tilespmem:v7+s22+$0x0] =	vst.idx.msk $0xffff, v6;
	v13 =	vadd.s32 v14, v3  }
0x390: {  	[tilespmem:v9+s22+$0x0] =	vst.idx.msk $0xffff, v8;
	v6 =	vld [tilespmem:s11+$0x260];
	v7 =	vadd.s32 v14, v58  }
0x391: {  	v8 =	vld [tilespmem:s11+$0xFFFFFE60];
	v9 =	vadd.s32 v14, v15;
	_ =	sdelay $0x1  }
0x392: {  	[tilespmem:v11+s22+$0x0] =	vst.idx.msk $0xffff, v10  }
0x393: {  	[tilespmem:v13+s22+$0x0] =	vst.idx.msk $0xffff, v12;
	v11 =	vadd.s32 v61, v2;
	v10 =	vld [tilespmem:s30+$0x270]  }
0x394: {  	v13 =	vadd.s32 v61, v3;
	[tilespmem:v7+s22+$0x0] =	vst.idx.msk $0xffff, v6;
	v12 =	vld [tilespmem:s30+$0xFFFFFE70]  }
0x395: {  	[tilespmem:v9+s22+$0x0] =	vst.idx.msk $0xffff, v8;
	v7 =	vadd.s32 v61, v58;
	v6 =	vld [tilespmem:s11+$0x270]  }
0x396: {  	v9 =	vadd.s32 v61, v15;
	v8 =	vld [tilespmem:s11+$0xFFFFFE70];
	_ =	sdelay $0x1  }
0x397: {  	[tilespmem:v11+s22+$0x0] =	vst.idx.msk $0xffff, v10  }
0x398: {  	[tilespmem:v13+s22+$0x0] =	vst.idx.msk $0xffff, v12;
	v11 =	vor.u32 v62, v2;
	v10 =	vld [tilespmem:s30+$0x280]  }
0x399: {  	v13 =	vor.u32 v62, v3;
	[tilespmem:v7+s22+$0x0] =	vst.idx.msk $0xffff, v6;
	v12 =	vld [tilespmem:s30+$0xFFFFFE80]  }
0x39a: {  	[tilespmem:v9+s22+$0x0] =	vst.idx.msk $0xffff, v8;
	v7 =	vor.u32 v62, v58;
	v6 =	vld [tilespmem:s11+$0x280]  }
0x39b: {  	v9 =	vor.u32 v62, v15;
	v8 =	vld [tilespmem:s11+$0xFFFFFE80];
	_ =	sdelay $0x1  }
0x39c: {  	[tilespmem:v11+s22+$0x0] =	vst.idx.msk $0xffff, v10  }
0x39d: {  	[tilespmem:v13+s22+$0x0] =	vst.idx.msk $0xffff, v12;
	v11 =	vadd.s32 v63, v2;
	v10 =	vld [tilespmem:s30+$0x290]  }
0x39e: {  	v13 =	vadd.s32 v63, v3;
	[tilespmem:v7+s22+$0x0] =	vst.idx.msk $0xffff, v6;
	v12 =	vld [tilespmem:s30+$0xFFFFFE90]  }
0x39f: {  	[tilespmem:v9+s22+$0x0] =	vst.idx.msk $0xffff, v8;
	v7 =	vadd.s32 v63, v58;
	v6 =	vld [tilespmem:s11+$0x290]  }
0x3a0: {  	v9 =	vadd.s32 v63, v15;
	v8 =	vld [tilespmem:s11+$0xFFFFFE90];
	_ =	sdelay $0x1  }
0x3a1: {  	[tilespmem:v11+s22+$0x0] =	vst.idx.msk $0xffff, v10  }
0x3a2: {  	[tilespmem:v13+s22+$0x0] =	vst.idx.msk $0xffff, v12;
	v11 =	vadd.s32 v43, v2;
	v10 =	vld [tilespmem:s30+$0x2A0]  }
0x3a3: {  	v13 =	vadd.s32 v43, v3;
	[tilespmem:v7+s22+$0x0] =	vst.idx.msk $0xffff, v6;
	v12 =	vld [tilespmem:s30+$0xFFFFFEA0]  }
0x3a4: {  	[tilespmem:v9+s22+$0x0] =	vst.idx.msk $0xffff, v8;
	v7 =	vadd.s32 v43, v58;
	v6 =	vld [tilespmem:s11+$0x2A0]  }
0x3a5: {  	v9 =	vadd.s32 v43, v15;
	v8 =	vld [tilespmem:s11+$0xFFFFFEA0];
	_ =	sdelay $0x1  }
0x3a6: {  	[tilespmem:v11+s22+$0x0] =	vst.idx.msk $0xffff, v10  }
0x3a7: {  	[tilespmem:v13+s22+$0x0] =	vst.idx.msk $0xffff, v12;
	v11 =	vadd.s32 v51, v2;
	v10 =	vld [tilespmem:s30+$0x2B0]  }
0x3a8: {  	v13 =	vadd.s32 v51, v3;
	[tilespmem:v7+s22+$0x0] =	vst.idx.msk $0xffff, v6;
	v12 =	vld [tilespmem:s30+$0xFFFFFEB0]  }
0x3a9: {  	[tilespmem:v9+s22+$0x0] =	vst.idx.msk $0xffff, v8;
	v7 =	vadd.s32 v51, v58;
	v6 =	vld [tilespmem:s11+$0x2B0]  }
0x3aa: {  	v9 =	vadd.s32 v51, v15;
	v8 =	vld [tilespmem:s11+$0xFFFFFEB0];
	_ =	sdelay $0x1  }
0x3ab: {  	[tilespmem:v11+s22+$0x0] =	vst.idx.msk $0xffff, v10  }
0x3ac: {  	[tilespmem:v13+s22+$0x0] =	vst.idx.msk $0xffff, v12  }
0x3ad: {  	[tilespmem:v7+s22+$0x0] =	vst.idx.msk $0xffff, v6  }
0x3ae: {  	[tilespmem:v9+s22+$0x0] =	vst.idx.msk $0xffff, v8  }
0x3af: {  	v14 =	vor.u32 v26, v0;
	v4 =	vld [tilespmem:$0x1FC50];
	_ =	sdelay $0x4  }
0x3b0: {  	[tilespmem:v14+s22+$0x0] =	vst.idx.msk $0xffff, v4  }
0x3b1: {  	v10 =	vor.u32 v26, v1;
	v4 =	vld [tilespmem:$0x1FC60]  }
0x3b2: {  	v12 =	vor.u32 v26, v2;
	v11 =	vld [tilespmem:s30+$0x2C0]  }
0x3b3: {  	v7 =	vor.u32 v26, v3;
	v6 =	vld [tilespmem:s30+$0xFFFFFEC0]  }
0x3b4: {  	v9 =	vor.u32 v26, v58;
	v8 =	vld [tilespmem:s11+$0x2C0]  }
0x3b5: {  	v13 =	vor.u32 v26, v15;
	v5 =	vld [tilespmem:s11+$0xFFFFFEC0]  }
0x3b6: {  	v14 =	vadd.s32 v27, v0;
	[tilespmem:v10+s22+$0x0] =	vst.idx.msk $0xffff, v4;
	v10 =	vld [tilespmem:s29+$0x2D0]  }
0x3b7: {  	[tilespmem:v12+s22+$0x0] =	vst.idx.msk $0xffff, v11;
	v12 =	vadd.s32 v27, v1;
	v11 =	vld [tilespmem:s29+$0xFFFFFED0]  }
0x3b8: {  	[tilespmem:v7+s22+$0x0] =	vst.idx.msk $0xffff, v6;
	v7 =	vadd.s32 v27, v2;
	v6 =	vld [tilespmem:s30+$0x2D0]  }
0x3b9: {  	[tilespmem:v9+s22+$0x0] =	vst.idx.msk $0xffff, v8;
	v9 =	vadd.s32 v27, v3;
	v8 =	vld [tilespmem:s30+$0xFFFFFED0]  }
0x3ba: {  	[tilespmem:v13+s22+$0x0] =	vst.idx.msk $0xffff, v5;
	v13 =	vadd.s32 v27, v58;
	v5 =	vld [tilespmem:s11+$0x2D0]  }
0x3bb: {  	[tilespmem:v14+s22+$0x0] =	vst.idx.msk $0xffff, v10;
	v10 =	vld [tilespmem:s11+$0xFFFFFED0];
	v14 =	vadd.s32 v27, v15  }
0x3bc: {  	[tilespmem:v12+s22+$0x0] =	vst.idx.msk $0xffff, v11;
	v11 =	vld [tilespmem:s29+$0x2E0];
	v12 =	vadd.s32 v28, v0  }
0x3bd: {  	[tilespmem:v7+s22+$0x0] =	vst.idx.msk $0xffff, v6;
	v7 =	vadd.s32 v28, v1;
	v6 =	vld [tilespmem:s29+$0xFFFFFEE0]  }
0x3be: {  	[tilespmem:v9+s22+$0x0] =	vst.idx.msk $0xffff, v8;
	v9 =	vadd.s32 v28, v2;
	v8 =	vld [tilespmem:s30+$0x2E0]  }
0x3bf: {  	[tilespmem:v13+s22+$0x0] =	vst.idx.msk $0xffff, v5;
	v13 =	vadd.s32 v28, v3;
	v5 =	vld [tilespmem:s30+$0xFFFFFEE0]  }
0x3c0: {  	[tilespmem:v14+s22+$0x0] =	vst.idx.msk $0xffff, v10;
	v10 =	vld [tilespmem:s11+$0x2E0];
	v14 =	vadd.s32 v28, v58  }
0x3c1: {  	[tilespmem:v12+s22+$0x0] =	vst.idx.msk $0xffff, v11;
	v11 =	vld [tilespmem:s11+$0xFFFFFEE0];
	v12 =	vadd.s32 v28, v15  }
0x3c2: {  	[tilespmem:v7+s22+$0x0] =	vst.idx.msk $0xffff, v6;
	v6 =	vld [tilespmem:s29+$0x2F0];
	v7 =	vadd.s32 v29, v0  }
0x3c3: {  	[tilespmem:v9+s22+$0x0] =	vst.idx.msk $0xffff, v8;
	v9 =	vadd.s32 v29, v1;
	v8 =	vld [tilespmem:s29+$0xFFFFFEF0]  }
0x3c4: {  	[tilespmem:v13+s22+$0x0] =	vst.idx.msk $0xffff, v5;
	v13 =	vadd.s32 v29, v2;
	v5 =	vld [tilespmem:s30+$0x2F0]  }
0x3c5: {  	[tilespmem:v14+s22+$0x0] =	vst.idx.msk $0xffff, v10;
	v10 =	vld [tilespmem:s30+$0xFFFFFEF0];
	v14 =	vadd.s32 v29, v3  }
0x3c6: {  	[tilespmem:v12+s22+$0x0] =	vst.idx.msk $0xffff, v11;
	v11 =	vld [tilespmem:s11+$0x2F0];
	v12 =	vadd.s32 v29, v58  }
0x3c7: {  	[tilespmem:v7+s22+$0x0] =	vst.idx.msk $0xffff, v6;
	v6 =	vld [tilespmem:s11+$0xFFFFFEF0];
	v7 =	vadd.s32 v29, v15  }
0x3c8: {  	[tilespmem:v9+s22+$0x0] =	vst.idx.msk $0xffff, v8;
	v8 =	vld [tilespmem:s29+$0x300];
	v9 =	vor.u32 v30, v0  }
0x3c9: {  	[tilespmem:v13+s22+$0x0] =	vst.idx.msk $0xffff, v5;
	v13 =	vor.u32 v30, v1;
	v5 =	vld [tilespmem:s29+$0xFFFFFF00]  }
0x3ca: {  	[tilespmem:v14+s22+$0x0] =	vst.idx.msk $0xffff, v10  }
0x3cb: {  	[tilespmem:v12+s22+$0x0] =	vst.idx.msk $0xffff, v11  }
0x3cc: {  	[tilespmem:v7+s22+$0x0] =	vst.idx.msk $0xffff, v6  }
0x3cd: {  	[tilespmem:v9+s22+$0x0] =	vst.idx.msk $0xffff, v8  }
0x3ce: {  	[tilespmem:v13+s22+$0x0] =	vst.idx.msk $0xffff, v5  }
0x3cf: {  	v4 =	vld [tilespmem:$0x1FC90]  }
0x3d0: {  	v10 =	vld [tilespmem:s30+$0x300];
	v14 =	vor.u32 v30, v2  }
0x3d1: {  	v11 =	vld [tilespmem:s30+$0xFFFFFF00];
	v12 =	vor.u32 v30, v3  }
0x3d2: {  	v6 =	vld [tilespmem:s11+$0x300];
	v7 =	vor.u32 v30, v58  }
0x3d3: {  	v8 =	vld [tilespmem:s11+$0xFFFFFF00];
	v9 =	vor.u32 v30, v15  }
0x3d4: {  	v5 =	vld [tilespmem:s29+$0x310];
	v13 =	vadd.s32 v4, v0  }
0x3d5: {  	[tilespmem:v14+s22+$0x0] =	vst.idx.msk $0xffff, v10;
	v10 =	vld [tilespmem:s29+$0xFFFFFF10];
	v14 =	vadd.s32 v4, v1  }
0x3d6: {  	[tilespmem:v12+s22+$0x0] =	vst.idx.msk $0xffff, v11;
	v11 =	vld [tilespmem:s30+$0x310];
	v12 =	vadd.s32 v4, v2  }
0x3d7: {  	[tilespmem:v7+s22+$0x0] =	vst.idx.msk $0xffff, v6;
	v6 =	vld [tilespmem:s30+$0xFFFFFF10];
	v7 =	vadd.s32 v4, v3  }
0x3d8: {  	[tilespmem:v9+s22+$0x0] =	vst.idx.msk $0xffff, v8;
	v8 =	vld [tilespmem:s11+$0x310];
	v9 =	vadd.s32 v4, v58  }
0x3d9: {  	[tilespmem:v13+s22+$0x0] =	vst.idx.msk $0xffff, v5;
	v5 =	vld [tilespmem:s11+$0xFFFFFF10];
	v13 =	vadd.s32 v4, v15  }
0x3da: {  	[tilespmem:v14+s22+$0x0] =	vst.idx.msk $0xffff, v10;
	v14 =	vadd.s32 v42, v0;
	v10 =	vld [tilespmem:s29+$0x320]  }
0x3db: {  	[tilespmem:v12+s22+$0x0] =	vst.idx.msk $0xffff, v11;
	v12 =	vadd.s32 v42, v1;
	v11 =	vld [tilespmem:s29+$0xFFFFFF20]  }
0x3dc: {  	[tilespmem:v7+s22+$0x0] =	vst.idx.msk $0xffff, v6;
	v7 =	vadd.s32 v42, v2;
	v6 =	vld [tilespmem:s30+$0x320]  }
0x3dd: {  	[tilespmem:v9+s22+$0x0] =	vst.idx.msk $0xffff, v8;
	v9 =	vadd.s32 v42, v3;
	v8 =	vld [tilespmem:s30+$0xFFFFFF20]  }
0x3de: {  	[tilespmem:v13+s22+$0x0] =	vst.idx.msk $0xffff, v5;
	v5 =	vld [tilespmem:s11+$0x320];
	v13 =	vadd.s32 v42, v58  }
0x3df: {  	[tilespmem:v14+s22+$0x0] =	vst.idx.msk $0xffff, v10;
	v10 =	vld [tilespmem:s11+$0xFFFFFF20];
	v14 =	vadd.s32 v42, v15  }
0x3e0: {  	[tilespmem:v12+s22+$0x0] =	vst.idx.msk $0xffff, v11;
	v12 =	vadd.s32 v32, v0;
	v11 =	vld [tilespmem:s29+$0x330]  }
0x3e1: {  	[tilespmem:v7+s22+$0x0] =	vst.idx.msk $0xffff, v6;
	v7 =	vadd.s32 v32, v1;
	v6 =	vld [tilespmem:s29+$0xFFFFFF30]  }
0x3e2: {  	[tilespmem:v9+s22+$0x0] =	vst.idx.msk $0xffff, v8;
	v9 =	vadd.s32 v32, v2;
	v8 =	vld [tilespmem:s30+$0x330]  }
0x3e3: {  	[tilespmem:v13+s22+$0x0] =	vst.idx.msk $0xffff, v5;
	v5 =	vld [tilespmem:s30+$0xFFFFFF30];
	v13 =	vadd.s32 v32, v3  }
0x3e4: {  	[tilespmem:v14+s22+$0x0] =	vst.idx.msk $0xffff, v10;
	v10 =	vld [tilespmem:s11+$0x330];
	v14 =	vadd.s32 v32, v58  }
0x3e5: {  	[tilespmem:v12+s22+$0x0] =	vst.idx.msk $0xffff, v11;
	v11 =	vld [tilespmem:s11+$0xFFFFFF30];
	v12 =	vadd.s32 v32, v15  }
0x3e6: {  	[tilespmem:v7+s22+$0x0] =	vst.idx.msk $0xffff, v6;
	v7 =	vor.u32 v33, v0;
	v6 =	vld [tilespmem:s29+$0x340]  }
0x3e7: {  	[tilespmem:v9+s22+$0x0] =	vst.idx.msk $0xffff, v8;
	v9 =	vor.u32 v33, v1;
	v8 =	vld [tilespmem:s29+$0xFFFFFF40]  }
0x3e8: {  	[tilespmem:v13+s22+$0x0] =	vst.idx.msk $0xffff, v5;
	v5 =	vld [tilespmem:s30+$0x340];
	v13 =	vor.u32 v33, v2  }
0x3e9: {  	[tilespmem:v14+s22+$0x0] =	vst.idx.msk $0xffff, v10;
	v10 =	vld [tilespmem:s30+$0xFFFFFF40];
	v14 =	vor.u32 v33, v3  }
0x3ea: {  	[tilespmem:v12+s22+$0x0] =	vst.idx.msk $0xffff, v11;
	v11 =	vld [tilespmem:s11+$0x340];
	v12 =	vor.u32 v33, v58  }
0x3eb: {  	[tilespmem:v7+s22+$0x0] =	vst.idx.msk $0xffff, v6;
	v6 =	vld [tilespmem:s11+$0xFFFFFF40];
	v7 =	vor.u32 v33, v15  }
0x3ec: {  	[tilespmem:v9+s22+$0x0] =	vst.idx.msk $0xffff, v8;
	v9 =	vadd.s32 v34, v0;
	v8 =	vld [tilespmem:s29+$0x350]  }
0x3ed: {  	[tilespmem:v13+s22+$0x0] =	vst.idx.msk $0xffff, v5;
	v5 =	vld [tilespmem:s29+$0xFFFFFF50];
	v13 =	vadd.s32 v34, v1  }
0x3ee: {  	[tilespmem:v14+s22+$0x0] =	vst.idx.msk $0xffff, v10;
	v10 =	vld [tilespmem:s30+$0x350];
	v14 =	vadd.s32 v34, v2  }
0x3ef: {  	[tilespmem:v12+s22+$0x0] =	vst.idx.msk $0xffff, v11;
	v11 =	vld [tilespmem:s30+$0xFFFFFF50];
	v12 =	vadd.s32 v34, v3  }
0x3f0: {  	[tilespmem:v7+s22+$0x0] =	vst.idx.msk $0xffff, v6;
	v6 =	vld [tilespmem:s11+$0x350];
	v7 =	vadd.s32 v34, v58  }
0x3f1: {  	[tilespmem:v9+s22+$0x0] =	vst.idx.msk $0xffff, v8;
	v8 =	vld [tilespmem:s11+$0xFFFFFF50];
	v9 =	vadd.s32 v34, v15  }
0x3f2: {  	[tilespmem:v13+s22+$0x0] =	vst.idx.msk $0xffff, v5;
	v5 =	vld [tilespmem:s29+$0x360];
	v13 =	vadd.s32 v35, v0  }
0x3f3: {  	[tilespmem:v14+s22+$0x0] =	vst.idx.msk $0xffff, v10;
	v10 =	vld [tilespmem:s29+$0xFFFFFF60];
	v14 =	vadd.s32 v35, v1  }
0x3f4: {  	[tilespmem:v12+s22+$0x0] =	vst.idx.msk $0xffff, v11;
	v11 =	vld [tilespmem:s30+$0x360];
	v12 =	vadd.s32 v35, v2  }
0x3f5: {  	[tilespmem:v7+s22+$0x0] =	vst.idx.msk $0xffff, v6;
	v6 =	vld [tilespmem:s30+$0xFFFFFF60];
	v7 =	vadd.s32 v35, v3  }
0x3f6: {  	[tilespmem:v9+s22+$0x0] =	vst.idx.msk $0xffff, v8;
	v8 =	vld [tilespmem:s11+$0x360];
	v9 =	vadd.s32 v35, v58  }
0x3f7: {  	[tilespmem:v13+s22+$0x0] =	vst.idx.msk $0xffff, v5;
	v5 =	vld [tilespmem:s11+$0xFFFFFF60];
	v13 =	vadd.s32 v35, v15  }
0x3f8: {  	[tilespmem:v14+s22+$0x0] =	vst.idx.msk $0xffff, v10;
	v10 =	vld [tilespmem:s29+$0x370];
	v14 =	vadd.s32 v36, v0  }
0x3f9: {  	[tilespmem:v12+s22+$0x0] =	vst.idx.msk $0xffff, v11;
	v11 =	vld [tilespmem:s29+$0xFFFFFF70];
	v12 =	vadd.s32 v36, v1  }
0x3fa: {  	[tilespmem:v7+s22+$0x0] =	vst.idx.msk $0xffff, v6;
	v6 =	vld [tilespmem:s30+$0x370];
	v7 =	vadd.s32 v36, v2  }
0x3fb: {  	[tilespmem:v9+s22+$0x0] =	vst.idx.msk $0xffff, v8;
	v8 =	vld [tilespmem:s30+$0xFFFFFF70];
	v9 =	vadd.s32 v36, v3  }
0x3fc: {  	[tilespmem:v13+s22+$0x0] =	vst.idx.msk $0xffff, v5;
	v5 =	vld [tilespmem:s11+$0x370];
	v13 =	vadd.s32 v36, v58  }
0x3fd: {  	[tilespmem:v14+s22+$0x0] =	vst.idx.msk $0xffff, v10;
	v10 =	vld [tilespmem:s11+$0xFFFFFF70];
	v14 =	vadd.s32 v36, v15  }
0x3fe: {  	[tilespmem:v12+s22+$0x0] =	vst.idx.msk $0xffff, v11;
	v11 =	vld [tilespmem:s29+$0x380];
	v12 =	vor.u32 v37, v0  }
0x3ff: {  	[tilespmem:v7+s22+$0x0] =	vst.idx.msk $0xffff, v6;
	v6 =	vld [tilespmem:s29+$0xFFFFFF80];
	v7 =	vor.u32 v37, v1  }
0x400: {  	[tilespmem:v9+s22+$0x0] =	vst.idx.msk $0xffff, v8;
	v8 =	vld [tilespmem:s30+$0x380];
	v9 =	vor.u32 v37, v2  }
0x401: {  	[tilespmem:v13+s22+$0x0] =	vst.idx.msk $0xffff, v5;
	v5 =	vld [tilespmem:s30+$0xFFFFFF80];
	v13 =	vor.u32 v37, v3  }
0x402: {  	[tilespmem:v14+s22+$0x0] =	vst.idx.msk $0xffff, v10;
	v10 =	vld [tilespmem:s11+$0x380];
	v14 =	vor.u32 v37, v58  }
0x403: {  	[tilespmem:v12+s22+$0x0] =	vst.idx.msk $0xffff, v11;
	v11 =	vld [tilespmem:s11+$0xFFFFFF80];
	v12 =	vor.u32 v37, v15  }
0x404: {  	[tilespmem:v7+s22+$0x0] =	vst.idx.msk $0xffff, v6;
	v6 =	vld [tilespmem:s29+$0x390];
	v7 =	vadd.s32 v38, v0  }
0x405: {  	[tilespmem:v9+s22+$0x0] =	vst.idx.msk $0xffff, v8;
	v8 =	vld [tilespmem:s29+$0xFFFFFF90];
	v9 =	vadd.s32 v38, v1  }
0x406: {  	[tilespmem:v13+s22+$0x0] =	vst.idx.msk $0xffff, v5  }
0x407: {  	[tilespmem:v14+s22+$0x0] =	vst.idx.msk $0xffff, v10  }
0x408: {  	[tilespmem:v12+s22+$0x0] =	vst.idx.msk $0xffff, v11  }
0x409: {  	[tilespmem:v7+s22+$0x0] =	vst.idx.msk $0xffff, v6  }
0x40a: {  	[tilespmem:v9+s22+$0x0] =	vst.idx.msk $0xffff, v8  }
0x40b: {  	v27 =	vld [tilespmem:$0x1FD10]  }
0x40c: {  	v5 =	vld [tilespmem:s30+$0x390];
	v13 =	vadd.s32 v38, v2  }
0x40d: {  	v10 =	vld [tilespmem:s30+$0xFFFFFF90];
	v14 =	vadd.s32 v38, v3  }
0x40e: {  	v11 =	vld [tilespmem:s11+$0x390];
	v12 =	vadd.s32 v38, v58  }
0x40f: {  	v6 =	vld [tilespmem:s11+$0xFFFFFF90];
	v7 =	vadd.s32 v38, v15  }
0x410: {  	v8 =	vld [tilespmem:s29+$0x3A0];
	v9 =	vadd.s32 v27, v0  }
0x411: {  	[tilespmem:v13+s22+$0x0] =	vst.idx.msk $0xffff, v5;
	v5 =	vld [tilespmem:s29+$0xFFFFFFA0];
	v13 =	vadd.s32 v27, v1  }
0x412: {  	[tilespmem:v14+s22+$0x0] =	vst.idx.msk $0xffff, v10;
	v10 =	vld [tilespmem:s30+$0x3A0];
	v14 =	vadd.s32 v27, v2  }
0x413: {  	[tilespmem:v12+s22+$0x0] =	vst.idx.msk $0xffff, v11;
	v11 =	vld [tilespmem:s30+$0xFFFFFFA0];
	v12 =	vadd.s32 v27, v3  }
0x414: {  	[tilespmem:v7+s22+$0x0] =	vst.idx.msk $0xffff, v6;
	v6 =	vld [tilespmem:s11+$0x3A0];
	v7 =	vadd.s32 v27, v58  }
0x415: {  	[tilespmem:v9+s22+$0x0] =	vst.idx.msk $0xffff, v8;
	v8 =	vld [tilespmem:s11+$0xFFFFFFA0];
	v9 =	vadd.s32 v27, v15  }
0x416: {  	[tilespmem:v13+s22+$0x0] =	vst.idx.msk $0xffff, v5;
	v13 =	vadd.s32 v39, v0;
	v5 =	vld [tilespmem:s29+$0x3B0]  }
0x417: {  	[tilespmem:v14+s22+$0x0] =	vst.idx.msk $0xffff, v10;
	v14 =	vadd.s32 v39, v1;
	v10 =	vld [tilespmem:s29+$0xFFFFFFB0]  }
0x418: {  	[tilespmem:v12+s22+$0x0] =	vst.idx.msk $0xffff, v11;
	v12 =	vadd.s32 v39, v2;
	v11 =	vld [tilespmem:s30+$0x3B0]  }
0x419: {  	[tilespmem:v7+s22+$0x0] =	vst.idx.msk $0xffff, v6;
	v7 =	vadd.s32 v39, v3;
	v6 =	vld [tilespmem:s30+$0xFFFFFFB0]  }
0x41a: {  	[tilespmem:v9+s22+$0x0] =	vst.idx.msk $0xffff, v8;
	v8 =	vld [tilespmem:s11+$0x3B0];
	v9 =	vadd.s32 v39, v58  }
0x41b: {  	[tilespmem:v13+s22+$0x0] =	vst.idx.msk $0xffff, v5;
	v5 =	vld [tilespmem:s11+$0xFFFFFFB0];
	v13 =	vadd.s32 v39, v15  }
0x41c: {  	[tilespmem:v14+s22+$0x0] =	vst.idx.msk $0xffff, v10;
	v14 =	vor.u32 v40, v0;
	v10 =	vld [tilespmem:s29+$0x3C0]  }
0x41d: {  	[tilespmem:v12+s22+$0x0] =	vst.idx.msk $0xffff, v11;
	v12 =	vor.u32 v40, v1;
	v11 =	vld [tilespmem:s29+$0xFFFFFFC0]  }
0x41e: {  	[tilespmem:v7+s22+$0x0] =	vst.idx.msk $0xffff, v6  }
0x41f: {  	[tilespmem:v9+s22+$0x0] =	vst.idx.msk $0xffff, v8  }
0x420: {  	[tilespmem:v13+s22+$0x0] =	vst.idx.msk $0xffff, v5  }
0x421: {  	[tilespmem:v14+s22+$0x0] =	vst.idx.msk $0xffff, v10  }
0x422: {  	[tilespmem:v12+s22+$0x0] =	vst.idx.msk $0xffff, v11  }
0x423: {  	v27 =	vld [tilespmem:$0x1FD40]  }
0x424: {  	v7 =	vor.u32 v40, v2;
	v6 =	vld [tilespmem:s30+$0x3C0]  }
0x425: {  	v8 =	vld [tilespmem:s30+$0xFFFFFFC0];
	v9 =	vor.u32 v40, v3  }
0x426: {  	v5 =	vld [tilespmem:s11+$0x3C0];
	v13 =	vor.u32 v40, v58  }
0x427: {  	v10 =	vld [tilespmem:s11+$0xFFFFFFC0];
	v14 =	vor.u32 v40, v15  }
0x428: {  	v11 =	vld [tilespmem:s29+$0x3D0];
	v12 =	vadd.s32 v27, v0  }
0x429: {  	[tilespmem:v7+s22+$0x0] =	vst.idx.msk $0xffff, v6;
	v6 =	vld [tilespmem:s29+$0xFFFFFFD0];
	v7 =	vadd.s32 v27, v1  }
0x42a: {  	[tilespmem:v9+s22+$0x0] =	vst.idx.msk $0xffff, v8;
	v8 =	vld [tilespmem:s30+$0x3D0];
	v9 =	vadd.s32 v27, v2  }
0x42b: {  	[tilespmem:v13+s22+$0x0] =	vst.idx.msk $0xffff, v5;
	v5 =	vld [tilespmem:s30+$0xFFFFFFD0];
	v13 =	vadd.s32 v27, v3  }
0x42c: {  	[tilespmem:v14+s22+$0x0] =	vst.idx.msk $0xffff, v10;
	v10 =	vld [tilespmem:s11+$0x3D0];
	v14 =	vadd.s32 v27, v58  }
0x42d: {  	[tilespmem:v12+s22+$0x0] =	vst.idx.msk $0xffff, v11;
	v11 =	vld [tilespmem:s11+$0xFFFFFFD0];
	v12 =	vadd.s32 v27, v15  }
0x42e: {  	[tilespmem:v7+s22+$0x0] =	vst.idx.msk $0xffff, v6;
	v7 =	vadd.s32 v48, v0;
	v6 =	vld [tilespmem:s29+$0x3E0]  }
0x42f: {  	[tilespmem:v9+s22+$0x0] =	vst.idx.msk $0xffff, v8;
	v9 =	vadd.s32 v48, v1;
	v8 =	vld [tilespmem:s29+$0xFFFFFFE0]  }
0x430: {  	[tilespmem:v13+s22+$0x0] =	vst.idx.msk $0xffff, v5;
	v13 =	vadd.s32 v48, v2;
	v5 =	vld [tilespmem:s30+$0x3E0]  }
0x431: {  	[tilespmem:v14+s22+$0x0] =	vst.idx.msk $0xffff, v10;
	v14 =	vadd.s32 v48, v3;
	v10 =	vld [tilespmem:s30+$0xFFFFFFE0]  }
0x432: {  	[tilespmem:v12+s22+$0x0] =	vst.idx.msk $0xffff, v11;
	v11 =	vld [tilespmem:s11+$0x3E0];
	v12 =	vadd.s32 v48, v58  }
0x433: {  	[tilespmem:v7+s22+$0x0] =	vst.idx.msk $0xffff, v6;
	v6 =	vld [tilespmem:s11+$0xFFFFFFE0];
	v7 =	vadd.s32 v48, v15  }
0x434: {  	v57 =	vadd.s32 v46, v0;
	[tilespmem:v9+s22+$0x0] =	vst.idx.msk $0xffff, v8;
	v8 =	vld [tilespmem:s29+$0x3F0]  }
0x435: {  	v59 =	vadd.s32 v46, v1;
	[tilespmem:v13+s22+$0x0] =	vst.idx.msk $0xffff, v5;
	v5 =	vld [tilespmem:s29+$0xFFFFFFF0]  }
0x436: {  	v61 =	vadd.s32 v46, v2;
	[tilespmem:v14+s22+$0x0] =	vst.idx.msk $0xffff, v10;
	v9 =	vld [tilespmem:s30+$0x3F0]  }
0x437: {  	v62 =	vadd.s32 v46, v3;
	v10 =	vld [tilespmem:s30+$0xFFFFFFF0];
	[tilespmem:v12+s22+$0x0] =	vst.idx.msk $0xffff, v11  }
0x438: {  	[tilespmem:v7+s22+$0x0] =	vst.idx.msk $0xffff, v6;
	v6 =	vld [tilespmem:s11+$0x3F0];
	v7 =	vadd.s32 v46, v58  }
0x439: {  	v4 =	vadd.s32 v46, v15;
	[tilespmem:v57+s22+$0x0] =	vst.idx.msk $0xffff, v8;
	v63 =	vld [tilespmem:s11+$0xFFFFFFF0]  }
0x43a: {  	[tilespmem:v59+s22+$0x0] =	vst.idx.msk $0xffff, v5  }
0x43b: {  	[tilespmem:v61+s22+$0x0] =	vst.idx.msk $0xffff, v9  }
0x43c: {  	[tilespmem:v62+s22+$0x0] =	vst.idx.msk $0xffff, v10  }
0x43d: {  	[tilespmem:v7+s22+$0x0] =	vst.idx.msk $0xffff, v6  }
0x43e: {  	s0 =	sshll.u32 s26, $0x5;
	s31 =	sshll.u32 s26, $0x2;
	[tilespmem:v4+s22+$0x0] =	vst.idx.msk $0xffff, v63  }
0x43f: {  	s0 =	sand.u32 $0x180, s0;
	s1 =	sand.u32 $0xC, s31;
	v32 =	vld [tilespmem:$0x1FF50]  }
0x440: {  	s1 =	sadd.s32 s2, s1;
	s29 =	sor.u32 s6, s0;
	v40 =	vld [tilespmem:$0x1FF60]  }
0x441: {  	s10 =	simm.s32 $0x10400;
	s1 =	sadd.s32 s29, s1;
	v38 =	vld [tilespmem:$0x1FF70]  }
0x442: {  	[hbm4b:s1+s3] =	stream.linear.scatter [tilespmem:s10], [sflag:$0x3], $0x10, $0x38;
	v6 =	vld [tilespmem:$0x1FF80]  }
0x443: {  	s31 =	sadd.s32 $0x10, s1;
	s11 =	simm.s32 $0x10418;
	v7 =	vld [tilespmem:$0x1FF90]  }
0x444: {  	v48 =	vld [tilespmem:$0x1FFA0];
	[hbm4b:s31+s3] =	stream.linear.scatter [tilespmem:s11], [sflag:$0x3], $0x10, $0x38  }
0x445: {  	v9 =	vld [tilespmem:$0x1FFB0];
	s11 =	simm.s32 $0x10430;
	s31 =	sadd.s32 $0x20, s1  }
0x446: {  	v10 =	vld [tilespmem:$0x1FFC0];
	[hbm4b:s31+s3] =	stream.linear.scatter [tilespmem:s11], [sflag:$0x3], $0x10, $0x38  }
0x447: {  	v11 =	vld [tilespmem:$0x1FFD0];
	s11 =	simm.s32 $0x10448;
	s31 =	sadd.s32 $0x30, s1  }
0x448: {  	v12 =	vld [tilespmem:$0x1FE80];
	[hbm4b:s31+s3] =	stream.linear.scatter [tilespmem:s11], [sflag:$0x3], $0x10, $0x38  }
0x449: {  	v13 =	vld [tilespmem:$0x1FE90];
	s11 =	simm.s32 $0x10460;
	s31 =	sadd.s32 $0x40, s1  }
0x44a: {  	v14 =	vld [tilespmem:$0x1FEA0];
	[hbm4b:s31+s3] =	stream.linear.scatter [tilespmem:s11], [sflag:$0x3], $0x10, $0x38  }
0x44b: {  	s0 =	simm.s32 $0xC0;
	v33 =	vld [tilespmem:$0x1FEB0];
	s11 =	simm.s32 $0x10478;
	s31 =	sadd.s32 $0x50, s1  }
0x44c: {  	v34 =	vld [tilespmem:$0x1FEC0];
	[hbm4b:s31+s3] =	stream.linear.scatter [tilespmem:s11], [sflag:$0x3], $0x10, $0x38  }
0x44d: {  	s30 =	sadd.s32 $0x70, s1;
	v36 =	vld [tilespmem:$0x1FED0];
	s11 =	simm.s32 $0x10490;
	s31 =	sadd.s32 $0x60, s1  }
0x44e: {  	v28 =	vmovc v44;
	v29 =	vmovc v50;
	v30 =	vmov v45;
	v35 =	vmov v41;
	v41 =	vmov v52;
	v27 =	vld [tilespmem:$0x1FFE0];
	[hbm4b:s31+s3] =	stream.linear.scatter [tilespmem:s11], [sflag:$0x3], $0x10, $0x38  }
0x44f: {  	v37 =	vmovc v60;
	v60 =	vmovc v53;
	v39 =	vmov v54;
	v54 =	vmov v49;
	v58 =	vmov v47;
	s10 =	simm.s32 $0x600;
	v46 =	vld [tilespmem:$0x1FDC0];
	s1 =	sadd.s32 $0x4000, s1;
	s11 =	simm.s32 $0x104A8  }
.LBB2_5:
0x450: {  	[hbm4b:s30+s3] =	stream.linear.scatter [tilespmem:s11], [sflag:$0x3], $0x10, $0x38;
	[tilespmem:$0x1A000] =	vst v63  }
0x451: {  	s11 =	smov.u32 s0;
	s0 =	smov.u32 s10  }
0x452: {  	s31 =	sadd.s32 $0x300, s10;
	s0 =	sshra.s32 s0, $0x2;
	s30 =	sadd.s32 $0x10400, s11  }
0x453: {  	[hbm4b:s1+s3] =	stream.linear.scatter [tilespmem:s30], [sflag:$0x3], $0x10, $0x38;
	[tilespmem:$0x1A000] =	vst v63  }
0x454: {  	p0 =	sne.s32 s10, $0x26D00;
	s10 =	sadd.s32 $0x10418, s11;
	s30 =	sadd.s32 $0x10, s1  }
0x455: {  	[hbm4b:s30+s3] =	stream.linear.scatter [tilespmem:s10], [sflag:$0x3], $0x10, $0x38;
	[tilespmem:$0x1A000] =	vst v63  }
0x456: {  	s10 =	sadd.s32 $0x10430, s11;
	s30 =	sadd.s32 $0x20, s1  }
0x457: {  	[hbm4b:s30+s3] =	stream.linear.scatter [tilespmem:s10], [sflag:$0x3], $0x10, $0x38;
	[tilespmem:$0x1A000] =	vst v63  }
0x458: {  	s10 =	sadd.s32 $0x10448, s11;
	s30 =	sadd.s32 $0x30, s1  }
0x459: {  	[hbm4b:s30+s3] =	stream.linear.scatter [tilespmem:s10], [sflag:$0x3], $0x10, $0x38;
	[tilespmem:$0x1A000] =	vst v63  }
0x45a: {  	s10 =	sadd.s32 $0x10460, s11;
	s30 =	sadd.s32 $0x40, s1  }
0x45b: {  	[hbm4b:s30+s3] =	stream.linear.scatter [tilespmem:s10], [sflag:$0x3], $0x10, $0x38;
	[tilespmem:$0x1A000] =	vst v63  }
.Ltmp1:
0x45c: {  	s10 =	sadd.s32 $0x10478, s11;
	s30 =	sadd.s32 $0x50, s1;
	(pc) =	sbr.rel @p0 .LBB2_5-.Ltmp1, $4  }
0x45d: {  	[hbm4b:s30+s3] =	stream.linear.scatter [tilespmem:s10], [sflag:$0x3], $0x10, $0x38;
	[tilespmem:$0x1A000] =	vst v63  }
0x45e: {  	s10 =	sadd.s32 $0x10490, s11;
	s30 =	sadd.s32 $0x60, s1;
	s11 =	sadd.s32 $0x104A8, s11  }
0x45f: {  	[hbm4b:s30+s3] =	stream.linear.scatter [tilespmem:s10], [sflag:$0x3], $0x10, $0x38;
	[tilespmem:$0x1A000] =	vst v63  }
0x460: {  	s30 =	sadd.s32 $0x70, s1;
	s1 =	sadd.s32 $0x4000, s1;
	s10 =	smov.u32 s31  }
0x461: {  	[hbm4b:s30+s3] =	stream.linear.scatter [tilespmem:s11], [sflag:$0x3], $0x10, $0x38;
	[tilespmem:$0x1A000] =	vst v63  }
0x462: {  	s10 =	sadd.s32 $0x10400, s0  }
0x463: {  	[hbm4b:s1+s3] =	stream.linear.scatter [tilespmem:s10], [sflag:$0x3], $0x10, $0x38;
	[tilespmem:$0x1A000] =	vst v63  }
0x464: {  	s11 =	sadd.s32 $0x10, s1;
	s10 =	sadd.s32 $0x10418, s0  }
0x465: {  	[hbm4b:s11+s3] =	stream.linear.scatter [tilespmem:s10], [sflag:$0x3], $0x10, $0x38;
	[tilespmem:$0x1A000] =	vst v63  }
0x466: {  	s10 =	sadd.s32 $0x10430, s0;
	s11 =	sadd.s32 $0x20, s1  }
0x467: {  	[hbm4b:s11+s3] =	stream.linear.scatter [tilespmem:s10], [sflag:$0x3], $0x10, $0x38;
	[tilespmem:$0x1A000] =	vst v63  }
0x468: {  	s10 =	sadd.s32 $0x10448, s0;
	s11 =	sadd.s32 $0x30, s1  }
0x469: {  	[hbm4b:s11+s3] =	stream.linear.scatter [tilespmem:s10], [sflag:$0x3], $0x10, $0x38;
	[tilespmem:$0x1A000] =	vst v63  }
0x46a: {  	s10 =	sadd.s32 $0x10460, s0;
	s11 =	sadd.s32 $0x40, s1  }
0x46b: {  	[hbm4b:s11+s3] =	stream.linear.scatter [tilespmem:s10], [sflag:$0x3], $0x10, $0x38;
	[tilespmem:$0x1A000] =	vst v63  }
0x46c: {  	s10 =	sadd.s32 $0x10478, s0;
	s11 =	sadd.s32 $0x50, s1  }
0x46d: {  	[hbm4b:s11+s3] =	stream.linear.scatter [tilespmem:s10], [sflag:$0x3], $0x10, $0x38;
	[tilespmem:$0x1A000] =	vst v63  }
0x46e: {  	p0 =	seq.s32 s26, $0xF;
	s10 =	sadd.s32 $0x10490, s0;
	s11 =	sadd.s32 $0x60, s1  }
0x46f: {  	[hbm4b:s11+s3] =	stream.linear.scatter [tilespmem:s10], [sflag:$0x3], $0x10, $0x38;
	[tilespmem:$0x1A000] =	vst v63  }
0x470: {  	s0 =	sadd.s32 $0x104A8, s0;
	s11 =	sadd.s32 $0x70, s1;
	s10 =	smul.u32 @!p0 $0xD00, s26  }
0x471: {  	[hbm4b:s11+s3] =	stream.linear.scatter [tilespmem:s0], [sflag:$0x3], $0x10, $0x38;
	[tilespmem:$0x1A000] =	vst v63  }
0x472: {  	s0 =	sshra.s32 @!p0 s10, $0x2  }
0x473: {  	s10 =	simm.s32 @!p0 $0x80;
	s11 =	simm.s32 @!p0 $0x3400;
	s1 =	sadd.s32 @!p0 $0x340, s0  }
0x474: {  	[tilespmem:s11], [sflag:$0x1] =	stream.indirect.gather @!p0 [hbm4b:s4+s10], $0x40, s1, s10, $0xb8;
	[tilespmem:$0x1A000] =	vst v63  }
0x475: {  	s1 =	sadd.s32 @!p0 $0x3C0, s0;
	s11 =	simm.s32 @!p0 $0x5400  }
0x476: {  	[tilespmem:s11], [sflag:$0x1] =	stream.indirect.gather @!p0 [hbm4b:s4+s10], $0x40, s1, s10, $0xb8;
	[tilespmem:$0x1A000] =	vst v63  }
0x477: {  	s1 =	sadd.s32 @!p0 $0x440, s0;
	s11 =	simm.s32 @!p0 $0x7400  }
0x478: {  	[tilespmem:s11], [sflag:$0x1] =	stream.indirect.gather @!p0 [hbm4b:s4+s10], $0x40, s1, s10, $0xb8;
	[tilespmem:$0x1A000] =	vst v63  }
0x479: {  	s0 =	sadd.s32 @!p0 $0x4C0, s0;
	s1 =	simm.s32 @!p0 $0x20;
	s10 =	simm.s32 @!p0 $0x9400  }
0x47a: {  	[tilespmem:s10], [sflag:$0x1] =	stream.indirect.gather @!p0 [hbm4b:s4+s1], $0x40, s0, s1, $0xb8;
	[tilespmem:$0x1A000] =	vst v63  }
0x47b: {  	_ =	swait.ge [sflag:s23], $0x2000  }
0x47c: {  	[sflag:s23] =	ssyncset.done $0x0  }
0x47d: {  	[sflag:s23] =	ssyncadd.s32 $0xFFFFE000  }
0x47e: {  	_ =	swait.ge [sflag:s23], $0x2000  }
0x47f: {  	[sflag:s23] =	ssyncset.done $0x0  }
0x480: {  	[sflag:s23] =	ssyncadd.s32 $0xFFFFE000  }
0x481: {  	_ =	swait.ge [sflag:s23], $0x2000  }
0x482: {  	[sflag:s23] =	ssyncset.done $0x0  }
0x483: {  	[sflag:s23] =	ssyncadd.s32 $0xFFFFE000  }
0x484: {  	s10 =	simm.s32 $0x1;
	_ =	swait.ge [sflag:s23], $0x800  }
0x485: {  	s11 =	simm.s32 $0x0;
	v0 =	vmov s10;
	[sflag:s23] =	ssyncset.done $0x0  }
0x486: {  	v1 =	vmov s11;
	v0 =	vmul.u32 $0x600, v0;
	[sflag:s23] =	ssyncadd.s32 $0xFFFFF800  }
0x487: {  	v1 =	vmul.u32 $0x600, v1;
	_ =	swait.ge [sflag:s24], $0x6800  }
0x488: {  	v44 =	vbroadcast v0, $0x0;
	[sflag:s24] =	ssyncset.done $0x0  }
0x489: {  	s1 =	simm.s32 $0xA3F0;
	v4 =	vbroadcast v1, $0x0;
	[sflag:s24] =	ssyncadd.s32 $0xFFFF9800  }
0x48a: {  	v1 =	vor.u32 v18, v44;
	v0 =	vld [tilespmem:s1+$0xFFFFFC10]  }
0x48b: {  	v3 =	vor.u32 v18, v4;
	v2 =	vld [tilespmem:s1+$0xFFFFF810];
	_ =	sdelay $0x3  }
0x48c: {  	[tilespmem:v1+s22+$0x0] =	vst.idx.msk $0xffff, v0  }
0x48d: {  	[tilespmem:v3+s22+$0x0] =	vst.idx.msk $0xffff, v2;
	v1 =	vadd.s32 v19, v44;
	v0 =	vld [tilespmem:s1+$0xFFFFFC20]  }
0x48e: {  	v3 =	vadd.s32 v19, v4;
	v2 =	vld [tilespmem:s1+$0xFFFFF820];
	_ =	sdelay $0x3  }
0x48f: {  	[tilespmem:v1+s22+$0x0] =	vst.idx.msk $0xffff, v0  }
0x490: {  	[tilespmem:v3+s22+$0x0] =	vst.idx.msk $0xffff, v2;
	v1 =	vadd.s32 v20, v44;
	v0 =	vld [tilespmem:s1+$0xFFFFFC30]  }
0x491: {  	v3 =	vadd.s32 v20, v4;
	v2 =	vld [tilespmem:s1+$0xFFFFF830];
	_ =	sdelay $0x3  }
0x492: {  	[tilespmem:v1+s22+$0x0] =	vst.idx.msk $0xffff, v0  }
0x493: {  	[tilespmem:v3+s22+$0x0] =	vst.idx.msk $0xffff, v2;
	v1 =	vadd.s32 v21, v44;
	v0 =	vld [tilespmem:s1+$0xFFFFFC40]  }
0x494: {  	v3 =	vadd.s32 v21, v4;
	v2 =	vld [tilespmem:s1+$0xFFFFF840];
	_ =	sdelay $0x3  }
0x495: {  	[tilespmem:v1+s22+$0x0] =	vst.idx.msk $0xffff, v0  }
0x496: {  	[tilespmem:v3+s22+$0x0] =	vst.idx.msk $0xffff, v2;
	v1 =	vor.u32 v32, v44;
	v0 =	vld [tilespmem:s1+$0xFFFFFC50]  }
0x497: {  	v3 =	vor.u32 v32, v4;
	v2 =	vld [tilespmem:s1+$0xFFFFF850];
	_ =	sdelay $0x3  }
0x498: {  	[tilespmem:v1+s22+$0x0] =	vst.idx.msk $0xffff, v0  }
0x499: {  	[tilespmem:v3+s22+$0x0] =	vst.idx.msk $0xffff, v2;
	v1 =	vadd.s32 v40, v44;
	v0 =	vld [tilespmem:s1+$0xFFFFFC60]  }
0x49a: {  	v3 =	vadd.s32 v40, v4;
	v2 =	vld [tilespmem:s1+$0xFFFFF860];
	_ =	sdelay $0x3  }
0x49b: {  	[tilespmem:v1+s22+$0x0] =	vst.idx.msk $0xffff, v0  }
0x49c: {  	[tilespmem:v3+s22+$0x0] =	vst.idx.msk $0xffff, v2;
	v1 =	vadd.s32 v38, v44;
	v0 =	vld [tilespmem:s1+$0xFFFFFC70]  }
0x49d: {  	v3 =	vadd.s32 v38, v4;
	v2 =	vld [tilespmem:s1+$0xFFFFF870];
	_ =	sdelay $0x3  }
0x49e: {  	[tilespmem:v1+s22+$0x0] =	vst.idx.msk $0xffff, v0  }
0x49f: {  	[tilespmem:v3+s22+$0x0] =	vst.idx.msk $0xffff, v2;
	v1 =	vadd.s32 v6, v44;
	v0 =	vld [tilespmem:s1+$0xFFFFFC80]  }
0x4a0: {  	v3 =	vadd.s32 v6, v4;
	v2 =	vld [tilespmem:s1+$0xFFFFF880];
	_ =	sdelay $0x3  }
0x4a1: {  	[tilespmem:v1+s22+$0x0] =	vst.idx.msk $0xffff, v0  }
0x4a2: {  	[tilespmem:v3+s22+$0x0] =	vst.idx.msk $0xffff, v2;
	v1 =	vor.u32 v7, v44;
	v0 =	vld [tilespmem:s1+$0xFFFFFC90]  }
0x4a3: {  	v3 =	vor.u32 v7, v4;
	v2 =	vld [tilespmem:s1+$0xFFFFF890];
	_ =	sdelay $0x3  }
0x4a4: {  	[tilespmem:v1+s22+$0x0] =	vst.idx.msk $0xffff, v0  }
0x4a5: {  	[tilespmem:v3+s22+$0x0] =	vst.idx.msk $0xffff, v2;
	v1 =	vadd.s32 v48, v44;
	v0 =	vld [tilespmem:s1+$0xFFFFFCA0]  }
0x4a6: {  	v3 =	vadd.s32 v48, v4;
	v2 =	vld [tilespmem:s1+$0xFFFFF8A0];
	_ =	sdelay $0x3  }
0x4a7: {  	[tilespmem:v1+s22+$0x0] =	vst.idx.msk $0xffff, v0  }
0x4a8: {  	[tilespmem:v3+s22+$0x0] =	vst.idx.msk $0xffff, v2;
	v1 =	vadd.s32 v9, v44;
	v0 =	vld [tilespmem:s1+$0xFFFFFCB0]  }
0x4a9: {  	v3 =	vadd.s32 v9, v4;
	v2 =	vld [tilespmem:s1+$0xFFFFF8B0];
	_ =	sdelay $0x3  }
0x4aa: {  	[tilespmem:v1+s22+$0x0] =	vst.idx.msk $0xffff, v0  }
0x4ab: {  	[tilespmem:v3+s22+$0x0] =	vst.idx.msk $0xffff, v2  }
0x4ac: {  	v1 =	vadd.s32 v10, v44;
	v0 =	vld [tilespmem:s1+$0xFFFFFCC0]  }
0x4ad: {  	v3 =	vadd.s32 v10, v4;
	v2 =	vld [tilespmem:s1+$0xFFFFF8C0];
	_ =	sdelay $0x3  }
0x4ae: {  	[tilespmem:v1+s22+$0x0] =	vst.idx.msk $0xffff, v0  }
0x4af: {  	[tilespmem:v3+s22+$0x0] =	vst.idx.msk $0xffff, v2;
	v1 =	vor.u32 v11, v44;
	v0 =	vld [tilespmem:s1+$0xFFFFFCD0]  }
0x4b0: {  	v3 =	vor.u32 v11, v4;
	v2 =	vld [tilespmem:s1+$0xFFFFF8D0];
	_ =	sdelay $0x3  }
0x4b1: {  	[tilespmem:v1+s22+$0x0] =	vst.idx.msk $0xffff, v0  }
0x4b2: {  	[tilespmem:v3+s22+$0x0] =	vst.idx.msk $0xffff, v2;
	v1 =	vadd.s32 v12, v44;
	v0 =	vld [tilespmem:s1+$0xFFFFFCE0]  }
0x4b3: {  	v3 =	vadd.s32 v12, v4;
	v2 =	vld [tilespmem:s1+$0xFFFFF8E0];
	_ =	sdelay $0x3  }
0x4b4: {  	[tilespmem:v1+s22+$0x0] =	vst.idx.msk $0xffff, v0  }
0x4b5: {  	[tilespmem:v3+s22+$0x0] =	vst.idx.msk $0xffff, v2;
	v1 =	vadd.s32 v13, v44;
	v0 =	vld [tilespmem:s1+$0xFFFFFCF0]  }
0x4b6: {  	v3 =	vadd.s32 v13, v4;
	v2 =	vld [tilespmem:s1+$0xFFFFF8F0];
	_ =	sdelay $0x3  }
0x4b7: {  	[tilespmem:v1+s22+$0x0] =	vst.idx.msk $0xffff, v0  }
0x4b8: {  	[tilespmem:v3+s22+$0x0] =	vst.idx.msk $0xffff, v2;
	v1 =	vadd.s32 v14, v44;
	v0 =	vld [tilespmem:s1+$0xFFFFFD00]  }
0x4b9: {  	v3 =	vadd.s32 v14, v4;
	v2 =	vld [tilespmem:s1+$0xFFFFF900];
	_ =	sdelay $0x3  }
0x4ba: {  	[tilespmem:v1+s22+$0x0] =	vst.idx.msk $0xffff, v0  }
0x4bb: {  	[tilespmem:v3+s22+$0x0] =	vst.idx.msk $0xffff, v2;
	v1 =	vor.u32 v33, v44;
	v0 =	vld [tilespmem:s1+$0xFFFFFD10]  }
0x4bc: {  	v3 =	vor.u32 v33, v4;
	v2 =	vld [tilespmem:s1+$0xFFFFF910];
	_ =	sdelay $0x3  }
0x4bd: {  	[tilespmem:v1+s22+$0x0] =	vst.idx.msk $0xffff, v0  }
0x4be: {  	[tilespmem:v3+s22+$0x0] =	vst.idx.msk $0xffff, v2;
	v1 =	vadd.s32 v34, v44;
	v0 =	vld [tilespmem:s1+$0xFFFFFD20]  }
0x4bf: {  	v3 =	vadd.s32 v34, v4;
	v2 =	vld [tilespmem:s1+$0xFFFFF920];
	_ =	sdelay $0x3  }
0x4c0: {  	[tilespmem:v1+s22+$0x0] =	vst.idx.msk $0xffff, v0  }
0x4c1: {  	[tilespmem:v3+s22+$0x0] =	vst.idx.msk $0xffff, v2;
	v1 =	vadd.s32 v36, v44;
	v0 =	vld [tilespmem:s1+$0xFFFFFD30]  }
0x4c2: {  	v3 =	vadd.s32 v36, v4;
	v2 =	vld [tilespmem:s1+$0xFFFFF930];
	_ =	sdelay $0x3  }
0x4c3: {  	[tilespmem:v1+s22+$0x0] =	vst.idx.msk $0xffff, v0  }
0x4c4: {  	[tilespmem:v3+s22+$0x0] =	vst.idx.msk $0xffff, v2;
	v1 =	vadd.s32 v35, v44;
	v0 =	vld [tilespmem:s1+$0xFFFFFD40]  }
0x4c5: {  	v3 =	vadd.s32 v35, v4;
	v2 =	vld [tilespmem:s1+$0xFFFFF940];
	_ =	sdelay $0x3  }
0x4c6: {  	[tilespmem:v1+s22+$0x0] =	vst.idx.msk $0xffff, v0  }
0x4c7: {  	[tilespmem:v3+s22+$0x0] =	vst.idx.msk $0xffff, v2;
	v1 =	vor.u32 v16, v44;
	v0 =	vld [tilespmem:s1+$0xFFFFFD50]  }
0x4c8: {  	v3 =	vor.u32 v16, v4;
	v2 =	vld [tilespmem:s1+$0xFFFFF950];
	_ =	sdelay $0x1  }
0x4c9: {  	s11 =	simm.s32 $0x2;
	s10 =	simm.s32 $0x3  }
0x4ca: {  	v45 =	vmov v6;
	v5 =	vmov s10;
	v6 =	vmov s11  }
0x4cb: {  	v5 =	vmul.u32 $0x600, v5;
	v6 =	vmul.u32 $0x600, v6;
	[tilespmem:v1+s22+$0x0] =	vst.idx.msk $0xffff, v0  }
0x4cc: {  	[tilespmem:v3+s22+$0x0] =	vst.idx.msk $0xffff, v2;
	v3 =	vadd.s32 v17, v44;
	v2 =	vld [tilespmem:s1+$0xFFFFFD60]  }
0x4cd: {  	v0 =	vbroadcast v5, $0x0;
	v1 =	vbroadcast v6, $0x0;
	v6 =	vadd.s32 v17, v4;
	v5 =	vld [tilespmem:s1+$0xFFFFF960];
	_ =	sdelay $0x1  }
0x4ce: {  	s30 =	simm.s32 $0xABF0  }
0x4cf: {  	v47 =	vmov v7;
	v7 =	vld [tilespmem:s30+$0xFFFFFC10];
	v8 =	vor.u32 v18, v0  }
0x4d0: {  	v49 =	vmov v9;
	v50 =	vmov v10;
	v9 =	vld [tilespmem:s30+$0xFFFFF810];
	v10 =	vor.u32 v18, v1;
	[tilespmem:v3+s22+$0x0] =	vst.idx.msk $0xffff, v2  }
0x4d1: {  	[tilespmem:v6+s22+$0x0] =	vst.idx.msk $0xffff, v5;
	v3 =	vadd.s32 v27, v44;
	v2 =	vld [tilespmem:s1+$0xFFFFFD70]  }
0x4d2: {  	v6 =	vadd.s32 v27, v4;
	v5 =	vld [tilespmem:s1+$0xFFFFF970];
	_ =	sdelay $0x1  }
0x4d3: {  	[tilespmem:v8+s22+$0x0] =	vst.idx.msk $0xffff, v7  }
0x4d4: {  	[tilespmem:v10+s22+$0x0] =	vst.idx.msk $0xffff, v9;
	v8 =	vadd.s32 v19, v0;
	v7 =	vld [tilespmem:s30+$0xFFFFFC20]  }
0x4d5: {  	v10 =	vadd.s32 v19, v1;
	v9 =	vld [tilespmem:s30+$0xFFFFF820];
	[tilespmem:v3+s22+$0x0] =	vst.idx.msk $0xffff, v2  }
0x4d6: {  	[tilespmem:v6+s22+$0x0] =	vst.idx.msk $0xffff, v5;
	v3 =	vadd.s32 v37, v44;
	v2 =	vld [tilespmem:s1+$0xFFFFFD80]  }
0x4d7: {  	v6 =	vadd.s32 v37, v4;
	v5 =	vld [tilespmem:s1+$0xFFFFF980];
	_ =	sdelay $0x1  }
0x4d8: {  	[tilespmem:v8+s22+$0x0] =	vst.idx.msk $0xffff, v7  }
0x4d9: {  	[tilespmem:v10+s22+$0x0] =	vst.idx.msk $0xffff, v9;
	v8 =	vadd.s32 v20, v0;
	v7 =	vld [tilespmem:s30+$0xFFFFFC30]  }
0x4da: {  	v10 =	vadd.s32 v20, v1;
	v9 =	vld [tilespmem:s30+$0xFFFFF830];
	[tilespmem:v3+s22+$0x0] =	vst.idx.msk $0xffff, v2  }
0x4db: {  	[tilespmem:v6+s22+$0x0] =	vst.idx.msk $0xffff, v5;
	v3 =	vor.u32 v46, v44;
	v2 =	vld [tilespmem:s1+$0xFFFFFD90]  }
0x4dc: {  	v6 =	vor.u32 v46, v4;
	v5 =	vld [tilespmem:s1+$0xFFFFF990];
	_ =	sdelay $0x1  }
0x4dd: {  	[tilespmem:v8+s22+$0x0] =	vst.idx.msk $0xffff, v7  }
0x4de: {  	[tilespmem:v10+s22+$0x0] =	vst.idx.msk $0xffff, v9;
	v8 =	vadd.s32 v21, v0;
	v7 =	vld [tilespmem:s30+$0xFFFFFC40]  }
0x4df: {  	v10 =	vadd.s32 v21, v1;
	v9 =	vld [tilespmem:s30+$0xFFFFF840];
	[tilespmem:v3+s22+$0x0] =	vst.idx.msk $0xffff, v2  }
0x4e0: {  	[tilespmem:v6+s22+$0x0] =	vst.idx.msk $0xffff, v5;
	v3 =	vadd.s32 v39, v44;
	v2 =	vld [tilespmem:s1+$0xFFFFFDA0]  }
0x4e1: {  	v6 =	vadd.s32 v39, v4;
	v5 =	vld [tilespmem:s1+$0xFFFFF9A0];
	_ =	sdelay $0x1  }
0x4e2: {  	[tilespmem:v8+s22+$0x0] =	vst.idx.msk $0xffff, v7  }
0x4e3: {  	[tilespmem:v10+s22+$0x0] =	vst.idx.msk $0xffff, v9;
	v8 =	vor.u32 v32, v0;
	v7 =	vld [tilespmem:s30+$0xFFFFFC50]  }
0x4e4: {  	v10 =	vor.u32 v32, v1;
	v9 =	vld [tilespmem:s30+$0xFFFFF850];
	[tilespmem:v3+s22+$0x0] =	vst.idx.msk $0xffff, v2  }
0x4e5: {  	[tilespmem:v6+s22+$0x0] =	vst.idx.msk $0xffff, v5;
	v3 =	vadd.s32 v30, v44;
	v2 =	vld [tilespmem:s1+$0xFFFFFDB0]  }
0x4e6: {  	v6 =	vadd.s32 v30, v4;
	v5 =	vld [tilespmem:s1+$0xFFFFF9B0];
	_ =	sdelay $0x1  }
0x4e7: {  	[tilespmem:v8+s22+$0x0] =	vst.idx.msk $0xffff, v7  }
0x4e8: {  	[tilespmem:v10+s22+$0x0] =	vst.idx.msk $0xffff, v9;
	v8 =	vadd.s32 v40, v0;
	v7 =	vld [tilespmem:s30+$0xFFFFFC60]  }
0x4e9: {  	v10 =	vadd.s32 v40, v1;
	v9 =	vld [tilespmem:s30+$0xFFFFF860];
	[tilespmem:v3+s22+$0x0] =	vst.idx.msk $0xffff, v2  }
0x4ea: {  	[tilespmem:v6+s22+$0x0] =	vst.idx.msk $0xffff, v5;
	v3 =	vadd.s32 v58, v44;
	v2 =	vld [tilespmem:s1+$0xFFFFFDC0]  }
0x4eb: {  	v6 =	vadd.s32 v58, v4;
	v5 =	vld [tilespmem:s1+$0xFFFFF9C0];
	_ =	sdelay $0x1  }
0x4ec: {  	[tilespmem:v8+s22+$0x0] =	vst.idx.msk $0xffff, v7  }
0x4ed: {  	[tilespmem:v10+s22+$0x0] =	vst.idx.msk $0xffff, v9;
	v8 =	vadd.s32 v38, v0;
	v7 =	vld [tilespmem:s30+$0xFFFFFC70]  }
0x4ee: {  	v10 =	vadd.s32 v38, v1;
	v9 =	vld [tilespmem:s30+$0xFFFFF870];
	[tilespmem:v3+s22+$0x0] =	vst.idx.msk $0xffff, v2  }
0x4ef: {  	[tilespmem:v6+s22+$0x0] =	vst.idx.msk $0xffff, v5;
	v3 =	vor.u32 v28, v44;
	v2 =	vld [tilespmem:s1+$0xFFFFFDD0]  }
0x4f0: {  	v6 =	vor.u32 v28, v4;
	v5 =	vld [tilespmem:s1+$0xFFFFF9D0];
	_ =	sdelay $0x1  }
0x4f1: {  	[tilespmem:v8+s22+$0x0] =	vst.idx.msk $0xffff, v7  }
0x4f2: {  	[tilespmem:v10+s22+$0x0] =	vst.idx.msk $0xffff, v9;
	v8 =	vadd.s32 v45, v0;
	v7 =	vld [tilespmem:s30+$0xFFFFFC80]  }
0x4f3: {  	v10 =	vadd.s32 v45, v1;
	v9 =	vld [tilespmem:s30+$0xFFFFF880];
	[tilespmem:v3+s22+$0x0] =	vst.idx.msk $0xffff, v2  }
0x4f4: {  	[tilespmem:v6+s22+$0x0] =	vst.idx.msk $0xffff, v5;
	v3 =	vadd.s32 v54, v44;
	v2 =	vld [tilespmem:s1+$0xFFFFFDE0]  }
0x4f5: {  	v6 =	vadd.s32 v54, v4;
	v5 =	vld [tilespmem:s1+$0xFFFFF9E0];
	_ =	sdelay $0x1  }
0x4f6: {  	[tilespmem:v8+s22+$0x0] =	vst.idx.msk $0xffff, v7  }
0x4f7: {  	[tilespmem:v10+s22+$0x0] =	vst.idx.msk $0xffff, v9;
	v8 =	vor.u32 v47, v0;
	v7 =	vld [tilespmem:s30+$0xFFFFFC90]  }
0x4f8: {  	v10 =	vor.u32 v47, v1;
	v9 =	vld [tilespmem:s30+$0xFFFFF890];
	[tilespmem:v3+s22+$0x0] =	vst.idx.msk $0xffff, v2  }
0x4f9: {  	[tilespmem:v6+s22+$0x0] =	vst.idx.msk $0xffff, v5;
	v3 =	vadd.s32 v29, v44;
	v2 =	vld [tilespmem:s1+$0xFFFFFDF0]  }
0x4fa: {  	v6 =	vadd.s32 v29, v4;
	v5 =	vld [tilespmem:s1+$0xFFFFF9F0];
	_ =	sdelay $0x1  }
0x4fb: {  	[tilespmem:v8+s22+$0x0] =	vst.idx.msk $0xffff, v7  }
0x4fc: {  	[tilespmem:v10+s22+$0x0] =	vst.idx.msk $0xffff, v9;
	v8 =	vadd.s32 v48, v0;
	v7 =	vld [tilespmem:s30+$0xFFFFFCA0]  }
0x4fd: {  	v10 =	vadd.s32 v48, v1;
	v9 =	vld [tilespmem:s30+$0xFFFFF8A0];
	[tilespmem:v3+s22+$0x0] =	vst.idx.msk $0xffff, v2  }
0x4fe: {  	[tilespmem:v6+s22+$0x0] =	vst.idx.msk $0xffff, v5;
	v3 =	vadd.s32 v60, v44;
	v2 =	vld [tilespmem:s1+$0xFFFFFE00]  }
0x4ff: {  	v6 =	vadd.s32 v60, v4;
	v5 =	vld [tilespmem:s1+$0xFFFFFA00];
	_ =	sdelay $0x1  }
0x500: {  	[tilespmem:v8+s22+$0x0] =	vst.idx.msk $0xffff, v7  }
0x501: {  	[tilespmem:v10+s22+$0x0] =	vst.idx.msk $0xffff, v9;
	v8 =	vadd.s32 v49, v0;
	v7 =	vld [tilespmem:s30+$0xFFFFFCB0]  }
0x502: {  	v10 =	vadd.s32 v49, v1;
	v9 =	vld [tilespmem:s30+$0xFFFFF8B0];
	[tilespmem:v3+s22+$0x0] =	vst.idx.msk $0xffff, v2  }
0x503: {  	[tilespmem:v6+s22+$0x0] =	vst.idx.msk $0xffff, v5;
	v3 =	vor.u32 v41, v44;
	v2 =	vld [tilespmem:s1+$0xFFFFFE10]  }
0x504: {  	v6 =	vor.u32 v41, v4;
	v5 =	vld [tilespmem:s1+$0xFFFFFA10];
	_ =	sdelay $0x1  }
0x505: {  	[tilespmem:v8+s22+$0x0] =	vst.idx.msk $0xffff, v7  }
0x506: {  	[tilespmem:v10+s22+$0x0] =	vst.idx.msk $0xffff, v9  }
0x507: {  	[tilespmem:v3+s22+$0x0] =	vst.idx.msk $0xffff, v2  }
0x508: {  	[tilespmem:v6+s22+$0x0] =	vst.idx.msk $0xffff, v5  }
0x509: {  	v15 =	vmov v36;
	v36 =	vld [tilespmem:$0x1FEF0];
	_ =	sdelay $0x2  }
0x50a: {  	v8 =	vadd.s32 v50, v0;
	v7 =	vld [tilespmem:s30+$0xFFFFFCC0]  }
0x50b: {  	v10 =	vadd.s32 v50, v1;
	v9 =	vld [tilespmem:s30+$0xFFFFF8C0]  }
0x50c: {  	v2 =	vld [tilespmem:s1+$0xFFFFFE20];
	v3 =	vadd.s32 v36, v44  }
0x50d: {  	v5 =	vld [tilespmem:s1+$0xFFFFFA20];
	v6 =	vadd.s32 v36, v4;
	_ =	sdelay $0x1  }
0x50e: {  	[tilespmem:v8+s22+$0x0] =	vst.idx.msk $0xffff, v7  }
0x50f: {  	[tilespmem:v10+s22+$0x0] =	vst.idx.msk $0xffff, v9  }
0x510: {  	[tilespmem:v3+s22+$0x0] =	vst.idx.msk $0xffff, v2  }
0x511: {  	[tilespmem:v6+s22+$0x0] =	vst.idx.msk $0xffff, v5  }
0x512: {  	v53 =	vmov v58;
	v58 =	vld [tilespmem:$0x1FE10];
	_ =	sdelay $0x2  }
0x513: {  	v8 =	vor.u32 v11, v0;
	v7 =	vld [tilespmem:s30+$0xFFFFFCD0]  }
0x514: {  	v10 =	vor.u32 v11, v1;
	v9 =	vld [tilespmem:s30+$0xFFFFF8D0]  }
0x515: {  	v2 =	vld [tilespmem:s1+$0xFFFFFE30];
	v3 =	vadd.s32 v58, v44  }
0x516: {  	v5 =	vld [tilespmem:s1+$0xFFFFFA30];
	v6 =	vadd.s32 v58, v4;
	_ =	sdelay $0x1  }
0x517: {  	[tilespmem:v8+s22+$0x0] =	vst.idx.msk $0xffff, v7  }
0x518: {  	[tilespmem:v10+s22+$0x0] =	vst.idx.msk $0xffff, v9  }
0x519: {  	[tilespmem:v3+s22+$0x0] =	vst.idx.msk $0xffff, v2  }
0x51a: {  	[tilespmem:v6+s22+$0x0] =	vst.idx.msk $0xffff, v5  }
0x51b: {  	v57 =	vld [tilespmem:$0x1FF00];
	_ =	sdelay $0x2  }
0x51c: {  	v8 =	vadd.s32 v12, v0;
	v7 =	vld [tilespmem:s30+$0xFFFFFCE0]  }
0x51d: {  	v10 =	vadd.s32 v12, v1;
	v9 =	vld [tilespmem:s30+$0xFFFFF8E0]  }
0x51e: {  	v2 =	vld [tilespmem:s1+$0xFFFFFE40];
	v3 =	vadd.s32 v57, v44  }
0x51f: {  	v5 =	vld [tilespmem:s1+$0xFFFFFA40];
	v6 =	vadd.s32 v57, v4;
	_ =	sdelay $0x1  }
0x520: {  	[tilespmem:v8+s22+$0x0] =	vst.idx.msk $0xffff, v7  }
0x521: {  	[tilespmem:v10+s22+$0x0] =	vst.idx.msk $0xffff, v9;
	v8 =	vadd.s32 v13, v0;
	v7 =	vld [tilespmem:s30+$0xFFFFFCF0]  }
0x522: {  	v10 =	vadd.s32 v13, v1;
	v9 =	vld [tilespmem:s30+$0xFFFFF8F0];
	[tilespmem:v3+s22+$0x0] =	vst.idx.msk $0xffff, v2  }
0x523: {  	[tilespmem:v6+s22+$0x0] =	vst.idx.msk $0xffff, v5;
	v3 =	vor.u32 v56, v44;
	v2 =	vld [tilespmem:s1+$0xFFFFFE50]  }
0x524: {  	v6 =	vor.u32 v56, v4;
	v5 =	vld [tilespmem:s1+$0xFFFFFA50];
	_ =	sdelay $0x1  }
0x525: {  	[tilespmem:v8+s22+$0x0] =	vst.idx.msk $0xffff, v7  }
0x526: {  	[tilespmem:v10+s22+$0x0] =	vst.idx.msk $0xffff, v9  }
0x527: {  	[tilespmem:v3+s22+$0x0] =	vst.idx.msk $0xffff, v2  }
0x528: {  	[tilespmem:v6+s22+$0x0] =	vst.idx.msk $0xffff, v5  }
0x529: {  	v59 =	vld [tilespmem:$0x1FF20];
	_ =	sdelay $0x2  }
0x52a: {  	v8 =	vadd.s32 v14, v0;
	v7 =	vld [tilespmem:s30+$0xFFFFFD00]  }
0x52b: {  	v10 =	vadd.s32 v14, v1;
	v9 =	vld [tilespmem:s30+$0xFFFFF900]  }
0x52c: {  	v2 =	vld [tilespmem:s1+$0xFFFFFE60];
	v3 =	vadd.s32 v59, v44  }
0x52d: {  	v5 =	vld [tilespmem:s1+$0xFFFFFA60];
	v6 =	vadd.s32 v59, v4;
	_ =	sdelay $0x1  }
0x52e: {  	[tilespmem:v8+s22+$0x0] =	vst.idx.msk $0xffff, v7  }
0x52f: {  	[tilespmem:v10+s22+$0x0] =	vst.idx.msk $0xffff, v9  }
0x530: {  	[tilespmem:v3+s22+$0x0] =	vst.idx.msk $0xffff, v2  }
0x531: {  	[tilespmem:v6+s22+$0x0] =	vst.idx.msk $0xffff, v5  }
0x532: {  	v55 =	vmov v60;
	v60 =	vld [tilespmem:$0x1FE30];
	_ =	sdelay $0x2  }
0x533: {  	v8 =	vor.u32 v33, v0;
	v7 =	vld [tilespmem:s30+$0xFFFFFD10]  }
0x534: {  	v10 =	vor.u32 v33, v1;
	v9 =	vld [tilespmem:s30+$0xFFFFF910]  }
0x535: {  	v2 =	vld [tilespmem:s1+$0xFFFFFE70];
	v3 =	vadd.s32 v60, v44  }
0x536: {  	v5 =	vld [tilespmem:s1+$0xFFFFFA70];
	v6 =	vadd.s32 v60, v4;
	_ =	sdelay $0x1  }
0x537: {  	[tilespmem:v8+s22+$0x0] =	vst.idx.msk $0xffff, v7  }
0x538: {  	[tilespmem:v10+s22+$0x0] =	vst.idx.msk $0xffff, v9  }
0x539: {  	[tilespmem:v3+s22+$0x0] =	vst.idx.msk $0xffff, v2  }
0x53a: {  	[tilespmem:v6+s22+$0x0] =	vst.idx.msk $0xffff, v5  }
0x53b: {  	v61 =	vld [tilespmem:$0x1FF30];
	_ =	sdelay $0x2  }
0x53c: {  	v8 =	vadd.s32 v34, v0;
	v7 =	vld [tilespmem:s30+$0xFFFFFD20]  }
0x53d: {  	v10 =	vadd.s32 v34, v1;
	v9 =	vld [tilespmem:s30+$0xFFFFF920]  }
0x53e: {  	v2 =	vld [tilespmem:s1+$0xFFFFFE80];
	v3 =	vadd.s32 v61, v44  }
0x53f: {  	v5 =	vld [tilespmem:s1+$0xFFFFFA80];
	v6 =	vadd.s32 v61, v4;
	_ =	sdelay $0x1  }
0x540: {  	[tilespmem:v8+s22+$0x0] =	vst.idx.msk $0xffff, v7  }
0x541: {  	[tilespmem:v10+s22+$0x0] =	vst.idx.msk $0xffff, v9  }
0x542: {  	[tilespmem:v3+s22+$0x0] =	vst.idx.msk $0xffff, v2  }
0x543: {  	[tilespmem:v6+s22+$0x0] =	vst.idx.msk $0xffff, v5  }
0x544: {  	v62 =	vld [tilespmem:$0x1FF10];
	_ =	sdelay $0x2  }
0x545: {  	v8 =	vadd.s32 v15, v0;
	v7 =	vld [tilespmem:s30+$0xFFFFFD30]  }
0x546: {  	v10 =	vadd.s32 v15, v1;
	v9 =	vld [tilespmem:s30+$0xFFFFF930]  }
0x547: {  	v2 =	vld [tilespmem:s1+$0xFFFFFE90];
	v3 =	vor.u32 v62, v44  }
0x548: {  	v5 =	vld [tilespmem:s1+$0xFFFFFA90];
	v6 =	vor.u32 v62, v4;
	_ =	sdelay $0x1  }
0x549: {  	[tilespmem:v8+s22+$0x0] =	vst.idx.msk $0xffff, v7  }
0x54a: {  	[tilespmem:v10+s22+$0x0] =	vst.idx.msk $0xffff, v9  }
0x54b: {  	[tilespmem:v3+s22+$0x0] =	vst.idx.msk $0xffff, v2  }
0x54c: {  	[tilespmem:v6+s22+$0x0] =	vst.idx.msk $0xffff, v5  }
0x54d: {  	v6 =	vld [tilespmem:$0x1FFF0]  }
0x54e: {  	v8 =	vadd.s32 v35, v0;
	v7 =	vld [tilespmem:s30+$0xFFFFFD40];
	_ =	sdelay $0x2  }
0x54f: {  	v10 =	vadd.s32 v35, v1;
	v9 =	vld [tilespmem:s30+$0xFFFFF940]  }
0x550: {  	v2 =	vld [tilespmem:s1+$0xFFFFFEA0];
	v3 =	vadd.s32 v6, v44  }
0x551: {  	[tilespmem:v8+s22+$0x0] =	vst.idx.msk $0xffff, v7;
	v5 =	vld [tilespmem:s1+$0xFFFFFAA0];
	v6 =	vadd.s32 v6, v4  }
0x552: {  	v8 =	vor.u32 v16, v0;
	v7 =	vld [tilespmem:s30+$0xFFFFFD50];
	_ =	sdelay $0x1  }
0x553: {  	[tilespmem:v10+s22+$0x0] =	vst.idx.msk $0xffff, v9  }
0x554: {  	v10 =	vor.u32 v16, v1;
	v9 =	vld [tilespmem:s30+$0xFFFFF950];
	[tilespmem:v3+s22+$0x0] =	vst.idx.msk $0xffff, v2  }
0x555: {  	[tilespmem:v6+s22+$0x0] =	vst.idx.msk $0xffff, v5;
	v6 =	vadd.s32 v43, v44;
	v5 =	vld [tilespmem:s1+$0xFFFFFEB0]  }
0x556: {  	[tilespmem:v8+s22+$0x0] =	vst.idx.msk $0xffff, v7;
	v8 =	vadd.s32 v43, v4;
	v7 =	vld [tilespmem:s1+$0xFFFFFAB0];
	_ =	sdelay $0x2  }
0x557: {  	s10 =	simm.s32 $0x5;
	[tilespmem:v10+s22+$0x0] =	vst.idx.msk $0xffff, v9  }
0x558: {  	v51 =	vmov v11;
	s11 =	simm.s32 $0x4;
	v11 =	vmov s10;
	[tilespmem:v6+s22+$0x0] =	vst.idx.msk $0xffff, v5  }
0x559: {  	v2 =	vmov s11;
	v3 =	vmul.u32 $0x600, v11;
	[tilespmem:v8+s22+$0x0] =	vst.idx.msk $0xffff, v7  }
0x55a: {  	v11 =	vmul.u32 $0x600, v2;
	v16 =	vld [tilespmem:$0x1FF40]  }
0x55b: {  	v10 =	vadd.s32 v17, v0;
	v9 =	vld [tilespmem:s30+$0xFFFFFD60];
	v2 =	vbroadcast v3, $0x0  }
0x55c: {  	v52 =	vmov v12;
	s31 =	simm.s32 $0xB3F0;
	v12 =	vadd.s32 v17, v1;
	v3 =	vbroadcast v11, $0x0;
	v11 =	vld [tilespmem:s30+$0xFFFFF960]  }
0x55d: {  	v56 =	vmov v13;
	v13 =	vld [tilespmem:s31+$0xFFFFFC10];
	v14 =	vor.u32 v18, v2  }
0x55e: {  	v5 =	vld [tilespmem:s31+$0xFFFFF810];
	v6 =	vor.u32 v18, v3  }
0x55f: {  	v7 =	vld [tilespmem:s1+$0xFFFFFEC0];
	v8 =	vadd.s32 v16, v44  }
0x560: {  	[tilespmem:v10+s22+$0x0] =	vst.idx.msk $0xffff, v9;
	v9 =	vld [tilespmem:s1+$0xFFFFFAC0];
	v10 =	vadd.s32 v16, v4  }
0x561: {  	[tilespmem:v12+s22+$0x0] =	vst.idx.msk $0xffff, v11  }
0x562: {  	[tilespmem:v14+s22+$0x0] =	vst.idx.msk $0xffff, v13  }
0x563: {  	[tilespmem:v6+s22+$0x0] =	vst.idx.msk $0xffff, v5  }
0x564: {  	[tilespmem:v8+s22+$0x0] =	vst.idx.msk $0xffff, v7  }
0x565: {  	[tilespmem:v10+s22+$0x0] =	vst.idx.msk $0xffff, v9  }
0x566: {  	v16 =	vld [tilespmem:$0x1FD80]  }
0x567: {  	v11 =	vld [tilespmem:s30+$0xFFFFFD70];
	v12 =	vadd.s32 v27, v0  }
0x568: {  	v13 =	vld [tilespmem:s30+$0xFFFFF970];
	v14 =	vadd.s32 v27, v1  }
0x569: {  	v5 =	vld [tilespmem:s31+$0xFFFFFC20];
	v6 =	vadd.s32 v19, v2  }
0x56a: {  	v7 =	vld [tilespmem:s31+$0xFFFFF820];
	v8 =	vadd.s32 v19, v3  }
0x56b: {  	v9 =	vld [tilespmem:s1+$0xFFFFFED0];
	v10 =	vor.u32 v16, v44  }
0x56c: {  	[tilespmem:v12+s22+$0x0] =	vst.idx.msk $0xffff, v11;
	v11 =	vld [tilespmem:s1+$0xFFFFFAD0];
	v12 =	vor.u32 v16, v4  }
0x56d: {  	[tilespmem:v14+s22+$0x0] =	vst.idx.msk $0xffff, v13  }
0x56e: {  	[tilespmem:v6+s22+$0x0] =	vst.idx.msk $0xffff, v5  }
0x56f: {  	[tilespmem:v8+s22+$0x0] =	vst.idx.msk $0xffff, v7  }
0x570: {  	[tilespmem:v10+s22+$0x0] =	vst.idx.msk $0xffff, v9  }
0x571: {  	[tilespmem:v12+s22+$0x0] =	vst.idx.msk $0xffff, v11  }
0x572: {  	v26 =	vld [tilespmem:$0x1FD90]  }
0x573: {  	v14 =	vadd.s32 v37, v0;
	v13 =	vld [tilespmem:s30+$0xFFFFFD80]  }
0x574: {  	v6 =	vadd.s32 v37, v1;
	v5 =	vld [tilespmem:s30+$0xFFFFF980]  }
0x575: {  	v7 =	vld [tilespmem:s31+$0xFFFFFC30];
	v8 =	vadd.s32 v20, v2  }
0x576: {  	v9 =	vld [tilespmem:s31+$0xFFFFF830];
	v10 =	vadd.s32 v20, v3  }
0x577: {  	v11 =	vld [tilespmem:s1+$0xFFFFFEE0];
	v12 =	vadd.s32 v26, v44  }
0x578: {  	[tilespmem:v14+s22+$0x0] =	vst.idx.msk $0xffff, v13;
	v13 =	vld [tilespmem:s1+$0xFFFFFAE0];
	v14 =	vadd.s32 v26, v4  }
0x579: {  	[tilespmem:v6+s22+$0x0] =	vst.idx.msk $0xffff, v5  }
0x57a: {  	[tilespmem:v8+s22+$0x0] =	vst.idx.msk $0xffff, v7  }
0x57b: {  	[tilespmem:v10+s22+$0x0] =	vst.idx.msk $0xffff, v9  }
0x57c: {  	[tilespmem:v12+s22+$0x0] =	vst.idx.msk $0xffff, v11  }
0x57d: {  	[tilespmem:v14+s22+$0x0] =	vst.idx.msk $0xffff, v13  }
0x57e: {  	v27 =	vld [tilespmem:$0x1FC70]  }
0x57f: {  	v6 =	vor.u32 v46, v0;
	v5 =	vld [tilespmem:s30+$0xFFFFFD90]  }
0x580: {  	v8 =	vor.u32 v46, v1;
	v7 =	vld [tilespmem:s30+$0xFFFFF990]  }
0x581: {  	v9 =	vld [tilespmem:s31+$0xFFFFFC40];
	v10 =	vadd.s32 v21, v2  }
0x582: {  	v11 =	vld [tilespmem:s31+$0xFFFFF840];
	v12 =	vadd.s32 v21, v3  }
0x583: {  	v13 =	vld [tilespmem:s1+$0xFFFFFEF0];
	v14 =	vadd.s32 v27, v44  }
0x584: {  	[tilespmem:v6+s22+$0x0] =	vst.idx.msk $0xffff, v5;
	v5 =	vld [tilespmem:s1+$0xFFFFFAF0];
	v6 =	vadd.s32 v27, v4  }
0x585: {  	[tilespmem:v8+s22+$0x0] =	vst.idx.msk $0xffff, v7  }
0x586: {  	[tilespmem:v10+s22+$0x0] =	vst.idx.msk $0xffff, v9  }
0x587: {  	[tilespmem:v12+s22+$0x0] =	vst.idx.msk $0xffff, v11  }
0x588: {  	[tilespmem:v14+s22+$0x0] =	vst.idx.msk $0xffff, v13  }
0x589: {  	[tilespmem:v6+s22+$0x0] =	vst.idx.msk $0xffff, v5  }
0x58a: {  	v63 =	vmov v28;
	v28 =	vld [tilespmem:$0x1FC80]  }
0x58b: {  	v8 =	vadd.s32 v39, v0;
	v7 =	vld [tilespmem:s30+$0xFFFFFDA0]  }
0x58c: {  	v10 =	vadd.s32 v39, v1;
	v9 =	vld [tilespmem:s30+$0xFFFFF9A0]  }
0x58d: {  	v11 =	vld [tilespmem:s31+$0xFFFFFC50];
	v12 =	vor.u32 v32, v2  }
0x58e: {  	v13 =	vld [tilespmem:s31+$0xFFFFF850];
	v14 =	vor.u32 v32, v3  }
0x58f: {  	v5 =	vld [tilespmem:s1+$0xFFFFFF00];
	v6 =	vadd.s32 v28, v44  }
0x590: {  	[tilespmem:v8+s22+$0x0] =	vst.idx.msk $0xffff, v7;
	v7 =	vld [tilespmem:s1+$0xFFFFFB00];
	v8 =	vadd.s32 v28, v4  }
0x591: {  	[tilespmem:v10+s22+$0x0] =	vst.idx.msk $0xffff, v9  }
0x592: {  	[tilespmem:v12+s22+$0x0] =	vst.idx.msk $0xffff, v11  }
0x593: {  	[tilespmem:v14+s22+$0x0] =	vst.idx.msk $0xffff, v13  }
0x594: {  	[tilespmem:v6+s22+$0x0] =	vst.idx.msk $0xffff, v5  }
0x595: {  	[tilespmem:v8+s22+$0x0] =	vst.idx.msk $0xffff, v7  }
0x596: {  	v29 =	vld [tilespmem:$0x1FDA0]  }
0x597: {  	v10 =	vadd.s32 v30, v0;
	v9 =	vld [tilespmem:s30+$0xFFFFFDB0]  }
0x598: {  	v12 =	vadd.s32 v30, v1;
	v11 =	vld [tilespmem:s30+$0xFFFFF9B0]  }
0x599: {  	v13 =	vld [tilespmem:s31+$0xFFFFFC60];
	v14 =	vadd.s32 v40, v2  }
0x59a: {  	v5 =	vld [tilespmem:s31+$0xFFFFF860];
	v6 =	vadd.s32 v40, v3  }
0x59b: {  	v7 =	vld [tilespmem:s1+$0xFFFFFF10];
	v8 =	vor.u32 v29, v44  }
0x59c: {  	[tilespmem:v10+s22+$0x0] =	vst.idx.msk $0xffff, v9;
	v9 =	vld [tilespmem:s1+$0xFFFFFB10];
	v10 =	vor.u32 v29, v4  }
0x59d: {  	[tilespmem:v12+s22+$0x0] =	vst.idx.msk $0xffff, v11  }
0x59e: {  	[tilespmem:v14+s22+$0x0] =	vst.idx.msk $0xffff, v13  }
0x59f: {  	[tilespmem:v6+s22+$0x0] =	vst.idx.msk $0xffff, v5  }
0x5a0: {  	[tilespmem:v8+s22+$0x0] =	vst.idx.msk $0xffff, v7  }
0x5a1: {  	[tilespmem:v10+s22+$0x0] =	vst.idx.msk $0xffff, v9  }
0x5a2: {  	v42 =	vld [tilespmem:$0x1FC90]  }
0x5a3: {  	v12 =	vadd.s32 v53, v0;
	v11 =	vld [tilespmem:s30+$0xFFFFFDC0]  }
0x5a4: {  	v14 =	vadd.s32 v53, v1;
	v13 =	vld [tilespmem:s30+$0xFFFFF9C0]  }
0x5a5: {  	v5 =	vld [tilespmem:s31+$0xFFFFFC70];
	v6 =	vadd.s32 v38, v2  }
0x5a6: {  	v7 =	vld [tilespmem:s31+$0xFFFFF870];
	v8 =	vadd.s32 v38, v3  }
0x5a7: {  	v9 =	vld [tilespmem:s1+$0xFFFFFF20];
	v10 =	vadd.s32 v42, v44  }
0x5a8: {  	[tilespmem:v12+s22+$0x0] =	vst.idx.msk $0xffff, v11;
	v11 =	vld [tilespmem:s1+$0xFFFFFB20];
	v12 =	vadd.s32 v42, v4  }
0x5a9: {  	[tilespmem:v14+s22+$0x0] =	vst.idx.msk $0xffff, v13  }
0x5aa: {  	[tilespmem:v6+s22+$0x0] =	vst.idx.msk $0xffff, v5  }
0x5ab: {  	[tilespmem:v8+s22+$0x0] =	vst.idx.msk $0xffff, v7  }
0x5ac: {  	[tilespmem:v10+s22+$0x0] =	vst.idx.msk $0xffff, v9  }
0x5ad: {  	[tilespmem:v12+s22+$0x0] =	vst.idx.msk $0xffff, v11  }
0x5ae: {  	v30 =	vld [tilespmem:$0x1FDB0]  }
0x5af: {  	v14 =	vor.u32 v63, v0;
	v13 =	vld [tilespmem:s30+$0xFFFFFDD0]  }
0x5b0: {  	v6 =	vor.u32 v63, v1;
	v5 =	vld [tilespmem:s30+$0xFFFFF9D0]  }
0x5b1: {  	v7 =	vld [tilespmem:s31+$0xFFFFFC80];
	v8 =	vadd.s32 v45, v2  }
0x5b2: {  	v9 =	vld [tilespmem:s31+$0xFFFFF880];
	v10 =	vadd.s32 v45, v3  }
0x5b3: {  	v11 =	vld [tilespmem:s1+$0xFFFFFF30];
	v12 =	vadd.s32 v30, v44  }
0x5b4: {  	[tilespmem:v14+s22+$0x0] =	vst.idx.msk $0xffff, v13;
	v13 =	vld [tilespmem:s1+$0xFFFFFB30];
	v14 =	vadd.s32 v30, v4  }
0x5b5: {  	[tilespmem:v6+s22+$0x0] =	vst.idx.msk $0xffff, v5  }
0x5b6: {  	[tilespmem:v8+s22+$0x0] =	vst.idx.msk $0xffff, v7  }
0x5b7: {  	[tilespmem:v10+s22+$0x0] =	vst.idx.msk $0xffff, v9  }
0x5b8: {  	[tilespmem:v12+s22+$0x0] =	vst.idx.msk $0xffff, v11  }
0x5b9: {  	[tilespmem:v14+s22+$0x0] =	vst.idx.msk $0xffff, v13  }
0x5ba: {  	v32 =	vld [tilespmem:$0x1FCA0]  }
0x5bb: {  	v6 =	vadd.s32 v54, v0;
	v5 =	vld [tilespmem:s30+$0xFFFFFDE0]  }
0x5bc: {  	v8 =	vadd.s32 v54, v1;
	v7 =	vld [tilespmem:s30+$0xFFFFF9E0]  }
0x5bd: {  	v9 =	vld [tilespmem:s31+$0xFFFFFC90];
	v10 =	vor.u32 v47, v2  }
0x5be: {  	v11 =	vld [tilespmem:s31+$0xFFFFF890];
	v12 =	vor.u32 v47, v3  }
0x5bf: {  	v13 =	vld [tilespmem:s1+$0xFFFFFF40];
	v14 =	vadd.s32 v32, v44  }
0x5c0: {  	[tilespmem:v6+s22+$0x0] =	vst.idx.msk $0xffff, v5;
	v5 =	vld [tilespmem:s1+$0xFFFFFB40];
	v6 =	vadd.s32 v32, v4  }
0x5c1: {  	[tilespmem:v8+s22+$0x0] =	vst.idx.msk $0xffff, v7  }
0x5c2: {  	v26 =	vld [tilespmem:$0x1FDF0];
	[tilespmem:v10+s22+$0x0] =	vst.idx.msk $0xffff, v9  }
0x5c3: {  	[tilespmem:v12+s22+$0x0] =	vst.idx.msk $0xffff, v11  }
0x5c4: {  	[tilespmem:v14+s22+$0x0] =	vst.idx.msk $0xffff, v13  }
0x5c5: {  	[tilespmem:v6+s22+$0x0] =	vst.idx.msk $0xffff, v5  }
0x5c6: {  	v53 =	vmov v33;
	v33 =	vld [tilespmem:$0x1FCB0]  }
0x5c7: {  	v7 =	vld [tilespmem:s30+$0xFFFFFDF0];
	v8 =	vadd.s32 v26, v0  }
0x5c8: {  	v9 =	vld [tilespmem:s30+$0xFFFFF9F0];
	v10 =	vadd.s32 v26, v1  }
0x5c9: {  	v11 =	vld [tilespmem:s31+$0xFFFFFCA0];
	v12 =	vadd.s32 v48, v2  }
0x5ca: {  	v16 =	vmov v44;
	v13 =	vld [tilespmem:s31+$0xFFFFF8A0];
	v14 =	vadd.s32 v48, v3  }
0x5cb: {  	v5 =	vld [tilespmem:s1+$0xFFFFFF50];
	v6 =	vor.u32 v33, v16  }
0x5cc: {  	[tilespmem:v8+s22+$0x0] =	vst.idx.msk $0xffff, v7;
	v7 =	vld [tilespmem:s1+$0xFFFFFB50];
	v8 =	vor.u32 v33, v4  }
0x5cd: {  	[tilespmem:v10+s22+$0x0] =	vst.idx.msk $0xffff, v9  }
0x5ce: {  	[tilespmem:v12+s22+$0x0] =	vst.idx.msk $0xffff, v11  }
0x5cf: {  	[tilespmem:v14+s22+$0x0] =	vst.idx.msk $0xffff, v13  }
0x5d0: {  	[tilespmem:v6+s22+$0x0] =	vst.idx.msk $0xffff, v5  }
0x5d1: {  	[tilespmem:v8+s22+$0x0] =	vst.idx.msk $0xffff, v7  }
0x5d2: {  	v54 =	vmov v34;
	v34 =	vld [tilespmem:$0x1FCC0]  }
0x5d3: {  	v10 =	vadd.s32 v55, v0;
	v9 =	vld [tilespmem:s30+$0xFFFFFE00]  }
0x5d4: {  	v12 =	vadd.s32 v55, v1;
	v11 =	vld [tilespmem:s30+$0xFFFFFA00]  }
0x5d5: {  	v13 =	vld [tilespmem:s31+$0xFFFFFCB0];
	v14 =	vadd.s32 v49, v2  }
0x5d6: {  	v5 =	vld [tilespmem:s31+$0xFFFFF8B0];
	v6 =	vadd.s32 v49, v3  }
0x5d7: {  	v7 =	vld [tilespmem:s1+$0xFFFFFF60];
	v8 =	vadd.s32 v34, v16  }
0x5d8: {  	[tilespmem:v10+s22+$0x0] =	vst.idx.msk $0xffff, v9;
	v9 =	vld [tilespmem:s1+$0xFFFFFB60];
	v10 =	vadd.s32 v34, v4  }
0x5d9: {  	[tilespmem:v12+s22+$0x0] =	vst.idx.msk $0xffff, v11  }
0x5da: {  	[tilespmem:v14+s22+$0x0] =	vst.idx.msk $0xffff, v13  }
0x5db: {  	[tilespmem:v6+s22+$0x0] =	vst.idx.msk $0xffff, v5  }
0x5dc: {  	[tilespmem:v8+s22+$0x0] =	vst.idx.msk $0xffff, v7  }
0x5dd: {  	[tilespmem:v10+s22+$0x0] =	vst.idx.msk $0xffff, v9  }
0x5de: {  	v35 =	vld [tilespmem:$0x1FCD0]  }
0x5df: {  	v12 =	vor.u32 v41, v0;
	v11 =	vld [tilespmem:s30+$0xFFFFFE10]  }
0x5e0: {  	v14 =	vor.u32 v41, v1;
	v13 =	vld [tilespmem:s30+$0xFFFFFA10]  }
0x5e1: {  	v5 =	vld [tilespmem:s31+$0xFFFFFCC0];
	v6 =	vadd.s32 v50, v2  }
0x5e2: {  	v7 =	vld [tilespmem:s31+$0xFFFFF8C0];
	v8 =	vadd.s32 v50, v3  }
0x5e3: {  	v9 =	vld [tilespmem:s1+$0xFFFFFF70];
	v10 =	vadd.s32 v35, v16  }
0x5e4: {  	[tilespmem:v12+s22+$0x0] =	vst.idx.msk $0xffff, v11;
	v11 =	vld [tilespmem:s1+$0xFFFFFB70];
	v12 =	vadd.s32 v35, v4  }
0x5e5: {  	[tilespmem:v14+s22+$0x0] =	vst.idx.msk $0xffff, v13  }
0x5e6: {  	[tilespmem:v6+s22+$0x0] =	vst.idx.msk $0xffff, v5  }
0x5e7: {  	[tilespmem:v8+s22+$0x0] =	vst.idx.msk $0xffff, v7  }
0x5e8: {  	[tilespmem:v10+s22+$0x0] =	vst.idx.msk $0xffff, v9  }
0x5e9: {  	[tilespmem:v12+s22+$0x0] =	vst.idx.msk $0xffff, v11  }
0x5ea: {  	v14 =	vadd.s32 v36, v0;
	v6 =	vadd.s32 v36, v1;
	v36 =	vld [tilespmem:$0x1FCE0]  }
0x5eb: {  	v13 =	vld [tilespmem:s30+$0xFFFFFE20]  }
0x5ec: {  	v5 =	vld [tilespmem:s30+$0xFFFFFA20]  }
0x5ed: {  	v7 =	vld [tilespmem:s31+$0xFFFFFCD0];
	v8 =	vor.u32 v51, v2  }
0x5ee: {  	v9 =	vld [tilespmem:s31+$0xFFFFF8D0];
	v10 =	vor.u32 v51, v3  }
0x5ef: {  	v11 =	vld [tilespmem:s1+$0xFFFFFF80];
	v12 =	vadd.s32 v36, v16  }
0x5f0: {  	[tilespmem:v14+s22+$0x0] =	vst.idx.msk $0xffff, v13;
	v13 =	vld [tilespmem:s1+$0xFFFFFB80];
	v14 =	vadd.s32 v36, v4  }
0x5f1: {  	[tilespmem:v6+s22+$0x0] =	vst.idx.msk $0xffff, v5  }
0x5f2: {  	[tilespmem:v8+s22+$0x0] =	vst.idx.msk $0xffff, v7  }
0x5f3: {  	[tilespmem:v10+s22+$0x0] =	vst.idx.msk $0xffff, v9  }
0x5f4: {  	[tilespmem:v12+s22+$0x0] =	vst.idx.msk $0xffff, v11  }
0x5f5: {  	[tilespmem:v14+s22+$0x0] =	vst.idx.msk $0xffff, v13  }
0x5f6: {  	v37 =	vld [tilespmem:$0x1FCF0]  }
0x5f7: {  	v6 =	vadd.s32 v58, v0;
	v5 =	vld [tilespmem:s30+$0xFFFFFE30]  }
0x5f8: {  	v8 =	vadd.s32 v58, v1;
	v7 =	vld [tilespmem:s30+$0xFFFFFA30]  }
0x5f9: {  	v9 =	vld [tilespmem:s31+$0xFFFFFCE0];
	v10 =	vadd.s32 v52, v2  }
0x5fa: {  	v11 =	vld [tilespmem:s31+$0xFFFFF8E0];
	v12 =	vadd.s32 v52, v3  }
0x5fb: {  	v13 =	vld [tilespmem:s1+$0xFFFFFF90];
	v14 =	vor.u32 v37, v16  }
0x5fc: {  	[tilespmem:v6+s22+$0x0] =	vst.idx.msk $0xffff, v5;
	v5 =	vld [tilespmem:s1+$0xFFFFFB90];
	v6 =	vor.u32 v37, v4  }
0x5fd: {  	[tilespmem:v8+s22+$0x0] =	vst.idx.msk $0xffff, v7  }
0x5fe: {  	[tilespmem:v10+s22+$0x0] =	vst.idx.msk $0xffff, v9  }
0x5ff: {  	[tilespmem:v12+s22+$0x0] =	vst.idx.msk $0xffff, v11  }
0x600: {  	v8 =	vadd.s32 v57, v0;
	v7 =	vld [tilespmem:s30+$0xFFFFFE40];
	[tilespmem:v14+s22+$0x0] =	vst.idx.msk $0xffff, v13  }
0x601: {  	v10 =	vadd.s32 v57, v1;
	v9 =	vld [tilespmem:s30+$0xFFFFFA40];
	[tilespmem:v6+s22+$0x0] =	vst.idx.msk $0xffff, v5  }
0x602: {  	v26 =	vld [tilespmem:$0x1FD00];
	_ =	sdelay $0x1  }
0x603: {  	v11 =	vld [tilespmem:s31+$0xFFFFFCF0]  }
0x604: {  	v12 =	vadd.s32 v56, v2;
	v13 =	vld [tilespmem:s31+$0xFFFFF8F0];
	[tilespmem:v8+s22+$0x0] =	vst.idx.msk $0xffff, v7  }
0x605: {  	v14 =	vadd.s32 v56, v3;
	v5 =	vld [tilespmem:s1+$0xFFFFFFA0];
	[tilespmem:v10+s22+$0x0] =	vst.idx.msk $0xffff, v9  }
0x606: {  	v28 =	vmov v16;
	v6 =	vadd.s32 v26, v16;
	v16 =	vld [tilespmem:$0x1FE20]  }
0x607: {  	v7 =	vld [tilespmem:s1+$0xFFFFFBA0];
	v8 =	vadd.s32 v26, v4;
	_ =	sdelay $0x1  }
0x608: {  	[tilespmem:v12+s22+$0x0] =	vst.idx.msk $0xffff, v11  }
0x609: {  	[tilespmem:v14+s22+$0x0] =	vst.idx.msk $0xffff, v13  }
0x60a: {  	v10 =	vor.u32 v16, v0;
	v12 =	vor.u32 v16, v1;
	v16 =	vld [tilespmem:$0x1FEA0];
	[tilespmem:v6+s22+$0x0] =	vst.idx.msk $0xffff, v5  }
0x60b: {  	[tilespmem:v8+s22+$0x0] =	vst.idx.msk $0xffff, v7  }
0x60c: {  	v38 =	vld [tilespmem:$0x1FD10]  }
0x60d: {  	v9 =	vld [tilespmem:s30+$0xFFFFFE50]  }
0x60e: {  	v11 =	vld [tilespmem:s30+$0xFFFFFA50]  }
0x60f: {  	v13 =	vld [tilespmem:s31+$0xFFFFFD00];
	v14 =	vadd.s32 v16, v2  }
0x610: {  	v5 =	vld [tilespmem:s31+$0xFFFFF900];
	v6 =	vadd.s32 v16, v3  }
0x611: {  	v7 =	vld [tilespmem:s1+$0xFFFFFFB0];
	v8 =	vadd.s32 v38, v28  }
0x612: {  	[tilespmem:v10+s22+$0x0] =	vst.idx.msk $0xffff, v9;
	v9 =	vld [tilespmem:s1+$0xFFFFFBB0];
	v10 =	vadd.s32 v38, v4  }
0x613: {  	[tilespmem:v12+s22+$0x0] =	vst.idx.msk $0xffff, v11  }
0x614: {  	[tilespmem:v14+s22+$0x0] =	vst.idx.msk $0xffff, v13  }
0x615: {  	[tilespmem:v6+s22+$0x0] =	vst.idx.msk $0xffff, v5  }
0x616: {  	[tilespmem:v8+s22+$0x0] =	vst.idx.msk $0xffff, v7  }
0x617: {  	[tilespmem:v10+s22+$0x0] =	vst.idx.msk $0xffff, v9  }
0x618: {  	v39 =	vld [tilespmem:$0x1FD20]  }
0x619: {  	v12 =	vadd.s32 v59, v0;
	v11 =	vld [tilespmem:s30+$0xFFFFFE60]  }
0x61a: {  	v13 =	vld [tilespmem:s30+$0xFFFFFA60];
	v14 =	vadd.s32 v59, v1  }
0x61b: {  	v6 =	vor.u32 v53, v2;
	v5 =	vld [tilespmem:s31+$0xFFFFFD10]  }
0x61c: {  	v7 =	vld [tilespmem:s31+$0xFFFFF910];
	v8 =	vor.u32 v53, v3  }
0x61d: {  	v9 =	vld [tilespmem:s1+$0xFFFFFFC0];
	v10 =	vadd.s32 v39, v28  }
0x61e: {  	[tilespmem:v12+s22+$0x0] =	vst.idx.msk $0xffff, v11;
	v11 =	vld [tilespmem:s1+$0xFFFFFBC0];
	v12 =	vadd.s32 v39, v4  }
0x61f: {  	[tilespmem:v14+s22+$0x0] =	vst.idx.msk $0xffff, v13  }
0x620: {  	[tilespmem:v6+s22+$0x0] =	vst.idx.msk $0xffff, v5  }
0x621: {  	[tilespmem:v8+s22+$0x0] =	vst.idx.msk $0xffff, v7  }
0x622: {  	[tilespmem:v10+s22+$0x0] =	vst.idx.msk $0xffff, v9  }
0x623: {  	[tilespmem:v12+s22+$0x0] =	vst.idx.msk $0xffff, v11  }
0x624: {  	v27 =	vld [tilespmem:$0x1FD30]  }
0x625: {  	v13 =	vld [tilespmem:s30+$0xFFFFFE70];
	v14 =	vadd.s32 v60, v0  }
0x626: {  	v5 =	vld [tilespmem:s30+$0xFFFFFA70];
	v6 =	vadd.s32 v60, v1  }
0x627: {  	v8 =	vadd.s32 v54, v2;
	v7 =	vld [tilespmem:s31+$0xFFFFFD20]  }
0x628: {  	v9 =	vld [tilespmem:s31+$0xFFFFF920];
	v10 =	vadd.s32 v54, v3  }
0x629: {  	v11 =	vld [tilespmem:s1+$0xFFFFFFD0];
	v12 =	vor.u32 v27, v28  }
0x62a: {  	[tilespmem:v14+s22+$0x0] =	vst.idx.msk $0xffff, v13;
	v13 =	vld [tilespmem:s1+$0xFFFFFBD0];
	v14 =	vor.u32 v27, v4  }
0x62b: {  	[tilespmem:v6+s22+$0x0] =	vst.idx.msk $0xffff, v5  }
0x62c: {  	v6 =	vadd.s32 v61, v0;
	[tilespmem:v8+s22+$0x0] =	vst.idx.msk $0xffff, v7;
	v5 =	vld [tilespmem:s30+$0xFFFFFE80]  }
0x62d: {  	v8 =	vadd.s32 v61, v1;
	v7 =	vld [tilespmem:s30+$0xFFFFFA80];
	[tilespmem:v10+s22+$0x0] =	vst.idx.msk $0xffff, v9  }
0x62e: {  	v9 =	vld [tilespmem:s31+$0xFFFFFD30];
	v10 =	vadd.s32 v15, v2;
	[tilespmem:v12+s22+$0x0] =	vst.idx.msk $0xffff, v11  }
0x62f: {  	v16 =	vmov v28;
	v11 =	vld [tilespmem:s31+$0xFFFFF930];
	v12 =	vadd.s32 v15, v3;
	[tilespmem:v14+s22+$0x0] =	vst.idx.msk $0xffff, v13  }
0x630: {  	v13 =	vld [tilespmem:s1+$0xFFFFFFE0];
	[tilespmem:$0x1FBF0] =	vst v16  }
0x631: {  	v28 =	vld [tilespmem:$0x1FD40];
	[tilespmem:v6+s22+$0x0] =	vst.idx.msk $0xffff, v5  }
0x632: {  	[tilespmem:v8+s22+$0x0] =	vst.idx.msk $0xffff, v7  }
0x633: {  	[tilespmem:v10+s22+$0x0] =	vst.idx.msk $0xffff, v9  }
0x634: {  	[tilespmem:v12+s22+$0x0] =	vst.idx.msk $0xffff, v11  }
0x635: {  	v63 =	vld [tilespmem:$0x1FEE0]  }
0x636: {  	v14 =	vadd.s32 v28, v16  }
0x637: {  	v5 =	vld [tilespmem:s1+$0xFFFFFBE0];
	v6 =	vadd.s32 v28, v4  }
0x638: {  	v8 =	vor.u32 v62, v0;
	v7 =	vld [tilespmem:s30+$0xFFFFFE90]  }
0x639: {  	v10 =	vor.u32 v62, v1;
	v9 =	vld [tilespmem:s30+$0xFFFFFA90]  }
0x63a: {  	v11 =	vld [tilespmem:s31+$0xFFFFFD40];
	v12 =	vadd.s32 v63, v2  }
0x63b: {  	[tilespmem:v14+s22+$0x0] =	vst.idx.msk $0xffff, v13  }
0x63c: {  	v13 =	vld [tilespmem:s31+$0xFFFFF940];
	[tilespmem:v6+s22+$0x0] =	vst.idx.msk $0xffff, v5  }
0x63d: {  	v30 =	vmov v40;
	v40 =	vld [tilespmem:$0x1FD50];
	[tilespmem:v8+s22+$0x0] =	vst.idx.msk $0xffff, v7  }
0x63e: {  	v5 =	vld [tilespmem:s1+$0xFFFFFFF0];
	[tilespmem:v10+s22+$0x0] =	vst.idx.msk $0xffff, v9  }
0x63f: {  	v7 =	vld [tilespmem:s1+$0xFFFFFBF0];
	[tilespmem:v12+s22+$0x0] =	vst.idx.msk $0xffff, v11  }
0x640: {  	v29 =	vmov v16;
	v46 =	vld [tilespmem:$0x1FF50]  }
0x641: {  	v16 =	vadd.s32 v63, v3;
	v41 =	vld [tilespmem:$0x1FF70]  }
0x642: {  	v6 =	vadd.s32 v40, v29;
	v44 =	vld [tilespmem:$0x1FFE0]  }
0x643: {  	v53 =	vmov v55;
	v29 =	vmov v17;
	v17 =	vadd.s32 v40, v4;
	v55 =	vld [tilespmem:$0x1FEF0]  }
0x644: {  	v58 =	vld [tilespmem:$0x1FE20]  }
0x645: {  	v63 =	vld [tilespmem:$0x1FFF0]  }
0x646: {  	v54 =	vld [tilespmem:$0x1FF40];
	[tilespmem:v16+s22+$0x0] =	vst.idx.msk $0xffff, v13  }
0x647: {  	[tilespmem:v6+s22+$0x0] =	vst.idx.msk $0xffff, v5  }
0x648: {  	[tilespmem:v17+s22+$0x0] =	vst.idx.msk $0xffff, v7  }
0x649: {  	v17 =	vld [tilespmem:$0x1FD60]  }
0x64a: {  	v5 =	vld [tilespmem:$0x1FBF0]  }
0x64b: {  	v14 =	vld [tilespmem:s30+$0xFFFFFEA0]  }
0x64c: {  	v11 =	vld [tilespmem:s30+$0xFFFFFAA0];
	v15 =	vadd.s32 v63, v0  }
0x64d: {  	v8 =	vld [tilespmem:s31+$0xFFFFFD50];
	v13 =	vadd.s32 v63, v1  }
0x64e: {  	v12 =	vor.u32 v31, v2;
	v6 =	vld [tilespmem:s31+$0xFFFFF950]  }
0x64f: {  	s0 =	simm.s32 $0x6;
	s10 =	simm.s32 $0x8;
	s11 =	simm.s32 $0x7;
	v10 =	vor.u32 v31, v3;
	v7 =	vld [tilespmem:s1+$0x0];
	v9 =	vadd.s32 v17, v5  }
.LBB2_7:
0x650: {  	_ = 	snop  }
0x651: {  	v5 =	vmov s11;
	[tilespmem:v15+s22+$0x0] =	vst.idx.msk $0xffff, v14;
	v14 =	vld [tilespmem:s1+$0xFFFFFC00];
	v15 =	vadd.s32 v17, v4;
	s1 =	smov.u32 s30  }
0x652: {  	v4 =	vmovc v1;
	v1 =	vmovc v3;
	v3 =	vmov s0;
	v5 =	vmul.u32 $0x600, v5;
	[tilespmem:v13+s22+$0x0] =	vst.idx.msk $0xffff, v11;
	v11 =	vld [tilespmem:s1+$0xFFFFFEB0];
	v13 =	vadd.s32 v43, v0  }
0x653: {  	v3 =	vmul.u32 $0x600, v3;
	[tilespmem:v12+s22+$0x0] =	vst.idx.msk $0xffff, v8;
	v12 =	vadd.s32 v43, v4;
	v8 =	vld [tilespmem:s1+$0xFFFFFAB0]  }
0x654: {  	s30 =	smov.u32 s31;
	v5 =	vbroadcast v5, $0x0;
	[tilespmem:v10+s22+$0x0] =	vst.idx.msk $0xffff, v6;
	v6 =	vld [tilespmem:s31+$0xFFFFFD60];
	v10 =	vadd.s32 v29, v2  }
0x655: {  	v17 =	vadd.s32 v29, v1;
	v3 =	vbroadcast v3, $0x0;
	s31 =	sadd.s32 $0x800, s31;
	[tilespmem:v9+s22+$0x0] =	vst.idx.msk $0xffff, v7;
	v16 =	vld [tilespmem:s30+$0xFFFFF960]  }
0x656: {  	v7 =	vld [tilespmem:s31+$0xFFFFFC10];
	v9 =	vor.u32 v18, v5;
	[tilespmem:v15+s22+$0x0] =	vst.idx.msk $0xffff, v14  }
0x657: {  	v15 =	vor.u32 v18, v3;
	v14 =	vld [tilespmem:s31+$0xFFFFF810];
	[tilespmem:v13+s22+$0x0] =	vst.idx.msk $0xffff, v11  }
0x658: {  	v11 =	vadd.s32 v54, v0;
	[tilespmem:v12+s22+$0x0] =	vst.idx.msk $0xffff, v8;
	v8 =	vld [tilespmem:s1+$0xFFFFFEC0]  }
0x659: {  	[tilespmem:v10+s22+$0x0] =	vst.idx.msk $0xffff, v6;
	v6 =	vld [tilespmem:s1+$0xFFFFFAC0]  }
0x65a: {  	v10 =	vadd.s32 v54, v4;
	[tilespmem:v17+s22+$0x0] =	vst.idx.msk $0xffff, v16;
	v12 =	vld [tilespmem:s30+$0xFFFFFD70]  }
0x65b: {  	v13 =	vadd.s32 v44, v2;
	[tilespmem:v9+s22+$0x0] =	vst.idx.msk $0xffff, v7;
	v7 =	vld [tilespmem:s30+$0xFFFFF970]  }
0x65c: {  	[tilespmem:v15+s22+$0x0] =	vst.idx.msk $0xffff, v14;
	v14 =	vld [tilespmem:s31+$0xFFFFFC20]  }
0x65d: {  	[tilespmem:v11+s22+$0x0] =	vst.idx.msk $0xffff, v8;
	v11 =	vld [tilespmem:$0x1FD80]  }
0x65e: {  	v16 =	vld [tilespmem:s31+$0xFFFFF820]  }
0x65f: {  	v9 =	vadd.s32 v44, v1;
	[tilespmem:v10+s22+$0x0] =	vst.idx.msk $0xffff, v6;
	v6 =	vld [tilespmem:s1+$0xFFFFFED0]  }
0x660: {  	v15 =	vadd.s32 v19, v5;
	[tilespmem:v13+s22+$0x0] =	vst.idx.msk $0xffff, v12;
	v13 =	vld [tilespmem:$0x1FE40]  }
0x661: {  	v17 =	vadd.s32 v19, v3  }
0x662: {  	v8 =	vor.u32 v11, v0  }
0x663: {  	v10 =	vld [tilespmem:s1+$0xFFFFFAD0];
	v11 =	vor.u32 v11, v4  }
0x664: {  	[tilespmem:v9+s22+$0x0] =	vst.idx.msk $0xffff, v7;
	v7 =	vld [tilespmem:s30+$0xFFFFFD80]  }
0x665: {  	[tilespmem:v15+s22+$0x0] =	vst.idx.msk $0xffff, v14;
	v12 =	vld [tilespmem:s30+$0xFFFFF980];
	v9 =	vadd.s32 v13, v2  }
0x666: {  	[tilespmem:v17+s22+$0x0] =	vst.idx.msk $0xffff, v16;
	v14 =	vld [tilespmem:s31+$0xFFFFFC30];
	v13 =	vadd.s32 v13, v1  }
0x667: {  	v16 =	vld [tilespmem:s31+$0xFFFFF830];
	[tilespmem:v8+s22+$0x0] =	vst.idx.msk $0xffff, v6  }
0x668: {  	[tilespmem:v11+s22+$0x0] =	vst.idx.msk $0xffff, v10;
	v10 =	vld [tilespmem:$0x1FD90]  }
0x669: {  	v6 =	vld [tilespmem:s1+$0xFFFFFEE0]  }
0x66a: {  	v17 =	vadd.s32 v20, v3;
	[tilespmem:v9+s22+$0x0] =	vst.idx.msk $0xffff, v7;
	v7 =	vld [tilespmem:s1+$0xFFFFFAE0]  }
0x66b: {  	[tilespmem:v13+s22+$0x0] =	vst.idx.msk $0xffff, v12;
	v13 =	vld [tilespmem:$0x1FDC0]  }
0x66c: {  	v15 =	vadd.s32 v20, v5;
	_ =	sdelay $0x1  }
0x66d: {  	v9 =	vadd.s32 v10, v4  }
0x66e: {  	v12 =	vld [tilespmem:s30+$0xFFFFF990];
	[tilespmem:v17+s22+$0x0] =	vst.idx.msk $0xffff, v16;
	v8 =	vadd.s32 v10, v0  }
0x66f: {  	v16 =	vld [tilespmem:s31+$0xFFFFF840];
	v11 =	vor.u32 v13, v2;
	v13 =	vor.u32 v13, v1  }
0x670: {  	v10 =	vld [tilespmem:s30+$0xFFFFFD90];
	[tilespmem:v15+s22+$0x0] =	vst.idx.msk $0xffff, v14  }
0x671: {  	v14 =	vld [tilespmem:s31+$0xFFFFFC40]  }
0x672: {  	[tilespmem:v9+s22+$0x0] =	vst.idx.msk $0xffff, v7;
	v9 =	vld [tilespmem:$0x1FC70]  }
0x673: {  	[tilespmem:v8+s22+$0x0] =	vst.idx.msk $0xffff, v6;
	v8 =	vld [tilespmem:s1+$0xFFFFFAF0]  }
0x674: {  	[tilespmem:v13+s22+$0x0] =	vst.idx.msk $0xffff, v12;
	v13 =	vld [tilespmem:$0x1FE50]  }
0x675: {  	v17 =	vadd.s32 v21, v3;
	_ =	sdelay $0x1  }
0x676: {  	v7 =	vadd.s32 v9, v0;
	v9 =	vadd.s32 v9, v4  }
0x677: {  	v6 =	vld [tilespmem:s1+$0xFFFFFEF0]  }
0x678: {  	[tilespmem:v11+s22+$0x0] =	vst.idx.msk $0xffff, v10;
	v12 =	vld [tilespmem:s30+$0xFFFFF9A0];
	v11 =	vadd.s32 v13, v2;
	v13 =	vadd.s32 v13, v1  }
0x679: {  	v10 =	vld [tilespmem:s30+$0xFFFFFDA0];
	[tilespmem:v17+s22+$0x0] =	vst.idx.msk $0xffff, v16  }
0x67a: {  	v15 =	vadd.s32 v21, v5;
	v16 =	vld [tilespmem:s31+$0xFFFFF850]  }
0x67b: {  	[tilespmem:v9+s22+$0x0] =	vst.idx.msk $0xffff, v8;
	v9 =	vld [tilespmem:$0x1FC80]  }
0x67c: {  	v8 =	vld [tilespmem:s1+$0xFFFFFB00]  }
0x67d: {  	[tilespmem:v13+s22+$0x0] =	vst.idx.msk $0xffff, v12;
	v13 =	vld [tilespmem:$0x1FDD0]  }
0x67e: {  	v17 =	vor.u32 v46, v3  }
0x67f: {  	[tilespmem:v15+s22+$0x0] =	vst.idx.msk $0xffff, v14  }
0x680: {  	v14 =	vld [tilespmem:s31+$0xFFFFFC50];
	[tilespmem:v7+s22+$0x0] =	vst.idx.msk $0xffff, v6;
	v7 =	vadd.s32 v9, v0;
	v9 =	vadd.s32 v9, v4  }
0x681: {  	v6 =	vld [tilespmem:s1+$0xFFFFFF00]  }
0x682: {  	[tilespmem:v11+s22+$0x0] =	vst.idx.msk $0xffff, v10;
	v12 =	vld [tilespmem:s30+$0xFFFFF9B0];
	v11 =	vadd.s32 v13, v2;
	v13 =	vadd.s32 v13, v1  }
0x683: {  	v10 =	vld [tilespmem:s30+$0xFFFFFDB0];
	[tilespmem:v17+s22+$0x0] =	vst.idx.msk $0xffff, v16  }
0x684: {  	v15 =	vor.u32 v46, v5;
	v16 =	vld [tilespmem:s31+$0xFFFFF860]  }
0x685: {  	[tilespmem:v9+s22+$0x0] =	vst.idx.msk $0xffff, v8;
	v9 =	vld [tilespmem:$0x1FDA0]  }
0x686: {  	v8 =	vld [tilespmem:s1+$0xFFFFFB10]  }
0x687: {  	[tilespmem:v13+s22+$0x0] =	vst.idx.msk $0xffff, v12;
	v13 =	vld [tilespmem:$0x1FE60];
	_ =	sdelay $0x1  }
0x688: {  	[tilespmem:v15+s22+$0x0] =	vst.idx.msk $0xffff, v14;
	v17 =	vadd.s32 v30, v3  }
0x689: {  	v14 =	vld [tilespmem:s31+$0xFFFFFC60];
	[tilespmem:v7+s22+$0x0] =	vst.idx.msk $0xffff, v6;
	v7 =	vor.u32 v9, v0;
	v9 =	vor.u32 v9, v4  }
0x68a: {  	v6 =	vld [tilespmem:s1+$0xFFFFFF10]  }
0x68b: {  	[tilespmem:v11+s22+$0x0] =	vst.idx.msk $0xffff, v10;
	v12 =	vld [tilespmem:s30+$0xFFFFF9C0];
	v11 =	vadd.s32 v13, v2;
	v13 =	vadd.s32 v13, v1;
	_ =	sdelay $0x1  }
0x68c: {  	v15 =	vadd.s32 v30, v5;
	v10 =	vld [tilespmem:s30+$0xFFFFFDC0];
	[tilespmem:v17+s22+$0x0] =	vst.idx.msk $0xffff, v16  }
0x68d: {  	v16 =	vld [tilespmem:s31+$0xFFFFF870];
	[tilespmem:v9+s22+$0x0] =	vst.idx.msk $0xffff, v8  }
0x68e: {  	v8 =	vld [tilespmem:s1+$0xFFFFFB20]  }
0x68f: {  	[tilespmem:v13+s22+$0x0] =	vst.idx.msk $0xffff, v12;
	v13 =	vld [tilespmem:$0x1FDE0]  }
0x690: {  	v17 =	vadd.s32 v41, v3  }
0x691: {  	[tilespmem:v15+s22+$0x0] =	vst.idx.msk $0xffff, v14  }
0x692: {  	v14 =	vld [tilespmem:s31+$0xFFFFFC70];
	[tilespmem:v7+s22+$0x0] =	vst.idx.msk $0xffff, v6;
	v9 =	vadd.s32 v42, v4  }
0x693: {  	v6 =	vld [tilespmem:s1+$0xFFFFFF20]  }
0x694: {  	[tilespmem:v11+s22+$0x0] =	vst.idx.msk $0xffff, v10;
	v12 =	vld [tilespmem:s30+$0xFFFFF9D0];
	v11 =	vor.u32 v13, v2;
	v13 =	vor.u32 v13, v1  }
0x695: {  	v10 =	vld [tilespmem:s30+$0xFFFFFDD0];
	[tilespmem:v17+s22+$0x0] =	vst.idx.msk $0xffff, v16  }
0x696: {  	v15 =	vadd.s32 v41, v5;
	v16 =	vld [tilespmem:s31+$0xFFFFF880]  }
0x697: {  	v7 =	vadd.s32 v42, v0;
	[tilespmem:v9+s22+$0x0] =	vst.idx.msk $0xffff, v8;
	v9 =	vld [tilespmem:$0x1FDB0]  }
0x698: {  	v8 =	vld [tilespmem:s1+$0xFFFFFB30]  }
0x699: {  	[tilespmem:v13+s22+$0x0] =	vst.idx.msk $0xffff, v12;
	v13 =	vld [tilespmem:$0x1FE70];
	_ =	sdelay $0x1  }
0x69a: {  	[tilespmem:v15+s22+$0x0] =	vst.idx.msk $0xffff, v14;
	v17 =	vadd.s32 v45, v3  }
0x69b: {  	v14 =	vld [tilespmem:s31+$0xFFFFFC80];
	[tilespmem:v7+s22+$0x0] =	vst.idx.msk $0xffff, v6;
	v7 =	vadd.s32 v9, v0;
	v9 =	vadd.s32 v9, v4  }
0x69c: {  	v6 =	vld [tilespmem:s1+$0xFFFFFF30]  }
0x69d: {  	[tilespmem:v11+s22+$0x0] =	vst.idx.msk $0xffff, v10;
	v12 =	vld [tilespmem:s30+$0xFFFFF9E0];
	v11 =	vadd.s32 v13, v2;
	v13 =	vadd.s32 v13, v1;
	_ =	sdelay $0x1  }
0x69e: {  	v15 =	vadd.s32 v45, v5;
	v10 =	vld [tilespmem:s30+$0xFFFFFDE0];
	[tilespmem:v17+s22+$0x0] =	vst.idx.msk $0xffff, v16  }
0x69f: {  	v16 =	vld [tilespmem:s31+$0xFFFFF890];
	[tilespmem:v9+s22+$0x0] =	vst.idx.msk $0xffff, v8  }
0x6a0: {  	v8 =	vld [tilespmem:s1+$0xFFFFFB40]  }
0x6a1: {  	[tilespmem:v13+s22+$0x0] =	vst.idx.msk $0xffff, v12;
	v13 =	vld [tilespmem:$0x1FDF0];
	_ =	sdelay $0x1  }
0x6a2: {  	[tilespmem:v15+s22+$0x0] =	vst.idx.msk $0xffff, v14;
	v17 =	vor.u32 v47, v3  }
0x6a3: {  	v14 =	vld [tilespmem:s31+$0xFFFFFC90];
	[tilespmem:v7+s22+$0x0] =	vst.idx.msk $0xffff, v6;
	v9 =	vadd.s32 v32, v4  }
0x6a4: {  	v15 =	vor.u32 v47, v5;
	v6 =	vld [tilespmem:s1+$0xFFFFFF40]  }
0x6a5: {  	[tilespmem:v11+s22+$0x0] =	vst.idx.msk $0xffff, v10;
	v12 =	vld [tilespmem:s30+$0xFFFFF9F0];
	v11 =	vadd.s32 v13, v2;
	v13 =	vadd.s32 v13, v1  }
0x6a6: {  	v7 =	vadd.s32 v32, v0  }
0x6a7: {  	v10 =	vld [tilespmem:s30+$0xFFFFFDF0];
	[tilespmem:v17+s22+$0x0] =	vst.idx.msk $0xffff, v16  }
0x6a8: {  	v17 =	vadd.s32 v48, v3;
	v16 =	vld [tilespmem:s31+$0xFFFFF8A0];
	[tilespmem:v9+s22+$0x0] =	vst.idx.msk $0xffff, v8  }
0x6a9: {  	[tilespmem:v15+s22+$0x0] =	vst.idx.msk $0xffff, v14;
	v9 =	vor.u32 v33, v4;
	v8 =	vld [tilespmem:s1+$0xFFFFFB50]  }
0x6aa: {  	v14 =	vld [tilespmem:s31+$0xFFFFFCA0];
	[tilespmem:v13+s22+$0x0] =	vst.idx.msk $0xffff, v12  }
0x6ab: {  	[tilespmem:v7+s22+$0x0] =	vst.idx.msk $0xffff, v6;
	v13 =	vadd.s32 v53, v1;
	v12 =	vld [tilespmem:s30+$0xFFFFFA00]  }
0x6ac: {  	v6 =	vld [tilespmem:s1+$0xFFFFFF50];
	[tilespmem:v11+s22+$0x0] =	vst.idx.msk $0xffff, v10  }
0x6ad: {  	v15 =	vadd.s32 v48, v5;
	v10 =	vld [tilespmem:s30+$0xFFFFFE00];
	[tilespmem:v17+s22+$0x0] =	vst.idx.msk $0xffff, v16  }
0x6ae: {  	v7 =	vor.u32 v33, v0;
	v16 =	vld [tilespmem:s31+$0xFFFFF8B0];
	[tilespmem:v9+s22+$0x0] =	vst.idx.msk $0xffff, v8  }
0x6af: {  	v8 =	vld [tilespmem:s1+$0xFFFFFB60]  }
0x6b0: {  	v11 =	vadd.s32 v53, v2;
	[tilespmem:v13+s22+$0x0] =	vst.idx.msk $0xffff, v12;
	v13 =	vld [tilespmem:$0x1FE00];
	_ =	sdelay $0x1  }
0x6b1: {  	[tilespmem:v15+s22+$0x0] =	vst.idx.msk $0xffff, v14;
	v17 =	vadd.s32 v49, v3  }
0x6b2: {  	v14 =	vld [tilespmem:s31+$0xFFFFFCB0];
	[tilespmem:v7+s22+$0x0] =	vst.idx.msk $0xffff, v6;
	v9 =	vadd.s32 v34, v4  }
0x6b3: {  	v15 =	vadd.s32 v49, v5;
	v6 =	vld [tilespmem:s1+$0xFFFFFF60]  }
0x6b4: {  	[tilespmem:v11+s22+$0x0] =	vst.idx.msk $0xffff, v10;
	v12 =	vld [tilespmem:s30+$0xFFFFFA10];
	v11 =	vor.u32 v13, v2;
	v13 =	vor.u32 v13, v1  }
0x6b5: {  	v7 =	vadd.s32 v34, v0  }
0x6b6: {  	v10 =	vld [tilespmem:s30+$0xFFFFFE10];
	[tilespmem:v17+s22+$0x0] =	vst.idx.msk $0xffff, v16  }
0x6b7: {  	v17 =	vadd.s32 v50, v3;
	v16 =	vld [tilespmem:s31+$0xFFFFF8C0];
	[tilespmem:v9+s22+$0x0] =	vst.idx.msk $0xffff, v8  }
0x6b8: {  	[tilespmem:v15+s22+$0x0] =	vst.idx.msk $0xffff, v14;
	v9 =	vadd.s32 v35, v4;
	v8 =	vld [tilespmem:s1+$0xFFFFFB70]  }
0x6b9: {  	v14 =	vld [tilespmem:s31+$0xFFFFFCC0];
	[tilespmem:v13+s22+$0x0] =	vst.idx.msk $0xffff, v12  }
0x6ba: {  	[tilespmem:v7+s22+$0x0] =	vst.idx.msk $0xffff, v6;
	v13 =	vadd.s32 v55, v1;
	v12 =	vld [tilespmem:s30+$0xFFFFFA20]  }
0x6bb: {  	v6 =	vld [tilespmem:s1+$0xFFFFFF70];
	[tilespmem:v11+s22+$0x0] =	vst.idx.msk $0xffff, v10  }
0x6bc: {  	v15 =	vadd.s32 v50, v5;
	v10 =	vld [tilespmem:s30+$0xFFFFFE20];
	[tilespmem:v17+s22+$0x0] =	vst.idx.msk $0xffff, v16  }
0x6bd: {  	v7 =	vadd.s32 v35, v0;
	v16 =	vld [tilespmem:s31+$0xFFFFF8D0];
	[tilespmem:v9+s22+$0x0] =	vst.idx.msk $0xffff, v8  }
0x6be: {  	v8 =	vld [tilespmem:s1+$0xFFFFFB80]  }
0x6bf: {  	v11 =	vadd.s32 v55, v2;
	[tilespmem:v13+s22+$0x0] =	vst.idx.msk $0xffff, v12;
	v13 =	vld [tilespmem:$0x1FE10]  }
0x6c0: {  	v17 =	vor.u32 v51, v3  }
0x6c1: {  	[tilespmem:v15+s22+$0x0] =	vst.idx.msk $0xffff, v14  }
0x6c2: {  	v15 =	vor.u32 v51, v5;
	v14 =	vld [tilespmem:s31+$0xFFFFFCD0];
	[tilespmem:v7+s22+$0x0] =	vst.idx.msk $0xffff, v6  }
0x6c3: {  	v9 =	vadd.s32 v36, v4;
	v6 =	vld [tilespmem:s1+$0xFFFFFF80]  }
0x6c4: {  	[tilespmem:v11+s22+$0x0] =	vst.idx.msk $0xffff, v10;
	v12 =	vld [tilespmem:s30+$0xFFFFFA30];
	v11 =	vadd.s32 v13, v2;
	v13 =	vadd.s32 v13, v1  }
0x6c5: {  	v7 =	vadd.s32 v36, v0;
	[tilespmem:v17+s22+$0x0] =	vst.idx.msk $0xffff, v16  }
0x6c6: {  	v17 =	vadd.s32 v52, v3;
	v16 =	vld [tilespmem:s31+$0xFFFFF8E0]  }
0x6c7: {  	v10 =	vld [tilespmem:s30+$0xFFFFFE30];
	[tilespmem:v15+s22+$0x0] =	vst.idx.msk $0xffff, v14  }
0x6c8: {  	v15 =	vadd.s32 v52, v5;
	v14 =	vld [tilespmem:s31+$0xFFFFFCE0];
	[tilespmem:v9+s22+$0x0] =	vst.idx.msk $0xffff, v8  }
0x6c9: {  	v9 =	vor.u32 v37, v4;
	v8 =	vld [tilespmem:s1+$0xFFFFFB90];
	[tilespmem:v13+s22+$0x0] =	vst.idx.msk $0xffff, v12  }
0x6ca: {  	[tilespmem:v7+s22+$0x0] =	vst.idx.msk $0xffff, v6;
	v13 =	vadd.s32 v57, v1;
	v12 =	vld [tilespmem:s30+$0xFFFFFA40]  }
0x6cb: {  	v6 =	vld [tilespmem:s1+$0xFFFFFF90];
	[tilespmem:v17+s22+$0x0] =	vst.idx.msk $0xffff, v16  }
0x6cc: {  	[tilespmem:v11+s22+$0x0] =	vst.idx.msk $0xffff, v10;
	v17 =	vadd.s32 v56, v3;
	v16 =	vld [tilespmem:s31+$0xFFFFF8F0]  }
0x6cd: {  	v10 =	vld [tilespmem:s30+$0xFFFFFE40];
	[tilespmem:v15+s22+$0x0] =	vst.idx.msk $0xffff, v14  }
0x6ce: {  	v7 =	vor.u32 v37, v0;
	v14 =	vld [tilespmem:s31+$0xFFFFFCF0];
	[tilespmem:v9+s22+$0x0] =	vst.idx.msk $0xffff, v8  }
0x6cf: {  	v11 =	vadd.s32 v57, v2;
	v8 =	vld [tilespmem:s1+$0xFFFFFBA0];
	[tilespmem:v13+s22+$0x0] =	vst.idx.msk $0xffff, v12  }
0x6d0: {  	v12 =	vld [tilespmem:s30+$0xFFFFFA50]  }
0x6d1: {  	v15 =	vadd.s32 v56, v5;
	[tilespmem:v17+s22+$0x0] =	vst.idx.msk $0xffff, v16;
	v17 =	vld [tilespmem:$0x1FEA0];
	_ =	sdelay $0x1  }
0x6d2: {  	[tilespmem:v7+s22+$0x0] =	vst.idx.msk $0xffff, v6;
	v9 =	vadd.s32 v26, v4  }
0x6d3: {  	v6 =	vld [tilespmem:s1+$0xFFFFFFA0];
	[tilespmem:v11+s22+$0x0] =	vst.idx.msk $0xffff, v10;
	v13 =	vor.u32 v58, v1  }
0x6d4: {  	v10 =	vld [tilespmem:s30+$0xFFFFFE50]  }
0x6d5: {  	[tilespmem:v15+s22+$0x0] =	vst.idx.msk $0xffff, v14;
	v16 =	vld [tilespmem:s31+$0xFFFFF900];
	v15 =	vadd.s32 v17, v5;
	v17 =	vadd.s32 v17, v3;
	_ =	sdelay $0x1  }
0x6d6: {  	v7 =	vadd.s32 v26, v0;
	v14 =	vld [tilespmem:s31+$0xFFFFFD00];
	[tilespmem:v9+s22+$0x0] =	vst.idx.msk $0xffff, v8  }
0x6d7: {  	v11 =	vor.u32 v58, v2;
	v8 =	vld [tilespmem:s1+$0xFFFFFBB0];
	[tilespmem:v13+s22+$0x0] =	vst.idx.msk $0xffff, v12  }
0x6d8: {  	v12 =	vld [tilespmem:s30+$0xFFFFFA60]  }
0x6d9: {  	[tilespmem:v17+s22+$0x0] =	vst.idx.msk $0xffff, v16;
	v17 =	vld [tilespmem:$0x1FEB0];
	_ =	sdelay $0x1  }
0x6da: {  	[tilespmem:v7+s22+$0x0] =	vst.idx.msk $0xffff, v6;
	v9 =	vadd.s32 v38, v4  }
0x6db: {  	v6 =	vld [tilespmem:s1+$0xFFFFFFB0];
	[tilespmem:v11+s22+$0x0] =	vst.idx.msk $0xffff, v10;
	v13 =	vadd.s32 v59, v1  }
0x6dc: {  	v10 =	vld [tilespmem:s30+$0xFFFFFE60]  }
0x6dd: {  	[tilespmem:v15+s22+$0x0] =	vst.idx.msk $0xffff, v14;
	v16 =	vld [tilespmem:s31+$0xFFFFF910];
	v15 =	vor.u32 v17, v5;
	v17 =	vor.u32 v17, v3;
	_ =	sdelay $0x1  }
0x6de: {  	v7 =	vadd.s32 v38, v0;
	v14 =	vld [tilespmem:s31+$0xFFFFFD10];
	[tilespmem:v9+s22+$0x0] =	vst.idx.msk $0xffff, v8  }
0x6df: {  	v11 =	vadd.s32 v59, v2;
	v8 =	vld [tilespmem:s1+$0xFFFFFBC0];
	[tilespmem:v13+s22+$0x0] =	vst.idx.msk $0xffff, v12  }
0x6e0: {  	v12 =	vld [tilespmem:s30+$0xFFFFFA70]  }
0x6e1: {  	[tilespmem:v17+s22+$0x0] =	vst.idx.msk $0xffff, v16;
	v17 =	vld [tilespmem:$0x1FEC0];
	_ =	sdelay $0x1  }
0x6e2: {  	[tilespmem:v7+s22+$0x0] =	vst.idx.msk $0xffff, v6;
	v9 =	vadd.s32 v39, v4  }
0x6e3: {  	v6 =	vld [tilespmem:s1+$0xFFFFFFC0];
	[tilespmem:v11+s22+$0x0] =	vst.idx.msk $0xffff, v10;
	v13 =	vadd.s32 v60, v1  }
0x6e4: {  	v10 =	vld [tilespmem:s30+$0xFFFFFE70]  }
0x6e5: {  	[tilespmem:v15+s22+$0x0] =	vst.idx.msk $0xffff, v14;
	v16 =	vld [tilespmem:s31+$0xFFFFF920];
	v15 =	vadd.s32 v17, v5;
	v17 =	vadd.s32 v17, v3  }
0x6e6: {  	v7 =	vadd.s32 v39, v0  }
0x6e7: {  	v11 =	vadd.s32 v60, v2;
	v14 =	vld [tilespmem:s31+$0xFFFFFD20];
	[tilespmem:v9+s22+$0x0] =	vst.idx.msk $0xffff, v8  }
0x6e8: {  	v8 =	vld [tilespmem:s1+$0xFFFFFBD0];
	[tilespmem:v13+s22+$0x0] =	vst.idx.msk $0xffff, v12  }
0x6e9: {  	v12 =	vld [tilespmem:s30+$0xFFFFFA80]  }
0x6ea: {  	[tilespmem:v17+s22+$0x0] =	vst.idx.msk $0xffff, v16;
	v17 =	vld [tilespmem:$0x1FED0]  }
0x6eb: {  	[tilespmem:v7+s22+$0x0] =	vst.idx.msk $0xffff, v6  }
0x6ec: {  	v7 =	vor.u32 v27, v0;
	v6 =	vld [tilespmem:s1+$0xFFFFFFD0];
	[tilespmem:v11+s22+$0x0] =	vst.idx.msk $0xffff, v10  }
0x6ed: {  	v11 =	vadd.s32 v61, v2;
	v10 =	vld [tilespmem:s30+$0xFFFFFE80]  }
0x6ee: {  	[tilespmem:v15+s22+$0x0] =	vst.idx.msk $0xffff, v14  }
0x6ef: {  	v14 =	vld [tilespmem:s31+$0xFFFFFD30];
	v15 =	vadd.s32 v17, v5  }
0x6f0: {  	v9 =	vor.u32 v27, v4  }
0x6f1: {  	v16 =	vld [tilespmem:s31+$0xFFFFF930];
	[tilespmem:v7+s22+$0x0] =	vst.idx.msk $0xffff, v6  }
0x6f2: {  	v13 =	vadd.s32 v61, v1;
	v6 =	vld [tilespmem:s1+$0xFFFFFFE0];
	[tilespmem:v11+s22+$0x0] =	vst.idx.msk $0xffff, v10  }
0x6f3: {  	v10 =	vld [tilespmem:s30+$0xFFFFFE90]  }
0x6f4: {  	v17 =	vadd.s32 v17, v3;
	[tilespmem:v15+s22+$0x0] =	vst.idx.msk $0xffff, v14;
	v14 =	vld [tilespmem:$0x1FEE0]  }
0x6f5: {  	[tilespmem:v9+s22+$0x0] =	vst.idx.msk $0xffff, v8;
	v7 =	vadd.s32 v28, v0  }
0x6f6: {  	v9 =	vadd.s32 v28, v4;
	v8 =	vld [tilespmem:s1+$0xFFFFFBE0]  }
0x6f7: {  	[tilespmem:v13+s22+$0x0] =	vst.idx.msk $0xffff, v12;
	v11 =	vor.u32 v62, v2  }
0x6f8: {  	v12 =	vld [tilespmem:s30+$0xFFFFFA90]  }
0x6f9: {  	[tilespmem:v17+s22+$0x0] =	vst.idx.msk $0xffff, v16;
	v16 =	vld [tilespmem:s31+$0xFFFFFD40];
	v17 =	vadd.s32 v14, v5  }
0x6fa: {  	v13 =	vor.u32 v62, v1;
	v18 =	vld [tilespmem:s31+$0xFFFFF940];
	[tilespmem:v7+s22+$0x0] =	vst.idx.msk $0xffff, v6  }
0x6fb: {  	[tilespmem:v9+s22+$0x0] =	vst.idx.msk $0xffff, v8;
	v7 =	vld [tilespmem:s1+$0xFFFFFFF0];
	v19 =	vadd.s32 v14, v3  }
0x6fc: {  	v9 =	vadd.s32 v40, v0;
	[tilespmem:v11+s22+$0x0] =	vst.idx.msk $0xffff, v10;
	v20 =	vld [tilespmem:s1+$0xFFFFFBF0]  }
0x6fd: {  	v21 =	vadd.s32 v40, v4;
	v14 =	vld [tilespmem:s30+$0xFFFFFEA0]  }
0x6fe: {  	p0 =	slt.u32 s10, $0x18;
	[tilespmem:v17+s22+$0x0] =	vst.idx.msk $0xffff, v16;
	v17 =	vld [tilespmem:$0x1FD60]  }
.Ltmp2:
0x6ff: {  	[tilespmem:v13+s22+$0x0] =	vst.idx.msk $0xffff, v12;
	(pc) =	sbr.rel @p0 .LBB2_7-.Ltmp2, $4  }
0x700: {  	v15 =	vadd.s32 v63, v2;
	v11 =	vld [tilespmem:s30+$0xFFFFFAA0];
	[tilespmem:v19+s22+$0x0] =	vst.idx.msk $0xffff, v18  }
0x701: {  	v13 =	vadd.s32 v63, v1;
	v12 =	vor.u32 v31, v5;
	v8 =	vld [tilespmem:s31+$0xFFFFFD50];
	[tilespmem:v9+s22+$0x0] =	vst.idx.msk $0xffff, v7  }
0x702: {  	s0 =	smov.u32 s10;
	v10 =	vor.u32 v31, v3;
	v19 =	vmov v23;
	v18 =	vmov v22;
	v6 =	vld [tilespmem:s31+$0xFFFFF950];
	[tilespmem:v21+s22+$0x0] =	vst.idx.msk $0xffff, v20  }
0x703: {  	s10 =	sadd.s32 $0x2, s10;
	s11 =	sadd.s32 $0x1, s0;
	v21 =	vmovc v25;
	v20 =	vmovc v24;
	v7 =	vld [tilespmem:s1+$0x0];
	v9 =	vadd.s32 v17, v0;
	v0 =	vmov v2;
	v2 =	vmov v5  }
0x704: {  	_ =	sdelay $0x3  }
0x705: {  	v5 =	vmov s11;
	[tilespmem:v15+s22+$0x0] =	vst.idx.msk $0xffff, v14;
	v14 =	vld [tilespmem:s1+$0xFFFFFC00];
	v15 =	vadd.s32 v17, v4  }
0x706: {  	v4 =	vmov s0;
	v5 =	vmul.u32 $0x600, v5;
	[tilespmem:v13+s22+$0x0] =	vst.idx.msk $0xffff, v11;
	v11 =	vld [tilespmem:s30+$0xFFFFFEB0];
	v13 =	vadd.s32 v43, v0  }
0x707: {  	v4 =	vmul.u32 $0x600, v4;
	[tilespmem:v12+s22+$0x0] =	vst.idx.msk $0xffff, v8;
	v8 =	vld [tilespmem:s30+$0xFFFFFAB0];
	v12 =	vadd.s32 v43, v1  }
0x708: {  	v24 =	vbroadcast v5, $0x0;
	[tilespmem:v10+s22+$0x0] =	vst.idx.msk $0xffff, v6;
	v5 =	vld [tilespmem:s31+$0xFFFFFD60];
	v6 =	vadd.s32 v29, v2  }
0x709: {  	s0 =	sadd.s32 $0x800, s31;
	v4 =	vbroadcast v4, $0x0;
	v10 =	vld [tilespmem:s31+$0xFFFFF960];
	[tilespmem:v9+s22+$0x0] =	vst.idx.msk $0xffff, v7;
	v7 =	vadd.s32 v29, v3  }
0x70a: {  	v9 =	vld [tilespmem:s0+$0xFFFFFC10];
	[tilespmem:v15+s22+$0x0] =	vst.idx.msk $0xffff, v14;
	v14 =	vor.u32 v18, v24  }
0x70b: {  	v15 =	vld [tilespmem:s0+$0xFFFFF810];
	[tilespmem:v13+s22+$0x0] =	vst.idx.msk $0xffff, v11;
	v11 =	vor.u32 v18, v4  }
0x70c: {  	[tilespmem:v12+s22+$0x0] =	vst.idx.msk $0xffff, v8;
	v8 =	vld [tilespmem:s30+$0xFFFFFEC0];
	v12 =	vadd.s32 v54, v0  }
0x70d: {  	[tilespmem:v6+s22+$0x0] =	vst.idx.msk $0xffff, v5  }
0x70e: {  	v5 =	vld [tilespmem:s30+$0xFFFFFAC0];
	v6 =	vadd.s32 v54, v1;
	[tilespmem:v7+s22+$0x0] =	vst.idx.msk $0xffff, v10  }
0x70f: {  	v7 =	vld [tilespmem:s31+$0xFFFFFD70];
	v10 =	vadd.s32 v44, v2;
	[tilespmem:v14+s22+$0x0] =	vst.idx.msk $0xffff, v9  }
0x710: {  	v14 =	vadd.s32 v19, v24;
	[tilespmem:v11+s22+$0x0] =	vst.idx.msk $0xffff, v15;
	v11 =	vld [tilespmem:s0+$0xFFFFFC20]  }
0x711: {  	v15 =	vld [tilespmem:s0+$0xFFFFF820];
	[tilespmem:v12+s22+$0x0] =	vst.idx.msk $0xffff, v8;
	v8 =	vadd.s32 v19, v4  }
0x712: {  	v13 =	vadd.s32 v44, v3;
	v9 =	vld [tilespmem:s31+$0xFFFFF970]  }
0x713: {  	[tilespmem:v6+s22+$0x0] =	vst.idx.msk $0xffff, v5  }
0x714: {  	[tilespmem:v10+s22+$0x0] =	vst.idx.msk $0xffff, v7  }
0x715: {  	[tilespmem:v14+s22+$0x0] =	vst.idx.msk $0xffff, v11  }
0x716: {  	v7 =	vadd.s32 v20, v24;
	[tilespmem:v8+s22+$0x0] =	vst.idx.msk $0xffff, v15;
	v6 =	vld [tilespmem:s0+$0xFFFFFC30]  }
0x717: {  	[tilespmem:v13+s22+$0x0] =	vst.idx.msk $0xffff, v9;
	v9 =	vadd.s32 v20, v4;
	v8 =	vld [tilespmem:s0+$0xFFFFF830];
	_ =	sdelay $0x3  }
0x718: {  	[tilespmem:v7+s22+$0x0] =	vst.idx.msk $0xffff, v6  }
0x719: {  	v7 =	vadd.s32 v21, v24;
	[tilespmem:v9+s22+$0x0] =	vst.idx.msk $0xffff, v8;
	v6 =	vld [tilespmem:s0+$0xFFFFFC40]  }
0x71a: {  	v9 =	vadd.s32 v21, v4;
	v8 =	vld [tilespmem:s0+$0xFFFFF840];
	_ =	sdelay $0x3  }
0x71b: {  	[tilespmem:v7+s22+$0x0] =	vst.idx.msk $0xffff, v6  }
0x71c: {  	v7 =	vor.u32 v46, v24;
	[tilespmem:v9+s22+$0x0] =	vst.idx.msk $0xffff, v8;
	v6 =	vld [tilespmem:s0+$0xFFFFFC50]  }
0x71d: {  	v9 =	vor.u32 v46, v4;
	v8 =	vld [tilespmem:s0+$0xFFFFF850];
	_ =	sdelay $0x3  }
0x71e: {  	[tilespmem:v7+s22+$0x0] =	vst.idx.msk $0xffff, v6  }
0x71f: {  	v7 =	vadd.s32 v30, v24;
	[tilespmem:v9+s22+$0x0] =	vst.idx.msk $0xffff, v8;
	v6 =	vld [tilespmem:s0+$0xFFFFFC60]  }
0x720: {  	v9 =	vadd.s32 v30, v4;
	v8 =	vld [tilespmem:s0+$0xFFFFF860];
	_ =	sdelay $0x3  }
0x721: {  	[tilespmem:v7+s22+$0x0] =	vst.idx.msk $0xffff, v6  }
0x722: {  	v7 =	vadd.s32 v41, v24;
	[tilespmem:v9+s22+$0x0] =	vst.idx.msk $0xffff, v8;
	v6 =	vld [tilespmem:s0+$0xFFFFFC70]  }
0x723: {  	v9 =	vadd.s32 v41, v4;
	v8 =	vld [tilespmem:s0+$0xFFFFF870];
	_ =	sdelay $0x3  }
0x724: {  	[tilespmem:v7+s22+$0x0] =	vst.idx.msk $0xffff, v6  }
0x725: {  	v7 =	vadd.s32 v45, v24;
	[tilespmem:v9+s22+$0x0] =	vst.idx.msk $0xffff, v8;
	v6 =	vld [tilespmem:s0+$0xFFFFFC80]  }
0x726: {  	v9 =	vadd.s32 v45, v4;
	v8 =	vld [tilespmem:s0+$0xFFFFF880];
	_ =	sdelay $0x3  }
0x727: {  	[tilespmem:v7+s22+$0x0] =	vst.idx.msk $0xffff, v6  }
0x728: {  	v7 =	vor.u32 v47, v24;
	[tilespmem:v9+s22+$0x0] =	vst.idx.msk $0xffff, v8;
	v6 =	vld [tilespmem:s0+$0xFFFFFC90]  }
0x729: {  	v9 =	vor.u32 v47, v4;
	v8 =	vld [tilespmem:s0+$0xFFFFF890];
	_ =	sdelay $0x3  }
0x72a: {  	[tilespmem:v7+s22+$0x0] =	vst.idx.msk $0xffff, v6  }
0x72b: {  	v7 =	vadd.s32 v48, v24;
	[tilespmem:v9+s22+$0x0] =	vst.idx.msk $0xffff, v8;
	v6 =	vld [tilespmem:s0+$0xFFFFFCA0]  }
0x72c: {  	v9 =	vadd.s32 v48, v4;
	v8 =	vld [tilespmem:s0+$0xFFFFF8A0];
	_ =	sdelay $0x3  }
0x72d: {  	v5 =	vld [tilespmem:s30+$0xFFFFFED0];
	[tilespmem:v7+s22+$0x0] =	vst.idx.msk $0xffff, v6  }
0x72e: {  	v16 =	vmov v31;
	v31 =	vld [tilespmem:s30+$0xFFFFFAD0];
	[tilespmem:v9+s22+$0x0] =	vst.idx.msk $0xffff, v8  }
0x72f: {  	v7 =	vadd.s32 v49, v24;
	v6 =	vld [tilespmem:s0+$0xFFFFFCB0]  }
0x730: {  	v9 =	vadd.s32 v49, v4;
	v8 =	vld [tilespmem:s0+$0xFFFFF8B0];
	_ =	sdelay $0x3  }
0x731: {  	[tilespmem:v7+s22+$0x0] =	vst.idx.msk $0xffff, v6  }
0x732: {  	[tilespmem:v9+s22+$0x0] =	vst.idx.msk $0xffff, v8;
	v7 =	vadd.s32 v50, v24;
	v6 =	vld [tilespmem:s0+$0xFFFFFCC0]  }
0x733: {  	v9 =	vadd.s32 v50, v4;
	v8 =	vld [tilespmem:s0+$0xFFFFF8C0];
	_ =	sdelay $0x3  }
0x734: {  	[tilespmem:v7+s22+$0x0] =	vst.idx.msk $0xffff, v6  }
0x735: {  	[tilespmem:v9+s22+$0x0] =	vst.idx.msk $0xffff, v8;
	v7 =	vor.u32 v51, v24;
	v6 =	vld [tilespmem:s0+$0xFFFFFCD0]  }
0x736: {  	v9 =	vor.u32 v51, v4;
	v8 =	vld [tilespmem:s0+$0xFFFFF8D0];
	_ =	sdelay $0x3  }
0x737: {  	[tilespmem:v7+s22+$0x0] =	vst.idx.msk $0xffff, v6  }
0x738: {  	[tilespmem:v9+s22+$0x0] =	vst.idx.msk $0xffff, v8;
	v7 =	vadd.s32 v52, v24;
	v6 =	vld [tilespmem:s0+$0xFFFFFCE0]  }
0x739: {  	v9 =	vadd.s32 v52, v4;
	v8 =	vld [tilespmem:s0+$0xFFFFF8E0];
	_ =	sdelay $0x3  }
0x73a: {  	[tilespmem:v7+s22+$0x0] =	vst.idx.msk $0xffff, v6  }
0x73b: {  	[tilespmem:v9+s22+$0x0] =	vst.idx.msk $0xffff, v8;
	v7 =	vadd.s32 v56, v24;
	v6 =	vld [tilespmem:s0+$0xFFFFFCF0]  }
0x73c: {  	v9 =	vadd.s32 v56, v4;
	v8 =	vld [tilespmem:s0+$0xFFFFF8F0];
	_ =	sdelay $0x3  }
0x73d: {  	[tilespmem:v7+s22+$0x0] =	vst.idx.msk $0xffff, v6  }
0x73e: {  	[tilespmem:v9+s22+$0x0] =	vst.idx.msk $0xffff, v8  }
0x73f: {  	v9 =	vld [tilespmem:$0x1FEA0];
	_ =	sdelay $0x4  }
0x740: {  	v6 =	vld [tilespmem:s0+$0xFFFFFD00];
	v7 =	vadd.s32 v9, v24  }
0x741: {  	v8 =	vld [tilespmem:s0+$0xFFFFF900];
	v9 =	vadd.s32 v9, v4;
	_ =	sdelay $0x3  }
0x742: {  	[tilespmem:v7+s22+$0x0] =	vst.idx.msk $0xffff, v6  }
0x743: {  	[tilespmem:v9+s22+$0x0] =	vst.idx.msk $0xffff, v8  }
0x744: {  	v9 =	vld [tilespmem:$0x1FEB0];
	_ =	sdelay $0x4  }
0x745: {  	v6 =	vld [tilespmem:s0+$0xFFFFFD10];
	v7 =	vor.u32 v9, v24  }
0x746: {  	v8 =	vld [tilespmem:s0+$0xFFFFF910];
	v9 =	vor.u32 v9, v4;
	_ =	sdelay $0x3  }
0x747: {  	[tilespmem:v7+s22+$0x0] =	vst.idx.msk $0xffff, v6  }
0x748: {  	[tilespmem:v9+s22+$0x0] =	vst.idx.msk $0xffff, v8  }
0x749: {  	v23 =	vmov v44;
	v44 =	vld [tilespmem:$0x1FEC0];
	_ =	sdelay $0x4  }
0x74a: {  	v6 =	vld [tilespmem:s0+$0xFFFFFD20];
	v7 =	vadd.s32 v44, v24  }
0x74b: {  	v8 =	vld [tilespmem:s0+$0xFFFFF920];
	v9 =	vadd.s32 v44, v4;
	_ =	sdelay $0x3  }
0x74c: {  	[tilespmem:v7+s22+$0x0] =	vst.idx.msk $0xffff, v6  }
0x74d: {  	[tilespmem:v9+s22+$0x0] =	vst.idx.msk $0xffff, v8  }
0x74e: {  	v30 =	vmov v24;
	v24 =	vld [tilespmem:$0x1FED0];
	_ =	sdelay $0x4  }
0x74f: {  	v6 =	vld [tilespmem:s0+$0xFFFFFD30];
	v7 =	vadd.s32 v24, v30  }
0x750: {  	v8 =	vld [tilespmem:s0+$0xFFFFF930];
	v9 =	vadd.s32 v24, v4;
	_ =	sdelay $0x3  }
0x751: {  	[tilespmem:v7+s22+$0x0] =	vst.idx.msk $0xffff, v6  }
0x752: {  	[tilespmem:v9+s22+$0x0] =	vst.idx.msk $0xffff, v8  }
0x753: {  	v9 =	vld [tilespmem:$0x1FEE0];
	_ =	sdelay $0x4  }
0x754: {  	v6 =	vld [tilespmem:s0+$0xFFFFFD40];
	v7 =	vadd.s32 v9, v30  }
0x755: {  	v8 =	vld [tilespmem:s0+$0xFFFFF940];
	v9 =	vadd.s32 v9, v4;
	_ =	sdelay $0x3  }
0x756: {  	[tilespmem:v7+s22+$0x0] =	vst.idx.msk $0xffff, v6  }
0x757: {  	[tilespmem:v9+s22+$0x0] =	vst.idx.msk $0xffff, v8;
	v7 =	vor.u32 v16, v30;
	v6 =	vld [tilespmem:s0+$0xFFFFFD50]  }
0x758: {  	v9 =	vor.u32 v16, v4;
	v8 =	vld [tilespmem:s0+$0xFFFFF950];
	_ =	sdelay $0x3  }
0x759: {  	v25 =	vmov v29;
	[tilespmem:v7+s22+$0x0] =	vst.idx.msk $0xffff, v6  }
0x75a: {  	[tilespmem:v9+s22+$0x0] =	vst.idx.msk $0xffff, v8;
	v7 =	vadd.s32 v25, v30;
	v6 =	vld [tilespmem:s0+$0xFFFFFD60]  }
0x75b: {  	v9 =	vadd.s32 v25, v4;
	v8 =	vld [tilespmem:s0+$0xFFFFF960];
	_ =	sdelay $0x3  }
0x75c: {  	[tilespmem:v7+s22+$0x0] =	vst.idx.msk $0xffff, v6  }
0x75d: {  	[tilespmem:v9+s22+$0x0] =	vst.idx.msk $0xffff, v8  }
0x75e: {  	v41 =	vld [tilespmem:$0x1FE40];
	_ =	sdelay $0x2  }
0x75f: {  	v7 =	vadd.s32 v23, v30;
	v6 =	vld [tilespmem:s0+$0xFFFFFD70]  }
0x760: {  	v9 =	vadd.s32 v23, v4;
	v8 =	vld [tilespmem:s0+$0xFFFFF970]  }
0x761: {  	v10 =	vld [tilespmem:s31+$0xFFFFFD80];
	v11 =	vadd.s32 v41, v2  }
0x762: {  	v12 =	vld [tilespmem:s31+$0xFFFFF980];
	v13 =	vadd.s32 v41, v3;
	_ =	sdelay $0x1  }
0x763: {  	[tilespmem:v7+s22+$0x0] =	vst.idx.msk $0xffff, v6  }
0x764: {  	[tilespmem:v9+s22+$0x0] =	vst.idx.msk $0xffff, v8  }
0x765: {  	[tilespmem:v11+s22+$0x0] =	vst.idx.msk $0xffff, v10  }
0x766: {  	[tilespmem:v13+s22+$0x0] =	vst.idx.msk $0xffff, v12  }
0x767: {  	v46 =	vld [tilespmem:$0x1FDC0];
	_ =	sdelay $0x2  }
0x768: {  	v7 =	vadd.s32 v41, v30;
	v6 =	vld [tilespmem:s0+$0xFFFFFD80]  }
0x769: {  	v9 =	vadd.s32 v41, v4;
	v8 =	vld [tilespmem:s0+$0xFFFFF980]  }
0x76a: {  	v10 =	vld [tilespmem:s31+$0xFFFFFD90];
	v11 =	vor.u32 v46, v2  }
0x76b: {  	v12 =	vld [tilespmem:s31+$0xFFFFF990];
	v13 =	vor.u32 v46, v3;
	_ =	sdelay $0x1  }
0x76c: {  	[tilespmem:v7+s22+$0x0] =	vst.idx.msk $0xffff, v6  }
0x76d: {  	[tilespmem:v9+s22+$0x0] =	vst.idx.msk $0xffff, v8  }
0x76e: {  	[tilespmem:v11+s22+$0x0] =	vst.idx.msk $0xffff, v10  }
0x76f: {  	[tilespmem:v13+s22+$0x0] =	vst.idx.msk $0xffff, v12  }
0x770: {  	v45 =	vld [tilespmem:$0x1FE50];
	_ =	sdelay $0x2  }
0x771: {  	v6 =	vld [tilespmem:s0+$0xFFFFFD90];
	v7 =	vor.u32 v46, v30  }
0x772: {  	v8 =	vld [tilespmem:s0+$0xFFFFF990];
	v9 =	vor.u32 v46, v4  }
0x773: {  	v10 =	vld [tilespmem:s31+$0xFFFFFDA0];
	v11 =	vadd.s32 v45, v2  }
0x774: {  	v12 =	vld [tilespmem:s31+$0xFFFFF9A0];
	v13 =	vadd.s32 v45, v3;
	_ =	sdelay $0x1  }
0x775: {  	[tilespmem:v7+s22+$0x0] =	vst.idx.msk $0xffff, v6  }
0x776: {  	[tilespmem:v9+s22+$0x0] =	vst.idx.msk $0xffff, v8  }
0x777: {  	[tilespmem:v11+s22+$0x0] =	vst.idx.msk $0xffff, v10  }
0x778: {  	[tilespmem:v13+s22+$0x0] =	vst.idx.msk $0xffff, v12  }
0x779: {  	v47 =	vld [tilespmem:$0x1FDD0];
	_ =	sdelay $0x2  }
0x77a: {  	v6 =	vld [tilespmem:s0+$0xFFFFFDA0];
	v7 =	vadd.s32 v45, v30  }
0x77b: {  	v8 =	vld [tilespmem:s0+$0xFFFFF9A0];
	v9 =	vadd.s32 v45, v4  }
0x77c: {  	v10 =	vld [tilespmem:s31+$0xFFFFFDB0];
	v11 =	vadd.s32 v47, v2  }
0x77d: {  	v12 =	vld [tilespmem:s31+$0xFFFFF9B0];
	v13 =	vadd.s32 v47, v3;
	_ =	sdelay $0x1  }
0x77e: {  	[tilespmem:v7+s22+$0x0] =	vst.idx.msk $0xffff, v6  }
0x77f: {  	[tilespmem:v9+s22+$0x0] =	vst.idx.msk $0xffff, v8  }
0x780: {  	[tilespmem:v11+s22+$0x0] =	vst.idx.msk $0xffff, v10  }
0x781: {  	[tilespmem:v13+s22+$0x0] =	vst.idx.msk $0xffff, v12  }
0x782: {  	v48 =	vld [tilespmem:$0x1FE60];
	_ =	sdelay $0x2  }
0x783: {  	v6 =	vld [tilespmem:s0+$0xFFFFFDB0];
	v7 =	vadd.s32 v47, v30  }
0x784: {  	v8 =	vld [tilespmem:s0+$0xFFFFF9B0];
	v9 =	vadd.s32 v47, v4  }
0x785: {  	v10 =	vld [tilespmem:s31+$0xFFFFFDC0];
	v11 =	vadd.s32 v48, v2  }
0x786: {  	v12 =	vld [tilespmem:s31+$0xFFFFF9C0];
	v13 =	vadd.s32 v48, v3;
	_ =	sdelay $0x1  }
0x787: {  	[tilespmem:v7+s22+$0x0] =	vst.idx.msk $0xffff, v6  }
0x788: {  	[tilespmem:v9+s22+$0x0] =	vst.idx.msk $0xffff, v8  }
0x789: {  	[tilespmem:v11+s22+$0x0] =	vst.idx.msk $0xffff, v10  }
0x78a: {  	[tilespmem:v13+s22+$0x0] =	vst.idx.msk $0xffff, v12  }
0x78b: {  	v49 =	vld [tilespmem:$0x1FDE0];
	_ =	sdelay $0x2  }
0x78c: {  	v6 =	vld [tilespmem:s0+$0xFFFFFDC0];
	v7 =	vadd.s32 v48, v30  }
0x78d: {  	v8 =	vld [tilespmem:s0+$0xFFFFF9C0];
	v9 =	vadd.s32 v48, v4  }
0x78e: {  	v10 =	vld [tilespmem:s31+$0xFFFFFDD0];
	v11 =	vor.u32 v49, v2  }
0x78f: {  	v12 =	vld [tilespmem:s31+$0xFFFFF9D0];
	v13 =	vor.u32 v49, v3;
	_ =	sdelay $0x1  }
0x790: {  	[tilespmem:v7+s22+$0x0] =	vst.idx.msk $0xffff, v6  }
0x791: {  	[tilespmem:v9+s22+$0x0] =	vst.idx.msk $0xffff, v8  }
0x792: {  	[tilespmem:v11+s22+$0x0] =	vst.idx.msk $0xffff, v10  }
0x793: {  	[tilespmem:v13+s22+$0x0] =	vst.idx.msk $0xffff, v12  }
0x794: {  	v50 =	vld [tilespmem:$0x1FE70];
	_ =	sdelay $0x2  }
0x795: {  	v6 =	vld [tilespmem:s0+$0xFFFFFDD0];
	v7 =	vor.u32 v49, v30  }
0x796: {  	v8 =	vld [tilespmem:s0+$0xFFFFF9D0];
	v9 =	vor.u32 v49, v4  }
0x797: {  	v10 =	vld [tilespmem:s31+$0xFFFFFDE0];
	v11 =	vadd.s32 v50, v2  }
0x798: {  	v12 =	vld [tilespmem:s31+$0xFFFFF9E0];
	v13 =	vadd.s32 v50, v3;
	_ =	sdelay $0x1  }
0x799: {  	[tilespmem:v7+s22+$0x0] =	vst.idx.msk $0xffff, v6  }
0x79a: {  	[tilespmem:v9+s22+$0x0] =	vst.idx.msk $0xffff, v8  }
0x79b: {  	[tilespmem:v11+s22+$0x0] =	vst.idx.msk $0xffff, v10  }
0x79c: {  	[tilespmem:v13+s22+$0x0] =	vst.idx.msk $0xffff, v12  }
0x79d: {  	v51 =	vld [tilespmem:$0x1FDF0];
	_ =	sdelay $0x2  }
0x79e: {  	v6 =	vld [tilespmem:s0+$0xFFFFFDE0];
	v7 =	vadd.s32 v50, v30  }
0x79f: {  	v8 =	vld [tilespmem:s0+$0xFFFFF9E0];
	v9 =	vadd.s32 v50, v4  }
0x7a0: {  	v10 =	vld [tilespmem:s31+$0xFFFFFDF0];
	v11 =	vadd.s32 v51, v2  }
0x7a1: {  	v12 =	vld [tilespmem:s31+$0xFFFFF9F0];
	v13 =	vadd.s32 v51, v3;
	_ =	sdelay $0x1  }
0x7a2: {  	[tilespmem:v7+s22+$0x0] =	vst.idx.msk $0xffff, v6  }
0x7a3: {  	[tilespmem:v9+s22+$0x0] =	vst.idx.msk $0xffff, v8;
	v6 =	vld [tilespmem:s0+$0xFFFFFDF0];
	v7 =	vadd.s32 v51, v30  }
0x7a4: {  	v8 =	vld [tilespmem:s0+$0xFFFFF9F0];
	v9 =	vadd.s32 v51, v4;
	[tilespmem:v11+s22+$0x0] =	vst.idx.msk $0xffff, v10  }
0x7a5: {  	[tilespmem:v13+s22+$0x0] =	vst.idx.msk $0xffff, v12;
	v11 =	vadd.s32 v53, v2;
	v10 =	vld [tilespmem:s31+$0xFFFFFE00]  }
0x7a6: {  	v13 =	vadd.s32 v53, v3;
	v12 =	vld [tilespmem:s31+$0xFFFFFA00];
	_ =	sdelay $0x1  }
0x7a7: {  	[tilespmem:v7+s22+$0x0] =	vst.idx.msk $0xffff, v6  }
0x7a8: {  	[tilespmem:v9+s22+$0x0] =	vst.idx.msk $0xffff, v8  }
0x7a9: {  	[tilespmem:v11+s22+$0x0] =	vst.idx.msk $0xffff, v10  }
0x7aa: {  	[tilespmem:v13+s22+$0x0] =	vst.idx.msk $0xffff, v12  }
0x7ab: {  	v29 =	vmov v52;
	v52 =	vld [tilespmem:$0x1FE00];
	_ =	sdelay $0x2  }
0x7ac: {  	v7 =	vadd.s32 v53, v30;
	v6 =	vld [tilespmem:s0+$0xFFFFFE00]  }
0x7ad: {  	v9 =	vadd.s32 v53, v4;
	v8 =	vld [tilespmem:s0+$0xFFFFFA00]  }
0x7ae: {  	v10 =	vld [tilespmem:s31+$0xFFFFFE10];
	v11 =	vor.u32 v52, v2  }
0x7af: {  	v12 =	vld [tilespmem:s31+$0xFFFFFA10];
	v13 =	vor.u32 v52, v3;
	_ =	sdelay $0x1  }
0x7b0: {  	[tilespmem:v7+s22+$0x0] =	vst.idx.msk $0xffff, v6  }
0x7b1: {  	[tilespmem:v9+s22+$0x0] =	vst.idx.msk $0xffff, v8;
	v6 =	vld [tilespmem:s0+$0xFFFFFE10];
	v7 =	vor.u32 v52, v30  }
0x7b2: {  	v8 =	vld [tilespmem:s0+$0xFFFFFA10];
	v9 =	vor.u32 v52, v4;
	[tilespmem:v11+s22+$0x0] =	vst.idx.msk $0xffff, v10  }
0x7b3: {  	[tilespmem:v13+s22+$0x0] =	vst.idx.msk $0xffff, v12;
	v11 =	vadd.s32 v55, v2;
	v10 =	vld [tilespmem:s31+$0xFFFFFE20]  }
0x7b4: {  	v13 =	vadd.s32 v55, v3;
	v12 =	vld [tilespmem:s31+$0xFFFFFA20];
	_ =	sdelay $0x1  }
0x7b5: {  	[tilespmem:v7+s22+$0x0] =	vst.idx.msk $0xffff, v6  }
0x7b6: {  	[tilespmem:v9+s22+$0x0] =	vst.idx.msk $0xffff, v8  }
0x7b7: {  	[tilespmem:v11+s22+$0x0] =	vst.idx.msk $0xffff, v10  }
0x7b8: {  	[tilespmem:v13+s22+$0x0] =	vst.idx.msk $0xffff, v12  }
0x7b9: {  	v22 =	vmov v56;
	v56 =	vld [tilespmem:$0x1FE10]  }
0x7ba: {  	v7 =	vadd.s32 v55, v30;
	v6 =	vld [tilespmem:s0+$0xFFFFFE20]  }
0x7bb: {  	v9 =	vadd.s32 v55, v4;
	v8 =	vld [tilespmem:s0+$0xFFFFFA20];
	_ =	sdelay $0x2  }
0x7bc: {  	v10 =	vld [tilespmem:s31+$0xFFFFFE30];
	v11 =	vadd.s32 v56, v2  }
0x7bd: {  	v12 =	vld [tilespmem:s31+$0xFFFFFA30];
	[tilespmem:v7+s22+$0x0] =	vst.idx.msk $0xffff, v6;
	v13 =	vadd.s32 v56, v3  }
0x7be: {  	[tilespmem:v9+s22+$0x0] =	vst.idx.msk $0xffff, v8;
	v6 =	vld [tilespmem:s0+$0xFFFFFE30];
	v7 =	vadd.s32 v56, v30  }
0x7bf: {  	v8 =	vld [tilespmem:s0+$0xFFFFFA30];
	v9 =	vadd.s32 v56, v4;
	_ =	sdelay $0x1  }
0x7c0: {  	[tilespmem:v11+s22+$0x0] =	vst.idx.msk $0xffff, v10  }
0x7c1: {  	[tilespmem:v13+s22+$0x0] =	vst.idx.msk $0xffff, v12;
	v11 =	vadd.s32 v57, v2;
	v10 =	vld [tilespmem:s31+$0xFFFFFE40]  }
0x7c2: {  	v13 =	vadd.s32 v57, v3;
	[tilespmem:v7+s22+$0x0] =	vst.idx.msk $0xffff, v6;
	v12 =	vld [tilespmem:s31+$0xFFFFFA40]  }
0x7c3: {  	[tilespmem:v9+s22+$0x0] =	vst.idx.msk $0xffff, v8;
	v7 =	vadd.s32 v57, v30;
	v6 =	vld [tilespmem:s0+$0xFFFFFE40]  }
0x7c4: {  	v9 =	vadd.s32 v57, v4;
	v8 =	vld [tilespmem:s0+$0xFFFFFA40];
	_ =	sdelay $0x1  }
0x7c5: {  	[tilespmem:v11+s22+$0x0] =	vst.idx.msk $0xffff, v10  }
0x7c6: {  	[tilespmem:v13+s22+$0x0] =	vst.idx.msk $0xffff, v12;
	v11 =	vor.u32 v58, v2;
	v10 =	vld [tilespmem:s31+$0xFFFFFE50]  }
0x7c7: {  	v13 =	vor.u32 v58, v3;
	[tilespmem:v7+s22+$0x0] =	vst.idx.msk $0xffff, v6;
	v12 =	vld [tilespmem:s31+$0xFFFFFA50]  }
0x7c8: {  	[tilespmem:v9+s22+$0x0] =	vst.idx.msk $0xffff, v8;
	v7 =	vor.u32 v58, v30;
	v6 =	vld [tilespmem:s0+$0xFFFFFE50]  }
0x7c9: {  	v9 =	vor.u32 v58, v4;
	v8 =	vld [tilespmem:s0+$0xFFFFFA50];
	_ =	sdelay $0x1  }
0x7ca: {  	[tilespmem:v11+s22+$0x0] =	vst.idx.msk $0xffff, v10  }
0x7cb: {  	[tilespmem:v13+s22+$0x0] =	vst.idx.msk $0xffff, v12;
	v11 =	vadd.s32 v59, v2;
	v10 =	vld [tilespmem:s31+$0xFFFFFE60]  }
0x7cc: {  	v13 =	vadd.s32 v59, v3;
	[tilespmem:v7+s22+$0x0] =	vst.idx.msk $0xffff, v6;
	v12 =	vld [tilespmem:s31+$0xFFFFFA60]  }
0x7cd: {  	[tilespmem:v9+s22+$0x0] =	vst.idx.msk $0xffff, v8;
	v7 =	vadd.s32 v59, v30;
	v6 =	vld [tilespmem:s0+$0xFFFFFE60]  }
0x7ce: {  	v9 =	vadd.s32 v59, v4;
	v8 =	vld [tilespmem:s0+$0xFFFFFA60];
	_ =	sdelay $0x1  }
0x7cf: {  	[tilespmem:v11+s22+$0x0] =	vst.idx.msk $0xffff, v10  }
0x7d0: {  	[tilespmem:v13+s22+$0x0] =	vst.idx.msk $0xffff, v12;
	v11 =	vadd.s32 v60, v2;
	v10 =	vld [tilespmem:s31+$0xFFFFFE70]  }
0x7d1: {  	v13 =	vadd.s32 v60, v3;
	[tilespmem:v7+s22+$0x0] =	vst.idx.msk $0xffff, v6;
	v12 =	vld [tilespmem:s31+$0xFFFFFA70]  }
0x7d2: {  	[tilespmem:v9+s22+$0x0] =	vst.idx.msk $0xffff, v8;
	v7 =	vadd.s32 v60, v30;
	v6 =	vld [tilespmem:s0+$0xFFFFFE70]  }
0x7d3: {  	v9 =	vadd.s32 v60, v4;
	v8 =	vld [tilespmem:s0+$0xFFFFFA70];
	_ =	sdelay $0x1  }
0x7d4: {  	[tilespmem:v11+s22+$0x0] =	vst.idx.msk $0xffff, v10  }
0x7d5: {  	[tilespmem:v13+s22+$0x0] =	vst.idx.msk $0xffff, v12;
	v11 =	vadd.s32 v61, v2;
	v10 =	vld [tilespmem:s31+$0xFFFFFE80]  }
0x7d6: {  	v13 =	vadd.s32 v61, v3;
	[tilespmem:v7+s22+$0x0] =	vst.idx.msk $0xffff, v6;
	v12 =	vld [tilespmem:s31+$0xFFFFFA80]  }
0x7d7: {  	[tilespmem:v9+s22+$0x0] =	vst.idx.msk $0xffff, v8;
	v7 =	vadd.s32 v61, v30;
	v6 =	vld [tilespmem:s0+$0xFFFFFE80]  }
0x7d8: {  	v9 =	vadd.s32 v61, v4;
	v8 =	vld [tilespmem:s0+$0xFFFFFA80];
	_ =	sdelay $0x1  }
0x7d9: {  	[tilespmem:v11+s22+$0x0] =	vst.idx.msk $0xffff, v10  }
0x7da: {  	[tilespmem:v13+s22+$0x0] =	vst.idx.msk $0xffff, v12;
	v11 =	vor.u32 v62, v2;
	v10 =	vld [tilespmem:s31+$0xFFFFFE90]  }
0x7db: {  	v13 =	vor.u32 v62, v3;
	[tilespmem:v7+s22+$0x0] =	vst.idx.msk $0xffff, v6;
	v12 =	vld [tilespmem:s31+$0xFFFFFA90]  }
0x7dc: {  	[tilespmem:v9+s22+$0x0] =	vst.idx.msk $0xffff, v8;
	v7 =	vor.u32 v62, v30;
	v6 =	vld [tilespmem:s0+$0xFFFFFE90]  }
0x7dd: {  	v9 =	vor.u32 v62, v4;
	v8 =	vld [tilespmem:s0+$0xFFFFFA90];
	_ =	sdelay $0x1  }
0x7de: {  	[tilespmem:v11+s22+$0x0] =	vst.idx.msk $0xffff, v10  }
0x7df: {  	[tilespmem:v13+s22+$0x0] =	vst.idx.msk $0xffff, v12;
	v11 =	vadd.s32 v63, v2;
	v10 =	vld [tilespmem:s31+$0xFFFFFEA0]  }
0x7e0: {  	v13 =	vadd.s32 v63, v3;
	[tilespmem:v7+s22+$0x0] =	vst.idx.msk $0xffff, v6;
	v12 =	vld [tilespmem:s31+$0xFFFFFAA0]  }
0x7e1: {  	[tilespmem:v9+s22+$0x0] =	vst.idx.msk $0xffff, v8;
	v7 =	vadd.s32 v63, v30;
	v6 =	vld [tilespmem:s0+$0xFFFFFEA0]  }
0x7e2: {  	v9 =	vadd.s32 v63, v4;
	v8 =	vld [tilespmem:s0+$0xFFFFFAA0];
	_ =	sdelay $0x1  }
0x7e3: {  	[tilespmem:v11+s22+$0x0] =	vst.idx.msk $0xffff, v10  }
0x7e4: {  	[tilespmem:v13+s22+$0x0] =	vst.idx.msk $0xffff, v12;
	v11 =	vadd.s32 v43, v2;
	v10 =	vld [tilespmem:s31+$0xFFFFFEB0]  }
0x7e5: {  	v13 =	vadd.s32 v43, v3;
	[tilespmem:v7+s22+$0x0] =	vst.idx.msk $0xffff, v6;
	v12 =	vld [tilespmem:s31+$0xFFFFFAB0]  }
0x7e6: {  	[tilespmem:v9+s22+$0x0] =	vst.idx.msk $0xffff, v8;
	v7 =	vadd.s32 v43, v30;
	v6 =	vld [tilespmem:s0+$0xFFFFFEB0]  }
0x7e7: {  	v9 =	vadd.s32 v43, v4;
	v8 =	vld [tilespmem:s0+$0xFFFFFAB0];
	_ =	sdelay $0x1  }
0x7e8: {  	[tilespmem:v11+s22+$0x0] =	vst.idx.msk $0xffff, v10  }
0x7e9: {  	[tilespmem:v13+s22+$0x0] =	vst.idx.msk $0xffff, v12  }
0x7ea: {  	[tilespmem:v7+s22+$0x0] =	vst.idx.msk $0xffff, v6  }
0x7eb: {  	[tilespmem:v9+s22+$0x0] =	vst.idx.msk $0xffff, v8  }
0x7ec: {  	v43 =	vld [tilespmem:$0x1FD80]  }
0x7ed: {  	v11 =	vadd.s32 v54, v2;
	v10 =	vld [tilespmem:s31+$0xFFFFFEC0]  }
0x7ee: {  	v13 =	vadd.s32 v54, v3;
	v12 =	vld [tilespmem:s31+$0xFFFFFAC0]  }
0x7ef: {  	v7 =	vadd.s32 v54, v30;
	v6 =	vld [tilespmem:s0+$0xFFFFFEC0]  }
0x7f0: {  	v9 =	vadd.s32 v54, v4;
	v8 =	vld [tilespmem:s0+$0xFFFFFAC0]  }
0x7f1: {  	v14 =	vor.u32 v43, v0  }
0x7f2: {  	[tilespmem:v11+s22+$0x0] =	vst.idx.msk $0xffff, v10;
	v10 =	vor.u32 v43, v1  }
0x7f3: {  	[tilespmem:v13+s22+$0x0] =	vst.idx.msk $0xffff, v12  }
0x7f4: {  	[tilespmem:v7+s22+$0x0] =	vst.idx.msk $0xffff, v6  }
0x7f5: {  	[tilespmem:v9+s22+$0x0] =	vst.idx.msk $0xffff, v8  }
0x7f6: {  	[tilespmem:v14+s22+$0x0] =	vst.idx.msk $0xffff, v5  }
0x7f7: {  	[tilespmem:v10+s22+$0x0] =	vst.idx.msk $0xffff, v31  }
0x7f8: {  	v31 =	vld [tilespmem:$0x1FD90]  }
0x7f9: {  	v12 =	vor.u32 v43, v2;
	v11 =	vld [tilespmem:s31+$0xFFFFFED0]  }
0x7fa: {  	v7 =	vor.u32 v43, v3;
	v6 =	vld [tilespmem:s31+$0xFFFFFAD0]  }
0x7fb: {  	v9 =	vor.u32 v43, v30;
	v8 =	vld [tilespmem:s0+$0xFFFFFED0]  }
0x7fc: {  	v13 =	vor.u32 v43, v4;
	v5 =	vld [tilespmem:s0+$0xFFFFFAD0]  }
0x7fd: {  	v10 =	vld [tilespmem:s30+$0xFFFFFEE0];
	v14 =	vadd.s32 v31, v0  }
0x7fe: {  	[tilespmem:v12+s22+$0x0] =	vst.idx.msk $0xffff, v11;
	v11 =	vld [tilespmem:s30+$0xFFFFFAE0];
	v12 =	vadd.s32 v31, v1  }
0x7ff: {  	[tilespmem:v7+s22+$0x0] =	vst.idx.msk $0xffff, v6  }
0x800: {  	[tilespmem:v9+s22+$0x0] =	vst.idx.msk $0xffff, v8  }
0x801: {  	[tilespmem:v13+s22+$0x0] =	vst.idx.msk $0xffff, v5  }
0x802: {  	[tilespmem:v14+s22+$0x0] =	vst.idx.msk $0xffff, v10  }
0x803: {  	[tilespmem:v12+s22+$0x0] =	vst.idx.msk $0xffff, v11  }
0x804: {  	v15 =	vld [tilespmem:$0x1FC70]  }
0x805: {  	v6 =	vld [tilespmem:s31+$0xFFFFFEE0];
	v7 =	vadd.s32 v31, v2  }
0x806: {  	v8 =	vld [tilespmem:s31+$0xFFFFFAE0];
	v9 =	vadd.s32 v31, v3  }
0x807: {  	v5 =	vld [tilespmem:s0+$0xFFFFFEE0];
	v13 =	vadd.s32 v31, v30  }
0x808: {  	v10 =	vld [tilespmem:s0+$0xFFFFFAE0];
	v14 =	vadd.s32 v31, v4  }
0x809: {  	v11 =	vld [tilespmem:s30+$0xFFFFFEF0];
	v12 =	vadd.s32 v15, v0  }
0x80a: {  	[tilespmem:v7+s22+$0x0] =	vst.idx.msk $0xffff, v6;
	v6 =	vld [tilespmem:s30+$0xFFFFFAF0];
	v7 =	vadd.s32 v15, v1  }
0x80b: {  	[tilespmem:v9+s22+$0x0] =	vst.idx.msk $0xffff, v8  }
0x80c: {  	[tilespmem:v13+s22+$0x0] =	vst.idx.msk $0xffff, v5  }
0x80d: {  	[tilespmem:v14+s22+$0x0] =	vst.idx.msk $0xffff, v10  }
0x80e: {  	[tilespmem:v12+s22+$0x0] =	vst.idx.msk $0xffff, v11  }
0x80f: {  	v9 =	vadd.s32 v15, v2;
	[tilespmem:v7+s22+$0x0] =	vst.idx.msk $0xffff, v6  }
0x810: {  	v13 =	vadd.s32 v15, v3;
	v14 =	vadd.s32 v15, v30;
	v12 =	vadd.s32 v15, v4;
	v15 =	vld [tilespmem:$0x1FC80]  }
0x811: {  	v8 =	vld [tilespmem:s31+$0xFFFFFEF0]  }
0x812: {  	v5 =	vld [tilespmem:s31+$0xFFFFFAF0]  }
0x813: {  	v10 =	vld [tilespmem:s0+$0xFFFFFEF0]  }
0x814: {  	v11 =	vld [tilespmem:s0+$0xFFFFFAF0]  }
0x815: {  	v6 =	vld [tilespmem:s30+$0xFFFFFF00];
	v7 =	vadd.s32 v15, v0  }
0x816: {  	[tilespmem:v9+s22+$0x0] =	vst.idx.msk $0xffff, v8;
	v8 =	vld [tilespmem:s30+$0xFFFFFB00];
	v9 =	vadd.s32 v15, v1  }
0x817: {  	[tilespmem:v13+s22+$0x0] =	vst.idx.msk $0xffff, v5  }
0x818: {  	[tilespmem:v14+s22+$0x0] =	vst.idx.msk $0xffff, v10  }
0x819: {  	[tilespmem:v12+s22+$0x0] =	vst.idx.msk $0xffff, v11  }
0x81a: {  	[tilespmem:v7+s22+$0x0] =	vst.idx.msk $0xffff, v6  }
0x81b: {  	[tilespmem:v9+s22+$0x0] =	vst.idx.msk $0xffff, v8  }
0x81c: {  	v23 =	vld [tilespmem:$0x1FDA0]  }
0x81d: {  	v5 =	vld [tilespmem:s31+$0xFFFFFF00];
	v13 =	vadd.s32 v15, v2  }
0x81e: {  	v10 =	vld [tilespmem:s31+$0xFFFFFB00];
	v14 =	vadd.s32 v15, v3  }
0x81f: {  	v11 =	vld [tilespmem:s0+$0xFFFFFF00];
	v12 =	vadd.s32 v15, v30  }
0x820: {  	v6 =	vld [tilespmem:s0+$0xFFFFFB00];
	v7 =	vadd.s32 v15, v4  }
0x821: {  	v8 =	vld [tilespmem:s30+$0xFFFFFF10];
	v9 =	vor.u32 v23, v0  }
0x822: {  	[tilespmem:v13+s22+$0x0] =	vst.idx.msk $0xffff, v5;
	v5 =	vld [tilespmem:s30+$0xFFFFFB10];
	v13 =	vor.u32 v23, v1  }
0x823: {  	[tilespmem:v14+s22+$0x0] =	vst.idx.msk $0xffff, v10;
	v10 =	vld [tilespmem:s31+$0xFFFFFF10];
	v14 =	vor.u32 v23, v2  }
0x824: {  	[tilespmem:v12+s22+$0x0] =	vst.idx.msk $0xffff, v11;
	v11 =	vld [tilespmem:s31+$0xFFFFFB10];
	v12 =	vor.u32 v23, v3  }
0x825: {  	[tilespmem:v7+s22+$0x0] =	vst.idx.msk $0xffff, v6;
	v6 =	vld [tilespmem:s0+$0xFFFFFF10];
	v7 =	vor.u32 v23, v30  }
0x826: {  	[tilespmem:v9+s22+$0x0] =	vst.idx.msk $0xffff, v8;
	v8 =	vld [tilespmem:s0+$0xFFFFFB10];
	v9 =	vor.u32 v23, v4  }
0x827: {  	[tilespmem:v13+s22+$0x0] =	vst.idx.msk $0xffff, v5;
	v13 =	vadd.s32 v42, v0;
	v5 =	vld [tilespmem:s30+$0xFFFFFF20]  }
0x828: {  	[tilespmem:v14+s22+$0x0] =	vst.idx.msk $0xffff, v10;
	v14 =	vadd.s32 v42, v1;
	v10 =	vld [tilespmem:s30+$0xFFFFFB20]  }
0x829: {  	[tilespmem:v12+s22+$0x0] =	vst.idx.msk $0xffff, v11  }
0x82a: {  	[tilespmem:v7+s22+$0x0] =	vst.idx.msk $0xffff, v6  }
0x82b: {  	[tilespmem:v9+s22+$0x0] =	vst.idx.msk $0xffff, v8  }
0x82c: {  	[tilespmem:v13+s22+$0x0] =	vst.idx.msk $0xffff, v5  }
0x82d: {  	[tilespmem:v14+s22+$0x0] =	vst.idx.msk $0xffff, v10  }
0x82e: {  	v15 =	vld [tilespmem:$0x1FDB0]  }
0x82f: {  	v12 =	vadd.s32 v42, v2;
	v11 =	vld [tilespmem:s31+$0xFFFFFF20]  }
0x830: {  	v7 =	vadd.s32 v42, v3;
	v6 =	vld [tilespmem:s31+$0xFFFFFB20]  }
0x831: {  	v8 =	vld [tilespmem:s0+$0xFFFFFF20];
	v9 =	vadd.s32 v42, v30  }
0x832: {  	v5 =	vld [tilespmem:s0+$0xFFFFFB20];
	v13 =	vadd.s32 v42, v4  }
0x833: {  	v10 =	vld [tilespmem:s30+$0xFFFFFF30];
	v14 =	vadd.s32 v15, v0  }
0x834: {  	[tilespmem:v12+s22+$0x0] =	vst.idx.msk $0xffff, v11;
	v11 =	vld [tilespmem:s30+$0xFFFFFB30];
	v12 =	vadd.s32 v15, v1  }
0x835: {  	[tilespmem:v7+s22+$0x0] =	vst.idx.msk $0xffff, v6;
	v6 =	vld [tilespmem:s31+$0xFFFFFF30];
	v7 =	vadd.s32 v15, v2  }
0x836: {  	[tilespmem:v9+s22+$0x0] =	vst.idx.msk $0xffff, v8;
	v8 =	vld [tilespmem:s31+$0xFFFFFB30];
	v9 =	vadd.s32 v15, v3  }
0x837: {  	[tilespmem:v13+s22+$0x0] =	vst.idx.msk $0xffff, v5;
	v5 =	vld [tilespmem:s0+$0xFFFFFF30];
	v13 =	vadd.s32 v15, v30  }
0x838: {  	[tilespmem:v14+s22+$0x0] =	vst.idx.msk $0xffff, v10;
	v10 =	vld [tilespmem:s0+$0xFFFFFB30];
	v14 =	vadd.s32 v15, v4  }
0x839: {  	[tilespmem:v12+s22+$0x0] =	vst.idx.msk $0xffff, v11;
	v12 =	vadd.s32 v32, v0;
	v11 =	vld [tilespmem:s30+$0xFFFFFF40]  }
0x83a: {  	[tilespmem:v7+s22+$0x0] =	vst.idx.msk $0xffff, v6;
	v7 =	vadd.s32 v32, v1;
	v6 =	vld [tilespmem:s30+$0xFFFFFB40]  }
0x83b: {  	[tilespmem:v9+s22+$0x0] =	vst.idx.msk $0xffff, v8;
	v9 =	vadd.s32 v32, v2;
	v8 =	vld [tilespmem:s31+$0xFFFFFF40]  }
0x83c: {  	[tilespmem:v13+s22+$0x0] =	vst.idx.msk $0xffff, v5;
	v13 =	vadd.s32 v32, v3;
	v5 =	vld [tilespmem:s31+$0xFFFFFB40]  }
0x83d: {  	[tilespmem:v14+s22+$0x0] =	vst.idx.msk $0xffff, v10;
	v10 =	vld [tilespmem:s0+$0xFFFFFF40];
	v14 =	vadd.s32 v32, v30  }
0x83e: {  	[tilespmem:v12+s22+$0x0] =	vst.idx.msk $0xffff, v11;
	v11 =	vld [tilespmem:s0+$0xFFFFFB40];
	v12 =	vadd.s32 v32, v4  }
0x83f: {  	[tilespmem:v7+s22+$0x0] =	vst.idx.msk $0xffff, v6;
	v7 =	vor.u32 v33, v0;
	v6 =	vld [tilespmem:s30+$0xFFFFFF50]  }
0x840: {  	[tilespmem:v9+s22+$0x0] =	vst.idx.msk $0xffff, v8;
	v9 =	vor.u32 v33, v1;
	v8 =	vld [tilespmem:s30+$0xFFFFFB50]  }
0x841: {  	[tilespmem:v13+s22+$0x0] =	vst.idx.msk $0xffff, v5;
	v13 =	vor.u32 v33, v2;
	v5 =	vld [tilespmem:s31+$0xFFFFFF50]  }
0x842: {  	[tilespmem:v14+s22+$0x0] =	vst.idx.msk $0xffff, v10;
	v10 =	vld [tilespmem:s31+$0xFFFFFB50];
	v14 =	vor.u32 v33, v3  }
0x843: {  	[tilespmem:v12+s22+$0x0] =	vst.idx.msk $0xffff, v11;
	v11 =	vld [tilespmem:s0+$0xFFFFFF50];
	v12 =	vor.u32 v33, v30  }
0x844: {  	[tilespmem:v7+s22+$0x0] =	vst.idx.msk $0xffff, v6;
	v6 =	vld [tilespmem:s0+$0xFFFFFB50];
	v7 =	vor.u32 v33, v4  }
0x845: {  	[tilespmem:v9+s22+$0x0] =	vst.idx.msk $0xffff, v8;
	v9 =	vadd.s32 v34, v0;
	v8 =	vld [tilespmem:s30+$0xFFFFFF60]  }
0x846: {  	[tilespmem:v13+s22+$0x0] =	vst.idx.msk $0xffff, v5;
	v13 =	vadd.s32 v34, v1;
	v5 =	vld [tilespmem:s30+$0xFFFFFB60]  }
0x847: {  	[tilespmem:v14+s22+$0x0] =	vst.idx.msk $0xffff, v10;
	v10 =	vld [tilespmem:s31+$0xFFFFFF60];
	v14 =	vadd.s32 v34, v2  }
0x848: {  	[tilespmem:v12+s22+$0x0] =	vst.idx.msk $0xffff, v11;
	v11 =	vld [tilespmem:s31+$0xFFFFFB60];
	v12 =	vadd.s32 v34, v3  }
0x849: {  	[tilespmem:v7+s22+$0x0] =	vst.idx.msk $0xffff, v6;
	v6 =	vld [tilespmem:s0+$0xFFFFFF60];
	v7 =	vadd.s32 v34, v30  }
0x84a: {  	[tilespmem:v9+s22+$0x0] =	vst.idx.msk $0xffff, v8;
	v8 =	vld [tilespmem:s0+$0xFFFFFB60];
	v9 =	vadd.s32 v34, v4  }
0x84b: {  	[tilespmem:v13+s22+$0x0] =	vst.idx.msk $0xffff, v5;
	v13 =	vadd.s32 v35, v0;
	v5 =	vld [tilespmem:s30+$0xFFFFFF70]  }
0x84c: {  	[tilespmem:v14+s22+$0x0] =	vst.idx.msk $0xffff, v10;
	v10 =	vld [tilespmem:s30+$0xFFFFFB70];
	v14 =	vadd.s32 v35, v1  }
0x84d: {  	[tilespmem:v12+s22+$0x0] =	vst.idx.msk $0xffff, v11;
	v11 =	vld [tilespmem:s31+$0xFFFFFF70];
	v12 =	vadd.s32 v35, v2  }
0x84e: {  	[tilespmem:v7+s22+$0x0] =	vst.idx.msk $0xffff, v6;
	v6 =	vld [tilespmem:s31+$0xFFFFFB70];
	v7 =	vadd.s32 v35, v3  }
0x84f: {  	[tilespmem:v9+s22+$0x0] =	vst.idx.msk $0xffff, v8;
	v8 =	vld [tilespmem:s0+$0xFFFFFF70];
	v9 =	vadd.s32 v35, v30  }
0x850: {  	[tilespmem:v13+s22+$0x0] =	vst.idx.msk $0xffff, v5;
	v5 =	vld [tilespmem:s0+$0xFFFFFB70];
	v13 =	vadd.s32 v35, v4  }
0x851: {  	[tilespmem:v14+s22+$0x0] =	vst.idx.msk $0xffff, v10;
	v10 =	vld [tilespmem:s30+$0xFFFFFF80];
	v14 =	vadd.s32 v36, v0  }
0x852: {  	[tilespmem:v12+s22+$0x0] =	vst.idx.msk $0xffff, v11;
	v11 =	vld [tilespmem:s30+$0xFFFFFB80];
	v12 =	vadd.s32 v36, v1  }
0x853: {  	[tilespmem:v7+s22+$0x0] =	vst.idx.msk $0xffff, v6;
	v6 =	vld [tilespmem:s31+$0xFFFFFF80];
	v7 =	vadd.s32 v36, v2  }
0x854: {  	[tilespmem:v9+s22+$0x0] =	vst.idx.msk $0xffff, v8;
	v8 =	vld [tilespmem:s31+$0xFFFFFB80];
	v9 =	vadd.s32 v36, v3  }
0x855: {  	[tilespmem:v13+s22+$0x0] =	vst.idx.msk $0xffff, v5;
	v5 =	vld [tilespmem:s0+$0xFFFFFF80];
	v13 =	vadd.s32 v36, v30  }
0x856: {  	[tilespmem:v14+s22+$0x0] =	vst.idx.msk $0xffff, v10;
	v10 =	vld [tilespmem:s0+$0xFFFFFB80];
	v14 =	vadd.s32 v36, v4  }
0x857: {  	[tilespmem:v12+s22+$0x0] =	vst.idx.msk $0xffff, v11;
	v11 =	vld [tilespmem:s30+$0xFFFFFF90];
	v12 =	vor.u32 v37, v0  }
0x858: {  	[tilespmem:v7+s22+$0x0] =	vst.idx.msk $0xffff, v6;
	v6 =	vld [tilespmem:s30+$0xFFFFFB90];
	v7 =	vor.u32 v37, v1  }
0x859: {  	[tilespmem:v9+s22+$0x0] =	vst.idx.msk $0xffff, v8;
	v8 =	vld [tilespmem:s31+$0xFFFFFF90];
	v9 =	vor.u32 v37, v2  }
0x85a: {  	[tilespmem:v13+s22+$0x0] =	vst.idx.msk $0xffff, v5;
	v5 =	vld [tilespmem:s31+$0xFFFFFB90];
	v13 =	vor.u32 v37, v3  }
0x85b: {  	[tilespmem:v14+s22+$0x0] =	vst.idx.msk $0xffff, v10;
	v10 =	vld [tilespmem:s0+$0xFFFFFF90];
	v14 =	vor.u32 v37, v30  }
0x85c: {  	[tilespmem:v12+s22+$0x0] =	vst.idx.msk $0xffff, v11;
	v11 =	vld [tilespmem:s0+$0xFFFFFB90];
	v12 =	vor.u32 v37, v4  }
0x85d: {  	[tilespmem:v7+s22+$0x0] =	vst.idx.msk $0xffff, v6;
	v6 =	vld [tilespmem:s30+$0xFFFFFFA0];
	v7 =	vadd.s32 v26, v0  }
0x85e: {  	[tilespmem:v9+s22+$0x0] =	vst.idx.msk $0xffff, v8;
	v8 =	vld [tilespmem:s30+$0xFFFFFBA0];
	v9 =	vadd.s32 v26, v1  }
0x85f: {  	[tilespmem:v13+s22+$0x0] =	vst.idx.msk $0xffff, v5;
	v5 =	vld [tilespmem:s31+$0xFFFFFFA0];
	v13 =	vadd.s32 v26, v2  }
0x860: {  	[tilespmem:v14+s22+$0x0] =	vst.idx.msk $0xffff, v10;
	v10 =	vld [tilespmem:s31+$0xFFFFFBA0];
	v14 =	vadd.s32 v26, v3  }
0x861: {  	[tilespmem:v12+s22+$0x0] =	vst.idx.msk $0xffff, v11;
	v11 =	vld [tilespmem:s0+$0xFFFFFFA0];
	v12 =	vadd.s32 v26, v30  }
0x862: {  	[tilespmem:v7+s22+$0x0] =	vst.idx.msk $0xffff, v6;
	v6 =	vld [tilespmem:s0+$0xFFFFFBA0];
	v7 =	vadd.s32 v26, v4  }
0x863: {  	[tilespmem:v9+s22+$0x0] =	vst.idx.msk $0xffff, v8;
	v8 =	vld [tilespmem:s30+$0xFFFFFFB0];
	v9 =	vadd.s32 v38, v0  }
0x864: {  	[tilespmem:v13+s22+$0x0] =	vst.idx.msk $0xffff, v5;
	v5 =	vld [tilespmem:s30+$0xFFFFFBB0];
	v13 =	vadd.s32 v38, v1  }
0x865: {  	[tilespmem:v14+s22+$0x0] =	vst.idx.msk $0xffff, v10;
	v10 =	vld [tilespmem:s31+$0xFFFFFFB0];
	v14 =	vadd.s32 v38, v2  }
0x866: {  	[tilespmem:v12+s22+$0x0] =	vst.idx.msk $0xffff, v11;
	v11 =	vld [tilespmem:s31+$0xFFFFFBB0];
	v12 =	vadd.s32 v38, v3  }
0x867: {  	[tilespmem:v7+s22+$0x0] =	vst.idx.msk $0xffff, v6;
	v6 =	vld [tilespmem:s0+$0xFFFFFFB0];
	v7 =	vadd.s32 v38, v30  }
0x868: {  	[tilespmem:v9+s22+$0x0] =	vst.idx.msk $0xffff, v8;
	v8 =	vld [tilespmem:s0+$0xFFFFFBB0];
	v9 =	vadd.s32 v38, v4  }
0x869: {  	[tilespmem:v13+s22+$0x0] =	vst.idx.msk $0xffff, v5;
	v5 =	vld [tilespmem:s30+$0xFFFFFFC0];
	v13 =	vadd.s32 v39, v0  }
0x86a: {  	[tilespmem:v14+s22+$0x0] =	vst.idx.msk $0xffff, v10;
	v10 =	vld [tilespmem:s30+$0xFFFFFBC0];
	v14 =	vadd.s32 v39, v1  }
0x86b: {  	[tilespmem:v12+s22+$0x0] =	vst.idx.msk $0xffff, v11;
	v11 =	vld [tilespmem:s31+$0xFFFFFFC0];
	v12 =	vadd.s32 v39, v2  }
0x86c: {  	[tilespmem:v7+s22+$0x0] =	vst.idx.msk $0xffff, v6;
	v6 =	vld [tilespmem:s31+$0xFFFFFBC0];
	v7 =	vadd.s32 v39, v3  }
0x86d: {  	[tilespmem:v9+s22+$0x0] =	vst.idx.msk $0xffff, v8;
	v8 =	vld [tilespmem:s0+$0xFFFFFFC0];
	v9 =	vadd.s32 v39, v30  }
0x86e: {  	[tilespmem:v13+s22+$0x0] =	vst.idx.msk $0xffff, v5;
	v5 =	vld [tilespmem:s0+$0xFFFFFBC0];
	v13 =	vadd.s32 v39, v4  }
0x86f: {  	[tilespmem:v14+s22+$0x0] =	vst.idx.msk $0xffff, v10;
	v10 =	vld [tilespmem:s30+$0xFFFFFFD0];
	v14 =	vor.u32 v27, v0  }
0x870: {  	[tilespmem:v12+s22+$0x0] =	vst.idx.msk $0xffff, v11;
	v11 =	vld [tilespmem:s30+$0xFFFFFBD0];
	v12 =	vor.u32 v27, v1  }
0x871: {  	[tilespmem:v7+s22+$0x0] =	vst.idx.msk $0xffff, v6;
	v6 =	vld [tilespmem:s31+$0xFFFFFFD0];
	v7 =	vor.u32 v27, v2  }
0x872: {  	[tilespmem:v9+s22+$0x0] =	vst.idx.msk $0xffff, v8;
	v8 =	vld [tilespmem:s31+$0xFFFFFBD0];
	v9 =	vor.u32 v27, v3  }
0x873: {  	[tilespmem:v13+s22+$0x0] =	vst.idx.msk $0xffff, v5;
	v5 =	vld [tilespmem:s0+$0xFFFFFFD0];
	v13 =	vor.u32 v27, v30  }
0x874: {  	[tilespmem:v14+s22+$0x0] =	vst.idx.msk $0xffff, v10;
	v10 =	vld [tilespmem:s0+$0xFFFFFBD0];
	v14 =	vor.u32 v27, v4  }
0x875: {  	[tilespmem:v12+s22+$0x0] =	vst.idx.msk $0xffff, v11;
	v11 =	vld [tilespmem:s30+$0xFFFFFFE0];
	v12 =	vadd.s32 v28, v0  }
0x876: {  	[tilespmem:v7+s22+$0x0] =	vst.idx.msk $0xffff, v6;
	v6 =	vld [tilespmem:s30+$0xFFFFFBE0];
	v7 =	vadd.s32 v28, v1  }
0x877: {  	[tilespmem:v9+s22+$0x0] =	vst.idx.msk $0xffff, v8;
	v8 =	vld [tilespmem:s31+$0xFFFFFFE0];
	v9 =	vadd.s32 v28, v2  }
0x878: {  	[tilespmem:v13+s22+$0x0] =	vst.idx.msk $0xffff, v5;
	v5 =	vld [tilespmem:s31+$0xFFFFFBE0];
	v13 =	vadd.s32 v28, v3  }
0x879: {  	[tilespmem:v14+s22+$0x0] =	vst.idx.msk $0xffff, v10;
	v10 =	vld [tilespmem:s0+$0xFFFFFFE0];
	v14 =	vadd.s32 v28, v30  }
0x87a: {  	[tilespmem:v12+s22+$0x0] =	vst.idx.msk $0xffff, v11;
	v11 =	vld [tilespmem:s0+$0xFFFFFBE0];
	v12 =	vadd.s32 v28, v4  }
0x87b: {  	[tilespmem:v7+s22+$0x0] =	vst.idx.msk $0xffff, v6;
	v6 =	vld [tilespmem:s30+$0xFFFFFFF0];
	v7 =	vadd.s32 v40, v0  }
0x87c: {  	[tilespmem:v9+s22+$0x0] =	vst.idx.msk $0xffff, v8;
	v8 =	vld [tilespmem:s30+$0xFFFFFBF0];
	v9 =	vadd.s32 v40, v1  }
0x87d: {  	[tilespmem:v13+s22+$0x0] =	vst.idx.msk $0xffff, v5;
	v5 =	vld [tilespmem:s31+$0xFFFFFFF0];
	v13 =	vadd.s32 v40, v2  }
0x87e: {  	[tilespmem:v14+s22+$0x0] =	vst.idx.msk $0xffff, v10;
	v10 =	vld [tilespmem:s31+$0xFFFFFBF0];
	v14 =	vadd.s32 v40, v3  }
0x87f: {  	[tilespmem:v12+s22+$0x0] =	vst.idx.msk $0xffff, v11;
	v11 =	vld [tilespmem:s0+$0xFFFFFFF0];
	v12 =	vadd.s32 v40, v30  }
0x880: {  	[tilespmem:v7+s22+$0x0] =	vst.idx.msk $0xffff, v6;
	v6 =	vld [tilespmem:s0+$0xFFFFFBF0];
	v7 =	vadd.s32 v40, v4  }
0x881: {  	v38 =	vadd.s32 v17, v0;
	[tilespmem:v9+s22+$0x0] =	vst.idx.msk $0xffff, v8;
	v8 =	vld [tilespmem:s30+$0x0]  }
0x882: {  	v39 =	vadd.s32 v17, v1;
	[tilespmem:v13+s22+$0x0] =	vst.idx.msk $0xffff, v5;
	v5 =	vld [tilespmem:s30+$0xFFFFFC00]  }
0x883: {  	v40 =	vadd.s32 v17, v2;
	[tilespmem:v14+s22+$0x0] =	vst.idx.msk $0xffff, v10;
	v9 =	vld [tilespmem:s31+$0x0]  }
0x884: {  	v3 =	vadd.s32 v17, v3;
	[tilespmem:v12+s22+$0x0] =	vst.idx.msk $0xffff, v11;
	v10 =	vld [tilespmem:s31+$0xFFFFFC00]  }
0x885: {  	[tilespmem:v7+s22+$0x0] =	vst.idx.msk $0xffff, v6;
	v6 =	vld [tilespmem:s0+$0x0];
	v7 =	vadd.s32 v17, v30  }
0x886: {  	v4 =	vadd.s32 v17, v4;
	[tilespmem:v38+s22+$0x0] =	vst.idx.msk $0xffff, v8;
	v42 =	vld [tilespmem:s0+$0xFFFFFC00]  }
0x887: {  	[tilespmem:v39+s22+$0x0] =	vst.idx.msk $0xffff, v5  }
0x888: {  	[tilespmem:v40+s22+$0x0] =	vst.idx.msk $0xffff, v9  }
0x889: {  	s1 =	sshll.u32 s28, $0x1;
	[tilespmem:v3+s22+$0x0] =	vst.idx.msk $0xffff, v10  }
0x88a: {  	s10 =	sadd.s32 s2, s29;
	s0 =	sand.u32 $0xE, s1;
	[tilespmem:v7+s22+$0x0] =	vst.idx.msk $0xffff, v6  }
0x88b: {  	s11 =	simm.s32 $0x10400;
	s1 =	sadd.s32 s0, s10;
	[tilespmem:v4+s22+$0x0] =	vst.idx.msk $0xffff, v42  }
0x88c: {  	[hbm4b:s1+s3] =	stream.linear.scatter [tilespmem:s11], [sflag:$0x3], $0x10, $0x38;
	v6 =	vld [tilespmem:$0x1FF50]  }
0x88d: {  	s29 =	simm.s32 $0x10418;
	s10 =	sadd.s32 $0x10, s1;
	v7 =	vld [tilespmem:$0x1FF60]  }
0x88e: {  	v8 =	vld [tilespmem:$0x1FF70];
	[hbm4b:s10+s3] =	stream.linear.scatter [tilespmem:s29], [sflag:$0x3], $0x10, $0x38  }
0x88f: {  	s30 =	simm.s32 $0x10430;
	s0 =	simm.s32 $0xC0;
	s31 =	sadd.s32 $0x20, s1;
	v9 =	vld [tilespmem:$0x1FF80]  }
0x890: {  	v10 =	vld [tilespmem:$0x1FF90];
	[hbm4b:s31+s3] =	stream.linear.scatter [tilespmem:s30], [sflag:$0x3], $0x10, $0x38  }
0x891: {  	s28 =	sadd.s32 $0x70, s1;
	s11 =	simm.s32 $0x10448;
	v11 =	vld [tilespmem:$0x1FFA0];
	s29 =	sadd.s32 $0x30, s1  }
0x892: {  	v12 =	vld [tilespmem:$0x1FFB0];
	[hbm4b:s29+s3] =	stream.linear.scatter [tilespmem:s11], [sflag:$0x3], $0x10, $0x38  }
0x893: {  	v13 =	vld [tilespmem:$0x1FFC0];
	s10 =	simm.s32 $0x600;
	s30 =	simm.s32 $0x10460;
	s31 =	sadd.s32 $0x40, s1  }
0x894: {  	v30 =	vld [tilespmem:$0x1FFD0];
	[hbm4b:s31+s3] =	stream.linear.scatter [tilespmem:s30], [sflag:$0x3], $0x10, $0x38  }
0x895: {  	v32 =	vmov v41;
	v26 =	vld [tilespmem:$0x1FEA0];
	s11 =	simm.s32 $0x10478;
	s29 =	sadd.s32 $0x50, s1;
	s30 =	simm.s32 $0x10490  }
0x896: {  	v41 =	vmovc v43;
	v33 =	vmovc v45;
	v34 =	vmov v47;
	v35 =	vmov v48;
	v48 =	vmov v60;
	v39 =	vld [tilespmem:$0x1FEB0];
	[hbm4b:s29+s3] =	stream.linear.scatter [tilespmem:s11], [sflag:$0x3], $0x10, $0x38  }
0x897: {  	v36 =	vmovc v49;
	v49 =	vmovc v51;
	v51 =	vmov v52;
	v37 =	vmov v50;
	v27 =	vmov v54;
	v5 =	vld [tilespmem:$0x1FEE0];
	s31 =	sadd.s32 $0x60, s1;
	s1 =	sadd.s32 $0x4000, s1;
	s11 =	simm.s32 $0x104A8  }
0x898: {  	v28 =	vmovc v31;
	v17 =	vmovc v25;
	v38 =	vmov v22;
	v40 =	vmov v44;
	v42 =	vmov v24;
	v44 =	vld [tilespmem:$0x1FFE0];
	[hbm4b:s31+s3] =	stream.linear.scatter [tilespmem:s30], [sflag:$0x3], $0x10, $0x38  }
.LBB2_9:
0x899: {  	[hbm4b:s28+s3] =	stream.linear.scatter [tilespmem:s11], [sflag:$0x3], $0x10, $0x38;
	[tilespmem:$0x1A000] =	vst v63  }
0x89a: {  	s11 =	smov.u32 s0;
	s0 =	smov.u32 s10  }
0x89b: {  	s29 =	sadd.s32 $0x300, s10;
	s0 =	sshra.s32 s0, $0x2;
	s28 =	sadd.s32 $0x10400, s11  }
0x89c: {  	[hbm4b:s1+s3] =	stream.linear.scatter [tilespmem:s28], [sflag:$0x3], $0x10, $0x38;
	[tilespmem:$0x1A000] =	vst v63  }
0x89d: {  	p0 =	sne.s32 s10, $0x26D00;
	s10 =	sadd.s32 $0x10418, s11;
	s28 =	sadd.s32 $0x10, s1  }
0x89e: {  	[hbm4b:s28+s3] =	stream.linear.scatter [tilespmem:s10], [sflag:$0x3], $0x10, $0x38;
	[tilespmem:$0x1A000] =	vst v63  }
0x89f: {  	s10 =	sadd.s32 $0x10430, s11;
	s28 =	sadd.s32 $0x20, s1  }
0x8a0: {  	[hbm4b:s28+s3] =	stream.linear.scatter [tilespmem:s10], [sflag:$0x3], $0x10, $0x38;
	[tilespmem:$0x1A000] =	vst v63  }
0x8a1: {  	s10 =	sadd.s32 $0x10448, s11;
	s28 =	sadd.s32 $0x30, s1  }
0x8a2: {  	[hbm4b:s28+s3] =	stream.linear.scatter [tilespmem:s10], [sflag:$0x3], $0x10, $0x38;
	[tilespmem:$0x1A000] =	vst v63  }
0x8a3: {  	s10 =	sadd.s32 $0x10460, s11;
	s28 =	sadd.s32 $0x40, s1  }
0x8a4: {  	[hbm4b:s28+s3] =	stream.linear.scatter [tilespmem:s10], [sflag:$0x3], $0x10, $0x38;
	[tilespmem:$0x1A000] =	vst v63  }
.Ltmp3:
0x8a5: {  	s10 =	sadd.s32 $0x10478, s11;
	s28 =	sadd.s32 $0x50, s1;
	(pc) =	sbr.rel @p0 .LBB2_9-.Ltmp3, $4  }
0x8a6: {  	[hbm4b:s28+s3] =	stream.linear.scatter [tilespmem:s10], [sflag:$0x3], $0x10, $0x38;
	[tilespmem:$0x1A000] =	vst v63  }
0x8a7: {  	s10 =	sadd.s32 $0x10490, s11;
	s28 =	sadd.s32 $0x60, s1;
	s11 =	sadd.s32 $0x104A8, s11  }
0x8a8: {  	[hbm4b:s28+s3] =	stream.linear.scatter [tilespmem:s10], [sflag:$0x3], $0x10, $0x38;
	[tilespmem:$0x1A000] =	vst v63  }
0x8a9: {  	s28 =	sadd.s32 $0x70, s1;
	s1 =	sadd.s32 $0x4000, s1;
	s10 =	smov.u32 s29  }
0x8aa: {  	[hbm4b:s28+s3] =	stream.linear.scatter [tilespmem:s11], [sflag:$0x3], $0x10, $0x38;
	[tilespmem:$0x1A000] =	vst v63  }
0x8ab: {  	s10 =	sadd.s32 $0x10400, s0  }
0x8ac: {  	[hbm4b:s1+s3] =	stream.linear.scatter [tilespmem:s10], [sflag:$0x3], $0x10, $0x38;
	[tilespmem:$0x1A000] =	vst v63  }
0x8ad: {  	s30 =	sadd.s32 $0x10418, s0;
	s31 =	sadd.s32 $0x10, s1  }
0x8ae: {  	[hbm4b:s31+s3] =	stream.linear.scatter [tilespmem:s30], [sflag:$0x3], $0x10, $0x38;
	[tilespmem:$0x1A000] =	vst v63  }
0x8af: {  	s28 =	sadd.s32 $0x10430, s0;
	s29 =	sadd.s32 $0x20, s1  }
0x8b0: {  	[hbm4b:s29+s3] =	stream.linear.scatter [tilespmem:s28], [sflag:$0x3], $0x10, $0x38;
	[tilespmem:$0x1A000] =	vst v63  }
0x8b1: {  	s30 =	sadd.s32 $0x10448, s0;
	s31 =	sadd.s32 $0x30, s1  }
0x8b2: {  	[hbm4b:s31+s3] =	stream.linear.scatter [tilespmem:s30], [sflag:$0x3], $0x10, $0x38;
	[tilespmem:$0x1A000] =	vst v63  }
0x8b3: {  	s26 =	sadd.s32 $0x1, s26;
	s28 =	sadd.s32 $0x10460, s0;
	s29 =	sadd.s32 $0x40, s1  }
0x8b4: {  	[hbm4b:s29+s3] =	stream.linear.scatter [tilespmem:s28], [sflag:$0x3], $0x10, $0x38;
	[tilespmem:$0x1A000] =	vst v63  }
0x8b5: {  	p0 =	sne.s32 s26, $0x10;
	s30 =	sadd.s32 $0x10478, s0;
	s31 =	sadd.s32 $0x50, s1  }
0x8b6: {  	[hbm4b:s31+s3] =	stream.linear.scatter [tilespmem:s30], [sflag:$0x3], $0x10, $0x38;
	[tilespmem:$0x1A000] =	vst v63  }
.Ltmp4:
0x8b7: {  	_ = 	snop;
	(pc) =	sbr.rel @p0 .LBB2_2-.Ltmp4, $4  }
0x8b8: {  	s28 =	sadd.s32 $0x10490, s0;
	s29 =	sadd.s32 $0x60, s1  }
0x8b9: {  	v43 =	vld [tilespmem:$0x1FD70];
	[hbm4b:s29+s3] =	stream.linear.scatter [tilespmem:s28], [sflag:$0x3], $0x10, $0x38  }
0x8ba: {  	s30 =	sadd.s32 $0x104A8, s0;
	s31 =	sadd.s32 $0x70, s1  }
0x8bb: {  	[hbm4b:s31+s3] =	stream.linear.scatter [tilespmem:s30], [sflag:$0x3], $0x10, $0x38;
	[tilespmem:$0x1A000] =	vst v63  }
0x8bc: {  	s25 =	sadd.s32 $0x1, s25  }
0x8bd: {  	p0 =	sne.s32 s25, s7  }
.Ltmp5:
0x8be: {  	_ = 	snop;
	(pc) =	sbr.rel @p0 .LBB2_1-.Ltmp5, $4  }
0x8bf: {  	_ = 	snop  }
0x8c0: {  	_ =	swait.ge [sflag:s24], $0x6800  }
0x8c1: {  	[sflag:s24] =	ssyncset.done $0x0  }
0x8c2: {  	[sflag:s24] =	ssyncadd.s32 $0xFFFF9800  }
0x8c3: {  	_ =	sfence.sel $0x180000  }
0x8c4: {  	[bflag:$0x0] =	sbarrier.arrive $0xFFFF  }
0x8c5: {  	_ =	strace $0x90000047  }
0x8c6: {  	s0 =	stileid.u32;
	[bflag:$0x2] =	sbarrier.arrive $0xFFFF  }
0x8c7: {  	p0 =	sne.s32 s0, $0x0;
	s0 =	rddreg [dreg:$0x2]  }
0x8c8: {  	s0 =	sadd.s32 @!p0 $0x100000, s0  }
0x8c9: {  	[sflag:s0] =	ssyncadd.tile.s32 @!p0 $0x1;
	_ =	shalt  }
.Lfunc_end2:
_tile_overlayer_lowered:
.L_overlay_start_2:
0x8ca: {  	(tag) =	ssettag $0x2  }
0x8cb: {  	s0 =	rddreg [dreg:$0x0];
	s2 =	stileid.u32  }
0x8cc: {  	s1 =	rddreg [dreg:$0x1];
	p0 =	sne.s32 s2, $0x0  }
0x8cd: {  	s3 =	rddreg [dreg:$0x2];
	[bflag:$0x3] =	sbarrier.arrive $0xFFFF;
	s2 =	simm.s32 @!p0 $0x1C04  }
0x8ce: {  	[timem:s3], [sflag:s2] =	dma.local @!p0 [hbm:s0], s1  }
0x8cf: {  	s0 =	simm.s32 @!p0 $0x4  }
0x8d0: {  	_ =	swait.ge @!p0 [sflag:s0], s1  }
0x8d1: {  	s1 =	ssub.s32 @!p0 $0x0, s1;
	[sflag:s0] =	ssyncset.done @!p0 $0x0  }
0x8d2: {  	[sflag:s0] =	ssyncadd.s32 @!p0 s1  }
0x8d3: {  	[bflag:$0x3] =	sbarrier.arrive $0xFFFF  }
0x8d4: {  	_ =	shalt  }

</sc_bundles>
